<compile_context>
chip_gen: v7x
topology: tpu7x:2x2x1
jax: 0.10.2.dev20260603
libtpu: 0.0.44.dev20260713+nightly
codegen_flags: <defaults>
</compile_context>

<pallas_src>
import functools

import jax
import jax.numpy as jnp
from jax import lax
from jax.experimental import pallas as pl
from jax.experimental.pallas import tpu as pltpu
from jax.experimental.pallas import tpu_sc as plsc

N = 10000
E = 320000
D = 128

NC = 2
NS = 16
NW = NC * NS
EPW = E // NW
CHUNK = 80
NCHUNK = EPW // CHUNK
NP = 10240
RPS = NP // NS

_MESH = plsc.VectorSubcoreMesh(core_axis_name="c", subcore_axis_name="s")


@functools.partial(
    pl.kernel,
    out_type=jax.ShapeDtypeStruct((2 * NP, D), jnp.float32),
    mesh=_MESH,
    scratch_types=[
        pltpu.VMEM((CHUNK,), jnp.int32),
        pltpu.VMEM((CHUNK,), jnp.int32),
        pltpu.VMEM((CHUNK,), jnp.int32),
        pltpu.VMEM((CHUNK,), jnp.int32),
        pltpu.VMEM((CHUNK + 16,), jnp.float32),
        pltpu.VMEM((CHUNK + 16,), jnp.float32),
        pltpu.VMEM((CHUNK, D), jnp.float32),
        pltpu.VMEM((CHUNK, D), jnp.float32),
        pltpu.VMEM((128, D), jnp.float32),
        pltpu.VMEM_SHARED((NP, D), jnp.float32),
        pltpu.SemaphoreType.DMA,
        pltpu.SemaphoreType.DMA,
    ],
)
def _sc_spmm(bmat, src, dst, ea, out, s0, s1, d0, d1, e0, e1, r0, r1,
             zbuf, acc, sm0, sm1):
    c = lax.axis_index("c")
    s = lax.axis_index("s")
    wid = c * NS + s
    srcb, dstb, eab, rowb, semb = [s0, s1], [d0, d1], [e0, e1], [r0, r1], [sm0, sm1]

    def _zrow(i, carry):
        for j in range(D // 16):
            zbuf[i, pl.ds(j * 16, 16)] = jnp.zeros((16,), jnp.float32)
        return carry

    lax.fori_loop(0, 128, _zrow, 0)
    for k in range(RPS // 128):
        pltpu.sync_copy(zbuf, acc.at[pl.ds(s * RPS + k * 128, 128)])
    e0[pl.ds(CHUNK, 16)] = jnp.zeros((16,), jnp.float32)
    e1[pl.ds(CHUNK, 16)] = jnp.zeros((16,), jnp.float32)
    plsc.subcore_barrier()

    base = wid * EPW

    def _load(ci, b):
        off = base + ci * CHUNK
        pltpu.sync_copy(src.at[pl.ds(off, CHUNK)], srcb[b])
        pltpu.sync_copy(dst.at[pl.ds(off, CHUNK)], dstb[b])
        pltpu.sync_copy(ea.at[pl.ds(off, CHUNK)], eab[b].at[pl.ds(0, CHUNK)])
        pltpu.async_copy(bmat.at[srcb[b]], rowb[b], semb[b])

    def _proc(b):
        pltpu.make_async_copy(bmat.at[srcb[b]], rowb[b], semb[b]).wait()

        def _scale(e, carry2):
            w = eab[b][pl.ds(e, 16)][0]
            for j in range(D // 16):
                rowb[b][e, pl.ds(j * 16, 16)] = rowb[b][e, pl.ds(j * 16, 16)] * w
            return carry2

        lax.fori_loop(0, CHUNK, _scale, 0)
        pltpu.sync_copy(rowb[b], acc.at[dstb[b]], add=True)

    _load(0, 0)

    def _pair(pi, carry):
        _load(2 * pi + 1, 1)
        _proc(0)
        _load(2 * pi + 2, 0)
        _proc(1)
        return carry

    lax.fori_loop(0, (NCHUNK - 1) // 2, _pair, 0)
    _proc(0)
    plsc.subcore_barrier()
    for k in range(RPS // 128):
        pltpu.sync_copy(
            acc.at[pl.ds(s * RPS + k * 128, 128)],
            out.at[pl.ds(c * NP + s * RPS + k * 128, 128)],
        )


SPW = 16

@functools.partial(
    pl.kernel,
    out_type=[
        jax.ShapeDtypeStruct((2 * NP, D), jnp.float32),
        jax.ShapeDtypeStruct((NC * NP, SPW), jnp.float32),
    ],
    mesh=_MESH,
    scratch_types=[
        pltpu.VMEM((CHUNK,), jnp.int32),
        pltpu.VMEM((CHUNK,), jnp.int32),
        pltpu.VMEM((CHUNK,), jnp.int32),
        pltpu.VMEM((CHUNK,), jnp.int32),
        pltpu.VMEM((CHUNK + 16,), jnp.float32),
        pltpu.VMEM((CHUNK + 16,), jnp.float32),
        pltpu.VMEM((CHUNK + 16,), jnp.float32),
        pltpu.VMEM((CHUNK + 16,), jnp.float32),
        pltpu.VMEM((CHUNK + 16,), jnp.float32),
        pltpu.VMEM((CHUNK + 16,), jnp.float32),
        pltpu.VMEM((CHUNK, D), jnp.float32),
        pltpu.VMEM((CHUNK, D), jnp.float32),
        pltpu.VMEM((32, D), jnp.float32),
        pltpu.VMEM((CHUNK, SPW), jnp.float32),
        pltpu.VMEM_SHARED((NP, D), jnp.float32),
        pltpu.VMEM_SHARED((NP, SPW), jnp.float32),
        pltpu.SemaphoreType.DMA,
        pltpu.SemaphoreType.DMA,
    ],
)
def _sc_spmm_scal(bmat, src, dst, ea, amf0, amf1, out, outs,
                  s0, s1, d0, d1, e0, e1, p0, p1, q0, q1, r0, r1,
                  zbuf, scal, acc, acc2, sm0, sm1):
    c = lax.axis_index("c")
    s = lax.axis_index("s")
    wid = c * NS + s
    srcb, dstb, eab = [s0, s1], [d0, d1], [e0, e1]
    a0b, a1b, rowb, semb = [p0, p1], [q0, q1], [r0, r1], [sm0, sm1]
    lane = lax.iota(jnp.int32, 16)
    m0 = jnp.where(lane == 0, 1.0, 0.0).astype(jnp.float32)
    m1 = jnp.where(lane == 1, 1.0, 0.0).astype(jnp.float32)
    m2 = jnp.where(lane == 2, 1.0, 0.0).astype(jnp.float32)
    m3 = jnp.where(lane == 3, 1.0, 0.0).astype(jnp.float32)

    def _zrow(i, carry):
        for j in range(D // 16):
            zbuf[i, pl.ds(j * 16, 16)] = jnp.zeros((16,), jnp.float32)
        return carry

    lax.fori_loop(0, 32, _zrow, 0)
    for k in range(RPS // 32):
        pltpu.sync_copy(zbuf, acc.at[pl.ds(s * RPS + k * 32, 32)])

    def _zs(i, carry):
        scal[i, pl.ds(0, SPW)] = jnp.zeros((SPW,), jnp.float32)
        return carry

    lax.fori_loop(0, CHUNK, _zs, 0)
    for k in range(RPS // CHUNK):
        pltpu.sync_copy(scal, acc2.at[pl.ds(s * RPS + k * CHUNK, CHUNK)])
    for eb in (e0, e1, p0, p1, q0, q1):
        eb[pl.ds(CHUNK, 16)] = jnp.zeros((16,), jnp.float32)
    plsc.subcore_barrier()

    base = wid * EPW

    def _load(ci, b):
        off = base + ci * CHUNK
        pltpu.sync_copy(src.at[pl.ds(off, CHUNK)], srcb[b])
        pltpu.sync_copy(dst.at[pl.ds(off, CHUNK)], dstb[b])
        pltpu.sync_copy(ea.at[pl.ds(off, CHUNK)], eab[b].at[pl.ds(0, CHUNK)])
        pltpu.sync_copy(amf0.at[pl.ds(off, CHUNK)], a0b[b].at[pl.ds(0, CHUNK)])
        pltpu.sync_copy(amf1.at[pl.ds(off, CHUNK)], a1b[b].at[pl.ds(0, CHUNK)])
        pltpu.async_copy(bmat.at[srcb[b]], rowb[b], semb[b])

    def _proc(b):
        pltpu.make_async_copy(bmat.at[srcb[b]], rowb[b], semb[b]).wait()

        def _scale(e, carry2):
            w = eab[b][pl.ds(e, 16)][0]
            for j in range(D // 16):
                rowb[b][e, pl.ds(j * 16, 16)] = rowb[b][e, pl.ds(j * 16, 16)] * w
            a0 = a0b[b][pl.ds(e, 16)][0]
            a1 = a1b[b][pl.ds(e, 16)][0]
            scal[e, pl.ds(0, SPW)] = (m0 + m1 * a0 + m2 * a1) * w + m3
            return carry2

        lax.fori_loop(0, CHUNK, _scale, 0)
        pltpu.sync_copy(rowb[b], acc.at[dstb[b]], add=True)
        pltpu.sync_copy(scal, acc2.at[dstb[b]], add=True)

    _load(0, 0)

    def _pair(pi, carry):
        _load(2 * pi + 1, 1)
        _proc(0)
        _load(2 * pi + 2, 0)
        _proc(1)
        return carry

    lax.fori_loop(0, (NCHUNK - 1) // 2, _pair, 0)
    _proc(0)
    plsc.subcore_barrier()
    for k in range(RPS // 128):
        pltpu.sync_copy(
            acc.at[pl.ds(s * RPS + k * 128, 128)],
            out.at[pl.ds(c * NP + s * RPS + k * 128, 128)],
        )
    pltpu.sync_copy(
        acc2.at[pl.ds(s * RPS, RPS)],
        outs.at[pl.ds(c * NP + s * RPS, RPS)],
    )


BLK = 1000
GRID = N // BLK

_row_spec = pl.BlockSpec((BLK, D), lambda i: (i, 0))
_attr_spec = pl.BlockSpec((BLK, 1), lambda i: (i, 0))
_w_spec = pl.BlockSpec((D, D), lambda i: (0, 0))
_b_spec = pl.BlockSpec((1, D), lambda i: (0, 0))
_wa_spec = pl.BlockSpec((2, D), lambda i: (0, 0))


def _silu(v):
    return v * (1.0 / (1.0 + jnp.exp(-v)))


def _tc1_body(x_ref, na_ref, we_ref, be_ref, wd_ref, ws_ref, h_ref, a_ref, b_ref):
    h = jnp.dot(x_ref[...] * na_ref[...], we_ref[...],
                preferred_element_type=jnp.float32) + be_ref[...]
    h_ref[...] = h
    a_ref[...] = jnp.dot(h, wd_ref[...], preferred_element_type=jnp.float32)
    b_ref[...] = jnp.dot(h, ws_ref[...], preferred_element_type=jnp.float32)


_tc1 = pl.pallas_call(
    _tc1_body,
    grid=(GRID,),
    in_specs=[_row_spec, _attr_spec, _w_spec, _b_spec, _w_spec, _w_spec],
    out_specs=[_row_spec, _row_spec, _row_spec],
    out_shape=[jax.ShapeDtypeStruct((N, D), jnp.float32)] * 3,
)


def _combine(h_ref, a_ref, ga_ref, gb_ref, sp, wa_ref, bm_ref):
    s = sp[:, 0:1]
    t0 = sp[:, 1:2]
    t1 = sp[:, 2:3]
    deg = sp[:, 3:4]
    agg = (s * a_ref[...] + ga_ref[...] + gb_ref[...]
           + t0 * wa_ref[0:1, :] + t1 * wa_ref[1:2, :] + deg * bm_ref[...])
    return h_ref[...] + _silu(agg)


def _tc2_body(h_ref, a_ref, ga_ref, gb_ref, spp_ref, wa_ref, bm_ref,
              wd_ref, ws_ref, h1_ref, a1_ref, b1_ref, spr_ref):
    sp = jnp.sum(spp_ref[...], axis=0)
    spr_ref[...] = sp
    h1 = _combine(h_ref, a_ref, ga_ref, gb_ref, sp, wa_ref, bm_ref)
    h1_ref[...] = h1
    a1_ref[...] = jnp.dot(h1, wd_ref[...], preferred_element_type=jnp.float32)
    b1_ref[...] = jnp.dot(h1, ws_ref[...], preferred_element_type=jnp.float32)


_spp_spec = pl.BlockSpec((NC, BLK, SPW), lambda i: (0, i, 0))
_spr_spec = pl.BlockSpec((BLK, SPW), lambda i: (i, 0))

_tc2 = pl.pallas_call(
    _tc2_body,
    grid=(GRID,),
    in_specs=[_row_spec, _row_spec, _row_spec, _row_spec, _spp_spec,
              _wa_spec, _b_spec, _w_spec, _w_spec],
    out_specs=[_row_spec, _row_spec, _row_spec, _spr_spec],
    out_shape=[jax.ShapeDtypeStruct((N, D), jnp.float32)] * 3
    + [jax.ShapeDtypeStruct((N, SPW), jnp.float32)],
)


def _tc3_body(h_ref, a_ref, ga_ref, gb_ref, spr_ref, wa_ref, bm_ref,
              na_ref, wo1_ref, bo1_ref, wo2_ref, bo2_ref, out_ref):
    h2 = _combine(h_ref, a_ref, ga_ref, gb_ref, spr_ref[...], wa_ref, bm_ref)
    z = _silu(jnp.dot(h2 * na_ref[...], wo1_ref[...],
                      preferred_element_type=jnp.float32) + bo1_ref[...])
    out_ref[...] = jnp.dot(z * na_ref[...], wo2_ref[...],
                           preferred_element_type=jnp.float32) + bo2_ref[...]


_tc3 = pl.pallas_call(
    _tc3_body,
    grid=(GRID,),
    in_specs=[_row_spec, _row_spec, _row_spec, _row_spec, _spr_spec,
              _wa_spec, _b_spec, _attr_spec, _w_spec, _b_spec, _w_spec, _b_spec],
    out_specs=_row_spec,
    out_shape=jax.ShapeDtypeStruct((N, D), jnp.float32),
)


def kernel(x, pos, edge_index, edge_attr, node_attr, additional_message_features,
           batch, W_emb, b_emb, W_msg_0, b_msg_0, W_msg_1, b_msg_1,
           W_o1, b_o1, W_o2, b_o2):
    src = edge_index[0]
    dst = edge_index[1]
    ea = edge_attr[:, 0]
    amf0 = additional_message_features[:, 0]
    amf1 = additional_message_features[:, 1]
    wd0, ws0, wa0 = W_msg_0[:D], W_msg_0[D:2 * D], W_msg_0[2 * D:]
    wd1, ws1, wa1 = W_msg_1[:D], W_msg_1[D:2 * D], W_msg_1[2 * D:]

    h0, a0, b0 = _tc1(x, node_attr, W_emb, b_emb.reshape(1, D), wd0, ws0)
    g0, spp2 = _sc_spmm_scal(b0, src, dst, ea, amf0, amf1)
    spp = spp2.reshape(NC, NP, SPW)[:, :N, :]
    h1, a1, b1, spr = _tc2(h0, a0, g0[:N], g0[NP:NP + N], spp,
                           wa0, b_msg_0.reshape(1, D), wd1, ws1)
    g1 = _sc_spmm(b1, src, dst, ea)
    out = _tc3(h1, a1, g1[:N], g1[NP:NP + N], spr,
               wa1, b_msg_1.reshape(1, D), node_attr,
               W_o1, b_o1.reshape(1, D), W_o2, b_o2.reshape(1, D))
    return out

# --- scband reference (transcript-rebuilt; emitter-appended) ---
"""Pipeline reference for scband-seconv-model-87909390614540 (READ-ONLY COPY).

The authoritative reference and input builder live on the scoring server;
editing this copy changes nothing except your own understanding.
"""

import jax, jax.numpy as jnp
import numpy as np

N_NODES = 10000
N_EDGES = 320000
D_IN = 128
HIDDEN = 128
D_OUT = 128


def _tp(x, attr, W, b):
    # Scalar-irreps (lmax=0) O3TensorProduct: fully-connected bilinear product x (x) attr -> out.
    # With attr_irreps = 1x0e, this is the exact e3nn computation restricted to scalar channels.
    z = (x[:, :, None] * attr[:, None, :]).reshape(x.shape[0], -1)
    return z @ W + b


def setup_inputs(seed: int = 0):
    key = jax.random.key(seed)
    ks = jax.random.split(key, 16)
    x = jax.random.normal(ks[0], (N_NODES, D_IN), dtype=jnp.float32)
    pos = jax.random.normal(ks[1], (N_NODES, 3), dtype=jnp.float32)
    edge_index = jax.random.randint(ks[2], (2, N_EDGES), 0, N_NODES, dtype=jnp.int32)
    edge_attr = jax.random.uniform(ks[3], (N_EDGES, 1), dtype=jnp.float32)
    node_attr = jax.random.uniform(ks[4], (N_NODES, 1), dtype=jnp.float32)
    amf = jax.random.normal(ks[5], (N_EDGES, 2), dtype=jnp.float32)
    batch = jnp.sort(jax.random.randint(ks[6], (N_NODES,), 0, 8, dtype=jnp.int32))

    def w(k, i, o):
        return jax.random.normal(k, (i, o), dtype=jnp.float32) / jnp.sqrt(i)

    inp = {
        'x': x,
        'pos': pos,
        'edge_index': edge_index,
        'edge_attr': edge_attr,
        'node_attr': node_attr,
        'additional_message_features': amf,
        'batch': batch,
        'W_emb': w(ks[7], D_IN * 1, HIDDEN), 'b_emb': jnp.zeros((HIDDEN,), jnp.float32),
        'W_msg_0': w(ks[8], (2 * HIDDEN + 2) * 1, HIDDEN), 'b_msg_0': jnp.zeros((HIDDEN,), jnp.float32),
        'W_msg_1': w(ks[9], (2 * HIDDEN + 2) * 1, HIDDEN), 'b_msg_1': jnp.zeros((HIDDEN,), jnp.float32),
        'W_o1': w(ks[10], HIDDEN * 1, HIDDEN), 'b_o1': jnp.zeros((HIDDEN,), jnp.float32),
        'W_o2': w(ks[11], HIDDEN * 1, D_OUT), 'b_o2': jnp.zeros((D_OUT,), jnp.float32),
    }
    return inp


def reference(x, pos, edge_index, edge_attr, node_attr, additional_message_features, batch,
              W_emb, b_emb, W_msg_0, b_msg_0, W_msg_1, b_msg_1, W_o1, b_o1, W_o2, b_o2):
    src = edge_index[0]  # x_j (source nodes)
    dst = edge_index[1]  # x_i (target nodes, aggregation index)
    # embedding layer: O3TensorProduct(x, node_attr)
    h = _tp(x, node_attr, W_emb, b_emb)
    # N=2 SEConv layers (linear=True, norm='none')
    for Wm, bm in ((W_msg_0, b_msg_0), (W_msg_1, b_msg_1)):
        x_i = h[dst]
        x_j = h[src]
        m_in = jnp.concatenate([x_i, x_j, additional_message_features], axis=-1)
        m = _tp(m_in, edge_attr, Wm, bm)
        agg = jax.ops.segment_sum(m, dst, num_segments=h.shape[0])
        # update: x += O3SwishGate(message); scalars-only gate -> silu
        h = h + jax.nn.silu(agg)
    # output layers
    h = jax.nn.silu(_tp(h, node_attr, W_o1, b_o1))
    out = _tp(h, node_attr, W_o2, b_o2)
    return out

if __name__ == "__main__":
    import jax
    _d = setup_inputs()
    print(jax.jit(kernel)(*tuple(_d.values())))

</pallas_src>

<mosaic_0001>
#map = affine_map<(d0, d1) -> (0, 0)>
#map1 = affine_map<(d0, d1) -> (0)>
module attributes {stable_mosaic.version = 14 : i64} {
  func.func @_sc_spmm_scal(%arg0: i32, %arg1: i32, %arg2: memref<10000x128xf32, #tpu.memory_space<hbm>>, %arg3: memref<320000xi32, #tpu.memory_space<hbm>>, %arg4: memref<320000xi32, #tpu.memory_space<hbm>>, %arg5: memref<320000xf32, #tpu.memory_space<hbm>>, %arg6: memref<320000xf32, #tpu.memory_space<hbm>>, %arg7: memref<320000xf32, #tpu.memory_space<hbm>>, %arg8: memref<20480x128xf32, #tpu.memory_space<hbm>>, %arg9: memref<20480x16xf32, #tpu.memory_space<hbm>>, %arg10: memref<80xi32, #tpu.memory_space<vmem>>, %arg11: memref<80xi32, #tpu.memory_space<vmem>>, %arg12: memref<80xi32, #tpu.memory_space<vmem>>, %arg13: memref<80xi32, #tpu.memory_space<vmem>>, %arg14: memref<96xf32, #tpu.memory_space<vmem>>, %arg15: memref<96xf32, #tpu.memory_space<vmem>>, %arg16: memref<96xf32, #tpu.memory_space<vmem>>, %arg17: memref<96xf32, #tpu.memory_space<vmem>>, %arg18: memref<96xf32, #tpu.memory_space<vmem>>, %arg19: memref<96xf32, #tpu.memory_space<vmem>>, %arg20: memref<80x128xf32, #tpu.memory_space<vmem>>, %arg21: memref<80x128xf32, #tpu.memory_space<vmem>>, %arg22: memref<32x128xf32, #tpu.memory_space<vmem>>, %arg23: memref<80x16xf32, #tpu.memory_space<vmem>>, %arg24: memref<10240x128xf32, #tpu.memory_space<vmem_shared>>, %arg25: memref<10240x16xf32, #tpu.memory_space<vmem_shared>>, %arg26: memref<!tpu.dma_semaphore, #tpu.memory_space<semaphore_mem>>, %arg27: memref<!tpu.dma_semaphore, #tpu.memory_space<semaphore_mem>>) attributes {dimension_semantics = [#tpu.dimension_semantics<core_parallel>, #tpu.dimension_semantics<subcore_parallel>], iteration_bounds = array<i64: 2, 16>, scalar_prefetch = 0 : i64, scratch_operands = 18 : i64, tpu.core_type = #tpu.core_type<sc_vector_subcore>, window_params = [{transform_indices = #map}, {transform_indices = #map1}, {transform_indices = #map1}, {transform_indices = #map1}, {transform_indices = #map1}, {transform_indices = #map1}, {transform_indices = #map}, {transform_indices = #map}]} {
    %mul3A = arith.constant 16 : i32
    %mul3A_0 = arith.muli %arg0, %mul3A : i32
    %add3A = arith.addi %mul3A_0, %arg1 : i32
    %iota3A = tpu.iota {dimensions = array<i32: 0>} : vector<16xi32>
    %eq3A = arith.constant 0 : i32
    %eq3A_1 = vector.broadcast %eq3A : i32 to vector<16xi32>
    %eq3A_2 = arith.cmpi eq, %iota3A, %eq3A_1 : vector<16xi32>
    %jit3A = arith.constant 1.000000e+00 : f32
    %jit3A_3 = arith.constant 0.000000e+00 : f32
    %broadcast_in_dim3A = vector.broadcast %jit3A : f32 to vector<16xf32>
    %broadcast_in_dim3A_4 = vector.broadcast %jit3A_3 : f32 to vector<16xf32>
    %select_n3A = arith.select %eq3A_2, %broadcast_in_dim3A, %broadcast_in_dim3A_4 : vector<16xi1>, vector<16xf32>
    %eq3A_5 = arith.constant 1 : i32
    %eq3A_6 = vector.broadcast %eq3A_5 : i32 to vector<16xi32>
    %eq3A_7 = arith.cmpi eq, %iota3A, %eq3A_6 : vector<16xi32>
    %jit3A_8 = arith.constant 1.000000e+00 : f32
    %jit3A_9 = arith.constant 0.000000e+00 : f32
    %broadcast_in_dim3A_10 = vector.broadcast %jit3A_8 : f32 to vector<16xf32>
    %broadcast_in_dim3A_11 = vector.broadcast %jit3A_9 : f32 to vector<16xf32>
    %select_n3A_12 = arith.select %eq3A_7, %broadcast_in_dim3A_10, %broadcast_in_dim3A_11 : vector<16xi1>, vector<16xf32>
    %eq3A_13 = arith.constant 2 : i32
    %eq3A_14 = vector.broadcast %eq3A_13 : i32 to vector<16xi32>
    %eq3A_15 = arith.cmpi eq, %iota3A, %eq3A_14 : vector<16xi32>
    %jit3A_16 = arith.constant 1.000000e+00 : f32
    %jit3A_17 = arith.constant 0.000000e+00 : f32
    %broadcast_in_dim3A_18 = vector.broadcast %jit3A_16 : f32 to vector<16xf32>
    %broadcast_in_dim3A_19 = vector.broadcast %jit3A_17 : f32 to vector<16xf32>
    %select_n3A_20 = arith.select %eq3A_15, %broadcast_in_dim3A_18, %broadcast_in_dim3A_19 : vector<16xi1>, vector<16xf32>
    %eq3A_21 = arith.constant 3 : i32
    %eq3A_22 = vector.broadcast %eq3A_21 : i32 to vector<16xi32>
    %eq3A_23 = arith.cmpi eq, %iota3A, %eq3A_22 : vector<16xi32>
    %jit3A_24 = arith.constant 1.000000e+00 : f32
    %jit3A_25 = arith.constant 0.000000e+00 : f32
    %broadcast_in_dim3A_26 = vector.broadcast %jit3A_24 : f32 to vector<16xf32>
    %broadcast_in_dim3A_27 = vector.broadcast %jit3A_25 : f32 to vector<16xf32>
    %select_n3A_28 = arith.select %eq3A_23, %broadcast_in_dim3A_26, %broadcast_in_dim3A_27 : vector<16xi1>, vector<16xf32>
    %scan3A = arith.constant 0 : i32
    %scan3A_29 = arith.constant 0 : i32
    %scan3A_30 = arith.constant 32 : i32
    %scan3A_31 = arith.addi %scan3A_29, %scan3A_30 : i32
    %scan3A_32 = arith.constant 1 : i32
    scf.for %scan3A_270 = %scan3A_29 to %scan3A_31 step %scan3A_32  : i32 {
      %broadcast_in_dim3A_271 = arith.constant 0.000000e+00 : f32
      %broadcast_in_dim3A_272 = vector.broadcast %broadcast_in_dim3A_271 : f32 to vector<16xf32>
      %swap3A_273 = arith.index_cast %scan3A_270 : i32 to index
      %swap3A_274 = arith.constant 0 : index
      %swap3A_275 = tpu.vector_load %arg22[%swap3A_273, %swap3A_274] {strides = array<i32>} : memref<32x128xf32, #tpu.memory_space<vmem>>, vector<1x16xf32>,
      %swap3A_276 = vector.shape_cast %swap3A_275 : vector<1x16xf32> to vector<16xf32>
      %swap3A_277 = vector.shape_cast %broadcast_in_dim3A_272 : vector<16xf32> to vector<1x16xf32>
      tpu.vector_store %arg22[%swap3A_273, %swap3A_274], %swap3A_277 {strides = array<i32>} : memref<32x128xf32, #tpu.memory_space<vmem>>, vector<1x16xf32>,
      %broadcast_in_dim3A_278 = arith.constant 0.000000e+00 : f32
      %broadcast_in_dim3A_279 = vector.broadcast %broadcast_in_dim3A_278 : f32 to vector<16xf32>
      %swap3A_280 = arith.index_cast %scan3A_270 : i32 to index
      %swap3A_281 = arith.constant 16 : index
      %swap3A_282 = tpu.vector_load %arg22[%swap3A_280, %swap3A_281] {strides = array<i32>} : memref<32x128xf32, #tpu.memory_space<vmem>>, vector<1x16xf32>,
      %swap3A_283 = vector.shape_cast %swap3A_282 : vector<1x16xf32> to vector<16xf32>
      %swap3A_284 = vector.shape_cast %broadcast_in_dim3A_279 : vector<16xf32> to vector<1x16xf32>
      tpu.vector_store %arg22[%swap3A_280, %swap3A_281], %swap3A_284 {strides = array<i32>} : memref<32x128xf32, #tpu.memory_space<vmem>>, vector<1x16xf32>,
      %broadcast_in_dim3A_285 = arith.constant 0.000000e+00 : f32
      %broadcast_in_dim3A_286 = vector.broadcast %broadcast_in_dim3A_285 : f32 to vector<16xf32>
      %swap3A_287 = arith.index_cast %scan3A_270 : i32 to index
      %swap3A_288 = arith.constant 32 : index
      %swap3A_289 = tpu.vector_load %arg22[%swap3A_287, %swap3A_288] {strides = array<i32>} : memref<32x128xf32, #tpu.memory_space<vmem>>, vector<1x16xf32>,
      %swap3A_290 = vector.shape_cast %swap3A_289 : vector<1x16xf32> to vector<16xf32>
      %swap3A_291 = vector.shape_cast %broadcast_in_dim3A_286 : vector<16xf32> to vector<1x16xf32>
      tpu.vector_store %arg22[%swap3A_287, %swap3A_288], %swap3A_291 {strides = array<i32>} : memref<32x128xf32, #tpu.memory_space<vmem>>, vector<1x16xf32>,
      %broadcast_in_dim3A_292 = arith.constant 0.000000e+00 : f32
      %broadcast_in_dim3A_293 = vector.broadcast %broadcast_in_dim3A_292 : f32 to vector<16xf32>
      %swap3A_294 = arith.index_cast %scan3A_270 : i32 to index
      %swap3A_295 = arith.constant 48 : index
      %swap3A_296 = tpu.vector_load %arg22[%swap3A_294, %swap3A_295] {strides = array<i32>} : memref<32x128xf32, #tpu.memory_space<vmem>>, vector<1x16xf32>,
      %swap3A_297 = vector.shape_cast %swap3A_296 : vector<1x16xf32> to vector<16xf32>
      %swap3A_298 = vector.shape_cast %broadcast_in_dim3A_293 : vector<16xf32> to vector<1x16xf32>
      tpu.vector_store %arg22[%swap3A_294, %swap3A_295], %swap3A_298 {strides = array<i32>} : memref<32x128xf32, #tpu.memory_space<vmem>>, vector<1x16xf32>,
      %broadcast_in_dim3A_299 = arith.constant 0.000000e+00 : f32
      %broadcast_in_dim3A_300 = vector.broadcast %broadcast_in_dim3A_299 : f32 to vector<16xf32>
      %swap3A_301 = arith.index_cast %scan3A_270 : i32 to index
      %swap3A_302 = arith.constant 64 : index
      %swap3A_303 = tpu.vector_load %arg22[%swap3A_301, %swap3A_302] {strides = array<i32>} : memref<32x128xf32, #tpu.memory_space<vmem>>, vector<1x16xf32>,
      %swap3A_304 = vector.shape_cast %swap3A_303 : vector<1x16xf32> to vector<16xf32>
      %swap3A_305 = vector.shape_cast %broadcast_in_dim3A_300 : vector<16xf32> to vector<1x16xf32>
      tpu.vector_store %arg22[%swap3A_301, %swap3A_302], %swap3A_305 {strides = array<i32>} : memref<32x128xf32, #tpu.memory_space<vmem>>, vector<1x16xf32>,
      %broadcast_in_dim3A_306 = arith.constant 0.000000e+00 : f32
      %broadcast_in_dim3A_307 = vector.broadcast %broadcast_in_dim3A_306 : f32 to vector<16xf32>
      %swap3A_308 = arith.index_cast %scan3A_270 : i32 to index
      %swap3A_309 = arith.constant 80 : index
      %swap3A_310 = tpu.vector_load %arg22[%swap3A_308, %swap3A_309] {strides = array<i32>} : memref<32x128xf32, #tpu.memory_space<vmem>>, vector<1x16xf32>,
      %swap3A_311 = vector.shape_cast %swap3A_310 : vector<1x16xf32> to vector<16xf32>
      %swap3A_312 = vector.shape_cast %broadcast_in_dim3A_307 : vector<16xf32> to vector<1x16xf32>
      tpu.vector_store %arg22[%swap3A_308, %swap3A_309], %swap3A_312 {strides = array<i32>} : memref<32x128xf32, #tpu.memory_space<vmem>>, vector<1x16xf32>,
      %broadcast_in_dim3A_313 = arith.constant 0.000000e+00 : f32
      %broadcast_in_dim3A_314 = vector.broadcast %broadcast_in_dim3A_313 : f32 to vector<16xf32>
      %swap3A_315 = arith.index_cast %scan3A_270 : i32 to index
      %swap3A_316 = arith.constant 96 : index
      %swap3A_317 = tpu.vector_load %arg22[%swap3A_315, %swap3A_316] {strides = array<i32>} : memref<32x128xf32, #tpu.memory_space<vmem>>, vector<1x16xf32>,
      %swap3A_318 = vector.shape_cast %swap3A_317 : vector<1x16xf32> to vector<16xf32>
      %swap3A_319 = vector.shape_cast %broadcast_in_dim3A_314 : vector<16xf32> to vector<1x16xf32>
      tpu.vector_store %arg22[%swap3A_315, %swap3A_316], %swap3A_319 {strides = array<i32>} : memref<32x128xf32, #tpu.memory_space<vmem>>, vector<1x16xf32>,
      %broadcast_in_dim3A_320 = arith.constant 0.000000e+00 : f32
      %broadcast_in_dim3A_321 = vector.broadcast %broadcast_in_dim3A_320 : f32 to vector<16xf32>
      %swap3A_322 = arith.index_cast %scan3A_270 : i32 to index
      %swap3A_323 = arith.constant 112 : index
      %swap3A_324 = tpu.vector_load %arg22[%swap3A_322, %swap3A_323] {strides = array<i32>} : memref<32x128xf32, #tpu.memory_space<vmem>>, vector<1x16xf32>,
      %swap3A_325 = vector.shape_cast %swap3A_324 : vector<1x16xf32> to vector<16xf32>
      %swap3A_326 = vector.shape_cast %broadcast_in_dim3A_321 : vector<16xf32> to vector<1x16xf32>
      tpu.vector_store %arg22[%swap3A_322, %swap3A_323], %swap3A_326 {strides = array<i32>} : memref<32x128xf32, #tpu.memory_space<vmem>>, vector<1x16xf32>,
    }
    %scan3A_33 = arith.constant 32 : i32
    %mul3A_34 = arith.constant 640 : i32
    %mul3A_35 = arith.muli %arg1, %mul3A_34 : i32
    %add3A_36 = arith.constant 0 : i32
    %add3A_37 = arith.addi %mul3A_35, %add3A_36 : i32
    "tpu.region"() ({
      %run_scoped3A = tpu.sem_alloc : memref<!tpu.dma_semaphore, #tpu.memory_space<semaphore_mem>>
      %dma_start3A_270 = arith.constant 0 : i32
      %dma_start3A_271 = tpu.memref_slice %arg24[%add3A_37, %dma_start3A_270] : memref<10240x128xf32, #tpu.memory_space<vmem_shared>> -> memref<32x128xf32, #tpu.memory_space<vmem_shared>>
      %dma_start3A_272 = arith.constant 0 : i32
      %dma_start3A_273 = tpu.memref_slice %arg24[%add3A_37, %dma_start3A_272] : memref<10240x128xf32, #tpu.memory_space<vmem_shared>> -> memref<32x128xf32, #tpu.memory_space<vmem_shared>>
      tpu.enqueue_dma source(%arg22 : memref<32x128xf32, #tpu.memory_space<vmem>>) target(%dma_start3A_273 : memref<32x128xf32, #tpu.memory_space<vmem_shared>>) target_semaphore(%run_scoped3A : memref<!tpu.dma_semaphore, #tpu.memory_space<semaphore_mem>>)
      %dma_wait3A_274 = arith.constant 0 : i32
      %dma_wait3A_275 = tpu.memref_slice %arg24[%add3A_37, %dma_wait3A_274] : memref<10240x128xf32, #tpu.memory_space<vmem_shared>> -> memref<32x128xf32, #tpu.memory_space<vmem_shared>>
      %dma_wait3A_276 = arith.constant 0 : i32
      %dma_wait3A_277 = tpu.memref_slice %arg24[%add3A_37, %dma_wait3A_276] : memref<10240x128xf32, #tpu.memory_space<vmem_shared>> -> memref<32x128xf32, #tpu.memory_space<vmem_shared>>
      tpu.wait_dma2 semaphore(%run_scoped3A : memref<!tpu.dma_semaphore, #tpu.memory_space<semaphore_mem>>) src(%arg22 : memref<32x128xf32, #tpu.memory_space<vmem>>) dst(%dma_wait3A_277 : memref<32x128xf32, #tpu.memory_space<vmem_shared>>)
      tpu.yield
    }) : () -> ()
    %mul3A_38 = arith.constant 640 : i32
    %mul3A_39 = arith.muli %arg1, %mul3A_38 : i32
    %add3A_40 = arith.constant 32 : i32
    %add3A_41 = arith.addi %mul3A_39, %add3A_40 : i32
    "tpu.region"() ({
      %run_scoped3A = tpu.sem_alloc : memref<!tpu.dma_semaphore, #tpu.memory_space<semaphore_mem>>
      %dma_start3A_270 = arith.constant 0 : i32
      %dma_start3A_271 = tpu.memref_slice %arg24[%add3A_41, %dma_start3A_270] : memref<10240x128xf32, #tpu.memory_space<vmem_shared>> -> memref<32x128xf32, #tpu.memory_space<vmem_shared>>
      %dma_start3A_272 = arith.constant 0 : i32
      %dma_start3A_273 = tpu.memref_slice %arg24[%add3A_41, %dma_start3A_272] : memref<10240x128xf32, #tpu.memory_space<vmem_shared>> -> memref<32x128xf32, #tpu.memory_space<vmem_shared>>
      tpu.enqueue_dma source(%arg22 : memref<32x128xf32, #tpu.memory_space<vmem>>) target(%dma_start3A_273 : memref<32x128xf32, #tpu.memory_space<vmem_shared>>) target_semaphore(%run_scoped3A : memref<!tpu.dma_semaphore, #tpu.memory_space<semaphore_mem>>)
      %dma_wait3A_274 = arith.constant 0 : i32
      %dma_wait3A_275 = tpu.memref_slice %arg24[%add3A_41, %dma_wait3A_274] : memref<10240x128xf32, #tpu.memory_space<vmem_shared>> -> memref<32x128xf32, #tpu.memory_space<vmem_shared>>
      %dma_wait3A_276 = arith.constant 0 : i32
      %dma_wait3A_277 = tpu.memref_slice %arg24[%add3A_41, %dma_wait3A_276] : memref<10240x128xf32, #tpu.memory_space<vmem_shared>> -> memref<32x128xf32, #tpu.memory_space<vmem_shared>>
      tpu.wait_dma2 semaphore(%run_scoped3A : memref<!tpu.dma_semaphore, #tpu.memory_space<semaphore_mem>>) src(%arg22 : memref<32x128xf32, #tpu.memory_space<vmem>>) dst(%dma_wait3A_277 : memref<32x128xf32, #tpu.memory_space<vmem_shared>>)
      tpu.yield
    }) : () -> ()
    %mul3A_42 = arith.constant 640 : i32
    %mul3A_43 = arith.muli %arg1, %mul3A_42 : i32
    %add3A_44 = arith.constant 64 : i32
    %add3A_45 = arith.addi %mul3A_43, %add3A_44 : i32
    "tpu.region"() ({
      %run_scoped3A = tpu.sem_alloc : memref<!tpu.dma_semaphore, #tpu.memory_space<semaphore_mem>>
      %dma_start3A_270 = arith.constant 0 : i32
      %dma_start3A_271 = tpu.memref_slice %arg24[%add3A_45, %dma_start3A_270] : memref<10240x128xf32, #tpu.memory_space<vmem_shared>> -> memref<32x128xf32, #tpu.memory_space<vmem_shared>>
      %dma_start3A_272 = arith.constant 0 : i32
      %dma_start3A_273 = tpu.memref_slice %arg24[%add3A_45, %dma_start3A_272] : memref<10240x128xf32, #tpu.memory_space<vmem_shared>> -> memref<32x128xf32, #tpu.memory_space<vmem_shared>>
      tpu.enqueue_dma source(%arg22 : memref<32x128xf32, #tpu.memory_space<vmem>>) target(%dma_start3A_273 : memref<32x128xf32, #tpu.memory_space<vmem_shared>>) target_semaphore(%run_scoped3A : memref<!tpu.dma_semaphore, #tpu.memory_space<semaphore_mem>>)
      %dma_wait3A_274 = arith.constant 0 : i32
      %dma_wait3A_275 = tpu.memref_slice %arg24[%add3A_45, %dma_wait3A_274] : memref<10240x128xf32, #tpu.memory_space<vmem_shared>> -> memref<32x128xf32, #tpu.memory_space<vmem_shared>>
      %dma_wait3A_276 = arith.constant 0 : i32
      %dma_wait3A_277 = tpu.memref_slice %arg24[%add3A_45, %dma_wait3A_276] : memref<10240x128xf32, #tpu.memory_space<vmem_shared>> -> memref<32x128xf32, #tpu.memory_space<vmem_shared>>
      tpu.wait_dma2 semaphore(%run_scoped3A : memref<!tpu.dma_semaphore, #tpu.memory_space<semaphore_mem>>) src(%arg22 : memref<32x128xf32, #tpu.memory_space<vmem>>) dst(%dma_wait3A_277 : memref<32x128xf32, #tpu.memory_space<vmem_shared>>)
      tpu.yield
    }) : () -> ()
    %mul3A_46 = arith.constant 640 : i32
    %mul3A_47 = arith.muli %arg1, %mul3A_46 : i32
    %add3A_48 = arith.constant 96 : i32
    %add3A_49 = arith.addi %mul3A_47, %add3A_48 : i32
    "tpu.region"() ({
      %run_scoped3A = tpu.sem_alloc : memref<!tpu.dma_semaphore, #tpu.memory_space<semaphore_mem>>
      %dma_start3A_270 = arith.constant 0 : i32
      %dma_start3A_271 = tpu.memref_slice %arg24[%add3A_49, %dma_start3A_270] : memref<10240x128xf32, #tpu.memory_space<vmem_shared>> -> memref<32x128xf32, #tpu.memory_space<vmem_shared>>
      %dma_start3A_272 = arith.constant 0 : i32
      %dma_start3A_273 = tpu.memref_slice %arg24[%add3A_49, %dma_start3A_272] : memref<10240x128xf32, #tpu.memory_space<vmem_shared>> -> memref<32x128xf32, #tpu.memory_space<vmem_shared>>
      tpu.enqueue_dma source(%arg22 : memref<32x128xf32, #tpu.memory_space<vmem>>) target(%dma_start3A_273 : memref<32x128xf32, #tpu.memory_space<vmem_shared>>) target_semaphore(%run_scoped3A : memref<!tpu.dma_semaphore, #tpu.memory_space<semaphore_mem>>)
      %dma_wait3A_274 = arith.constant 0 : i32
      %dma_wait3A_275 = tpu.memref_slice %arg24[%add3A_49, %dma_wait3A_274] : memref<10240x128xf32, #tpu.memory_space<vmem_shared>> -> memref<32x128xf32, #tpu.memory_space<vmem_shared>>
      %dma_wait3A_276 = arith.constant 0 : i32
      %dma_wait3A_277 = tpu.memref_slice %arg24[%add3A_49, %dma_wait3A_276] : memref<10240x128xf32, #tpu.memory_space<vmem_shared>> -> memref<32x128xf32, #tpu.memory_space<vmem_shared>>
      tpu.wait_dma2 semaphore(%run_scoped3A : memref<!tpu.dma_semaphore, #tpu.memory_space<semaphore_mem>>) src(%arg22 : memref<32x128xf32, #tpu.memory_space<vmem>>) dst(%dma_wait3A_277 : memref<32x128xf32, #tpu.memory_space<vmem_shared>>)
      tpu.yield
    }) : () -> ()
    %mul3A_50 = arith.constant 640 : i32
    %mul3A_51 = arith.muli %arg1, %mul3A_50 : i32
    %add3A_52 = arith.constant 128 : i32
    %add3A_53 = arith.addi %mul3A_51, %add3A_52 : i32
    "tpu.region"() ({
      %run_scoped3A = tpu.sem_alloc : memref<!tpu.dma_semaphore, #tpu.memory_space<semaphore_mem>>
      %dma_start3A_270 = arith.constant 0 : i32
      %dma_start3A_271 = tpu.memref_slice %arg24[%add3A_53, %dma_start3A_270] : memref<10240x128xf32, #tpu.memory_space<vmem_shared>> -> memref<32x128xf32, #tpu.memory_space<vmem_shared>>
      %dma_start3A_272 = arith.constant 0 : i32
      %dma_start3A_273 = tpu.memref_slice %arg24[%add3A_53, %dma_start3A_272] : memref<10240x128xf32, #tpu.memory_space<vmem_shared>> -> memref<32x128xf32, #tpu.memory_space<vmem_shared>>
      tpu.enqueue_dma source(%arg22 : memref<32x128xf32, #tpu.memory_space<vmem>>) target(%dma_start3A_273 : memref<32x128xf32, #tpu.memory_space<vmem_shared>>) target_semaphore(%run_scoped3A : memref<!tpu.dma_semaphore, #tpu.memory_space<semaphore_mem>>)
      %dma_wait3A_274 = arith.constant 0 : i32
      %dma_wait3A_275 = tpu.memref_slice %arg24[%add3A_53, %dma_wait3A_274] : memref<10240x128xf32, #tpu.memory_space<vmem_shared>> -> memref<32x128xf32, #tpu.memory_space<vmem_shared>>
      %dma_wait3A_276 = arith.constant 0 : i32
      %dma_wait3A_277 = tpu.memref_slice %arg24[%add3A_53, %dma_wait3A_276] : memref<10240x128xf32, #tpu.memory_space<vmem_shared>> -> memref<32x128xf32, #tpu.memory_space<vmem_shared>>
      tpu.wait_dma2 semaphore(%run_scoped3A : memref<!tpu.dma_semaphore, #tpu.memory_space<semaphore_mem>>) src(%arg22 : memref<32x128xf32, #tpu.memory_space<vmem>>) dst(%dma_wait3A_277 : memref<32x128xf32, #tpu.memory_space<vmem_shared>>)
      tpu.yield
    }) : () -> ()
    %mul3A_54 = arith.constant 640 : i32
    %mul3A_55 = arith.muli %arg1, %mul3A_54 : i32
    %add3A_56 = arith.constant 160 : i32
    %add3A_57 = arith.addi %mul3A_55, %add3A_56 : i32
    "tpu.region"() ({
      %run_scoped3A = tpu.sem_alloc : memref<!tpu.dma_semaphore, #tpu.memory_space<semaphore_mem>>
      %dma_start3A_270 = arith.constant 0 : i32
      %dma_start3A_271 = tpu.memref_slice %arg24[%add3A_57, %dma_start3A_270] : memref<10240x128xf32, #tpu.memory_space<vmem_shared>> -> memref<32x128xf32, #tpu.memory_space<vmem_shared>>
      %dma_start3A_272 = arith.constant 0 : i32
      %dma_start3A_273 = tpu.memref_slice %arg24[%add3A_57, %dma_start3A_272] : memref<10240x128xf32, #tpu.memory_space<vmem_shared>> -> memref<32x128xf32, #tpu.memory_space<vmem_shared>>
      tpu.enqueue_dma source(%arg22 : memref<32x128xf32, #tpu.memory_space<vmem>>) target(%dma_start3A_273 : memref<32x128xf32, #tpu.memory_space<vmem_shared>>) target_semaphore(%run_scoped3A : memref<!tpu.dma_semaphore, #tpu.memory_space<semaphore_mem>>)
      %dma_wait3A_274 = arith.constant 0 : i32
      %dma_wait3A_275 = tpu.memref_slice %arg24[%add3A_57, %dma_wait3A_274] : memref<10240x128xf32, #tpu.memory_space<vmem_shared>> -> memref<32x128xf32, #tpu.memory_space<vmem_shared>>
      %dma_wait3A_276 = arith.constant 0 : i32
      %dma_wait3A_277 = tpu.memref_slice %arg24[%add3A_57, %dma_wait3A_276] : memref<10240x128xf32, #tpu.memory_space<vmem_shared>> -> memref<32x128xf32, #tpu.memory_space<vmem_shared>>
      tpu.wait_dma2 semaphore(%run_scoped3A : memref<!tpu.dma_semaphore, #tpu.memory_space<semaphore_mem>>) src(%arg22 : memref<32x128xf32, #tpu.memory_space<vmem>>) dst(%dma_wait3A_277 : memref<32x128xf32, #tpu.memory_space<vmem_shared>>)
      tpu.yield
    }) : () -> ()
    %mul3A_58 = arith.constant 640 : i32
    %mul3A_59 = arith.muli %arg1, %mul3A_58 : i32
    %add3A_60 = arith.constant 192 : i32
    %add3A_61 = arith.addi %mul3A_59, %add3A_60 : i32
    "tpu.region"() ({
      %run_scoped3A = tpu.sem_alloc : memref<!tpu.dma_semaphore, #tpu.memory_space<semaphore_mem>>
      %dma_start3A_270 = arith.constant 0 : i32
      %dma_start3A_271 = tpu.memref_slice %arg24[%add3A_61, %dma_start3A_270] : memref<10240x128xf32, #tpu.memory_space<vmem_shared>> -> memref<32x128xf32, #tpu.memory_space<vmem_shared>>
      %dma_start3A_272 = arith.constant 0 : i32
      %dma_start3A_273 = tpu.memref_slice %arg24[%add3A_61, %dma_start3A_272] : memref<10240x128xf32, #tpu.memory_space<vmem_shared>> -> memref<32x128xf32, #tpu.memory_space<vmem_shared>>
      tpu.enqueue_dma source(%arg22 : memref<32x128xf32, #tpu.memory_space<vmem>>) target(%dma_start3A_273 : memref<32x128xf32, #tpu.memory_space<vmem_shared>>) target_semaphore(%run_scoped3A : memref<!tpu.dma_semaphore, #tpu.memory_space<semaphore_mem>>)
      %dma_wait3A_274 = arith.constant 0 : i32
      %dma_wait3A_275 = tpu.memref_slice %arg24[%add3A_61, %dma_wait3A_274] : memref<10240x128xf32, #tpu.memory_space<vmem_shared>> -> memref<32x128xf32, #tpu.memory_space<vmem_shared>>
      %dma_wait3A_276 = arith.constant 0 : i32
      %dma_wait3A_277 = tpu.memref_slice %arg24[%add3A_61, %dma_wait3A_276] : memref<10240x128xf32, #tpu.memory_space<vmem_shared>> -> memref<32x128xf32, #tpu.memory_space<vmem_shared>>
      tpu.wait_dma2 semaphore(%run_scoped3A : memref<!tpu.dma_semaphore, #tpu.memory_space<semaphore_mem>>) src(%arg22 : memref<32x128xf32, #tpu.memory_space<vmem>>) dst(%dma_wait3A_277 : memref<32x128xf32, #tpu.memory_space<vmem_shared>>)
      tpu.yield
    }) : () -> ()
    %mul3A_62 = arith.constant 640 : i32
    %mul3A_63 = arith.muli %arg1, %mul3A_62 : i32
    %add3A_64 = arith.constant 224 : i32
    %add3A_65 = arith.addi %mul3A_63, %add3A_64 : i32
    "tpu.region"() ({
      %run_scoped3A = tpu.sem_alloc : memref<!tpu.dma_semaphore, #tpu.memory_space<semaphore_mem>>
      %dma_start3A_270 = arith.constant 0 : i32
      %dma_start3A_271 = tpu.memref_slice %arg24[%add3A_65, %dma_start3A_270] : memref<10240x128xf32, #tpu.memory_space<vmem_shared>> -> memref<32x128xf32, #tpu.memory_space<vmem_shared>>
      %dma_start3A_272 = arith.constant 0 : i32
      %dma_start3A_273 = tpu.memref_slice %arg24[%add3A_65, %dma_start3A_272] : memref<10240x128xf32, #tpu.memory_space<vmem_shared>> -> memref<32x128xf32, #tpu.memory_space<vmem_shared>>
      tpu.enqueue_dma source(%arg22 : memref<32x128xf32, #tpu.memory_space<vmem>>) target(%dma_start3A_273 : memref<32x128xf32, #tpu.memory_space<vmem_shared>>) target_semaphore(%run_scoped3A : memref<!tpu.dma_semaphore, #tpu.memory_space<semaphore_mem>>)
      %dma_wait3A_274 = arith.constant 0 : i32
      %dma_wait3A_275 = tpu.memref_slice %arg24[%add3A_65, %dma_wait3A_274] : memref<10240x128xf32, #tpu.memory_space<vmem_shared>> -> memref<32x128xf32, #tpu.memory_space<vmem_shared>>
      %dma_wait3A_276 = arith.constant 0 : i32
      %dma_wait3A_277 = tpu.memref_slice %arg24[%add3A_65, %dma_wait3A_276] : memref<10240x128xf32, #tpu.memory_space<vmem_shared>> -> memref<32x128xf32, #tpu.memory_space<vmem_shared>>
      tpu.wait_dma2 semaphore(%run_scoped3A : memref<!tpu.dma_semaphore, #tpu.memory_space<semaphore_mem>>) src(%arg22 : memref<32x128xf32, #tpu.memory_space<vmem>>) dst(%dma_wait3A_277 : memref<32x128xf32, #tpu.memory_space<vmem_shared>>)
      tpu.yield
    }) : () -> ()
    %mul3A_66 = arith.constant 640 : i32
    %mul3A_67 = arith.muli %arg1, %mul3A_66 : i32
    %add3A_68 = arith.constant 256 : i32
    %add3A_69 = arith.addi %mul3A_67, %add3A_68 : i32
    "tpu.region"() ({
      %run_scoped3A = tpu.sem_alloc : memref<!tpu.dma_semaphore, #tpu.memory_space<semaphore_mem>>
      %dma_start3A_270 = arith.constant 0 : i32
      %dma_start3A_271 = tpu.memref_slice %arg24[%add3A_69, %dma_start3A_270] : memref<10240x128xf32, #tpu.memory_space<vmem_shared>> -> memref<32x128xf32, #tpu.memory_space<vmem_shared>>
      %dma_start3A_272 = arith.constant 0 : i32
      %dma_start3A_273 = tpu.memref_slice %arg24[%add3A_69, %dma_start3A_272] : memref<10240x128xf32, #tpu.memory_space<vmem_shared>> -> memref<32x128xf32, #tpu.memory_space<vmem_shared>>
      tpu.enqueue_dma source(%arg22 : memref<32x128xf32, #tpu.memory_space<vmem>>) target(%dma_start3A_273 : memref<32x128xf32, #tpu.memory_space<vmem_shared>>) target_semaphore(%run_scoped3A : memref<!tpu.dma_semaphore, #tpu.memory_space<semaphore_mem>>)
      %dma_wait3A_274 = arith.constant 0 : i32
      %dma_wait3A_275 = tpu.memref_slice %arg24[%add3A_69, %dma_wait3A_274] : memref<10240x128xf32, #tpu.memory_space<vmem_shared>> -> memref<32x128xf32, #tpu.memory_space<vmem_shared>>
      %dma_wait3A_276 = arith.constant 0 : i32
      %dma_wait3A_277 = tpu.memref_slice %arg24[%add3A_69, %dma_wait3A_276] : memref<10240x128xf32, #tpu.memory_space<vmem_shared>> -> memref<32x128xf32, #tpu.memory_space<vmem_shared>>
      tpu.wait_dma2 semaphore(%run_scoped3A : memref<!tpu.dma_semaphore, #tpu.memory_space<semaphore_mem>>) src(%arg22 : memref<32x128xf32, #tpu.memory_space<vmem>>) dst(%dma_wait3A_277 : memref<32x128xf32, #tpu.memory_space<vmem_shared>>)
      tpu.yield
    }) : () -> ()
    %mul3A_70 = arith.constant 640 : i32
    %mul3A_71 = arith.muli %arg1, %mul3A_70 : i32
    %add3A_72 = arith.constant 288 : i32
    %add3A_73 = arith.addi %mul3A_71, %add3A_72 : i32
    "tpu.region"() ({
      %run_scoped3A = tpu.sem_alloc : memref<!tpu.dma_semaphore, #tpu.memory_space<semaphore_mem>>
      %dma_start3A_270 = arith.constant 0 : i32
      %dma_start3A_271 = tpu.memref_slice %arg24[%add3A_73, %dma_start3A_270] : memref<10240x128xf32, #tpu.memory_space<vmem_shared>> -> memref<32x128xf32, #tpu.memory_space<vmem_shared>>
      %dma_start3A_272 = arith.constant 0 : i32
      %dma_start3A_273 = tpu.memref_slice %arg24[%add3A_73, %dma_start3A_272] : memref<10240x128xf32, #tpu.memory_space<vmem_shared>> -> memref<32x128xf32, #tpu.memory_space<vmem_shared>>
      tpu.enqueue_dma source(%arg22 : memref<32x128xf32, #tpu.memory_space<vmem>>) target(%dma_start3A_273 : memref<32x128xf32, #tpu.memory_space<vmem_shared>>) target_semaphore(%run_scoped3A : memref<!tpu.dma_semaphore, #tpu.memory_space<semaphore_mem>>)
      %dma_wait3A_274 = arith.constant 0 : i32
      %dma_wait3A_275 = tpu.memref_slice %arg24[%add3A_73, %dma_wait3A_274] : memref<10240x128xf32, #tpu.memory_space<vmem_shared>> -> memref<32x128xf32, #tpu.memory_space<vmem_shared>>
      %dma_wait3A_276 = arith.constant 0 : i32
      %dma_wait3A_277 = tpu.memref_slice %arg24[%add3A_73, %dma_wait3A_276] : memref<10240x128xf32, #tpu.memory_space<vmem_shared>> -> memref<32x128xf32, #tpu.memory_space<vmem_shared>>
      tpu.wait_dma2 semaphore(%run_scoped3A : memref<!tpu.dma_semaphore, #tpu.memory_space<semaphore_mem>>) src(%arg22 : memref<32x128xf32, #tpu.memory_space<vmem>>) dst(%dma_wait3A_277 : memref<32x128xf32, #tpu.memory_space<vmem_shared>>)
      tpu.yield
    }) : () -> ()
    %mul3A_74 = arith.constant 640 : i32
    %mul3A_75 = arith.muli %arg1, %mul3A_74 : i32
    %add3A_76 = arith.constant 320 : i32
    %add3A_77 = arith.addi %mul3A_75, %add3A_76 : i32
    "tpu.region"() ({
      %run_scoped3A = tpu.sem_alloc : memref<!tpu.dma_semaphore, #tpu.memory_space<semaphore_mem>>
      %dma_start3A_270 = arith.constant 0 : i32
      %dma_start3A_271 = tpu.memref_slice %arg24[%add3A_77, %dma_start3A_270] : memref<10240x128xf32, #tpu.memory_space<vmem_shared>> -> memref<32x128xf32, #tpu.memory_space<vmem_shared>>
      %dma_start3A_272 = arith.constant 0 : i32
      %dma_start3A_273 = tpu.memref_slice %arg24[%add3A_77, %dma_start3A_272] : memref<10240x128xf32, #tpu.memory_space<vmem_shared>> -> memref<32x128xf32, #tpu.memory_space<vmem_shared>>
      tpu.enqueue_dma source(%arg22 : memref<32x128xf32, #tpu.memory_space<vmem>>) target(%dma_start3A_273 : memref<32x128xf32, #tpu.memory_space<vmem_shared>>) target_semaphore(%run_scoped3A : memref<!tpu.dma_semaphore, #tpu.memory_space<semaphore_mem>>)
      %dma_wait3A_274 = arith.constant 0 : i32
      %dma_wait3A_275 = tpu.memref_slice %arg24[%add3A_77, %dma_wait3A_274] : memref<10240x128xf32, #tpu.memory_space<vmem_shared>> -> memref<32x128xf32, #tpu.memory_space<vmem_shared>>
      %dma_wait3A_276 = arith.constant 0 : i32
      %dma_wait3A_277 = tpu.memref_slice %arg24[%add3A_77, %dma_wait3A_276] : memref<10240x128xf32, #tpu.memory_space<vmem_shared>> -> memref<32x128xf32, #tpu.memory_space<vmem_shared>>
      tpu.wait_dma2 semaphore(%run_scoped3A : memref<!tpu.dma_semaphore, #tpu.memory_space<semaphore_mem>>) src(%arg22 : memref<32x128xf32, #tpu.memory_space<vmem>>) dst(%dma_wait3A_277 : memref<32x128xf32, #tpu.memory_space<vmem_shared>>)
      tpu.yield
    }) : () -> ()
    %mul3A_78 = arith.constant 640 : i32
    %mul3A_79 = arith.muli %arg1, %mul3A_78 : i32
    %add3A_80 = arith.constant 352 : i32
    %add3A_81 = arith.addi %mul3A_79, %add3A_80 : i32
    "tpu.region"() ({
      %run_scoped3A = tpu.sem_alloc : memref<!tpu.dma_semaphore, #tpu.memory_space<semaphore_mem>>
      %dma_start3A_270 = arith.constant 0 : i32
      %dma_start3A_271 = tpu.memref_slice %arg24[%add3A_81, %dma_start3A_270] : memref<10240x128xf32, #tpu.memory_space<vmem_shared>> -> memref<32x128xf32, #tpu.memory_space<vmem_shared>>
      %dma_start3A_272 = arith.constant 0 : i32
      %dma_start3A_273 = tpu.memref_slice %arg24[%add3A_81, %dma_start3A_272] : memref<10240x128xf32, #tpu.memory_space<vmem_shared>> -> memref<32x128xf32, #tpu.memory_space<vmem_shared>>
      tpu.enqueue_dma source(%arg22 : memref<32x128xf32, #tpu.memory_space<vmem>>) target(%dma_start3A_273 : memref<32x128xf32, #tpu.memory_space<vmem_shared>>) target_semaphore(%run_scoped3A : memref<!tpu.dma_semaphore, #tpu.memory_space<semaphore_mem>>)
      %dma_wait3A_274 = arith.constant 0 : i32
      %dma_wait3A_275 = tpu.memref_slice %arg24[%add3A_81, %dma_wait3A_274] : memref<10240x128xf32, #tpu.memory_space<vmem_shared>> -> memref<32x128xf32, #tpu.memory_space<vmem_shared>>
      %dma_wait3A_276 = arith.constant 0 : i32
      %dma_wait3A_277 = tpu.memref_slice %arg24[%add3A_81, %dma_wait3A_276] : memref<10240x128xf32, #tpu.memory_space<vmem_shared>> -> memref<32x128xf32, #tpu.memory_space<vmem_shared>>
      tpu.wait_dma2 semaphore(%run_scoped3A : memref<!tpu.dma_semaphore, #tpu.memory_space<semaphore_mem>>) src(%arg22 : memref<32x128xf32, #tpu.memory_space<vmem>>) dst(%dma_wait3A_277 : memref<32x128xf32, #tpu.memory_space<vmem_shared>>)
      tpu.yield
    }) : () -> ()
    %mul3A_82 = arith.constant 640 : i32
    %mul3A_83 = arith.muli %arg1, %mul3A_82 : i32
    %add3A_84 = arith.constant 384 : i32
    %add3A_85 = arith.addi %mul3A_83, %add3A_84 : i32
    "tpu.region"() ({
      %run_scoped3A = tpu.sem_alloc : memref<!tpu.dma_semaphore, #tpu.memory_space<semaphore_mem>>
      %dma_start3A_270 = arith.constant 0 : i32
      %dma_start3A_271 = tpu.memref_slice %arg24[%add3A_85, %dma_start3A_270] : memref<10240x128xf32, #tpu.memory_space<vmem_shared>> -> memref<32x128xf32, #tpu.memory_space<vmem_shared>>
      %dma_start3A_272 = arith.constant 0 : i32
      %dma_start3A_273 = tpu.memref_slice %arg24[%add3A_85, %dma_start3A_272] : memref<10240x128xf32, #tpu.memory_space<vmem_shared>> -> memref<32x128xf32, #tpu.memory_space<vmem_shared>>
      tpu.enqueue_dma source(%arg22 : memref<32x128xf32, #tpu.memory_space<vmem>>) target(%dma_start3A_273 : memref<32x128xf32, #tpu.memory_space<vmem_shared>>) target_semaphore(%run_scoped3A : memref<!tpu.dma_semaphore, #tpu.memory_space<semaphore_mem>>)
      %dma_wait3A_274 = arith.constant 0 : i32
      %dma_wait3A_275 = tpu.memref_slice %arg24[%add3A_85, %dma_wait3A_274] : memref<10240x128xf32, #tpu.memory_space<vmem_shared>> -> memref<32x128xf32, #tpu.memory_space<vmem_shared>>
      %dma_wait3A_276 = arith.constant 0 : i32
      %dma_wait3A_277 = tpu.memref_slice %arg24[%add3A_85, %dma_wait3A_276] : memref<10240x128xf32, #tpu.memory_space<vmem_shared>> -> memref<32x128xf32, #tpu.memory_space<vmem_shared>>
      tpu.wait_dma2 semaphore(%run_scoped3A : memref<!tpu.dma_semaphore, #tpu.memory_space<semaphore_mem>>) src(%arg22 : memref<32x128xf32, #tpu.memory_space<vmem>>) dst(%dma_wait3A_277 : memref<32x128xf32, #tpu.memory_space<vmem_shared>>)
      tpu.yield
    }) : () -> ()
    %mul3A_86 = arith.constant 640 : i32
    %mul3A_87 = arith.muli %arg1, %mul3A_86 : i32
    %add3A_88 = arith.constant 416 : i32
    %add3A_89 = arith.addi %mul3A_87, %add3A_88 : i32
    "tpu.region"() ({
      %run_scoped3A = tpu.sem_alloc : memref<!tpu.dma_semaphore, #tpu.memory_space<semaphore_mem>>
      %dma_start3A_270 = arith.constant 0 : i32
      %dma_start3A_271 = tpu.memref_slice %arg24[%add3A_89, %dma_start3A_270] : memref<10240x128xf32, #tpu.memory_space<vmem_shared>> -> memref<32x128xf32, #tpu.memory_space<vmem_shared>>
      %dma_start3A_272 = arith.constant 0 : i32
      %dma_start3A_273 = tpu.memref_slice %arg24[%add3A_89, %dma_start3A_272] : memref<10240x128xf32, #tpu.memory_space<vmem_shared>> -> memref<32x128xf32, #tpu.memory_space<vmem_shared>>
      tpu.enqueue_dma source(%arg22 : memref<32x128xf32, #tpu.memory_space<vmem>>) target(%dma_start3A_273 : memref<32x128xf32, #tpu.memory_space<vmem_shared>>) target_semaphore(%run_scoped3A : memref<!tpu.dma_semaphore, #tpu.memory_space<semaphore_mem>>)
      %dma_wait3A_274 = arith.constant 0 : i32
      %dma_wait3A_275 = tpu.memref_slice %arg24[%add3A_89, %dma_wait3A_274] : memref<10240x128xf32, #tpu.memory_space<vmem_shared>> -> memref<32x128xf32, #tpu.memory_space<vmem_shared>>
      %dma_wait3A_276 = arith.constant 0 : i32
      %dma_wait3A_277 = tpu.memref_slice %arg24[%add3A_89, %dma_wait3A_276] : memref<10240x128xf32, #tpu.memory_space<vmem_shared>> -> memref<32x128xf32, #tpu.memory_space<vmem_shared>>
      tpu.wait_dma2 semaphore(%run_scoped3A : memref<!tpu.dma_semaphore, #tpu.memory_space<semaphore_mem>>) src(%arg22 : memref<32x128xf32, #tpu.memory_space<vmem>>) dst(%dma_wait3A_277 : memref<32x128xf32, #tpu.memory_space<vmem_shared>>)
      tpu.yield
    }) : () -> ()
    %mul3A_90 = arith.constant 640 : i32
    %mul3A_91 = arith.muli %arg1, %mul3A_90 : i32
    %add3A_92 = arith.constant 448 : i32
    %add3A_93 = arith.addi %mul3A_91, %add3A_92 : i32
    "tpu.region"() ({
      %run_scoped3A = tpu.sem_alloc : memref<!tpu.dma_semaphore, #tpu.memory_space<semaphore_mem>>
      %dma_start3A_270 = arith.constant 0 : i32
      %dma_start3A_271 = tpu.memref_slice %arg24[%add3A_93, %dma_start3A_270] : memref<10240x128xf32, #tpu.memory_space<vmem_shared>> -> memref<32x128xf32, #tpu.memory_space<vmem_shared>>
      %dma_start3A_272 = arith.constant 0 : i32
      %dma_start3A_273 = tpu.memref_slice %arg24[%add3A_93, %dma_start3A_272] : memref<10240x128xf32, #tpu.memory_space<vmem_shared>> -> memref<32x128xf32, #tpu.memory_space<vmem_shared>>
      tpu.enqueue_dma source(%arg22 : memref<32x128xf32, #tpu.memory_space<vmem>>) target(%dma_start3A_273 : memref<32x128xf32, #tpu.memory_space<vmem_shared>>) target_semaphore(%run_scoped3A : memref<!tpu.dma_semaphore, #tpu.memory_space<semaphore_mem>>)
      %dma_wait3A_274 = arith.constant 0 : i32
      %dma_wait3A_275 = tpu.memref_slice %arg24[%add3A_93, %dma_wait3A_274] : memref<10240x128xf32, #tpu.memory_space<vmem_shared>> -> memref<32x128xf32, #tpu.memory_space<vmem_shared>>
      %dma_wait3A_276 = arith.constant 0 : i32
      %dma_wait3A_277 = tpu.memref_slice %arg24[%add3A_93, %dma_wait3A_276] : memref<10240x128xf32, #tpu.memory_space<vmem_shared>> -> memref<32x128xf32, #tpu.memory_space<vmem_shared>>
      tpu.wait_dma2 semaphore(%run_scoped3A : memref<!tpu.dma_semaphore, #tpu.memory_space<semaphore_mem>>) src(%arg22 : memref<32x128xf32, #tpu.memory_space<vmem>>) dst(%dma_wait3A_277 : memref<32x128xf32, #tpu.memory_space<vmem_shared>>)
      tpu.yield
    }) : () -> ()
    %mul3A_94 = arith.constant 640 : i32
    %mul3A_95 = arith.muli %arg1, %mul3A_94 : i32
    %add3A_96 = arith.constant 480 : i32
    %add3A_97 = arith.addi %mul3A_95, %add3A_96 : i32
    "tpu.region"() ({
      %run_scoped3A = tpu.sem_alloc : memref<!tpu.dma_semaphore, #tpu.memory_space<semaphore_mem>>
      %dma_start3A_270 = arith.constant 0 : i32
      %dma_start3A_271 = tpu.memref_slice %arg24[%add3A_97, %dma_start3A_270] : memref<10240x128xf32, #tpu.memory_space<vmem_shared>> -> memref<32x128xf32, #tpu.memory_space<vmem_shared>>
      %dma_start3A_272 = arith.constant 0 : i32
      %dma_start3A_273 = tpu.memref_slice %arg24[%add3A_97, %dma_start3A_272] : memref<10240x128xf32, #tpu.memory_space<vmem_shared>> -> memref<32x128xf32, #tpu.memory_space<vmem_shared>>
      tpu.enqueue_dma source(%arg22 : memref<32x128xf32, #tpu.memory_space<vmem>>) target(%dma_start3A_273 : memref<32x128xf32, #tpu.memory_space<vmem_shared>>) target_semaphore(%run_scoped3A : memref<!tpu.dma_semaphore, #tpu.memory_space<semaphore_mem>>)
      %dma_wait3A_274 = arith.constant 0 : i32
      %dma_wait3A_275 = tpu.memref_slice %arg24[%add3A_97, %dma_wait3A_274] : memref<10240x128xf32, #tpu.memory_space<vmem_shared>> -> memref<32x128xf32, #tpu.memory_space<vmem_shared>>
      %dma_wait3A_276 = arith.constant 0 : i32
      %dma_wait3A_277 = tpu.memref_slice %arg24[%add3A_97, %dma_wait3A_276] : memref<10240x128xf32, #tpu.memory_space<vmem_shared>> -> memref<32x128xf32, #tpu.memory_space<vmem_shared>>
      tpu.wait_dma2 semaphore(%run_scoped3A : memref<!tpu.dma_semaphore, #tpu.memory_space<semaphore_mem>>) src(%arg22 : memref<32x128xf32, #tpu.memory_space<vmem>>) dst(%dma_wait3A_277 : memref<32x128xf32, #tpu.memory_space<vmem_shared>>)
      tpu.yield
    }) : () -> ()
    %mul3A_98 = arith.constant 640 : i32
    %mul3A_99 = arith.muli %arg1, %mul3A_98 : i32
    %add3A_100 = arith.constant 512 : i32
    %add3A_101 = arith.addi %mul3A_99, %add3A_100 : i32
    "tpu.region"() ({
      %run_scoped3A = tpu.sem_alloc : memref<!tpu.dma_semaphore, #tpu.memory_space<semaphore_mem>>
      %dma_start3A_270 = arith.constant 0 : i32
      %dma_start3A_271 = tpu.memref_slice %arg24[%add3A_101, %dma_start3A_270] : memref<10240x128xf32, #tpu.memory_space<vmem_shared>> -> memref<32x128xf32, #tpu.memory_space<vmem_shared>>
      %dma_start3A_272 = arith.constant 0 : i32
      %dma_start3A_273 = tpu.memref_slice %arg24[%add3A_101, %dma_start3A_272] : memref<10240x128xf32, #tpu.memory_space<vmem_shared>> -> memref<32x128xf32, #tpu.memory_space<vmem_shared>>
      tpu.enqueue_dma source(%arg22 : memref<32x128xf32, #tpu.memory_space<vmem>>) target(%dma_start3A_273 : memref<32x128xf32, #tpu.memory_space<vmem_shared>>) target_semaphore(%run_scoped3A : memref<!tpu.dma_semaphore, #tpu.memory_space<semaphore_mem>>)
      %dma_wait3A_274 = arith.constant 0 : i32
      %dma_wait3A_275 = tpu.memref_slice %arg24[%add3A_101, %dma_wait3A_274] : memref<10240x128xf32, #tpu.memory_space<vmem_shared>> -> memref<32x128xf32, #tpu.memory_space<vmem_shared>>
      %dma_wait3A_276 = arith.constant 0 : i32
      %dma_wait3A_277 = tpu.memref_slice %arg24[%add3A_101, %dma_wait3A_276] : memref<10240x128xf32, #tpu.memory_space<vmem_shared>> -> memref<32x128xf32, #tpu.memory_space<vmem_shared>>
      tpu.wait_dma2 semaphore(%run_scoped3A : memref<!tpu.dma_semaphore, #tpu.memory_space<semaphore_mem>>) src(%arg22 : memref<32x128xf32, #tpu.memory_space<vmem>>) dst(%dma_wait3A_277 : memref<32x128xf32, #tpu.memory_space<vmem_shared>>)
      tpu.yield
    }) : () -> ()
    %mul3A_102 = arith.constant 640 : i32
    %mul3A_103 = arith.muli %arg1, %mul3A_102 : i32
    %add3A_104 = arith.constant 544 : i32
    %add3A_105 = arith.addi %mul3A_103, %add3A_104 : i32
    "tpu.region"() ({
      %run_scoped3A = tpu.sem_alloc : memref<!tpu.dma_semaphore, #tpu.memory_space<semaphore_mem>>
      %dma_start3A_270 = arith.constant 0 : i32
      %dma_start3A_271 = tpu.memref_slice %arg24[%add3A_105, %dma_start3A_270] : memref<10240x128xf32, #tpu.memory_space<vmem_shared>> -> memref<32x128xf32, #tpu.memory_space<vmem_shared>>
      %dma_start3A_272 = arith.constant 0 : i32
      %dma_start3A_273 = tpu.memref_slice %arg24[%add3A_105, %dma_start3A_272] : memref<10240x128xf32, #tpu.memory_space<vmem_shared>> -> memref<32x128xf32, #tpu.memory_space<vmem_shared>>
      tpu.enqueue_dma source(%arg22 : memref<32x128xf32, #tpu.memory_space<vmem>>) target(%dma_start3A_273 : memref<32x128xf32, #tpu.memory_space<vmem_shared>>) target_semaphore(%run_scoped3A : memref<!tpu.dma_semaphore, #tpu.memory_space<semaphore_mem>>)
      %dma_wait3A_274 = arith.constant 0 : i32
      %dma_wait3A_275 = tpu.memref_slice %arg24[%add3A_105, %dma_wait3A_274] : memref<10240x128xf32, #tpu.memory_space<vmem_shared>> -> memref<32x128xf32, #tpu.memory_space<vmem_shared>>
      %dma_wait3A_276 = arith.constant 0 : i32
      %dma_wait3A_277 = tpu.memref_slice %arg24[%add3A_105, %dma_wait3A_276] : memref<10240x128xf32, #tpu.memory_space<vmem_shared>> -> memref<32x128xf32, #tpu.memory_space<vmem_shared>>
      tpu.wait_dma2 semaphore(%run_scoped3A : memref<!tpu.dma_semaphore, #tpu.memory_space<semaphore_mem>>) src(%arg22 : memref<32x128xf32, #tpu.memory_space<vmem>>) dst(%dma_wait3A_277 : memref<32x128xf32, #tpu.memory_space<vmem_shared>>)
      tpu.yield
    }) : () -> ()
    %mul3A_106 = arith.constant 640 : i32
    %mul3A_107 = arith.muli %arg1, %mul3A_106 : i32
    %add3A_108 = arith.constant 576 : i32
    %add3A_109 = arith.addi %mul3A_107, %add3A_108 : i32
    "tpu.region"() ({
      %run_scoped3A = tpu.sem_alloc : memref<!tpu.dma_semaphore, #tpu.memory_space<semaphore_mem>>
      %dma_start3A_270 = arith.constant 0 : i32
      %dma_start3A_271 = tpu.memref_slice %arg24[%add3A_109, %dma_start3A_270] : memref<10240x128xf32, #tpu.memory_space<vmem_shared>> -> memref<32x128xf32, #tpu.memory_space<vmem_shared>>
      %dma_start3A_272 = arith.constant 0 : i32
      %dma_start3A_273 = tpu.memref_slice %arg24[%add3A_109, %dma_start3A_272] : memref<10240x128xf32, #tpu.memory_space<vmem_shared>> -> memref<32x128xf32, #tpu.memory_space<vmem_shared>>
      tpu.enqueue_dma source(%arg22 : memref<32x128xf32, #tpu.memory_space<vmem>>) target(%dma_start3A_273 : memref<32x128xf32, #tpu.memory_space<vmem_shared>>) target_semaphore(%run_scoped3A : memref<!tpu.dma_semaphore, #tpu.memory_space<semaphore_mem>>)
      %dma_wait3A_274 = arith.constant 0 : i32
      %dma_wait3A_275 = tpu.memref_slice %arg24[%add3A_109, %dma_wait3A_274] : memref<10240x128xf32, #tpu.memory_space<vmem_shared>> -> memref<32x128xf32, #tpu.memory_space<vmem_shared>>
      %dma_wait3A_276 = arith.constant 0 : i32
      %dma_wait3A_277 = tpu.memref_slice %arg24[%add3A_109, %dma_wait3A_276] : memref<10240x128xf32, #tpu.memory_space<vmem_shared>> -> memref<32x128xf32, #tpu.memory_space<vmem_shared>>
      tpu.wait_dma2 semaphore(%run_scoped3A : memref<!tpu.dma_semaphore, #tpu.memory_space<semaphore_mem>>) src(%arg22 : memref<32x128xf32, #tpu.memory_space<vmem>>) dst(%dma_wait3A_277 : memref<32x128xf32, #tpu.memory_space<vmem_shared>>)
      tpu.yield
    }) : () -> ()
    %mul3A_110 = arith.constant 640 : i32
    %mul3A_111 = arith.muli %arg1, %mul3A_110 : i32
    %add3A_112 = arith.constant 608 : i32
    %add3A_113 = arith.addi %mul3A_111, %add3A_112 : i32
    "tpu.region"() ({
      %run_scoped3A = tpu.sem_alloc : memref<!tpu.dma_semaphore, #tpu.memory_space<semaphore_mem>>
      %dma_start3A_270 = arith.constant 0 : i32
      %dma_start3A_271 = tpu.memref_slice %arg24[%add3A_113, %dma_start3A_270] : memref<10240x128xf32, #tpu.memory_space<vmem_shared>> -> memref<32x128xf32, #tpu.memory_space<vmem_shared>>
      %dma_start3A_272 = arith.constant 0 : i32
      %dma_start3A_273 = tpu.memref_slice %arg24[%add3A_113, %dma_start3A_272] : memref<10240x128xf32, #tpu.memory_space<vmem_shared>> -> memref<32x128xf32, #tpu.memory_space<vmem_shared>>
      tpu.enqueue_dma source(%arg22 : memref<32x128xf32, #tpu.memory_space<vmem>>) target(%dma_start3A_273 : memref<32x128xf32, #tpu.memory_space<vmem_shared>>) target_semaphore(%run_scoped3A : memref<!tpu.dma_semaphore, #tpu.memory_space<semaphore_mem>>)
      %dma_wait3A_274 = arith.constant 0 : i32
      %dma_wait3A_275 = tpu.memref_slice %arg24[%add3A_113, %dma_wait3A_274] : memref<10240x128xf32, #tpu.memory_space<vmem_shared>> -> memref<32x128xf32, #tpu.memory_space<vmem_shared>>
      %dma_wait3A_276 = arith.constant 0 : i32
      %dma_wait3A_277 = tpu.memref_slice %arg24[%add3A_113, %dma_wait3A_276] : memref<10240x128xf32, #tpu.memory_space<vmem_shared>> -> memref<32x128xf32, #tpu.memory_space<vmem_shared>>
      tpu.wait_dma2 semaphore(%run_scoped3A : memref<!tpu.dma_semaphore, #tpu.memory_space<semaphore_mem>>) src(%arg22 : memref<32x128xf32, #tpu.memory_space<vmem>>) dst(%dma_wait3A_277 : memref<32x128xf32, #tpu.memory_space<vmem_shared>>)
      tpu.yield
    }) : () -> ()
    %scan3A_114 = arith.constant 0 : i32
    %scan3A_115 = arith.constant 0 : i32
    %scan3A_116 = arith.constant 80 : i32
    %scan3A_117 = arith.addi %scan3A_115, %scan3A_116 : i32
    %scan3A_118 = arith.constant 1 : i32
    scf.for %scan3A_270 = %scan3A_115 to %scan3A_117 step %scan3A_118  : i32 {
      %broadcast_in_dim3A_271 = arith.constant 0.000000e+00 : f32
      %broadcast_in_dim3A_272 = vector.broadcast %broadcast_in_dim3A_271 : f32 to vector<16xf32>
      %swap3A_273 = arith.index_cast %scan3A_270 : i32 to index
      %swap3A_274 = arith.constant 0 : index
      %swap3A_275 = tpu.vector_load %arg23[%swap3A_273, %swap3A_274] {strides = array<i32>} : memref<80x16xf32, #tpu.memory_space<vmem>>, vector<1x16xf32>,
      %swap3A_276 = vector.shape_cast %swap3A_275 : vector<1x16xf32> to vector<16xf32>
      %swap3A_277 = vector.shape_cast %broadcast_in_dim3A_272 : vector<16xf32> to vector<1x16xf32>
      tpu.vector_store %arg23[%swap3A_273, %swap3A_274], %swap3A_277 {strides = array<i32>} : memref<80x16xf32, #tpu.memory_space<vmem>>, vector<1x16xf32>,
    }
    %scan3A_119 = arith.constant 80 : i32
    %mul3A_120 = arith.constant 640 : i32
    %mul3A_121 = arith.muli %arg1, %mul3A_120 : i32
    %add3A_122 = arith.constant 0 : i32
    %add3A_123 = arith.addi %mul3A_121, %add3A_122 : i32
    "tpu.region"() ({
      %run_scoped3A = tpu.sem_alloc : memref<!tpu.dma_semaphore, #tpu.memory_space<semaphore_mem>>
      %dma_start3A_270 = arith.constant 0 : i32
      %dma_start3A_271 = tpu.memref_slice %arg25[%add3A_123, %dma_start3A_270] : memref<10240x16xf32, #tpu.memory_space<vmem_shared>> -> memref<80x16xf32, #tpu.memory_space<vmem_shared>>
      %dma_start3A_272 = arith.constant 0 : i32
      %dma_start3A_273 = tpu.memref_slice %arg25[%add3A_123, %dma_start3A_272] : memref<10240x16xf32, #tpu.memory_space<vmem_shared>> -> memref<80x16xf32, #tpu.memory_space<vmem_shared>>
      tpu.enqueue_dma source(%arg23 : memref<80x16xf32, #tpu.memory_space<vmem>>) target(%dma_start3A_273 : memref<80x16xf32, #tpu.memory_space<vmem_shared>>) target_semaphore(%run_scoped3A : memref<!tpu.dma_semaphore, #tpu.memory_space<semaphore_mem>>)
      %dma_wait3A_274 = arith.constant 0 : i32
      %dma_wait3A_275 = tpu.memref_slice %arg25[%add3A_123, %dma_wait3A_274] : memref<10240x16xf32, #tpu.memory_space<vmem_shared>> -> memref<80x16xf32, #tpu.memory_space<vmem_shared>>
      %dma_wait3A_276 = arith.constant 0 : i32
      %dma_wait3A_277 = tpu.memref_slice %arg25[%add3A_123, %dma_wait3A_276] : memref<10240x16xf32, #tpu.memory_space<vmem_shared>> -> memref<80x16xf32, #tpu.memory_space<vmem_shared>>
      tpu.wait_dma2 semaphore(%run_scoped3A : memref<!tpu.dma_semaphore, #tpu.memory_space<semaphore_mem>>) src(%arg23 : memref<80x16xf32, #tpu.memory_space<vmem>>) dst(%dma_wait3A_277 : memref<80x16xf32, #tpu.memory_space<vmem_shared>>)
      tpu.yield
    }) : () -> ()
    %mul3A_124 = arith.constant 640 : i32
    %mul3A_125 = arith.muli %arg1, %mul3A_124 : i32
    %add3A_126 = arith.constant 80 : i32
    %add3A_127 = arith.addi %mul3A_125, %add3A_126 : i32
    "tpu.region"() ({
      %run_scoped3A = tpu.sem_alloc : memref<!tpu.dma_semaphore, #tpu.memory_space<semaphore_mem>>
      %dma_start3A_270 = arith.constant 0 : i32
      %dma_start3A_271 = tpu.memref_slice %arg25[%add3A_127, %dma_start3A_270] : memref<10240x16xf32, #tpu.memory_space<vmem_shared>> -> memref<80x16xf32, #tpu.memory_space<vmem_shared>>
      %dma_start3A_272 = arith.constant 0 : i32
      %dma_start3A_273 = tpu.memref_slice %arg25[%add3A_127, %dma_start3A_272] : memref<10240x16xf32, #tpu.memory_space<vmem_shared>> -> memref<80x16xf32, #tpu.memory_space<vmem_shared>>
      tpu.enqueue_dma source(%arg23 : memref<80x16xf32, #tpu.memory_space<vmem>>) target(%dma_start3A_273 : memref<80x16xf32, #tpu.memory_space<vmem_shared>>) target_semaphore(%run_scoped3A : memref<!tpu.dma_semaphore, #tpu.memory_space<semaphore_mem>>)
      %dma_wait3A_274 = arith.constant 0 : i32
      %dma_wait3A_275 = tpu.memref_slice %arg25[%add3A_127, %dma_wait3A_274] : memref<10240x16xf32, #tpu.memory_space<vmem_shared>> -> memref<80x16xf32, #tpu.memory_space<vmem_shared>>
      %dma_wait3A_276 = arith.constant 0 : i32
      %dma_wait3A_277 = tpu.memref_slice %arg25[%add3A_127, %dma_wait3A_276] : memref<10240x16xf32, #tpu.memory_space<vmem_shared>> -> memref<80x16xf32, #tpu.memory_space<vmem_shared>>
      tpu.wait_dma2 semaphore(%run_scoped3A : memref<!tpu.dma_semaphore, #tpu.memory_space<semaphore_mem>>) src(%arg23 : memref<80x16xf32, #tpu.memory_space<vmem>>) dst(%dma_wait3A_277 : memref<80x16xf32, #tpu.memory_space<vmem_shared>>)
      tpu.yield
    }) : () -> ()
    %mul3A_128 = arith.constant 640 : i32
    %mul3A_129 = arith.muli %arg1, %mul3A_128 : i32
    %add3A_130 = arith.constant 160 : i32
    %add3A_131 = arith.addi %mul3A_129, %add3A_130 : i32
    "tpu.region"() ({
      %run_scoped3A = tpu.sem_alloc : memref<!tpu.dma_semaphore, #tpu.memory_space<semaphore_mem>>
      %dma_start3A_270 = arith.constant 0 : i32
      %dma_start3A_271 = tpu.memref_slice %arg25[%add3A_131, %dma_start3A_270] : memref<10240x16xf32, #tpu.memory_space<vmem_shared>> -> memref<80x16xf32, #tpu.memory_space<vmem_shared>>
      %dma_start3A_272 = arith.constant 0 : i32
      %dma_start3A_273 = tpu.memref_slice %arg25[%add3A_131, %dma_start3A_272] : memref<10240x16xf32, #tpu.memory_space<vmem_shared>> -> memref<80x16xf32, #tpu.memory_space<vmem_shared>>
      tpu.enqueue_dma source(%arg23 : memref<80x16xf32, #tpu.memory_space<vmem>>) target(%dma_start3A_273 : memref<80x16xf32, #tpu.memory_space<vmem_shared>>) target_semaphore(%run_scoped3A : memref<!tpu.dma_semaphore, #tpu.memory_space<semaphore_mem>>)
      %dma_wait3A_274 = arith.constant 0 : i32
      %dma_wait3A_275 = tpu.memref_slice %arg25[%add3A_131, %dma_wait3A_274] : memref<10240x16xf32, #tpu.memory_space<vmem_shared>> -> memref<80x16xf32, #tpu.memory_space<vmem_shared>>
      %dma_wait3A_276 = arith.constant 0 : i32
      %dma_wait3A_277 = tpu.memref_slice %arg25[%add3A_131, %dma_wait3A_276] : memref<10240x16xf32, #tpu.memory_space<vmem_shared>> -> memref<80x16xf32, #tpu.memory_space<vmem_shared>>
      tpu.wait_dma2 semaphore(%run_scoped3A : memref<!tpu.dma_semaphore, #tpu.memory_space<semaphore_mem>>) src(%arg23 : memref<80x16xf32, #tpu.memory_space<vmem>>) dst(%dma_wait3A_277 : memref<80x16xf32, #tpu.memory_space<vmem_shared>>)
      tpu.yield
    }) : () -> ()
    %mul3A_132 = arith.constant 640 : i32
    %mul3A_133 = arith.muli %arg1, %mul3A_132 : i32
    %add3A_134 = arith.constant 240 : i32
    %add3A_135 = arith.addi %mul3A_133, %add3A_134 : i32
    "tpu.region"() ({
      %run_scoped3A = tpu.sem_alloc : memref<!tpu.dma_semaphore, #tpu.memory_space<semaphore_mem>>
      %dma_start3A_270 = arith.constant 0 : i32
      %dma_start3A_271 = tpu.memref_slice %arg25[%add3A_135, %dma_start3A_270] : memref<10240x16xf32, #tpu.memory_space<vmem_shared>> -> memref<80x16xf32, #tpu.memory_space<vmem_shared>>
      %dma_start3A_272 = arith.constant 0 : i32
      %dma_start3A_273 = tpu.memref_slice %arg25[%add3A_135, %dma_start3A_272] : memref<10240x16xf32, #tpu.memory_space<vmem_shared>> -> memref<80x16xf32, #tpu.memory_space<vmem_shared>>
      tpu.enqueue_dma source(%arg23 : memref<80x16xf32, #tpu.memory_space<vmem>>) target(%dma_start3A_273 : memref<80x16xf32, #tpu.memory_space<vmem_shared>>) target_semaphore(%run_scoped3A : memref<!tpu.dma_semaphore, #tpu.memory_space<semaphore_mem>>)
      %dma_wait3A_274 = arith.constant 0 : i32
      %dma_wait3A_275 = tpu.memref_slice %arg25[%add3A_135, %dma_wait3A_274] : memref<10240x16xf32, #tpu.memory_space<vmem_shared>> -> memref<80x16xf32, #tpu.memory_space<vmem_shared>>
      %dma_wait3A_276 = arith.constant 0 : i32
      %dma_wait3A_277 = tpu.memref_slice %arg25[%add3A_135, %dma_wait3A_276] : memref<10240x16xf32, #tpu.memory_space<vmem_shared>> -> memref<80x16xf32, #tpu.memory_space<vmem_shared>>
      tpu.wait_dma2 semaphore(%run_scoped3A : memref<!tpu.dma_semaphore, #tpu.memory_space<semaphore_mem>>) src(%arg23 : memref<80x16xf32, #tpu.memory_space<vmem>>) dst(%dma_wait3A_277 : memref<80x16xf32, #tpu.memory_space<vmem_shared>>)
      tpu.yield
    }) : () -> ()
    %mul3A_136 = arith.constant 640 : i32
    %mul3A_137 = arith.muli %arg1, %mul3A_136 : i32
    %add3A_138 = arith.constant 320 : i32
    %add3A_139 = arith.addi %mul3A_137, %add3A_138 : i32
    "tpu.region"() ({
      %run_scoped3A = tpu.sem_alloc : memref<!tpu.dma_semaphore, #tpu.memory_space<semaphore_mem>>
      %dma_start3A_270 = arith.constant 0 : i32
      %dma_start3A_271 = tpu.memref_slice %arg25[%add3A_139, %dma_start3A_270] : memref<10240x16xf32, #tpu.memory_space<vmem_shared>> -> memref<80x16xf32, #tpu.memory_space<vmem_shared>>
      %dma_start3A_272 = arith.constant 0 : i32
      %dma_start3A_273 = tpu.memref_slice %arg25[%add3A_139, %dma_start3A_272] : memref<10240x16xf32, #tpu.memory_space<vmem_shared>> -> memref<80x16xf32, #tpu.memory_space<vmem_shared>>
      tpu.enqueue_dma source(%arg23 : memref<80x16xf32, #tpu.memory_space<vmem>>) target(%dma_start3A_273 : memref<80x16xf32, #tpu.memory_space<vmem_shared>>) target_semaphore(%run_scoped3A : memref<!tpu.dma_semaphore, #tpu.memory_space<semaphore_mem>>)
      %dma_wait3A_274 = arith.constant 0 : i32
      %dma_wait3A_275 = tpu.memref_slice %arg25[%add3A_139, %dma_wait3A_274] : memref<10240x16xf32, #tpu.memory_space<vmem_shared>> -> memref<80x16xf32, #tpu.memory_space<vmem_shared>>
      %dma_wait3A_276 = arith.constant 0 : i32
      %dma_wait3A_277 = tpu.memref_slice %arg25[%add3A_139, %dma_wait3A_276] : memref<10240x16xf32, #tpu.memory_space<vmem_shared>> -> memref<80x16xf32, #tpu.memory_space<vmem_shared>>
      tpu.wait_dma2 semaphore(%run_scoped3A : memref<!tpu.dma_semaphore, #tpu.memory_space<semaphore_mem>>) src(%arg23 : memref<80x16xf32, #tpu.memory_space<vmem>>) dst(%dma_wait3A_277 : memref<80x16xf32, #tpu.memory_space<vmem_shared>>)
      tpu.yield
    }) : () -> ()
    %mul3A_140 = arith.constant 640 : i32
    %mul3A_141 = arith.muli %arg1, %mul3A_140 : i32
    %add3A_142 = arith.constant 400 : i32
    %add3A_143 = arith.addi %mul3A_141, %add3A_142 : i32
    "tpu.region"() ({
      %run_scoped3A = tpu.sem_alloc : memref<!tpu.dma_semaphore, #tpu.memory_space<semaphore_mem>>
      %dma_start3A_270 = arith.constant 0 : i32
      %dma_start3A_271 = tpu.memref_slice %arg25[%add3A_143, %dma_start3A_270] : memref<10240x16xf32, #tpu.memory_space<vmem_shared>> -> memref<80x16xf32, #tpu.memory_space<vmem_shared>>
      %dma_start3A_272 = arith.constant 0 : i32
      %dma_start3A_273 = tpu.memref_slice %arg25[%add3A_143, %dma_start3A_272] : memref<10240x16xf32, #tpu.memory_space<vmem_shared>> -> memref<80x16xf32, #tpu.memory_space<vmem_shared>>
      tpu.enqueue_dma source(%arg23 : memref<80x16xf32, #tpu.memory_space<vmem>>) target(%dma_start3A_273 : memref<80x16xf32, #tpu.memory_space<vmem_shared>>) target_semaphore(%run_scoped3A : memref<!tpu.dma_semaphore, #tpu.memory_space<semaphore_mem>>)
      %dma_wait3A_274 = arith.constant 0 : i32
      %dma_wait3A_275 = tpu.memref_slice %arg25[%add3A_143, %dma_wait3A_274] : memref<10240x16xf32, #tpu.memory_space<vmem_shared>> -> memref<80x16xf32, #tpu.memory_space<vmem_shared>>
      %dma_wait3A_276 = arith.constant 0 : i32
      %dma_wait3A_277 = tpu.memref_slice %arg25[%add3A_143, %dma_wait3A_276] : memref<10240x16xf32, #tpu.memory_space<vmem_shared>> -> memref<80x16xf32, #tpu.memory_space<vmem_shared>>
      tpu.wait_dma2 semaphore(%run_scoped3A : memref<!tpu.dma_semaphore, #tpu.memory_space<semaphore_mem>>) src(%arg23 : memref<80x16xf32, #tpu.memory_space<vmem>>) dst(%dma_wait3A_277 : memref<80x16xf32, #tpu.memory_space<vmem_shared>>)
      tpu.yield
    }) : () -> ()
    %mul3A_144 = arith.constant 640 : i32
    %mul3A_145 = arith.muli %arg1, %mul3A_144 : i32
    %add3A_146 = arith.constant 480 : i32
    %add3A_147 = arith.addi %mul3A_145, %add3A_146 : i32
    "tpu.region"() ({
      %run_scoped3A = tpu.sem_alloc : memref<!tpu.dma_semaphore, #tpu.memory_space<semaphore_mem>>
      %dma_start3A_270 = arith.constant 0 : i32
      %dma_start3A_271 = tpu.memref_slice %arg25[%add3A_147, %dma_start3A_270] : memref<10240x16xf32, #tpu.memory_space<vmem_shared>> -> memref<80x16xf32, #tpu.memory_space<vmem_shared>>
      %dma_start3A_272 = arith.constant 0 : i32
      %dma_start3A_273 = tpu.memref_slice %arg25[%add3A_147, %dma_start3A_272] : memref<10240x16xf32, #tpu.memory_space<vmem_shared>> -> memref<80x16xf32, #tpu.memory_space<vmem_shared>>
      tpu.enqueue_dma source(%arg23 : memref<80x16xf32, #tpu.memory_space<vmem>>) target(%dma_start3A_273 : memref<80x16xf32, #tpu.memory_space<vmem_shared>>) target_semaphore(%run_scoped3A : memref<!tpu.dma_semaphore, #tpu.memory_space<semaphore_mem>>)
      %dma_wait3A_274 = arith.constant 0 : i32
      %dma_wait3A_275 = tpu.memref_slice %arg25[%add3A_147, %dma_wait3A_274] : memref<10240x16xf32, #tpu.memory_space<vmem_shared>> -> memref<80x16xf32, #tpu.memory_space<vmem_shared>>
      %dma_wait3A_276 = arith.constant 0 : i32
      %dma_wait3A_277 = tpu.memref_slice %arg25[%add3A_147, %dma_wait3A_276] : memref<10240x16xf32, #tpu.memory_space<vmem_shared>> -> memref<80x16xf32, #tpu.memory_space<vmem_shared>>
      tpu.wait_dma2 semaphore(%run_scoped3A : memref<!tpu.dma_semaphore, #tpu.memory_space<semaphore_mem>>) src(%arg23 : memref<80x16xf32, #tpu.memory_space<vmem>>) dst(%dma_wait3A_277 : memref<80x16xf32, #tpu.memory_space<vmem_shared>>)
      tpu.yield
    }) : () -> ()
    %mul3A_148 = arith.constant 640 : i32
    %mul3A_149 = arith.muli %arg1, %mul3A_148 : i32
    %add3A_150 = arith.constant 560 : i32
    %add3A_151 = arith.addi %mul3A_149, %add3A_150 : i32
    "tpu.region"() ({
      %run_scoped3A = tpu.sem_alloc : memref<!tpu.dma_semaphore, #tpu.memory_space<semaphore_mem>>
      %dma_start3A_270 = arith.constant 0 : i32
      %dma_start3A_271 = tpu.memref_slice %arg25[%add3A_151, %dma_start3A_270] : memref<10240x16xf32, #tpu.memory_space<vmem_shared>> -> memref<80x16xf32, #tpu.memory_space<vmem_shared>>
      %dma_start3A_272 = arith.constant 0 : i32
      %dma_start3A_273 = tpu.memref_slice %arg25[%add3A_151, %dma_start3A_272] : memref<10240x16xf32, #tpu.memory_space<vmem_shared>> -> memref<80x16xf32, #tpu.memory_space<vmem_shared>>
      tpu.enqueue_dma source(%arg23 : memref<80x16xf32, #tpu.memory_space<vmem>>) target(%dma_start3A_273 : memref<80x16xf32, #tpu.memory_space<vmem_shared>>) target_semaphore(%run_scoped3A : memref<!tpu.dma_semaphore, #tpu.memory_space<semaphore_mem>>)
      %dma_wait3A_274 = arith.constant 0 : i32
      %dma_wait3A_275 = tpu.memref_slice %arg25[%add3A_151, %dma_wait3A_274] : memref<10240x16xf32, #tpu.memory_space<vmem_shared>> -> memref<80x16xf32, #tpu.memory_space<vmem_shared>>
      %dma_wait3A_276 = arith.constant 0 : i32
      %dma_wait3A_277 = tpu.memref_slice %arg25[%add3A_151, %dma_wait3A_276] : memref<10240x16xf32, #tpu.memory_space<vmem_shared>> -> memref<80x16xf32, #tpu.memory_space<vmem_shared>>
      tpu.wait_dma2 semaphore(%run_scoped3A : memref<!tpu.dma_semaphore, #tpu.memory_space<semaphore_mem>>) src(%arg23 : memref<80x16xf32, #tpu.memory_space<vmem>>) dst(%dma_wait3A_277 : memref<80x16xf32, #tpu.memory_space<vmem_shared>>)
      tpu.yield
    }) : () -> ()
    %broadcast_in_dim3A_152 = arith.constant 0.000000e+00 : f32
    %broadcast_in_dim3A_153 = vector.broadcast %broadcast_in_dim3A_152 : f32 to vector<16xf32>
    %swap3A = arith.constant 80 : index
    %swap3A_154 = tpu.vector_load %arg14[%swap3A] {strides = array<i32>} : memref<96xf32, #tpu.memory_space<vmem>>, vector<16xf32>,
    %swap3A_155 = vector.shape_cast %swap3A_154 : vector<16xf32> to vector<16xf32>
    %swap3A_156 = vector.shape_cast %broadcast_in_dim3A_153 : vector<16xf32> to vector<16xf32>
    tpu.vector_store %arg14[%swap3A], %swap3A_156 {strides = array<i32>} : memref<96xf32, #tpu.memory_space<vmem>>, vector<16xf32>,
    %broadcast_in_dim3A_157 = arith.constant 0.000000e+00 : f32
    %broadcast_in_dim3A_158 = vector.broadcast %broadcast_in_dim3A_157 : f32 to vector<16xf32>
    %swap3A_159 = arith.constant 80 : index
    %swap3A_160 = tpu.vector_load %arg15[%swap3A_159] {strides = array<i32>} : memref<96xf32, #tpu.memory_space<vmem>>, vector<16xf32>,
    %swap3A_161 = vector.shape_cast %swap3A_160 : vector<16xf32> to vector<16xf32>
    %swap3A_162 = vector.shape_cast %broadcast_in_dim3A_158 : vector<16xf32> to vector<16xf32>
    tpu.vector_store %arg15[%swap3A_159], %swap3A_162 {strides = array<i32>} : memref<96xf32, #tpu.memory_space<vmem>>, vector<16xf32>,
    %broadcast_in_dim3A_163 = arith.constant 0.000000e+00 : f32
    %broadcast_in_dim3A_164 = vector.broadcast %broadcast_in_dim3A_163 : f32 to vector<16xf32>
    %swap3A_165 = arith.constant 80 : index
    %swap3A_166 = tpu.vector_load %arg16[%swap3A_165] {strides = array<i32>} : memref<96xf32, #tpu.memory_space<vmem>>, vector<16xf32>,
    %swap3A_167 = vector.shape_cast %swap3A_166 : vector<16xf32> to vector<16xf32>
    %swap3A_168 = vector.shape_cast %broadcast_in_dim3A_164 : vector<16xf32> to vector<16xf32>
    tpu.vector_store %arg16[%swap3A_165], %swap3A_168 {strides = array<i32>} : memref<96xf32, #tpu.memory_space<vmem>>, vector<16xf32>,
    %broadcast_in_dim3A_169 = arith.constant 0.000000e+00 : f32
    %broadcast_in_dim3A_170 = vector.broadcast %broadcast_in_dim3A_169 : f32 to vector<16xf32>
    %swap3A_171 = arith.constant 80 : index
    %swap3A_172 = tpu.vector_load %arg17[%swap3A_171] {strides = array<i32>} : memref<96xf32, #tpu.memory_space<vmem>>, vector<16xf32>,
    %swap3A_173 = vector.shape_cast %swap3A_172 : vector<16xf32> to vector<16xf32>
    %swap3A_174 = vector.shape_cast %broadcast_in_dim3A_170 : vector<16xf32> to vector<16xf32>
    tpu.vector_store %arg17[%swap3A_171], %swap3A_174 {strides = array<i32>} : memref<96xf32, #tpu.memory_space<vmem>>, vector<16xf32>,
    %broadcast_in_dim3A_175 = arith.constant 0.000000e+00 : f32
    %broadcast_in_dim3A_176 = vector.broadcast %broadcast_in_dim3A_175 : f32 to vector<16xf32>
    %swap3A_177 = arith.constant 80 : index
    %swap3A_178 = tpu.vector_load %arg18[%swap3A_177] {strides = array<i32>} : memref<96xf32, #tpu.memory_space<vmem>>, vector<16xf32>,
    %swap3A_179 = vector.shape_cast %swap3A_178 : vector<16xf32> to vector<16xf32>
    %swap3A_180 = vector.shape_cast %broadcast_in_dim3A_176 : vector<16xf32> to vector<16xf32>
    tpu.vector_store %arg18[%swap3A_177], %swap3A_180 {strides = array<i32>} : memref<96xf32, #tpu.memory_space<vmem>>, vector<16xf32>,
    %broadcast_in_dim3A_181 = arith.constant 0.000000e+00 : f32
    %broadcast_in_dim3A_182 = vector.broadcast %broadcast_in_dim3A_181 : f32 to vector<16xf32>
    %swap3A_183 = arith.constant 80 : index
    %swap3A_184 = tpu.vector_load %arg19[%swap3A_183] {strides = array<i32>} : memref<96xf32, #tpu.memory_space<vmem>>, vector<16xf32>,
    %swap3A_185 = vector.shape_cast %swap3A_184 : vector<16xf32> to vector<16xf32>
    %swap3A_186 = vector.shape_cast %broadcast_in_dim3A_182 : vector<16xf32> to vector<16xf32>
    tpu.vector_store %arg19[%swap3A_183], %swap3A_186 {strides = array<i32>} : memref<96xf32, #tpu.memory_space<vmem>>, vector<16xf32>,
    %barrier3A = arith.constant 0 : index
    tpu.barrier barrier_id(%barrier3A)
    %mul3A_187 = arith.constant 10000 : i32
    %mul3A_188 = arith.muli %add3A, %mul3A_187 : i32
    %add3A_189 = arith.constant 0 : i32
    %add3A_190 = arith.addi %mul3A_188, %add3A_189 : i32
    "tpu.region"() ({
      %run_scoped3A = tpu.sem_alloc : memref<!tpu.dma_semaphore, #tpu.memory_space<semaphore_mem>>
      %dma_start3A_270 = tpu.memref_slice %arg3[%add3A_190] : memref<320000xi32, #tpu.memory_space<hbm>> -> memref<80xi32, #tpu.memory_space<hbm>>
      %dma_start3A_271 = tpu.memref_slice %arg3[%add3A_190] : memref<320000xi32, #tpu.memory_space<hbm>> -> memref<80xi32, #tpu.memory_space<hbm>>
      tpu.enqueue_dma source(%dma_start3A_271 : memref<80xi32, #tpu.memory_space<hbm>>) target(%arg10 : memref<80xi32, #tpu.memory_space<vmem>>) target_semaphore(%run_scoped3A : memref<!tpu.dma_semaphore, #tpu.memory_space<semaphore_mem>>)
      %dma_wait3A_272 = tpu.memref_slice %arg3[%add3A_190] : memref<320000xi32, #tpu.memory_space<hbm>> -> memref<80xi32, #tpu.memory_space<hbm>>
      %dma_wait3A_273 = tpu.memref_slice %arg3[%add3A_190] : memref<320000xi32, #tpu.memory_space<hbm>> -> memref<80xi32, #tpu.memory_space<hbm>>
      tpu.wait_dma2 semaphore(%run_scoped3A : memref<!tpu.dma_semaphore, #tpu.memory_space<semaphore_mem>>) src(%dma_wait3A_273 : memref<80xi32, #tpu.memory_space<hbm>>) dst(%arg10 : memref<80xi32, #tpu.memory_space<vmem>>)
      tpu.yield
    }) : () -> ()
    "tpu.region"() ({
      %run_scoped3A = tpu.sem_alloc : memref<!tpu.dma_semaphore, #tpu.memory_space<semaphore_mem>>
      %dma_start3A_270 = tpu.memref_slice %arg4[%add3A_190] : memref<320000xi32, #tpu.memory_space<hbm>> -> memref<80xi32, #tpu.memory_space<hbm>>
      %dma_start3A_271 = tpu.memref_slice %arg4[%add3A_190] : memref<320000xi32, #tpu.memory_space<hbm>> -> memref<80xi32, #tpu.memory_space<hbm>>
      tpu.enqueue_dma source(%dma_start3A_271 : memref<80xi32, #tpu.memory_space<hbm>>) target(%arg12 : memref<80xi32, #tpu.memory_space<vmem>>) target_semaphore(%run_scoped3A : memref<!tpu.dma_semaphore, #tpu.memory_space<semaphore_mem>>)
      %dma_wait3A_272 = tpu.memref_slice %arg4[%add3A_190] : memref<320000xi32, #tpu.memory_space<hbm>> -> memref<80xi32, #tpu.memory_space<hbm>>
      %dma_wait3A_273 = tpu.memref_slice %arg4[%add3A_190] : memref<320000xi32, #tpu.memory_space<hbm>> -> memref<80xi32, #tpu.memory_space<hbm>>
      tpu.wait_dma2 semaphore(%run_scoped3A : memref<!tpu.dma_semaphore, #tpu.memory_space<semaphore_mem>>) src(%dma_wait3A_273 : memref<80xi32, #tpu.memory_space<hbm>>) dst(%arg12 : memref<80xi32, #tpu.memory_space<vmem>>)
      tpu.yield
    }) : () -> ()
    "tpu.region"() ({
      %run_scoped3A = tpu.sem_alloc : memref<!tpu.dma_semaphore, #tpu.memory_space<semaphore_mem>>
      %dma_start3A_270 = arith.constant 0 : i32
      %dma_start3A_271 = tpu.memref_slice %arg14[%dma_start3A_270] : memref<96xf32, #tpu.memory_space<vmem>> -> memref<80xf32, #tpu.memory_space<vmem>>
      %dma_start3A_272 = tpu.memref_slice %arg5[%add3A_190] : memref<320000xf32, #tpu.memory_space<hbm>> -> memref<80xf32, #tpu.memory_space<hbm>>
      %dma_start3A_273 = arith.constant 0 : i32
      %dma_start3A_274 = tpu.memref_slice %arg14[%dma_start3A_273] : memref<96xf32, #tpu.memory_space<vmem>> -> memref<80xf32, #tpu.memory_space<vmem>>
      %dma_start3A_275 = tpu.memref_slice %arg5[%add3A_190] : memref<320000xf32, #tpu.memory_space<hbm>> -> memref<80xf32, #tpu.memory_space<hbm>>
      tpu.enqueue_dma source(%dma_start3A_275 : memref<80xf32, #tpu.memory_space<hbm>>) target(%dma_start3A_274 : memref<80xf32, #tpu.memory_space<vmem>>) target_semaphore(%run_scoped3A : memref<!tpu.dma_semaphore, #tpu.memory_space<semaphore_mem>>)
      %dma_wait3A_276 = arith.constant 0 : i32
      %dma_wait3A_277 = tpu.memref_slice %arg14[%dma_wait3A_276] : memref<96xf32, #tpu.memory_space<vmem>> -> memref<80xf32, #tpu.memory_space<vmem>>
      %dma_wait3A_278 = tpu.memref_slice %arg5[%add3A_190] : memref<320000xf32, #tpu.memory_space<hbm>> -> memref<80xf32, #tpu.memory_space<hbm>>
      %dma_wait3A_279 = arith.constant 0 : i32
      %dma_wait3A_280 = tpu.memref_slice %arg14[%dma_wait3A_279] : memref<96xf32, #tpu.memory_space<vmem>> -> memref<80xf32, #tpu.memory_space<vmem>>
      %dma_wait3A_281 = tpu.memref_slice %arg5[%add3A_190] : memref<320000xf32, #tpu.memory_space<hbm>> -> memref<80xf32, #tpu.memory_space<hbm>>
      tpu.wait_dma2 semaphore(%run_scoped3A : memref<!tpu.dma_semaphore, #tpu.memory_space<semaphore_mem>>) src(%dma_wait3A_281 : memref<80xf32, #tpu.memory_space<hbm>>) dst(%dma_wait3A_280 : memref<80xf32, #tpu.memory_space<vmem>>)
      tpu.yield
    }) : () -> ()
    "tpu.region"() ({
      %run_scoped3A = tpu.sem_alloc : memref<!tpu.dma_semaphore, #tpu.memory_space<semaphore_mem>>
      %dma_start3A_270 = arith.constant 0 : i32
      %dma_start3A_271 = tpu.memref_slice %arg16[%dma_start3A_270] : memref<96xf32, #tpu.memory_space<vmem>> -> memref<80xf32, #tpu.memory_space<vmem>>
      %dma_start3A_272 = tpu.memref_slice %arg6[%add3A_190] : memref<320000xf32, #tpu.memory_space<hbm>> -> memref<80xf32, #tpu.memory_space<hbm>>
      %dma_start3A_273 = arith.constant 0 : i32
      %dma_start3A_274 = tpu.memref_slice %arg16[%dma_start3A_273] : memref<96xf32, #tpu.memory_space<vmem>> -> memref<80xf32, #tpu.memory_space<vmem>>
      %dma_start3A_275 = tpu.memref_slice %arg6[%add3A_190] : memref<320000xf32, #tpu.memory_space<hbm>> -> memref<80xf32, #tpu.memory_space<hbm>>
      tpu.enqueue_dma source(%dma_start3A_275 : memref<80xf32, #tpu.memory_space<hbm>>) target(%dma_start3A_274 : memref<80xf32, #tpu.memory_space<vmem>>) target_semaphore(%run_scoped3A : memref<!tpu.dma_semaphore, #tpu.memory_space<semaphore_mem>>)
      %dma_wait3A_276 = arith.constant 0 : i32
      %dma_wait3A_277 = tpu.memref_slice %arg16[%dma_wait3A_276] : memref<96xf32, #tpu.memory_space<vmem>> -> memref<80xf32, #tpu.memory_space<vmem>>
      %dma_wait3A_278 = tpu.memref_slice %arg6[%add3A_190] : memref<320000xf32, #tpu.memory_space<hbm>> -> memref<80xf32, #tpu.memory_space<hbm>>
      %dma_wait3A_279 = arith.constant 0 : i32
      %dma_wait3A_280 = tpu.memref_slice %arg16[%dma_wait3A_279] : memref<96xf32, #tpu.memory_space<vmem>> -> memref<80xf32, #tpu.memory_space<vmem>>
      %dma_wait3A_281 = tpu.memref_slice %arg6[%add3A_190] : memref<320000xf32, #tpu.memory_space<hbm>> -> memref<80xf32, #tpu.memory_space<hbm>>
      tpu.wait_dma2 semaphore(%run_scoped3A : memref<!tpu.dma_semaphore, #tpu.memory_space<semaphore_mem>>) src(%dma_wait3A_281 : memref<80xf32, #tpu.memory_space<hbm>>) dst(%dma_wait3A_280 : memref<80xf32, #tpu.memory_space<vmem>>)
      tpu.yield
    }) : () -> ()
    "tpu.region"() ({
      %run_scoped3A = tpu.sem_alloc : memref<!tpu.dma_semaphore, #tpu.memory_space<semaphore_mem>>
      %dma_start3A_270 = arith.constant 0 : i32
      %dma_start3A_271 = tpu.memref_slice %arg18[%dma_start3A_270] : memref<96xf32, #tpu.memory_space<vmem>> -> memref<80xf32, #tpu.memory_space<vmem>>
      %dma_start3A_272 = tpu.memref_slice %arg7[%add3A_190] : memref<320000xf32, #tpu.memory_space<hbm>> -> memref<80xf32, #tpu.memory_space<hbm>>
      %dma_start3A_273 = arith.constant 0 : i32
      %dma_start3A_274 = tpu.memref_slice %arg18[%dma_start3A_273] : memref<96xf32, #tpu.memory_space<vmem>> -> memref<80xf32, #tpu.memory_space<vmem>>
      %dma_start3A_275 = tpu.memref_slice %arg7[%add3A_190] : memref<320000xf32, #tpu.memory_space<hbm>> -> memref<80xf32, #tpu.memory_space<hbm>>
      tpu.enqueue_dma source(%dma_start3A_275 : memref<80xf32, #tpu.memory_space<hbm>>) target(%dma_start3A_274 : memref<80xf32, #tpu.memory_space<vmem>>) target_semaphore(%run_scoped3A : memref<!tpu.dma_semaphore, #tpu.memory_space<semaphore_mem>>)
      %dma_wait3A_276 = arith.constant 0 : i32
      %dma_wait3A_277 = tpu.memref_slice %arg18[%dma_wait3A_276] : memref<96xf32, #tpu.memory_space<vmem>> -> memref<80xf32, #tpu.memory_space<vmem>>
      %dma_wait3A_278 = tpu.memref_slice %arg7[%add3A_190] : memref<320000xf32, #tpu.memory_space<hbm>> -> memref<80xf32, #tpu.memory_space<hbm>>
      %dma_wait3A_279 = arith.constant 0 : i32
      %dma_wait3A_280 = tpu.memref_slice %arg18[%dma_wait3A_279] : memref<96xf32, #tpu.memory_space<vmem>> -> memref<80xf32, #tpu.memory_space<vmem>>
      %dma_wait3A_281 = tpu.memref_slice %arg7[%add3A_190] : memref<320000xf32, #tpu.memory_space<hbm>> -> memref<80xf32, #tpu.memory_space<hbm>>
      tpu.wait_dma2 semaphore(%run_scoped3A : memref<!tpu.dma_semaphore, #tpu.memory_space<semaphore_mem>>) src(%dma_wait3A_281 : memref<80xf32, #tpu.memory_space<hbm>>) dst(%dma_wait3A_280 : memref<80xf32, #tpu.memory_space<vmem>>)
      tpu.yield
    }) : () -> ()
    %dma_start3A = arith.constant 0 : i32
    %dma_start3A_191 = arith.constant 0 : i32
    %dma_start3A_192 = tpu.memref_slice %arg2[%dma_start3A, %dma_start3A_191] : memref<10000x128xf32, #tpu.memory_space<hbm>> -> memref<10000x128xf32, #tpu.memory_space<hbm>>
    tpu.enqueue_indirect_dma source(%dma_start3A_192 : memref<10000x128xf32, #tpu.memory_space<hbm>>) target(%arg20 : memref<80x128xf32, #tpu.memory_space<vmem>>) offsets(%arg10 : memref<80xi32, #tpu.memory_space<vmem>>) semaphore(%arg26 : memref<!tpu.dma_semaphore, #tpu.memory_space<semaphore_mem>>)
    %scan3A_193 = arith.constant 0 : i32
    %scan3A_194 = arith.constant 0 : i32
    %scan3A_195 = arith.constant 62 : i32
    %scan3A_196 = arith.addi %scan3A_194, %scan3A_195 : i32
    %scan3A_197 = arith.constant 1 : i32
    scf.for %scan3A_270 = %scan3A_194 to %scan3A_196 step %scan3A_197  : i32 {
      %mul3A_271 = arith.constant 2 : i32
      %mul3A_272 = arith.muli %mul3A_271, %scan3A_270 : i32
      %add3A_273 = arith.constant 1 : i32
      %add3A_274 = arith.addi %mul3A_272, %add3A_273 : i32
      %mul3A_275 = arith.constant 80 : i32
      %mul3A_276 = arith.muli %add3A_274, %mul3A_275 : i32
      %add3A_277 = arith.addi %mul3A_188, %mul3A_276 : i32
      "tpu.region"() ({
        %run_scoped3A = tpu.sem_alloc : memref<!tpu.dma_semaphore, #tpu.memory_space<semaphore_mem>>
        %dma_start3A_309 = tpu.memref_slice %arg3[%add3A_277] : memref<320000xi32, #tpu.memory_space<hbm>> -> memref<80xi32, #tpu.memory_space<hbm>>
        %dma_start3A_310 = tpu.memref_slice %arg3[%add3A_277] : memref<320000xi32, #tpu.memory_space<hbm>> -> memref<80xi32, #tpu.memory_space<hbm>>
        tpu.enqueue_dma source(%dma_start3A_310 : memref<80xi32, #tpu.memory_space<hbm>>) target(%arg11 : memref<80xi32, #tpu.memory_space<vmem>>) target_semaphore(%run_scoped3A : memref<!tpu.dma_semaphore, #tpu.memory_space<semaphore_mem>>)
        %dma_wait3A_311 = tpu.memref_slice %arg3[%add3A_277] : memref<320000xi32, #tpu.memory_space<hbm>> -> memref<80xi32, #tpu.memory_space<hbm>>
        %dma_wait3A_312 = tpu.memref_slice %arg3[%add3A_277] : memref<320000xi32, #tpu.memory_space<hbm>> -> memref<80xi32, #tpu.memory_space<hbm>>
        tpu.wait_dma2 semaphore(%run_scoped3A : memref<!tpu.dma_semaphore, #tpu.memory_space<semaphore_mem>>) src(%dma_wait3A_312 : memref<80xi32, #tpu.memory_space<hbm>>) dst(%arg11 : memref<80xi32, #tpu.memory_space<vmem>>)
        tpu.yield
      }) : () -> ()
      "tpu.region"() ({
        %run_scoped3A = tpu.sem_alloc : memref<!tpu.dma_semaphore, #tpu.memory_space<semaphore_mem>>
        %dma_start3A_309 = tpu.memref_slice %arg4[%add3A_277] : memref<320000xi32, #tpu.memory_space<hbm>> -> memref<80xi32, #tpu.memory_space<hbm>>
        %dma_start3A_310 = tpu.memref_slice %arg4[%add3A_277] : memref<320000xi32, #tpu.memory_space<hbm>> -> memref<80xi32, #tpu.memory_space<hbm>>
        tpu.enqueue_dma source(%dma_start3A_310 : memref<80xi32, #tpu.memory_space<hbm>>) target(%arg13 : memref<80xi32, #tpu.memory_space<vmem>>) target_semaphore(%run_scoped3A : memref<!tpu.dma_semaphore, #tpu.memory_space<semaphore_mem>>)
        %dma_wait3A_311 = tpu.memref_slice %arg4[%add3A_277] : memref<320000xi32, #tpu.memory_space<hbm>> -> memref<80xi32, #tpu.memory_space<hbm>>
        %dma_wait3A_312 = tpu.memref_slice %arg4[%add3A_277] : memref<320000xi32, #tpu.memory_space<hbm>> -> memref<80xi32, #tpu.memory_space<hbm>>
        tpu.wait_dma2 semaphore(%run_scoped3A : memref<!tpu.dma_semaphore, #tpu.memory_space<semaphore_mem>>) src(%dma_wait3A_312 : memref<80xi32, #tpu.memory_space<hbm>>) dst(%arg13 : memref<80xi32, #tpu.memory_space<vmem>>)
        tpu.yield
      }) : () -> ()
      "tpu.region"() ({
        %run_scoped3A = tpu.sem_alloc : memref<!tpu.dma_semaphore, #tpu.memory_space<semaphore_mem>>
        %dma_start3A_309 = arith.constant 0 : i32
        %dma_start3A_310 = tpu.memref_slice %arg15[%dma_start3A_309] : memref<96xf32, #tpu.memory_space<vmem>> -> memref<80xf32, #tpu.memory_space<vmem>>
        %dma_start3A_311 = tpu.memref_slice %arg5[%add3A_277] : memref<320000xf32, #tpu.memory_space<hbm>> -> memref<80xf32, #tpu.memory_space<hbm>>
        %dma_start3A_312 = arith.constant 0 : i32
        %dma_start3A_313 = tpu.memref_slice %arg15[%dma_start3A_312] : memref<96xf32, #tpu.memory_space<vmem>> -> memref<80xf32, #tpu.memory_space<vmem>>
        %dma_start3A_314 = tpu.memref_slice %arg5[%add3A_277] : memref<320000xf32, #tpu.memory_space<hbm>> -> memref<80xf32, #tpu.memory_space<hbm>>
        tpu.enqueue_dma source(%dma_start3A_314 : memref<80xf32, #tpu.memory_space<hbm>>) target(%dma_start3A_313 : memref<80xf32, #tpu.memory_space<vmem>>) target_semaphore(%run_scoped3A : memref<!tpu.dma_semaphore, #tpu.memory_space<semaphore_mem>>)
        %dma_wait3A_315 = arith.constant 0 : i32
        %dma_wait3A_316 = tpu.memref_slice %arg15[%dma_wait3A_315] : memref<96xf32, #tpu.memory_space<vmem>> -> memref<80xf32, #tpu.memory_space<vmem>>
        %dma_wait3A_317 = tpu.memref_slice %arg5[%add3A_277] : memref<320000xf32, #tpu.memory_space<hbm>> -> memref<80xf32, #tpu.memory_space<hbm>>
        %dma_wait3A_318 = arith.constant 0 : i32
        %dma_wait3A_319 = tpu.memref_slice %arg15[%dma_wait3A_318] : memref<96xf32, #tpu.memory_space<vmem>> -> memref<80xf32, #tpu.memory_space<vmem>>
        %dma_wait3A_320 = tpu.memref_slice %arg5[%add3A_277] : memref<320000xf32, #tpu.memory_space<hbm>> -> memref<80xf32, #tpu.memory_space<hbm>>
        tpu.wait_dma2 semaphore(%run_scoped3A : memref<!tpu.dma_semaphore, #tpu.memory_space<semaphore_mem>>) src(%dma_wait3A_320 : memref<80xf32, #tpu.memory_space<hbm>>) dst(%dma_wait3A_319 : memref<80xf32, #tpu.memory_space<vmem>>)
        tpu.yield
      }) : () -> ()
      "tpu.region"() ({
        %run_scoped3A = tpu.sem_alloc : memref<!tpu.dma_semaphore, #tpu.memory_space<semaphore_mem>>
        %dma_start3A_309 = arith.constant 0 : i32
        %dma_start3A_310 = tpu.memref_slice %arg17[%dma_start3A_309] : memref<96xf32, #tpu.memory_space<vmem>> -> memref<80xf32, #tpu.memory_space<vmem>>
        %dma_start3A_311 = tpu.memref_slice %arg6[%add3A_277] : memref<320000xf32, #tpu.memory_space<hbm>> -> memref<80xf32, #tpu.memory_space<hbm>>
        %dma_start3A_312 = arith.constant 0 : i32
        %dma_start3A_313 = tpu.memref_slice %arg17[%dma_start3A_312] : memref<96xf32, #tpu.memory_space<vmem>> -> memref<80xf32, #tpu.memory_space<vmem>>
        %dma_start3A_314 = tpu.memref_slice %arg6[%add3A_277] : memref<320000xf32, #tpu.memory_space<hbm>> -> memref<80xf32, #tpu.memory_space<hbm>>
        tpu.enqueue_dma source(%dma_start3A_314 : memref<80xf32, #tpu.memory_space<hbm>>) target(%dma_start3A_313 : memref<80xf32, #tpu.memory_space<vmem>>) target_semaphore(%run_scoped3A : memref<!tpu.dma_semaphore, #tpu.memory_space<semaphore_mem>>)
        %dma_wait3A_315 = arith.constant 0 : i32
        %dma_wait3A_316 = tpu.memref_slice %arg17[%dma_wait3A_315] : memref<96xf32, #tpu.memory_space<vmem>> -> memref<80xf32, #tpu.memory_space<vmem>>
        %dma_wait3A_317 = tpu.memref_slice %arg6[%add3A_277] : memref<320000xf32, #tpu.memory_space<hbm>> -> memref<80xf32, #tpu.memory_space<hbm>>
        %dma_wait3A_318 = arith.constant 0 : i32
        %dma_wait3A_319 = tpu.memref_slice %arg17[%dma_wait3A_318] : memref<96xf32, #tpu.memory_space<vmem>> -> memref<80xf32, #tpu.memory_space<vmem>>
        %dma_wait3A_320 = tpu.memref_slice %arg6[%add3A_277] : memref<320000xf32, #tpu.memory_space<hbm>> -> memref<80xf32, #tpu.memory_space<hbm>>
        tpu.wait_dma2 semaphore(%run_scoped3A : memref<!tpu.dma_semaphore, #tpu.memory_space<semaphore_mem>>) src(%dma_wait3A_320 : memref<80xf32, #tpu.memory_space<hbm>>) dst(%dma_wait3A_319 : memref<80xf32, #tpu.memory_space<vmem>>)
        tpu.yield
      }) : () -> ()
      "tpu.region"() ({
        %run_scoped3A = tpu.sem_alloc : memref<!tpu.dma_semaphore, #tpu.memory_space<semaphore_mem>>
        %dma_start3A_309 = arith.constant 0 : i32
        %dma_start3A_310 = tpu.memref_slice %arg19[%dma_start3A_309] : memref<96xf32, #tpu.memory_space<vmem>> -> memref<80xf32, #tpu.memory_space<vmem>>
        %dma_start3A_311 = tpu.memref_slice %arg7[%add3A_277] : memref<320000xf32, #tpu.memory_space<hbm>> -> memref<80xf32, #tpu.memory_space<hbm>>
        %dma_start3A_312 = arith.constant 0 : i32
        %dma_start3A_313 = tpu.memref_slice %arg19[%dma_start3A_312] : memref<96xf32, #tpu.memory_space<vmem>> -> memref<80xf32, #tpu.memory_space<vmem>>
        %dma_start3A_314 = tpu.memref_slice %arg7[%add3A_277] : memref<320000xf32, #tpu.memory_space<hbm>> -> memref<80xf32, #tpu.memory_space<hbm>>
        tpu.enqueue_dma source(%dma_start3A_314 : memref<80xf32, #tpu.memory_space<hbm>>) target(%dma_start3A_313 : memref<80xf32, #tpu.memory_space<vmem>>) target_semaphore(%run_scoped3A : memref<!tpu.dma_semaphore, #tpu.memory_space<semaphore_mem>>)
        %dma_wait3A_315 = arith.constant 0 : i32
        %dma_wait3A_316 = tpu.memref_slice %arg19[%dma_wait3A_315] : memref<96xf32, #tpu.memory_space<vmem>> -> memref<80xf32, #tpu.memory_space<vmem>>
        %dma_wait3A_317 = tpu.memref_slice %arg7[%add3A_277] : memref<320000xf32, #tpu.memory_space<hbm>> -> memref<80xf32, #tpu.memory_space<hbm>>
        %dma_wait3A_318 = arith.constant 0 : i32
        %dma_wait3A_319 = tpu.memref_slice %arg19[%dma_wait3A_318] : memref<96xf32, #tpu.memory_space<vmem>> -> memref<80xf32, #tpu.memory_space<vmem>>
        %dma_wait3A_320 = tpu.memref_slice %arg7[%add3A_277] : memref<320000xf32, #tpu.memory_space<hbm>> -> memref<80xf32, #tpu.memory_space<hbm>>
        tpu.wait_dma2 semaphore(%run_scoped3A : memref<!tpu.dma_semaphore, #tpu.memory_space<semaphore_mem>>) src(%dma_wait3A_320 : memref<80xf32, #tpu.memory_space<hbm>>) dst(%dma_wait3A_319 : memref<80xf32, #tpu.memory_space<vmem>>)
        tpu.yield
      }) : () -> ()
      %dma_start3A_278 = arith.constant 0 : i32
      %dma_start3A_279 = arith.constant 0 : i32
      %dma_start3A_280 = tpu.memref_slice %arg2[%dma_start3A_278, %dma_start3A_279] : memref<10000x128xf32, #tpu.memory_space<hbm>> -> memref<10000x128xf32, #tpu.memory_space<hbm>>
      tpu.enqueue_indirect_dma source(%dma_start3A_280 : memref<10000x128xf32, #tpu.memory_space<hbm>>) target(%arg21 : memref<80x128xf32, #tpu.memory_space<vmem>>) offsets(%arg11 : memref<80xi32, #tpu.memory_space<vmem>>) semaphore(%arg27 : memref<!tpu.dma_semaphore, #tpu.memory_space<semaphore_mem>>)
      %dma_wait3A_281 = arith.constant 0 : i32
      %dma_wait3A_282 = arith.constant 0 : i32
      %dma_wait3A_283 = tpu.memref_slice %arg2[%dma_wait3A_281, %dma_wait3A_282] : memref<10000x128xf32, #tpu.memory_space<hbm>> -> memref<10000x128xf32, #tpu.memory_space<hbm>>
      tpu.wait_indirect_dma semaphore(%arg26 : memref<!tpu.dma_semaphore, #tpu.memory_space<semaphore_mem>>) src(%dma_wait3A_283 : memref<10000x128xf32, #tpu.memory_space<hbm>>) dst(%arg20 : memref<80x128xf32, #tpu.memory_space<vmem>>)
      %scan3A_284 = arith.constant 0 : i32
      %scan3A_285 = arith.constant 0 : i32
      %scan3A_286 = arith.constant 80 : i32
      %scan3A_287 = arith.addi %scan3A_285, %scan3A_286 : i32
      %scan3A_288 = arith.constant 1 : i32
      scf.for %scan3A_309 = %scan3A_285 to %scan3A_287 step %scan3A_288  : i32 {
        %get3A = arith.index_cast %scan3A_309 : i32 to index
        %get3A_310 = tpu.vector_load %arg14[%get3A] {strides = array<i32>} : memref<96xf32, #tpu.memory_space<vmem>>, vector<16xf32>,
        %get3A_311 = vector.shape_cast %get3A_310 : vector<16xf32> to vector<16xf32>
        %slice3A = vector.extract_strided_slice %get3A_311 {offsets = [0], sizes = [1], strides = [1]} : vector<16xf32> to vector<1xf32>
        %squeeze3A = vector.extract %slice3A[0] : f32 from vector<1xf32>
        %get3A_312 = arith.index_cast %scan3A_309 : i32 to index
        %get3A_313 = arith.constant 0 : index
        %get3A_314 = tpu.vector_load %arg20[%get3A_312, %get3A_313] {strides = array<i32>} : memref<80x128xf32, #tpu.memory_space<vmem>>, vector<1x16xf32>,
        %get3A_315 = vector.shape_cast %get3A_314 : vector<1x16xf32> to vector<16xf32>
        %mul3A_316 = vector.broadcast %squeeze3A : f32 to vector<16xf32>
        %mul3A_317 = arith.mulf %get3A_315, %mul3A_316 : vector<16xf32>
        %swap3A_318 = arith.index_cast %scan3A_309 : i32 to index
        %swap3A_319 = arith.constant 0 : index
        %swap3A_320 = tpu.vector_load %arg20[%swap3A_318, %swap3A_319] {strides = array<i32>} : memref<80x128xf32, #tpu.memory_space<vmem>>, vector<1x16xf32>,
        %swap3A_321 = vector.shape_cast %swap3A_320 : vector<1x16xf32> to vector<16xf32>
        %swap3A_322 = vector.shape_cast %mul3A_317 : vector<16xf32> to vector<1x16xf32>
        tpu.vector_store %arg20[%swap3A_318, %swap3A_319], %swap3A_322 {strides = array<i32>} : memref<80x128xf32, #tpu.memory_space<vmem>>, vector<1x16xf32>,
        %get3A_323 = arith.index_cast %scan3A_309 : i32 to index
        %get3A_324 = arith.constant 16 : index
        %get3A_325 = tpu.vector_load %arg20[%get3A_323, %get3A_324] {strides = array<i32>} : memref<80x128xf32, #tpu.memory_space<vmem>>, vector<1x16xf32>,
        %get3A_326 = vector.shape_cast %get3A_325 : vector<1x16xf32> to vector<16xf32>
        %mul3A_327 = vector.broadcast %squeeze3A : f32 to vector<16xf32>
        %mul3A_328 = arith.mulf %get3A_326, %mul3A_327 : vector<16xf32>
        %swap3A_329 = arith.index_cast %scan3A_309 : i32 to index
        %swap3A_330 = arith.constant 16 : index
        %swap3A_331 = tpu.vector_load %arg20[%swap3A_329, %swap3A_330] {strides = array<i32>} : memref<80x128xf32, #tpu.memory_space<vmem>>, vector<1x16xf32>,
        %swap3A_332 = vector.shape_cast %swap3A_331 : vector<1x16xf32> to vector<16xf32>
        %swap3A_333 = vector.shape_cast %mul3A_328 : vector<16xf32> to vector<1x16xf32>
        tpu.vector_store %arg20[%swap3A_329, %swap3A_330], %swap3A_333 {strides = array<i32>} : memref<80x128xf32, #tpu.memory_space<vmem>>, vector<1x16xf32>,
        %get3A_334 = arith.index_cast %scan3A_309 : i32 to index
        %get3A_335 = arith.constant 32 : index
        %get3A_336 = tpu.vector_load %arg20[%get3A_334, %get3A_335] {strides = array<i32>} : memref<80x128xf32, #tpu.memory_space<vmem>>, vector<1x16xf32>,
        %get3A_337 = vector.shape_cast %get3A_336 : vector<1x16xf32> to vector<16xf32>
        %mul3A_338 = vector.broadcast %squeeze3A : f32 to vector<16xf32>
        %mul3A_339 = arith.mulf %get3A_337, %mul3A_338 : vector<16xf32>
        %swap3A_340 = arith.index_cast %scan3A_309 : i32 to index
        %swap3A_341 = arith.constant 32 : index
        %swap3A_342 = tpu.vector_load %arg20[%swap3A_340, %swap3A_341] {strides = array<i32>} : memref<80x128xf32, #tpu.memory_space<vmem>>, vector<1x16xf32>,
        %swap3A_343 = vector.shape_cast %swap3A_342 : vector<1x16xf32> to vector<16xf32>
        %swap3A_344 = vector.shape_cast %mul3A_339 : vector<16xf32> to vector<1x16xf32>
        tpu.vector_store %arg20[%swap3A_340, %swap3A_341], %swap3A_344 {strides = array<i32>} : memref<80x128xf32, #tpu.memory_space<vmem>>, vector<1x16xf32>,
        %get3A_345 = arith.index_cast %scan3A_309 : i32 to index
        %get3A_346 = arith.constant 48 : index
        %get3A_347 = tpu.vector_load %arg20[%get3A_345, %get3A_346] {strides = array<i32>} : memref<80x128xf32, #tpu.memory_space<vmem>>, vector<1x16xf32>,
        %get3A_348 = vector.shape_cast %get3A_347 : vector<1x16xf32> to vector<16xf32>
        %mul3A_349 = vector.broadcast %squeeze3A : f32 to vector<16xf32>
        %mul3A_350 = arith.mulf %get3A_348, %mul3A_349 : vector<16xf32>
        %swap3A_351 = arith.index_cast %scan3A_309 : i32 to index
        %swap3A_352 = arith.constant 48 : index
        %swap3A_353 = tpu.vector_load %arg20[%swap3A_351, %swap3A_352] {strides = array<i32>} : memref<80x128xf32, #tpu.memory_space<vmem>>, vector<1x16xf32>,
        %swap3A_354 = vector.shape_cast %swap3A_353 : vector<1x16xf32> to vector<16xf32>
        %swap3A_355 = vector.shape_cast %mul3A_350 : vector<16xf32> to vector<1x16xf32>
        tpu.vector_store %arg20[%swap3A_351, %swap3A_352], %swap3A_355 {strides = array<i32>} : memref<80x128xf32, #tpu.memory_space<vmem>>, vector<1x16xf32>,
        %get3A_356 = arith.index_cast %scan3A_309 : i32 to index
        %get3A_357 = arith.constant 64 : index
        %get3A_358 = tpu.vector_load %arg20[%get3A_356, %get3A_357] {strides = array<i32>} : memref<80x128xf32, #tpu.memory_space<vmem>>, vector<1x16xf32>,
        %get3A_359 = vector.shape_cast %get3A_358 : vector<1x16xf32> to vector<16xf32>
        %mul3A_360 = vector.broadcast %squeeze3A : f32 to vector<16xf32>
        %mul3A_361 = arith.mulf %get3A_359, %mul3A_360 : vector<16xf32>
        %swap3A_362 = arith.index_cast %scan3A_309 : i32 to index
        %swap3A_363 = arith.constant 64 : index
        %swap3A_364 = tpu.vector_load %arg20[%swap3A_362, %swap3A_363] {strides = array<i32>} : memref<80x128xf32, #tpu.memory_space<vmem>>, vector<1x16xf32>,
        %swap3A_365 = vector.shape_cast %swap3A_364 : vector<1x16xf32> to vector<16xf32>
        %swap3A_366 = vector.shape_cast %mul3A_361 : vector<16xf32> to vector<1x16xf32>
        tpu.vector_store %arg20[%swap3A_362, %swap3A_363], %swap3A_366 {strides = array<i32>} : memref<80x128xf32, #tpu.memory_space<vmem>>, vector<1x16xf32>,
        %get3A_367 = arith.index_cast %scan3A_309 : i32 to index
        %get3A_368 = arith.constant 80 : index
        %get3A_369 = tpu.vector_load %arg20[%get3A_367, %get3A_368] {strides = array<i32>} : memref<80x128xf32, #tpu.memory_space<vmem>>, vector<1x16xf32>,
        %get3A_370 = vector.shape_cast %get3A_369 : vector<1x16xf32> to vector<16xf32>
        %mul3A_371 = vector.broadcast %squeeze3A : f32 to vector<16xf32>
        %mul3A_372 = arith.mulf %get3A_370, %mul3A_371 : vector<16xf32>
        %swap3A_373 = arith.index_cast %scan3A_309 : i32 to index
        %swap3A_374 = arith.constant 80 : index
        %swap3A_375 = tpu.vector_load %arg20[%swap3A_373, %swap3A_374] {strides = array<i32>} : memref<80x128xf32, #tpu.memory_space<vmem>>, vector<1x16xf32>,
        %swap3A_376 = vector.shape_cast %swap3A_375 : vector<1x16xf32> to vector<16xf32>
        %swap3A_377 = vector.shape_cast %mul3A_372 : vector<16xf32> to vector<1x16xf32>
        tpu.vector_store %arg20[%swap3A_373, %swap3A_374], %swap3A_377 {strides = array<i32>} : memref<80x128xf32, #tpu.memory_space<vmem>>, vector<1x16xf32>,
        %get3A_378 = arith.index_cast %scan3A_309 : i32 to index
        %get3A_379 = arith.constant 96 : index
        %get3A_380 = tpu.vector_load %arg20[%get3A_378, %get3A_379] {strides = array<i32>} : memref<80x128xf32, #tpu.memory_space<vmem>>, vector<1x16xf32>,
        %get3A_381 = vector.shape_cast %get3A_380 : vector<1x16xf32> to vector<16xf32>
        %mul3A_382 = vector.broadcast %squeeze3A : f32 to vector<16xf32>
        %mul3A_383 = arith.mulf %get3A_381, %mul3A_382 : vector<16xf32>
        %swap3A_384 = arith.index_cast %scan3A_309 : i32 to index
        %swap3A_385 = arith.constant 96 : index
        %swap3A_386 = tpu.vector_load %arg20[%swap3A_384, %swap3A_385] {strides = array<i32>} : memref<80x128xf32, #tpu.memory_space<vmem>>, vector<1x16xf32>,
        %swap3A_387 = vector.shape_cast %swap3A_386 : vector<1x16xf32> to vector<16xf32>
        %swap3A_388 = vector.shape_cast %mul3A_383 : vector<16xf32> to vector<1x16xf32>
        tpu.vector_store %arg20[%swap3A_384, %swap3A_385], %swap3A_388 {strides = array<i32>} : memref<80x128xf32, #tpu.memory_space<vmem>>, vector<1x16xf32>,
        %get3A_389 = arith.index_cast %scan3A_309 : i32 to index
        %get3A_390 = arith.constant 112 : index
        %get3A_391 = tpu.vector_load %arg20[%get3A_389, %get3A_390] {strides = array<i32>} : memref<80x128xf32, #tpu.memory_space<vmem>>, vector<1x16xf32>,
        %get3A_392 = vector.shape_cast %get3A_391 : vector<1x16xf32> to vector<16xf32>
        %mul3A_393 = vector.broadcast %squeeze3A : f32 to vector<16xf32>
        %mul3A_394 = arith.mulf %get3A_392, %mul3A_393 : vector<16xf32>
        %swap3A_395 = arith.index_cast %scan3A_309 : i32 to index
        %swap3A_396 = arith.constant 112 : index
        %swap3A_397 = tpu.vector_load %arg20[%swap3A_395, %swap3A_396] {strides = array<i32>} : memref<80x128xf32, #tpu.memory_space<vmem>>, vector<1x16xf32>,
        %swap3A_398 = vector.shape_cast %swap3A_397 : vector<1x16xf32> to vector<16xf32>
        %swap3A_399 = vector.shape_cast %mul3A_394 : vector<16xf32> to vector<1x16xf32>
        tpu.vector_store %arg20[%swap3A_395, %swap3A_396], %swap3A_399 {strides = array<i32>} : memref<80x128xf32, #tpu.memory_space<vmem>>, vector<1x16xf32>,
        %get3A_400 = arith.index_cast %scan3A_309 : i32 to index
        %get3A_401 = tpu.vector_load %arg16[%get3A_400] {strides = array<i32>} : memref<96xf32, #tpu.memory_space<vmem>>, vector<16xf32>,
        %get3A_402 = vector.shape_cast %get3A_401 : vector<16xf32> to vector<16xf32>
        %slice3A_403 = vector.extract_strided_slice %get3A_402 {offsets = [0], sizes = [1], strides = [1]} : vector<16xf32> to vector<1xf32>
        %squeeze3A_404 = vector.extract %slice3A_403[0] : f32 from vector<1xf32>
        %get3A_405 = arith.index_cast %scan3A_309 : i32 to index
        %get3A_406 = tpu.vector_load %arg18[%get3A_405] {strides = array<i32>} : memref<96xf32, #tpu.memory_space<vmem>>, vector<16xf32>,
        %get3A_407 = vector.shape_cast %get3A_406 : vector<16xf32> to vector<16xf32>
        %slice3A_408 = vector.extract_strided_slice %get3A_407 {offsets = [0], sizes = [1], strides = [1]} : vector<16xf32> to vector<1xf32>
        %squeeze3A_409 = vector.extract %slice3A_408[0] : f32 from vector<1xf32>
        %mul3A_410 = vector.broadcast %squeeze3A_404 : f32 to vector<16xf32>
        %mul3A_411 = arith.mulf %select_n3A_12, %mul3A_410 : vector<16xf32>
        %add3A_412 = arith.addf %select_n3A, %mul3A_411 : vector<16xf32>
        %mul3A_413 = vector.broadcast %squeeze3A_409 : f32 to vector<16xf32>
        %mul3A_414 = arith.mulf %select_n3A_20, %mul3A_413 : vector<16xf32>
        %add3A_415 = arith.addf %add3A_412, %mul3A_414 : vector<16xf32>
        %mul3A_416 = vector.broadcast %squeeze3A : f32 to vector<16xf32>
        %mul3A_417 = arith.mulf %add3A_415, %mul3A_416 : vector<16xf32>
        %add3A_418 = arith.addf %mul3A_417, %select_n3A_28 : vector<16xf32>
        %swap3A_419 = arith.index_cast %scan3A_309 : i32 to index
        %swap3A_420 = arith.constant 0 : index
        %swap3A_421 = tpu.vector_load %arg23[%swap3A_419, %swap3A_420] {strides = array<i32>} : memref<80x16xf32, #tpu.memory_space<vmem>>, vector<1x16xf32>,
        %swap3A_422 = vector.shape_cast %swap3A_421 : vector<1x16xf32> to vector<16xf32>
        %swap3A_423 = vector.shape_cast %add3A_418 : vector<16xf32> to vector<1x16xf32>
        tpu.vector_store %arg23[%swap3A_419, %swap3A_420], %swap3A_423 {strides = array<i32>} : memref<80x16xf32, #tpu.memory_space<vmem>>, vector<1x16xf32>,
      }
      %scan3A_289 = arith.constant 80 : i32
      "tpu.region"() ({
        %run_scoped3A = tpu.sem_alloc : memref<!tpu.dma_semaphore, #tpu.memory_space<semaphore_mem>>
        %dma_start3A_309 = arith.constant 0 : i32
        %dma_start3A_310 = arith.constant 0 : i32
        %dma_start3A_311 = tpu.memref_slice %arg24[%dma_start3A_309, %dma_start3A_310] : memref<10240x128xf32, #tpu.memory_space<vmem_shared>> -> memref<10240x128xf32, #tpu.memory_space<vmem_shared>>
        tpu.enqueue_indirect_dma source(%arg20 : memref<80x128xf32, #tpu.memory_space<vmem>>) target(%dma_start3A_311 : memref<10240x128xf32, #tpu.memory_space<vmem_shared>>) offsets(%arg12 : memref<80xi32, #tpu.memory_space<vmem>>) semaphore(%run_scoped3A : memref<!tpu.dma_semaphore, #tpu.memory_space<semaphore_mem>>) {add = true}
        %dma_wait3A_312 = arith.constant 0 : i32
        %dma_wait3A_313 = arith.constant 0 : i32
        %dma_wait3A_314 = tpu.memref_slice %arg24[%dma_wait3A_312, %dma_wait3A_313] : memref<10240x128xf32, #tpu.memory_space<vmem_shared>> -> memref<10240x128xf32, #tpu.memory_space<vmem_shared>>
        tpu.wait_indirect_dma semaphore(%run_scoped3A : memref<!tpu.dma_semaphore, #tpu.memory_space<semaphore_mem>>) src(%arg20 : memref<80x128xf32, #tpu.memory_space<vmem>>) dst(%dma_wait3A_314 : memref<10240x128xf32, #tpu.memory_space<vmem_shared>>)
        tpu.yield
      }) : () -> ()
      "tpu.region"() ({
        %run_scoped3A = tpu.sem_alloc : memref<!tpu.dma_semaphore, #tpu.memory_space<semaphore_mem>>
        %dma_start3A_309 = arith.constant 0 : i32
        %dma_start3A_310 = arith.constant 0 : i32
        %dma_start3A_311 = tpu.memref_slice %arg25[%dma_start3A_309, %dma_start3A_310] : memref<10240x16xf32, #tpu.memory_space<vmem_shared>> -> memref<10240x16xf32, #tpu.memory_space<vmem_shared>>
        tpu.enqueue_indirect_dma source(%arg23 : memref<80x16xf32, #tpu.memory_space<vmem>>) target(%dma_start3A_311 : memref<10240x16xf32, #tpu.memory_space<vmem_shared>>) offsets(%arg12 : memref<80xi32, #tpu.memory_space<vmem>>) semaphore(%run_scoped3A : memref<!tpu.dma_semaphore, #tpu.memory_space<semaphore_mem>>) {add = true}
        %dma_wait3A_312 = arith.constant 0 : i32
        %dma_wait3A_313 = arith.constant 0 : i32
        %dma_wait3A_314 = tpu.memref_slice %arg25[%dma_wait3A_312, %dma_wait3A_313] : memref<10240x16xf32, #tpu.memory_space<vmem_shared>> -> memref<10240x16xf32, #tpu.memory_space<vmem_shared>>
        tpu.wait_indirect_dma semaphore(%run_scoped3A : memref<!tpu.dma_semaphore, #tpu.memory_space<semaphore_mem>>) src(%arg23 : memref<80x16xf32, #tpu.memory_space<vmem>>) dst(%dma_wait3A_314 : memref<10240x16xf32, #tpu.memory_space<vmem_shared>>)
        tpu.yield
      }) : () -> ()
      %mul3A_290 = arith.constant 2 : i32
      %mul3A_291 = arith.muli %mul3A_290, %scan3A_270 : i32
      %add3A_292 = arith.constant 2 : i32
      %add3A_293 = arith.addi %mul3A_291, %add3A_292 : i32
      %mul3A_294 = arith.constant 80 : i32
      %mul3A_295 = arith.muli %add3A_293, %mul3A_294 : i32
      %add3A_296 = arith.addi %mul3A_188, %mul3A_295 : i32
      "tpu.region"() ({
        %run_scoped3A = tpu.sem_alloc : memref<!tpu.dma_semaphore, #tpu.memory_space<semaphore_mem>>
        %dma_start3A_309 = tpu.memref_slice %arg3[%add3A_296] : memref<320000xi32, #tpu.memory_space<hbm>> -> memref<80xi32, #tpu.memory_space<hbm>>
        %dma_start3A_310 = tpu.memref_slice %arg3[%add3A_296] : memref<320000xi32, #tpu.memory_space<hbm>> -> memref<80xi32, #tpu.memory_space<hbm>>
        tpu.enqueue_dma source(%dma_start3A_310 : memref<80xi32, #tpu.memory_space<hbm>>) target(%arg10 : memref<80xi32, #tpu.memory_space<vmem>>) target_semaphore(%run_scoped3A : memref<!tpu.dma_semaphore, #tpu.memory_space<semaphore_mem>>)
        %dma_wait3A_311 = tpu.memref_slice %arg3[%add3A_296] : memref<320000xi32, #tpu.memory_space<hbm>> -> memref<80xi32, #tpu.memory_space<hbm>>
        %dma_wait3A_312 = tpu.memref_slice %arg3[%add3A_296] : memref<320000xi32, #tpu.memory_space<hbm>> -> memref<80xi32, #tpu.memory_space<hbm>>
        tpu.wait_dma2 semaphore(%run_scoped3A : memref<!tpu.dma_semaphore, #tpu.memory_space<semaphore_mem>>) src(%dma_wait3A_312 : memref<80xi32, #tpu.memory_space<hbm>>) dst(%arg10 : memref<80xi32, #tpu.memory_space<vmem>>)
        tpu.yield
      }) : () -> ()
      "tpu.region"() ({
        %run_scoped3A = tpu.sem_alloc : memref<!tpu.dma_semaphore, #tpu.memory_space<semaphore_mem>>
        %dma_start3A_309 = tpu.memref_slice %arg4[%add3A_296] : memref<320000xi32, #tpu.memory_space<hbm>> -> memref<80xi32, #tpu.memory_space<hbm>>
        %dma_start3A_310 = tpu.memref_slice %arg4[%add3A_296] : memref<320000xi32, #tpu.memory_space<hbm>> -> memref<80xi32, #tpu.memory_space<hbm>>
        tpu.enqueue_dma source(%dma_start3A_310 : memref<80xi32, #tpu.memory_space<hbm>>) target(%arg12 : memref<80xi32, #tpu.memory_space<vmem>>) target_semaphore(%run_scoped3A : memref<!tpu.dma_semaphore, #tpu.memory_space<semaphore_mem>>)
        %dma_wait3A_311 = tpu.memref_slice %arg4[%add3A_296] : memref<320000xi32, #tpu.memory_space<hbm>> -> memref<80xi32, #tpu.memory_space<hbm>>
        %dma_wait3A_312 = tpu.memref_slice %arg4[%add3A_296] : memref<320000xi32, #tpu.memory_space<hbm>> -> memref<80xi32, #tpu.memory_space<hbm>>
        tpu.wait_dma2 semaphore(%run_scoped3A : memref<!tpu.dma_semaphore, #tpu.memory_space<semaphore_mem>>) src(%dma_wait3A_312 : memref<80xi32, #tpu.memory_space<hbm>>) dst(%arg12 : memref<80xi32, #tpu.memory_space<vmem>>)
        tpu.yield
      }) : () -> ()
      "tpu.region"() ({
        %run_scoped3A = tpu.sem_alloc : memref<!tpu.dma_semaphore, #tpu.memory_space<semaphore_mem>>
        %dma_start3A_309 = arith.constant 0 : i32
        %dma_start3A_310 = tpu.memref_slice %arg14[%dma_start3A_309] : memref<96xf32, #tpu.memory_space<vmem>> -> memref<80xf32, #tpu.memory_space<vmem>>
        %dma_start3A_311 = tpu.memref_slice %arg5[%add3A_296] : memref<320000xf32, #tpu.memory_space<hbm>> -> memref<80xf32, #tpu.memory_space<hbm>>
        %dma_start3A_312 = arith.constant 0 : i32
        %dma_start3A_313 = tpu.memref_slice %arg14[%dma_start3A_312] : memref<96xf32, #tpu.memory_space<vmem>> -> memref<80xf32, #tpu.memory_space<vmem>>
        %dma_start3A_314 = tpu.memref_slice %arg5[%add3A_296] : memref<320000xf32, #tpu.memory_space<hbm>> -> memref<80xf32, #tpu.memory_space<hbm>>
        tpu.enqueue_dma source(%dma_start3A_314 : memref<80xf32, #tpu.memory_space<hbm>>) target(%dma_start3A_313 : memref<80xf32, #tpu.memory_space<vmem>>) target_semaphore(%run_scoped3A : memref<!tpu.dma_semaphore, #tpu.memory_space<semaphore_mem>>)
        %dma_wait3A_315 = arith.constant 0 : i32
        %dma_wait3A_316 = tpu.memref_slice %arg14[%dma_wait3A_315] : memref<96xf32, #tpu.memory_space<vmem>> -> memref<80xf32, #tpu.memory_space<vmem>>
        %dma_wait3A_317 = tpu.memref_slice %arg5[%add3A_296] : memref<320000xf32, #tpu.memory_space<hbm>> -> memref<80xf32, #tpu.memory_space<hbm>>
        %dma_wait3A_318 = arith.constant 0 : i32
        %dma_wait3A_319 = tpu.memref_slice %arg14[%dma_wait3A_318] : memref<96xf32, #tpu.memory_space<vmem>> -> memref<80xf32, #tpu.memory_space<vmem>>
        %dma_wait3A_320 = tpu.memref_slice %arg5[%add3A_296] : memref<320000xf32, #tpu.memory_space<hbm>> -> memref<80xf32, #tpu.memory_space<hbm>>
        tpu.wait_dma2 semaphore(%run_scoped3A : memref<!tpu.dma_semaphore, #tpu.memory_space<semaphore_mem>>) src(%dma_wait3A_320 : memref<80xf32, #tpu.memory_space<hbm>>) dst(%dma_wait3A_319 : memref<80xf32, #tpu.memory_space<vmem>>)
        tpu.yield
      }) : () -> ()
      "tpu.region"() ({
        %run_scoped3A = tpu.sem_alloc : memref<!tpu.dma_semaphore, #tpu.memory_space<semaphore_mem>>
        %dma_start3A_309 = arith.constant 0 : i32
        %dma_start3A_310 = tpu.memref_slice %arg16[%dma_start3A_309] : memref<96xf32, #tpu.memory_space<vmem>> -> memref<80xf32, #tpu.memory_space<vmem>>
        %dma_start3A_311 = tpu.memref_slice %arg6[%add3A_296] : memref<320000xf32, #tpu.memory_space<hbm>> -> memref<80xf32, #tpu.memory_space<hbm>>
        %dma_start3A_312 = arith.constant 0 : i32
        %dma_start3A_313 = tpu.memref_slice %arg16[%dma_start3A_312] : memref<96xf32, #tpu.memory_space<vmem>> -> memref<80xf32, #tpu.memory_space<vmem>>
        %dma_start3A_314 = tpu.memref_slice %arg6[%add3A_296] : memref<320000xf32, #tpu.memory_space<hbm>> -> memref<80xf32, #tpu.memory_space<hbm>>
        tpu.enqueue_dma source(%dma_start3A_314 : memref<80xf32, #tpu.memory_space<hbm>>) target(%dma_start3A_313 : memref<80xf32, #tpu.memory_space<vmem>>) target_semaphore(%run_scoped3A : memref<!tpu.dma_semaphore, #tpu.memory_space<semaphore_mem>>)
        %dma_wait3A_315 = arith.constant 0 : i32
        %dma_wait3A_316 = tpu.memref_slice %arg16[%dma_wait3A_315] : memref<96xf32, #tpu.memory_space<vmem>> -> memref<80xf32, #tpu.memory_space<vmem>>
        %dma_wait3A_317 = tpu.memref_slice %arg6[%add3A_296] : memref<320000xf32, #tpu.memory_space<hbm>> -> memref<80xf32, #tpu.memory_space<hbm>>
        %dma_wait3A_318 = arith.constant 0 : i32
        %dma_wait3A_319 = tpu.memref_slice %arg16[%dma_wait3A_318] : memref<96xf32, #tpu.memory_space<vmem>> -> memref<80xf32, #tpu.memory_space<vmem>>
        %dma_wait3A_320 = tpu.memref_slice %arg6[%add3A_296] : memref<320000xf32, #tpu.memory_space<hbm>> -> memref<80xf32, #tpu.memory_space<hbm>>
        tpu.wait_dma2 semaphore(%run_scoped3A : memref<!tpu.dma_semaphore, #tpu.memory_space<semaphore_mem>>) src(%dma_wait3A_320 : memref<80xf32, #tpu.memory_space<hbm>>) dst(%dma_wait3A_319 : memref<80xf32, #tpu.memory_space<vmem>>)
        tpu.yield
      }) : () -> ()
      "tpu.region"() ({
        %run_scoped3A = tpu.sem_alloc : memref<!tpu.dma_semaphore, #tpu.memory_space<semaphore_mem>>
        %dma_start3A_309 = arith.constant 0 : i32
        %dma_start3A_310 = tpu.memref_slice %arg18[%dma_start3A_309] : memref<96xf32, #tpu.memory_space<vmem>> -> memref<80xf32, #tpu.memory_space<vmem>>
        %dma_start3A_311 = tpu.memref_slice %arg7[%add3A_296] : memref<320000xf32, #tpu.memory_space<hbm>> -> memref<80xf32, #tpu.memory_space<hbm>>
        %dma_start3A_312 = arith.constant 0 : i32
        %dma_start3A_313 = tpu.memref_slice %arg18[%dma_start3A_312] : memref<96xf32, #tpu.memory_space<vmem>> -> memref<80xf32, #tpu.memory_space<vmem>>
        %dma_start3A_314 = tpu.memref_slice %arg7[%add3A_296] : memref<320000xf32, #tpu.memory_space<hbm>> -> memref<80xf32, #tpu.memory_space<hbm>>
        tpu.enqueue_dma source(%dma_start3A_314 : memref<80xf32, #tpu.memory_space<hbm>>) target(%dma_start3A_313 : memref<80xf32, #tpu.memory_space<vmem>>) target_semaphore(%run_scoped3A : memref<!tpu.dma_semaphore, #tpu.memory_space<semaphore_mem>>)
        %dma_wait3A_315 = arith.constant 0 : i32
        %dma_wait3A_316 = tpu.memref_slice %arg18[%dma_wait3A_315] : memref<96xf32, #tpu.memory_space<vmem>> -> memref<80xf32, #tpu.memory_space<vmem>>
        %dma_wait3A_317 = tpu.memref_slice %arg7[%add3A_296] : memref<320000xf32, #tpu.memory_space<hbm>> -> memref<80xf32, #tpu.memory_space<hbm>>
        %dma_wait3A_318 = arith.constant 0 : i32
        %dma_wait3A_319 = tpu.memref_slice %arg18[%dma_wait3A_318] : memref<96xf32, #tpu.memory_space<vmem>> -> memref<80xf32, #tpu.memory_space<vmem>>
        %dma_wait3A_320 = tpu.memref_slice %arg7[%add3A_296] : memref<320000xf32, #tpu.memory_space<hbm>> -> memref<80xf32, #tpu.memory_space<hbm>>
        tpu.wait_dma2 semaphore(%run_scoped3A : memref<!tpu.dma_semaphore, #tpu.memory_space<semaphore_mem>>) src(%dma_wait3A_320 : memref<80xf32, #tpu.memory_space<hbm>>) dst(%dma_wait3A_319 : memref<80xf32, #tpu.memory_space<vmem>>)
        tpu.yield
      }) : () -> ()
      %dma_start3A_297 = arith.constant 0 : i32
      %dma_start3A_298 = arith.constant 0 : i32
      %dma_start3A_299 = tpu.memref_slice %arg2[%dma_start3A_297, %dma_start3A_298] : memref<10000x128xf32, #tpu.memory_space<hbm>> -> memref<10000x128xf32, #tpu.memory_space<hbm>>
      tpu.enqueue_indirect_dma source(%dma_start3A_299 : memref<10000x128xf32, #tpu.memory_space<hbm>>) target(%arg20 : memref<80x128xf32, #tpu.memory_space<vmem>>) offsets(%arg10 : memref<80xi32, #tpu.memory_space<vmem>>) semaphore(%arg26 : memref<!tpu.dma_semaphore, #tpu.memory_space<semaphore_mem>>)
      %dma_wait3A_300 = arith.constant 0 : i32
      %dma_wait3A_301 = arith.constant 0 : i32
      %dma_wait3A_302 = tpu.memref_slice %arg2[%dma_wait3A_300, %dma_wait3A_301] : memref<10000x128xf32, #tpu.memory_space<hbm>> -> memref<10000x128xf32, #tpu.memory_space<hbm>>
      tpu.wait_indirect_dma semaphore(%arg27 : memref<!tpu.dma_semaphore, #tpu.memory_space<semaphore_mem>>) src(%dma_wait3A_302 : memref<10000x128xf32, #tpu.memory_space<hbm>>) dst(%arg21 : memref<80x128xf32, #tpu.memory_space<vmem>>)
      %scan3A_303 = arith.constant 0 : i32
      %scan3A_304 = arith.constant 0 : i32
      %scan3A_305 = arith.constant 80 : i32
      %scan3A_306 = arith.addi %scan3A_304, %scan3A_305 : i32
      %scan3A_307 = arith.constant 1 : i32
      scf.for %scan3A_309 = %scan3A_304 to %scan3A_306 step %scan3A_307  : i32 {
        %get3A = arith.index_cast %scan3A_309 : i32 to index
        %get3A_310 = tpu.vector_load %arg15[%get3A] {strides = array<i32>} : memref<96xf32, #tpu.memory_space<vmem>>, vector<16xf32>,
        %get3A_311 = vector.shape_cast %get3A_310 : vector<16xf32> to vector<16xf32>
        %slice3A = vector.extract_strided_slice %get3A_311 {offsets = [0], sizes = [1], strides = [1]} : vector<16xf32> to vector<1xf32>
        %squeeze3A = vector.extract %slice3A[0] : f32 from vector<1xf32>
        %get3A_312 = arith.index_cast %scan3A_309 : i32 to index
        %get3A_313 = arith.constant 0 : index
        %get3A_314 = tpu.vector_load %arg21[%get3A_312, %get3A_313] {strides = array<i32>} : memref<80x128xf32, #tpu.memory_space<vmem>>, vector<1x16xf32>,
        %get3A_315 = vector.shape_cast %get3A_314 : vector<1x16xf32> to vector<16xf32>
        %mul3A_316 = vector.broadcast %squeeze3A : f32 to vector<16xf32>
        %mul3A_317 = arith.mulf %get3A_315, %mul3A_316 : vector<16xf32>
        %swap3A_318 = arith.index_cast %scan3A_309 : i32 to index
        %swap3A_319 = arith.constant 0 : index
        %swap3A_320 = tpu.vector_load %arg21[%swap3A_318, %swap3A_319] {strides = array<i32>} : memref<80x128xf32, #tpu.memory_space<vmem>>, vector<1x16xf32>,
        %swap3A_321 = vector.shape_cast %swap3A_320 : vector<1x16xf32> to vector<16xf32>
        %swap3A_322 = vector.shape_cast %mul3A_317 : vector<16xf32> to vector<1x16xf32>
        tpu.vector_store %arg21[%swap3A_318, %swap3A_319], %swap3A_322 {strides = array<i32>} : memref<80x128xf32, #tpu.memory_space<vmem>>, vector<1x16xf32>,
        %get3A_323 = arith.index_cast %scan3A_309 : i32 to index
        %get3A_324 = arith.constant 16 : index
        %get3A_325 = tpu.vector_load %arg21[%get3A_323, %get3A_324] {strides = array<i32>} : memref<80x128xf32, #tpu.memory_space<vmem>>, vector<1x16xf32>,
        %get3A_326 = vector.shape_cast %get3A_325 : vector<1x16xf32> to vector<16xf32>
        %mul3A_327 = vector.broadcast %squeeze3A : f32 to vector<16xf32>
        %mul3A_328 = arith.mulf %get3A_326, %mul3A_327 : vector<16xf32>
        %swap3A_329 = arith.index_cast %scan3A_309 : i32 to index
        %swap3A_330 = arith.constant 16 : index
        %swap3A_331 = tpu.vector_load %arg21[%swap3A_329, %swap3A_330] {strides = array<i32>} : memref<80x128xf32, #tpu.memory_space<vmem>>, vector<1x16xf32>,
        %swap3A_332 = vector.shape_cast %swap3A_331 : vector<1x16xf32> to vector<16xf32>
        %swap3A_333 = vector.shape_cast %mul3A_328 : vector<16xf32> to vector<1x16xf32>
        tpu.vector_store %arg21[%swap3A_329, %swap3A_330], %swap3A_333 {strides = array<i32>} : memref<80x128xf32, #tpu.memory_space<vmem>>, vector<1x16xf32>,
        %get3A_334 = arith.index_cast %scan3A_309 : i32 to index
        %get3A_335 = arith.constant 32 : index
        %get3A_336 = tpu.vector_load %arg21[%get3A_334, %get3A_335] {strides = array<i32>} : memref<80x128xf32, #tpu.memory_space<vmem>>, vector<1x16xf32>,
        %get3A_337 = vector.shape_cast %get3A_336 : vector<1x16xf32> to vector<16xf32>
        %mul3A_338 = vector.broadcast %squeeze3A : f32 to vector<16xf32>
        %mul3A_339 = arith.mulf %get3A_337, %mul3A_338 : vector<16xf32>
        %swap3A_340 = arith.index_cast %scan3A_309 : i32 to index
        %swap3A_341 = arith.constant 32 : index
        %swap3A_342 = tpu.vector_load %arg21[%swap3A_340, %swap3A_341] {strides = array<i32>} : memref<80x128xf32, #tpu.memory_space<vmem>>, vector<1x16xf32>,
        %swap3A_343 = vector.shape_cast %swap3A_342 : vector<1x16xf32> to vector<16xf32>
        %swap3A_344 = vector.shape_cast %mul3A_339 : vector<16xf32> to vector<1x16xf32>
        tpu.vector_store %arg21[%swap3A_340, %swap3A_341], %swap3A_344 {strides = array<i32>} : memref<80x128xf32, #tpu.memory_space<vmem>>, vector<1x16xf32>,
        %get3A_345 = arith.index_cast %scan3A_309 : i32 to index
        %get3A_346 = arith.constant 48 : index
        %get3A_347 = tpu.vector_load %arg21[%get3A_345, %get3A_346] {strides = array<i32>} : memref<80x128xf32, #tpu.memory_space<vmem>>, vector<1x16xf32>,
        %get3A_348 = vector.shape_cast %get3A_347 : vector<1x16xf32> to vector<16xf32>
        %mul3A_349 = vector.broadcast %squeeze3A : f32 to vector<16xf32>
        %mul3A_350 = arith.mulf %get3A_348, %mul3A_349 : vector<16xf32>
        %swap3A_351 = arith.index_cast %scan3A_309 : i32 to index
        %swap3A_352 = arith.constant 48 : index
        %swap3A_353 = tpu.vector_load %arg21[%swap3A_351, %swap3A_352] {strides = array<i32>} : memref<80x128xf32, #tpu.memory_space<vmem>>, vector<1x16xf32>,
        %swap3A_354 = vector.shape_cast %swap3A_353 : vector<1x16xf32> to vector<16xf32>
        %swap3A_355 = vector.shape_cast %mul3A_350 : vector<16xf32> to vector<1x16xf32>
        tpu.vector_store %arg21[%swap3A_351, %swap3A_352], %swap3A_355 {strides = array<i32>} : memref<80x128xf32, #tpu.memory_space<vmem>>, vector<1x16xf32>,
        %get3A_356 = arith.index_cast %scan3A_309 : i32 to index
        %get3A_357 = arith.constant 64 : index
        %get3A_358 = tpu.vector_load %arg21[%get3A_356, %get3A_357] {strides = array<i32>} : memref<80x128xf32, #tpu.memory_space<vmem>>, vector<1x16xf32>,
        %get3A_359 = vector.shape_cast %get3A_358 : vector<1x16xf32> to vector<16xf32>
        %mul3A_360 = vector.broadcast %squeeze3A : f32 to vector<16xf32>
        %mul3A_361 = arith.mulf %get3A_359, %mul3A_360 : vector<16xf32>
        %swap3A_362 = arith.index_cast %scan3A_309 : i32 to index
        %swap3A_363 = arith.constant 64 : index
        %swap3A_364 = tpu.vector_load %arg21[%swap3A_362, %swap3A_363] {strides = array<i32>} : memref<80x128xf32, #tpu.memory_space<vmem>>, vector<1x16xf32>,
        %swap3A_365 = vector.shape_cast %swap3A_364 : vector<1x16xf32> to vector<16xf32>
        %swap3A_366 = vector.shape_cast %mul3A_361 : vector<16xf32> to vector<1x16xf32>
        tpu.vector_store %arg21[%swap3A_362, %swap3A_363], %swap3A_366 {strides = array<i32>} : memref<80x128xf32, #tpu.memory_space<vmem>>, vector<1x16xf32>,
        %get3A_367 = arith.index_cast %scan3A_309 : i32 to index
        %get3A_368 = arith.constant 80 : index
        %get3A_369 = tpu.vector_load %arg21[%get3A_367, %get3A_368] {strides = array<i32>} : memref<80x128xf32, #tpu.memory_space<vmem>>, vector<1x16xf32>,
        %get3A_370 = vector.shape_cast %get3A_369 : vector<1x16xf32> to vector<16xf32>
        %mul3A_371 = vector.broadcast %squeeze3A : f32 to vector<16xf32>
        %mul3A_372 = arith.mulf %get3A_370, %mul3A_371 : vector<16xf32>
        %swap3A_373 = arith.index_cast %scan3A_309 : i32 to index
        %swap3A_374 = arith.constant 80 : index
        %swap3A_375 = tpu.vector_load %arg21[%swap3A_373, %swap3A_374] {strides = array<i32>} : memref<80x128xf32, #tpu.memory_space<vmem>>, vector<1x16xf32>,
        %swap3A_376 = vector.shape_cast %swap3A_375 : vector<1x16xf32> to vector<16xf32>
        %swap3A_377 = vector.shape_cast %mul3A_372 : vector<16xf32> to vector<1x16xf32>
        tpu.vector_store %arg21[%swap3A_373, %swap3A_374], %swap3A_377 {strides = array<i32>} : memref<80x128xf32, #tpu.memory_space<vmem>>, vector<1x16xf32>,
        %get3A_378 = arith.index_cast %scan3A_309 : i32 to index
        %get3A_379 = arith.constant 96 : index
        %get3A_380 = tpu.vector_load %arg21[%get3A_378, %get3A_379] {strides = array<i32>} : memref<80x128xf32, #tpu.memory_space<vmem>>, vector<1x16xf32>,
        %get3A_381 = vector.shape_cast %get3A_380 : vector<1x16xf32> to vector<16xf32>
        %mul3A_382 = vector.broadcast %squeeze3A : f32 to vector<16xf32>
        %mul3A_383 = arith.mulf %get3A_381, %mul3A_382 : vector<16xf32>
        %swap3A_384 = arith.index_cast %scan3A_309 : i32 to index
        %swap3A_385 = arith.constant 96 : index
        %swap3A_386 = tpu.vector_load %arg21[%swap3A_384, %swap3A_385] {strides = array<i32>} : memref<80x128xf32, #tpu.memory_space<vmem>>, vector<1x16xf32>,
        %swap3A_387 = vector.shape_cast %swap3A_386 : vector<1x16xf32> to vector<16xf32>
        %swap3A_388 = vector.shape_cast %mul3A_383 : vector<16xf32> to vector<1x16xf32>
        tpu.vector_store %arg21[%swap3A_384, %swap3A_385], %swap3A_388 {strides = array<i32>} : memref<80x128xf32, #tpu.memory_space<vmem>>, vector<1x16xf32>,
        %get3A_389 = arith.index_cast %scan3A_309 : i32 to index
        %get3A_390 = arith.constant 112 : index
        %get3A_391 = tpu.vector_load %arg21[%get3A_389, %get3A_390] {strides = array<i32>} : memref<80x128xf32, #tpu.memory_space<vmem>>, vector<1x16xf32>,
        %get3A_392 = vector.shape_cast %get3A_391 : vector<1x16xf32> to vector<16xf32>
        %mul3A_393 = vector.broadcast %squeeze3A : f32 to vector<16xf32>
        %mul3A_394 = arith.mulf %get3A_392, %mul3A_393 : vector<16xf32>
        %swap3A_395 = arith.index_cast %scan3A_309 : i32 to index
        %swap3A_396 = arith.constant 112 : index
        %swap3A_397 = tpu.vector_load %arg21[%swap3A_395, %swap3A_396] {strides = array<i32>} : memref<80x128xf32, #tpu.memory_space<vmem>>, vector<1x16xf32>,
        %swap3A_398 = vector.shape_cast %swap3A_397 : vector<1x16xf32> to vector<16xf32>
        %swap3A_399 = vector.shape_cast %mul3A_394 : vector<16xf32> to vector<1x16xf32>
        tpu.vector_store %arg21[%swap3A_395, %swap3A_396], %swap3A_399 {strides = array<i32>} : memref<80x128xf32, #tpu.memory_space<vmem>>, vector<1x16xf32>,
        %get3A_400 = arith.index_cast %scan3A_309 : i32 to index
        %get3A_401 = tpu.vector_load %arg17[%get3A_400] {strides = array<i32>} : memref<96xf32, #tpu.memory_space<vmem>>, vector<16xf32>,
        %get3A_402 = vector.shape_cast %get3A_401 : vector<16xf32> to vector<16xf32>
        %slice3A_403 = vector.extract_strided_slice %get3A_402 {offsets = [0], sizes = [1], strides = [1]} : vector<16xf32> to vector<1xf32>
        %squeeze3A_404 = vector.extract %slice3A_403[0] : f32 from vector<1xf32>
        %get3A_405 = arith.index_cast %scan3A_309 : i32 to index
        %get3A_406 = tpu.vector_load %arg19[%get3A_405] {strides = array<i32>} : memref<96xf32, #tpu.memory_space<vmem>>, vector<16xf32>,
        %get3A_407 = vector.shape_cast %get3A_406 : vector<16xf32> to vector<16xf32>
        %slice3A_408 = vector.extract_strided_slice %get3A_407 {offsets = [0], sizes = [1], strides = [1]} : vector<16xf32> to vector<1xf32>
        %squeeze3A_409 = vector.extract %slice3A_408[0] : f32 from vector<1xf32>
        %mul3A_410 = vector.broadcast %squeeze3A_404 : f32 to vector<16xf32>
        %mul3A_411 = arith.mulf %select_n3A_12, %mul3A_410 : vector<16xf32>
        %add3A_412 = arith.addf %select_n3A, %mul3A_411 : vector<16xf32>
        %mul3A_413 = vector.broadcast %squeeze3A_409 : f32 to vector<16xf32>
        %mul3A_414 = arith.mulf %select_n3A_20, %mul3A_413 : vector<16xf32>
        %add3A_415 = arith.addf %add3A_412, %mul3A_414 : vector<16xf32>
        %mul3A_416 = vector.broadcast %squeeze3A : f32 to vector<16xf32>
        %mul3A_417 = arith.mulf %add3A_415, %mul3A_416 : vector<16xf32>
        %add3A_418 = arith.addf %mul3A_417, %select_n3A_28 : vector<16xf32>
        %swap3A_419 = arith.index_cast %scan3A_309 : i32 to index
        %swap3A_420 = arith.constant 0 : index
        %swap3A_421 = tpu.vector_load %arg23[%swap3A_419, %swap3A_420] {strides = array<i32>} : memref<80x16xf32, #tpu.memory_space<vmem>>, vector<1x16xf32>,
        %swap3A_422 = vector.shape_cast %swap3A_421 : vector<1x16xf32> to vector<16xf32>
        %swap3A_423 = vector.shape_cast %add3A_418 : vector<16xf32> to vector<1x16xf32>
        tpu.vector_store %arg23[%swap3A_419, %swap3A_420], %swap3A_423 {strides = array<i32>} : memref<80x16xf32, #tpu.memory_space<vmem>>, vector<1x16xf32>,
      }
      %scan3A_308 = arith.constant 80 : i32
      "tpu.region"() ({
        %run_scoped3A = tpu.sem_alloc : memref<!tpu.dma_semaphore, #tpu.memory_space<semaphore_mem>>
        %dma_start3A_309 = arith.constant 0 : i32
        %dma_start3A_310 = arith.constant 0 : i32
        %dma_start3A_311 = tpu.memref_slice %arg24[%dma_start3A_309, %dma_start3A_310] : memref<10240x128xf32, #tpu.memory_space<vmem_shared>> -> memref<10240x128xf32, #tpu.memory_space<vmem_shared>>
        tpu.enqueue_indirect_dma source(%arg21 : memref<80x128xf32, #tpu.memory_space<vmem>>) target(%dma_start3A_311 : memref<10240x128xf32, #tpu.memory_space<vmem_shared>>) offsets(%arg13 : memref<80xi32, #tpu.memory_space<vmem>>) semaphore(%run_scoped3A : memref<!tpu.dma_semaphore, #tpu.memory_space<semaphore_mem>>) {add = true}
        %dma_wait3A_312 = arith.constant 0 : i32
        %dma_wait3A_313 = arith.constant 0 : i32
        %dma_wait3A_314 = tpu.memref_slice %arg24[%dma_wait3A_312, %dma_wait3A_313] : memref<10240x128xf32, #tpu.memory_space<vmem_shared>> -> memref<10240x128xf32, #tpu.memory_space<vmem_shared>>
        tpu.wait_indirect_dma semaphore(%run_scoped3A : memref<!tpu.dma_semaphore, #tpu.memory_space<semaphore_mem>>) src(%arg21 : memref<80x128xf32, #tpu.memory_space<vmem>>) dst(%dma_wait3A_314 : memref<10240x128xf32, #tpu.memory_space<vmem_shared>>)
        tpu.yield
      }) : () -> ()
      "tpu.region"() ({
        %run_scoped3A = tpu.sem_alloc : memref<!tpu.dma_semaphore, #tpu.memory_space<semaphore_mem>>
        %dma_start3A_309 = arith.constant 0 : i32
        %dma_start3A_310 = arith.constant 0 : i32
        %dma_start3A_311 = tpu.memref_slice %arg25[%dma_start3A_309, %dma_start3A_310] : memref<10240x16xf32, #tpu.memory_space<vmem_shared>> -> memref<10240x16xf32, #tpu.memory_space<vmem_shared>>
        tpu.enqueue_indirect_dma source(%arg23 : memref<80x16xf32, #tpu.memory_space<vmem>>) target(%dma_start3A_311 : memref<10240x16xf32, #tpu.memory_space<vmem_shared>>) offsets(%arg13 : memref<80xi32, #tpu.memory_space<vmem>>) semaphore(%run_scoped3A : memref<!tpu.dma_semaphore, #tpu.memory_space<semaphore_mem>>) {add = true}
        %dma_wait3A_312 = arith.constant 0 : i32
        %dma_wait3A_313 = arith.constant 0 : i32
        %dma_wait3A_314 = tpu.memref_slice %arg25[%dma_wait3A_312, %dma_wait3A_313] : memref<10240x16xf32, #tpu.memory_space<vmem_shared>> -> memref<10240x16xf32, #tpu.memory_space<vmem_shared>>
        tpu.wait_indirect_dma semaphore(%run_scoped3A : memref<!tpu.dma_semaphore, #tpu.memory_space<semaphore_mem>>) src(%arg23 : memref<80x16xf32, #tpu.memory_space<vmem>>) dst(%dma_wait3A_314 : memref<10240x16xf32, #tpu.memory_space<vmem_shared>>)
        tpu.yield
      }) : () -> ()
    }
    %scan3A_198 = arith.constant 62 : i32
    %dma_wait3A = arith.constant 0 : i32
    %dma_wait3A_199 = arith.constant 0 : i32
    %dma_wait3A_200 = tpu.memref_slice %arg2[%dma_wait3A, %dma_wait3A_199] : memref<10000x128xf32, #tpu.memory_space<hbm>> -> memref<10000x128xf32, #tpu.memory_space<hbm>>
    tpu.wait_indirect_dma semaphore(%arg26 : memref<!tpu.dma_semaphore, #tpu.memory_space<semaphore_mem>>) src(%dma_wait3A_200 : memref<10000x128xf32, #tpu.memory_space<hbm>>) dst(%arg20 : memref<80x128xf32, #tpu.memory_space<vmem>>)
    %scan3A_201 = arith.constant 0 : i32
    %scan3A_202 = arith.constant 0 : i32
    %scan3A_203 = arith.constant 80 : i32
    %scan3A_204 = arith.addi %scan3A_202, %scan3A_203 : i32
    %scan3A_205 = arith.constant 1 : i32
    scf.for %scan3A_270 = %scan3A_202 to %scan3A_204 step %scan3A_205  : i32 {
      %get3A = arith.index_cast %scan3A_270 : i32 to index
      %get3A_271 = tpu.vector_load %arg14[%get3A] {strides = array<i32>} : memref<96xf32, #tpu.memory_space<vmem>>, vector<16xf32>,
      %get3A_272 = vector.shape_cast %get3A_271 : vector<16xf32> to vector<16xf32>
      %slice3A = vector.extract_strided_slice %get3A_272 {offsets = [0], sizes = [1], strides = [1]} : vector<16xf32> to vector<1xf32>
      %squeeze3A = vector.extract %slice3A[0] : f32 from vector<1xf32>
      %get3A_273 = arith.index_cast %scan3A_270 : i32 to index
      %get3A_274 = arith.constant 0 : index
      %get3A_275 = tpu.vector_load %arg20[%get3A_273, %get3A_274] {strides = array<i32>} : memref<80x128xf32, #tpu.memory_space<vmem>>, vector<1x16xf32>,
      %get3A_276 = vector.shape_cast %get3A_275 : vector<1x16xf32> to vector<16xf32>
      %mul3A_277 = vector.broadcast %squeeze3A : f32 to vector<16xf32>
      %mul3A_278 = arith.mulf %get3A_276, %mul3A_277 : vector<16xf32>
      %swap3A_279 = arith.index_cast %scan3A_270 : i32 to index
      %swap3A_280 = arith.constant 0 : index
      %swap3A_281 = tpu.vector_load %arg20[%swap3A_279, %swap3A_280] {strides = array<i32>} : memref<80x128xf32, #tpu.memory_space<vmem>>, vector<1x16xf32>,
      %swap3A_282 = vector.shape_cast %swap3A_281 : vector<1x16xf32> to vector<16xf32>
      %swap3A_283 = vector.shape_cast %mul3A_278 : vector<16xf32> to vector<1x16xf32>
      tpu.vector_store %arg20[%swap3A_279, %swap3A_280], %swap3A_283 {strides = array<i32>} : memref<80x128xf32, #tpu.memory_space<vmem>>, vector<1x16xf32>,
      %get3A_284 = arith.index_cast %scan3A_270 : i32 to index
      %get3A_285 = arith.constant 16 : index
      %get3A_286 = tpu.vector_load %arg20[%get3A_284, %get3A_285] {strides = array<i32>} : memref<80x128xf32, #tpu.memory_space<vmem>>, vector<1x16xf32>,
      %get3A_287 = vector.shape_cast %get3A_286 : vector<1x16xf32> to vector<16xf32>
      %mul3A_288 = vector.broadcast %squeeze3A : f32 to vector<16xf32>
      %mul3A_289 = arith.mulf %get3A_287, %mul3A_288 : vector<16xf32>
      %swap3A_290 = arith.index_cast %scan3A_270 : i32 to index
      %swap3A_291 = arith.constant 16 : index
      %swap3A_292 = tpu.vector_load %arg20[%swap3A_290, %swap3A_291] {strides = array<i32>} : memref<80x128xf32, #tpu.memory_space<vmem>>, vector<1x16xf32>,
      %swap3A_293 = vector.shape_cast %swap3A_292 : vector<1x16xf32> to vector<16xf32>
      %swap3A_294 = vector.shape_cast %mul3A_289 : vector<16xf32> to vector<1x16xf32>
      tpu.vector_store %arg20[%swap3A_290, %swap3A_291], %swap3A_294 {strides = array<i32>} : memref<80x128xf32, #tpu.memory_space<vmem>>, vector<1x16xf32>,
      %get3A_295 = arith.index_cast %scan3A_270 : i32 to index
      %get3A_296 = arith.constant 32 : index
      %get3A_297 = tpu.vector_load %arg20[%get3A_295, %get3A_296] {strides = array<i32>} : memref<80x128xf32, #tpu.memory_space<vmem>>, vector<1x16xf32>,
      %get3A_298 = vector.shape_cast %get3A_297 : vector<1x16xf32> to vector<16xf32>
      %mul3A_299 = vector.broadcast %squeeze3A : f32 to vector<16xf32>
      %mul3A_300 = arith.mulf %get3A_298, %mul3A_299 : vector<16xf32>
      %swap3A_301 = arith.index_cast %scan3A_270 : i32 to index
      %swap3A_302 = arith.constant 32 : index
      %swap3A_303 = tpu.vector_load %arg20[%swap3A_301, %swap3A_302] {strides = array<i32>} : memref<80x128xf32, #tpu.memory_space<vmem>>, vector<1x16xf32>,
      %swap3A_304 = vector.shape_cast %swap3A_303 : vector<1x16xf32> to vector<16xf32>
      %swap3A_305 = vector.shape_cast %mul3A_300 : vector<16xf32> to vector<1x16xf32>
      tpu.vector_store %arg20[%swap3A_301, %swap3A_302], %swap3A_305 {strides = array<i32>} : memref<80x128xf32, #tpu.memory_space<vmem>>, vector<1x16xf32>,
      %get3A_306 = arith.index_cast %scan3A_270 : i32 to index
      %get3A_307 = arith.constant 48 : index
      %get3A_308 = tpu.vector_load %arg20[%get3A_306, %get3A_307] {strides = array<i32>} : memref<80x128xf32, #tpu.memory_space<vmem>>, vector<1x16xf32>,
      %get3A_309 = vector.shape_cast %get3A_308 : vector<1x16xf32> to vector<16xf32>
      %mul3A_310 = vector.broadcast %squeeze3A : f32 to vector<16xf32>
      %mul3A_311 = arith.mulf %get3A_309, %mul3A_310 : vector<16xf32>
      %swap3A_312 = arith.index_cast %scan3A_270 : i32 to index
      %swap3A_313 = arith.constant 48 : index
      %swap3A_314 = tpu.vector_load %arg20[%swap3A_312, %swap3A_313] {strides = array<i32>} : memref<80x128xf32, #tpu.memory_space<vmem>>, vector<1x16xf32>,
      %swap3A_315 = vector.shape_cast %swap3A_314 : vector<1x16xf32> to vector<16xf32>
      %swap3A_316 = vector.shape_cast %mul3A_311 : vector<16xf32> to vector<1x16xf32>
      tpu.vector_store %arg20[%swap3A_312, %swap3A_313], %swap3A_316 {strides = array<i32>} : memref<80x128xf32, #tpu.memory_space<vmem>>, vector<1x16xf32>,
      %get3A_317 = arith.index_cast %scan3A_270 : i32 to index
      %get3A_318 = arith.constant 64 : index
      %get3A_319 = tpu.vector_load %arg20[%get3A_317, %get3A_318] {strides = array<i32>} : memref<80x128xf32, #tpu.memory_space<vmem>>, vector<1x16xf32>,
      %get3A_320 = vector.shape_cast %get3A_319 : vector<1x16xf32> to vector<16xf32>
      %mul3A_321 = vector.broadcast %squeeze3A : f32 to vector<16xf32>
      %mul3A_322 = arith.mulf %get3A_320, %mul3A_321 : vector<16xf32>
      %swap3A_323 = arith.index_cast %scan3A_270 : i32 to index
      %swap3A_324 = arith.constant 64 : index
      %swap3A_325 = tpu.vector_load %arg20[%swap3A_323, %swap3A_324] {strides = array<i32>} : memref<80x128xf32, #tpu.memory_space<vmem>>, vector<1x16xf32>,
      %swap3A_326 = vector.shape_cast %swap3A_325 : vector<1x16xf32> to vector<16xf32>
      %swap3A_327 = vector.shape_cast %mul3A_322 : vector<16xf32> to vector<1x16xf32>
      tpu.vector_store %arg20[%swap3A_323, %swap3A_324], %swap3A_327 {strides = array<i32>} : memref<80x128xf32, #tpu.memory_space<vmem>>, vector<1x16xf32>,
      %get3A_328 = arith.index_cast %scan3A_270 : i32 to index
      %get3A_329 = arith.constant 80 : index
      %get3A_330 = tpu.vector_load %arg20[%get3A_328, %get3A_329] {strides = array<i32>} : memref<80x128xf32, #tpu.memory_space<vmem>>, vector<1x16xf32>,
      %get3A_331 = vector.shape_cast %get3A_330 : vector<1x16xf32> to vector<16xf32>
      %mul3A_332 = vector.broadcast %squeeze3A : f32 to vector<16xf32>
      %mul3A_333 = arith.mulf %get3A_331, %mul3A_332 : vector<16xf32>
      %swap3A_334 = arith.index_cast %scan3A_270 : i32 to index
      %swap3A_335 = arith.constant 80 : index
      %swap3A_336 = tpu.vector_load %arg20[%swap3A_334, %swap3A_335] {strides = array<i32>} : memref<80x128xf32, #tpu.memory_space<vmem>>, vector<1x16xf32>,
      %swap3A_337 = vector.shape_cast %swap3A_336 : vector<1x16xf32> to vector<16xf32>
      %swap3A_338 = vector.shape_cast %mul3A_333 : vector<16xf32> to vector<1x16xf32>
      tpu.vector_store %arg20[%swap3A_334, %swap3A_335], %swap3A_338 {strides = array<i32>} : memref<80x128xf32, #tpu.memory_space<vmem>>, vector<1x16xf32>,
      %get3A_339 = arith.index_cast %scan3A_270 : i32 to index
      %get3A_340 = arith.constant 96 : index
      %get3A_341 = tpu.vector_load %arg20[%get3A_339, %get3A_340] {strides = array<i32>} : memref<80x128xf32, #tpu.memory_space<vmem>>, vector<1x16xf32>,
      %get3A_342 = vector.shape_cast %get3A_341 : vector<1x16xf32> to vector<16xf32>
      %mul3A_343 = vector.broadcast %squeeze3A : f32 to vector<16xf32>
      %mul3A_344 = arith.mulf %get3A_342, %mul3A_343 : vector<16xf32>
      %swap3A_345 = arith.index_cast %scan3A_270 : i32 to index
      %swap3A_346 = arith.constant 96 : index
      %swap3A_347 = tpu.vector_load %arg20[%swap3A_345, %swap3A_346] {strides = array<i32>} : memref<80x128xf32, #tpu.memory_space<vmem>>, vector<1x16xf32>,
      %swap3A_348 = vector.shape_cast %swap3A_347 : vector<1x16xf32> to vector<16xf32>
      %swap3A_349 = vector.shape_cast %mul3A_344 : vector<16xf32> to vector<1x16xf32>
      tpu.vector_store %arg20[%swap3A_345, %swap3A_346], %swap3A_349 {strides = array<i32>} : memref<80x128xf32, #tpu.memory_space<vmem>>, vector<1x16xf32>,
      %get3A_350 = arith.index_cast %scan3A_270 : i32 to index
      %get3A_351 = arith.constant 112 : index
      %get3A_352 = tpu.vector_load %arg20[%get3A_350, %get3A_351] {strides = array<i32>} : memref<80x128xf32, #tpu.memory_space<vmem>>, vector<1x16xf32>,
      %get3A_353 = vector.shape_cast %get3A_352 : vector<1x16xf32> to vector<16xf32>
      %mul3A_354 = vector.broadcast %squeeze3A : f32 to vector<16xf32>
      %mul3A_355 = arith.mulf %get3A_353, %mul3A_354 : vector<16xf32>
      %swap3A_356 = arith.index_cast %scan3A_270 : i32 to index
      %swap3A_357 = arith.constant 112 : index
      %swap3A_358 = tpu.vector_load %arg20[%swap3A_356, %swap3A_357] {strides = array<i32>} : memref<80x128xf32, #tpu.memory_space<vmem>>, vector<1x16xf32>,
      %swap3A_359 = vector.shape_cast %swap3A_358 : vector<1x16xf32> to vector<16xf32>
      %swap3A_360 = vector.shape_cast %mul3A_355 : vector<16xf32> to vector<1x16xf32>
      tpu.vector_store %arg20[%swap3A_356, %swap3A_357], %swap3A_360 {strides = array<i32>} : memref<80x128xf32, #tpu.memory_space<vmem>>, vector<1x16xf32>,
      %get3A_361 = arith.index_cast %scan3A_270 : i32 to index
      %get3A_362 = tpu.vector_load %arg16[%get3A_361] {strides = array<i32>} : memref<96xf32, #tpu.memory_space<vmem>>, vector<16xf32>,
      %get3A_363 = vector.shape_cast %get3A_362 : vector<16xf32> to vector<16xf32>
      %slice3A_364 = vector.extract_strided_slice %get3A_363 {offsets = [0], sizes = [1], strides = [1]} : vector<16xf32> to vector<1xf32>
      %squeeze3A_365 = vector.extract %slice3A_364[0] : f32 from vector<1xf32>
      %get3A_366 = arith.index_cast %scan3A_270 : i32 to index
      %get3A_367 = tpu.vector_load %arg18[%get3A_366] {strides = array<i32>} : memref<96xf32, #tpu.memory_space<vmem>>, vector<16xf32>,
      %get3A_368 = vector.shape_cast %get3A_367 : vector<16xf32> to vector<16xf32>
      %slice3A_369 = vector.extract_strided_slice %get3A_368 {offsets = [0], sizes = [1], strides = [1]} : vector<16xf32> to vector<1xf32>
      %squeeze3A_370 = vector.extract %slice3A_369[0] : f32 from vector<1xf32>
      %mul3A_371 = vector.broadcast %squeeze3A_365 : f32 to vector<16xf32>
      %mul3A_372 = arith.mulf %select_n3A_12, %mul3A_371 : vector<16xf32>
      %add3A_373 = arith.addf %select_n3A, %mul3A_372 : vector<16xf32>
      %mul3A_374 = vector.broadcast %squeeze3A_370 : f32 to vector<16xf32>
      %mul3A_375 = arith.mulf %select_n3A_20, %mul3A_374 : vector<16xf32>
      %add3A_376 = arith.addf %add3A_373, %mul3A_375 : vector<16xf32>
      %mul3A_377 = vector.broadcast %squeeze3A : f32 to vector<16xf32>
      %mul3A_378 = arith.mulf %add3A_376, %mul3A_377 : vector<16xf32>
      %add3A_379 = arith.addf %mul3A_378, %select_n3A_28 : vector<16xf32>
      %swap3A_380 = arith.index_cast %scan3A_270 : i32 to index
      %swap3A_381 = arith.constant 0 : index
      %swap3A_382 = tpu.vector_load %arg23[%swap3A_380, %swap3A_381] {strides = array<i32>} : memref<80x16xf32, #tpu.memory_space<vmem>>, vector<1x16xf32>,
      %swap3A_383 = vector.shape_cast %swap3A_382 : vector<1x16xf32> to vector<16xf32>
      %swap3A_384 = vector.shape_cast %add3A_379 : vector<16xf32> to vector<1x16xf32>
      tpu.vector_store %arg23[%swap3A_380, %swap3A_381], %swap3A_384 {strides = array<i32>} : memref<80x16xf32, #tpu.memory_space<vmem>>, vector<1x16xf32>,
    }
    %scan3A_206 = arith.constant 80 : i32
    "tpu.region"() ({
      %run_scoped3A = tpu.sem_alloc : memref<!tpu.dma_semaphore, #tpu.memory_space<semaphore_mem>>
      %dma_start3A_270 = arith.constant 0 : i32
      %dma_start3A_271 = arith.constant 0 : i32
      %dma_start3A_272 = tpu.memref_slice %arg24[%dma_start3A_270, %dma_start3A_271] : memref<10240x128xf32, #tpu.memory_space<vmem_shared>> -> memref<10240x128xf32, #tpu.memory_space<vmem_shared>>
      tpu.enqueue_indirect_dma source(%arg20 : memref<80x128xf32, #tpu.memory_space<vmem>>) target(%dma_start3A_272 : memref<10240x128xf32, #tpu.memory_space<vmem_shared>>) offsets(%arg12 : memref<80xi32, #tpu.memory_space<vmem>>) semaphore(%run_scoped3A : memref<!tpu.dma_semaphore, #tpu.memory_space<semaphore_mem>>) {add = true}
      %dma_wait3A_273 = arith.constant 0 : i32
      %dma_wait3A_274 = arith.constant 0 : i32
      %dma_wait3A_275 = tpu.memref_slice %arg24[%dma_wait3A_273, %dma_wait3A_274] : memref<10240x128xf32, #tpu.memory_space<vmem_shared>> -> memref<10240x128xf32, #tpu.memory_space<vmem_shared>>
      tpu.wait_indirect_dma semaphore(%run_scoped3A : memref<!tpu.dma_semaphore, #tpu.memory_space<semaphore_mem>>) src(%arg20 : memref<80x128xf32, #tpu.memory_space<vmem>>) dst(%dma_wait3A_275 : memref<10240x128xf32, #tpu.memory_space<vmem_shared>>)
      tpu.yield
    }) : () -> ()
    "tpu.region"() ({
      %run_scoped3A = tpu.sem_alloc : memref<!tpu.dma_semaphore, #tpu.memory_space<semaphore_mem>>
      %dma_start3A_270 = arith.constant 0 : i32
      %dma_start3A_271 = arith.constant 0 : i32
      %dma_start3A_272 = tpu.memref_slice %arg25[%dma_start3A_270, %dma_start3A_271] : memref<10240x16xf32, #tpu.memory_space<vmem_shared>> -> memref<10240x16xf32, #tpu.memory_space<vmem_shared>>
      tpu.enqueue_indirect_dma source(%arg23 : memref<80x16xf32, #tpu.memory_space<vmem>>) target(%dma_start3A_272 : memref<10240x16xf32, #tpu.memory_space<vmem_shared>>) offsets(%arg12 : memref<80xi32, #tpu.memory_space<vmem>>) semaphore(%run_scoped3A : memref<!tpu.dma_semaphore, #tpu.memory_space<semaphore_mem>>) {add = true}
      %dma_wait3A_273 = arith.constant 0 : i32
      %dma_wait3A_274 = arith.constant 0 : i32
      %dma_wait3A_275 = tpu.memref_slice %arg25[%dma_wait3A_273, %dma_wait3A_274] : memref<10240x16xf32, #tpu.memory_space<vmem_shared>> -> memref<10240x16xf32, #tpu.memory_space<vmem_shared>>
      tpu.wait_indirect_dma semaphore(%run_scoped3A : memref<!tpu.dma_semaphore, #tpu.memory_space<semaphore_mem>>) src(%arg23 : memref<80x16xf32, #tpu.memory_space<vmem>>) dst(%dma_wait3A_275 : memref<10240x16xf32, #tpu.memory_space<vmem_shared>>)
      tpu.yield
    }) : () -> ()
    %barrier3A_207 = arith.constant 0 : index
    tpu.barrier barrier_id(%barrier3A_207)
    %mul3A_208 = arith.constant 640 : i32
    %mul3A_209 = arith.muli %arg1, %mul3A_208 : i32
    %add3A_210 = arith.constant 0 : i32
    %add3A_211 = arith.addi %mul3A_209, %add3A_210 : i32
    %mul3A_212 = arith.constant 10240 : i32
    %mul3A_213 = arith.muli %arg0, %mul3A_212 : i32
    %mul3A_214 = arith.constant 640 : i32
    %mul3A_215 = arith.muli %arg1, %mul3A_214 : i32
    %add3A_216 = arith.addi %mul3A_213, %mul3A_215 : i32
    %add3A_217 = arith.constant 0 : i32
    %add3A_218 = arith.addi %add3A_216, %add3A_217 : i32
    "tpu.region"() ({
      %run_scoped3A = tpu.sem_alloc : memref<!tpu.dma_semaphore, #tpu.memory_space<semaphore_mem>>
      %dma_start3A_270 = arith.constant 0 : i32
      %dma_start3A_271 = tpu.memref_slice %arg8[%add3A_218, %dma_start3A_270] : memref<20480x128xf32, #tpu.memory_space<hbm>> -> memref<128x128xf32, #tpu.memory_space<hbm>>
      %dma_start3A_272 = arith.constant 0 : i32
      %dma_start3A_273 = tpu.memref_slice %arg24[%add3A_211, %dma_start3A_272] : memref<10240x128xf32, #tpu.memory_space<vmem_shared>> -> memref<128x128xf32, #tpu.memory_space<vmem_shared>>
      tpu.enqueue_dma source(%dma_start3A_273 : memref<128x128xf32, #tpu.memory_space<vmem_shared>>) target(%dma_start3A_271 : memref<128x128xf32, #tpu.memory_space<hbm>>) target_semaphore(%run_scoped3A : memref<!tpu.dma_semaphore, #tpu.memory_space<semaphore_mem>>)
      %dma_wait3A_274 = arith.constant 0 : i32
      %dma_wait3A_275 = tpu.memref_slice %arg8[%add3A_218, %dma_wait3A_274] : memref<20480x128xf32, #tpu.memory_space<hbm>> -> memref<128x128xf32, #tpu.memory_space<hbm>>
      %dma_wait3A_276 = arith.constant 0 : i32
      %dma_wait3A_277 = tpu.memref_slice %arg24[%add3A_211, %dma_wait3A_276] : memref<10240x128xf32, #tpu.memory_space<vmem_shared>> -> memref<128x128xf32, #tpu.memory_space<vmem_shared>>
      tpu.wait_dma2 semaphore(%run_scoped3A : memref<!tpu.dma_semaphore, #tpu.memory_space<semaphore_mem>>) src(%dma_wait3A_277 : memref<128x128xf32, #tpu.memory_space<vmem_shared>>) dst(%dma_wait3A_275 : memref<128x128xf32, #tpu.memory_space<hbm>>)
      tpu.yield
    }) : () -> ()
    %mul3A_219 = arith.constant 640 : i32
    %mul3A_220 = arith.muli %arg1, %mul3A_219 : i32
    %add3A_221 = arith.constant 128 : i32
    %add3A_222 = arith.addi %mul3A_220, %add3A_221 : i32
    %mul3A_223 = arith.constant 10240 : i32
    %mul3A_224 = arith.muli %arg0, %mul3A_223 : i32
    %mul3A_225 = arith.constant 640 : i32
    %mul3A_226 = arith.muli %arg1, %mul3A_225 : i32
    %add3A_227 = arith.addi %mul3A_224, %mul3A_226 : i32
    %add3A_228 = arith.constant 128 : i32
    %add3A_229 = arith.addi %add3A_227, %add3A_228 : i32
    "tpu.region"() ({
      %run_scoped3A = tpu.sem_alloc : memref<!tpu.dma_semaphore, #tpu.memory_space<semaphore_mem>>
      %dma_start3A_270 = arith.constant 0 : i32
      %dma_start3A_271 = tpu.memref_slice %arg8[%add3A_229, %dma_start3A_270] : memref<20480x128xf32, #tpu.memory_space<hbm>> -> memref<128x128xf32, #tpu.memory_space<hbm>>
      %dma_start3A_272 = arith.constant 0 : i32
      %dma_start3A_273 = tpu.memref_slice %arg24[%add3A_222, %dma_start3A_272] : memref<10240x128xf32, #tpu.memory_space<vmem_shared>> -> memref<128x128xf32, #tpu.memory_space<vmem_shared>>
      tpu.enqueue_dma source(%dma_start3A_273 : memref<128x128xf32, #tpu.memory_space<vmem_shared>>) target(%dma_start3A_271 : memref<128x128xf32, #tpu.memory_space<hbm>>) target_semaphore(%run_scoped3A : memref<!tpu.dma_semaphore, #tpu.memory_space<semaphore_mem>>)
      %dma_wait3A_274 = arith.constant 0 : i32
      %dma_wait3A_275 = tpu.memref_slice %arg8[%add3A_229, %dma_wait3A_274] : memref<20480x128xf32, #tpu.memory_space<hbm>> -> memref<128x128xf32, #tpu.memory_space<hbm>>
      %dma_wait3A_276 = arith.constant 0 : i32
      %dma_wait3A_277 = tpu.memref_slice %arg24[%add3A_222, %dma_wait3A_276] : memref<10240x128xf32, #tpu.memory_space<vmem_shared>> -> memref<128x128xf32, #tpu.memory_space<vmem_shared>>
      tpu.wait_dma2 semaphore(%run_scoped3A : memref<!tpu.dma_semaphore, #tpu.memory_space<semaphore_mem>>) src(%dma_wait3A_277 : memref<128x128xf32, #tpu.memory_space<vmem_shared>>) dst(%dma_wait3A_275 : memref<128x128xf32, #tpu.memory_space<hbm>>)
      tpu.yield
    }) : () -> ()
    %mul3A_230 = arith.constant 640 : i32
    %mul3A_231 = arith.muli %arg1, %mul3A_230 : i32
    %add3A_232 = arith.constant 256 : i32
    %add3A_233 = arith.addi %mul3A_231, %add3A_232 : i32
    %mul3A_234 = arith.constant 10240 : i32
    %mul3A_235 = arith.muli %arg0, %mul3A_234 : i32
    %mul3A_236 = arith.constant 640 : i32
    %mul3A_237 = arith.muli %arg1, %mul3A_236 : i32
    %add3A_238 = arith.addi %mul3A_235, %mul3A_237 : i32
    %add3A_239 = arith.constant 256 : i32
    %add3A_240 = arith.addi %add3A_238, %add3A_239 : i32
    "tpu.region"() ({
      %run_scoped3A = tpu.sem_alloc : memref<!tpu.dma_semaphore, #tpu.memory_space<semaphore_mem>>
      %dma_start3A_270 = arith.constant 0 : i32
      %dma_start3A_271 = tpu.memref_slice %arg8[%add3A_240, %dma_start3A_270] : memref<20480x128xf32, #tpu.memory_space<hbm>> -> memref<128x128xf32, #tpu.memory_space<hbm>>
      %dma_start3A_272 = arith.constant 0 : i32
      %dma_start3A_273 = tpu.memref_slice %arg24[%add3A_233, %dma_start3A_272] : memref<10240x128xf32, #tpu.memory_space<vmem_shared>> -> memref<128x128xf32, #tpu.memory_space<vmem_shared>>
      tpu.enqueue_dma source(%dma_start3A_273 : memref<128x128xf32, #tpu.memory_space<vmem_shared>>) target(%dma_start3A_271 : memref<128x128xf32, #tpu.memory_space<hbm>>) target_semaphore(%run_scoped3A : memref<!tpu.dma_semaphore, #tpu.memory_space<semaphore_mem>>)
      %dma_wait3A_274 = arith.constant 0 : i32
      %dma_wait3A_275 = tpu.memref_slice %arg8[%add3A_240, %dma_wait3A_274] : memref<20480x128xf32, #tpu.memory_space<hbm>> -> memref<128x128xf32, #tpu.memory_space<hbm>>
      %dma_wait3A_276 = arith.constant 0 : i32
      %dma_wait3A_277 = tpu.memref_slice %arg24[%add3A_233, %dma_wait3A_276] : memref<10240x128xf32, #tpu.memory_space<vmem_shared>> -> memref<128x128xf32, #tpu.memory_space<vmem_shared>>
      tpu.wait_dma2 semaphore(%run_scoped3A : memref<!tpu.dma_semaphore, #tpu.memory_space<semaphore_mem>>) src(%dma_wait3A_277 : memref<128x128xf32, #tpu.memory_space<vmem_shared>>) dst(%dma_wait3A_275 : memref<128x128xf32, #tpu.memory_space<hbm>>)
      tpu.yield
    }) : () -> ()
    %mul3A_241 = arith.constant 640 : i32
    %mul3A_242 = arith.muli %arg1, %mul3A_241 : i32
    %add3A_243 = arith.constant 384 : i32
    %add3A_244 = arith.addi %mul3A_242, %add3A_243 : i32
    %mul3A_245 = arith.constant 10240 : i32
    %mul3A_246 = arith.muli %arg0, %mul3A_245 : i32
    %mul3A_247 = arith.constant 640 : i32
    %mul3A_248 = arith.muli %arg1, %mul3A_247 : i32
    %add3A_249 = arith.addi %mul3A_246, %mul3A_248 : i32
    %add3A_250 = arith.constant 384 : i32
    %add3A_251 = arith.addi %add3A_249, %add3A_250 : i32
    "tpu.region"() ({
      %run_scoped3A = tpu.sem_alloc : memref<!tpu.dma_semaphore, #tpu.memory_space<semaphore_mem>>
      %dma_start3A_270 = arith.constant 0 : i32
      %dma_start3A_271 = tpu.memref_slice %arg8[%add3A_251, %dma_start3A_270] : memref<20480x128xf32, #tpu.memory_space<hbm>> -> memref<128x128xf32, #tpu.memory_space<hbm>>
      %dma_start3A_272 = arith.constant 0 : i32
      %dma_start3A_273 = tpu.memref_slice %arg24[%add3A_244, %dma_start3A_272] : memref<10240x128xf32, #tpu.memory_space<vmem_shared>> -> memref<128x128xf32, #tpu.memory_space<vmem_shared>>
      tpu.enqueue_dma source(%dma_start3A_273 : memref<128x128xf32, #tpu.memory_space<vmem_shared>>) target(%dma_start3A_271 : memref<128x128xf32, #tpu.memory_space<hbm>>) target_semaphore(%run_scoped3A : memref<!tpu.dma_semaphore, #tpu.memory_space<semaphore_mem>>)
      %dma_wait3A_274 = arith.constant 0 : i32
      %dma_wait3A_275 = tpu.memref_slice %arg8[%add3A_251, %dma_wait3A_274] : memref<20480x128xf32, #tpu.memory_space<hbm>> -> memref<128x128xf32, #tpu.memory_space<hbm>>
      %dma_wait3A_276 = arith.constant 0 : i32
      %dma_wait3A_277 = tpu.memref_slice %arg24[%add3A_244, %dma_wait3A_276] : memref<10240x128xf32, #tpu.memory_space<vmem_shared>> -> memref<128x128xf32, #tpu.memory_space<vmem_shared>>
      tpu.wait_dma2 semaphore(%run_scoped3A : memref<!tpu.dma_semaphore, #tpu.memory_space<semaphore_mem>>) src(%dma_wait3A_277 : memref<128x128xf32, #tpu.memory_space<vmem_shared>>) dst(%dma_wait3A_275 : memref<128x128xf32, #tpu.memory_space<hbm>>)
      tpu.yield
    }) : () -> ()
    %mul3A_252 = arith.constant 640 : i32
    %mul3A_253 = arith.muli %arg1, %mul3A_252 : i32
    %add3A_254 = arith.constant 512 : i32
    %add3A_255 = arith.addi %mul3A_253, %add3A_254 : i32
    %mul3A_256 = arith.constant 10240 : i32
    %mul3A_257 = arith.muli %arg0, %mul3A_256 : i32
    %mul3A_258 = arith.constant 640 : i32
    %mul3A_259 = arith.muli %arg1, %mul3A_258 : i32
    %add3A_260 = arith.addi %mul3A_257, %mul3A_259 : i32
    %add3A_261 = arith.constant 512 : i32
    %add3A_262 = arith.addi %add3A_260, %add3A_261 : i32
    "tpu.region"() ({
      %run_scoped3A = tpu.sem_alloc : memref<!tpu.dma_semaphore, #tpu.memory_space<semaphore_mem>>
      %dma_start3A_270 = arith.constant 0 : i32
      %dma_start3A_271 = tpu.memref_slice %arg8[%add3A_262, %dma_start3A_270] : memref<20480x128xf32, #tpu.memory_space<hbm>> -> memref<128x128xf32, #tpu.memory_space<hbm>>
      %dma_start3A_272 = arith.constant 0 : i32
      %dma_start3A_273 = tpu.memref_slice %arg24[%add3A_255, %dma_start3A_272] : memref<10240x128xf32, #tpu.memory_space<vmem_shared>> -> memref<128x128xf32, #tpu.memory_space<vmem_shared>>
      tpu.enqueue_dma source(%dma_start3A_273 : memref<128x128xf32, #tpu.memory_space<vmem_shared>>) target(%dma_start3A_271 : memref<128x128xf32, #tpu.memory_space<hbm>>) target_semaphore(%run_scoped3A : memref<!tpu.dma_semaphore, #tpu.memory_space<semaphore_mem>>)
      %dma_wait3A_274 = arith.constant 0 : i32
      %dma_wait3A_275 = tpu.memref_slice %arg8[%add3A_262, %dma_wait3A_274] : memref<20480x128xf32, #tpu.memory_space<hbm>> -> memref<128x128xf32, #tpu.memory_space<hbm>>
      %dma_wait3A_276 = arith.constant 0 : i32
      %dma_wait3A_277 = tpu.memref_slice %arg24[%add3A_255, %dma_wait3A_276] : memref<10240x128xf32, #tpu.memory_space<vmem_shared>> -> memref<128x128xf32, #tpu.memory_space<vmem_shared>>
      tpu.wait_dma2 semaphore(%run_scoped3A : memref<!tpu.dma_semaphore, #tpu.memory_space<semaphore_mem>>) src(%dma_wait3A_277 : memref<128x128xf32, #tpu.memory_space<vmem_shared>>) dst(%dma_wait3A_275 : memref<128x128xf32, #tpu.memory_space<hbm>>)
      tpu.yield
    }) : () -> ()
    %mul3A_263 = arith.constant 640 : i32
    %mul3A_264 = arith.muli %arg1, %mul3A_263 : i32
    %mul3A_265 = arith.constant 10240 : i32
    %mul3A_266 = arith.muli %arg0, %mul3A_265 : i32
    %mul3A_267 = arith.constant 640 : i32
    %mul3A_268 = arith.muli %arg1, %mul3A_267 : i32
    %add3A_269 = arith.addi %mul3A_266, %mul3A_268 : i32
    "tpu.region"() ({
      %run_scoped3A = tpu.sem_alloc : memref<!tpu.dma_semaphore, #tpu.memory_space<semaphore_mem>>
      %dma_start3A_270 = arith.constant 0 : i32
      %dma_start3A_271 = tpu.memref_slice %arg9[%add3A_269, %dma_start3A_270] : memref<20480x16xf32, #tpu.memory_space<hbm>> -> memref<640x16xf32, #tpu.memory_space<hbm>>
      %dma_start3A_272 = arith.constant 0 : i32
      %dma_start3A_273 = tpu.memref_slice %arg25[%mul3A_264, %dma_start3A_272] : memref<10240x16xf32, #tpu.memory_space<vmem_shared>> -> memref<640x16xf32, #tpu.memory_space<vmem_shared>>
      tpu.enqueue_dma source(%dma_start3A_273 : memref<640x16xf32, #tpu.memory_space<vmem_shared>>) target(%dma_start3A_271 : memref<640x16xf32, #tpu.memory_space<hbm>>) target_semaphore(%run_scoped3A : memref<!tpu.dma_semaphore, #tpu.memory_space<semaphore_mem>>)
      %dma_wait3A_274 = arith.constant 0 : i32
      %dma_wait3A_275 = tpu.memref_slice %arg9[%add3A_269, %dma_wait3A_274] : memref<20480x16xf32, #tpu.memory_space<hbm>> -> memref<640x16xf32, #tpu.memory_space<hbm>>
      %dma_wait3A_276 = arith.constant 0 : i32
      %dma_wait3A_277 = tpu.memref_slice %arg25[%mul3A_264, %dma_wait3A_276] : memref<10240x16xf32, #tpu.memory_space<vmem_shared>> -> memref<640x16xf32, #tpu.memory_space<vmem_shared>>
      tpu.wait_dma2 semaphore(%run_scoped3A : memref<!tpu.dma_semaphore, #tpu.memory_space<semaphore_mem>>) src(%dma_wait3A_277 : memref<640x16xf32, #tpu.memory_space<vmem_shared>>) dst(%dma_wait3A_275 : memref<640x16xf32, #tpu.memory_space<hbm>>)
      tpu.yield
    }) : () -> ()
    return
  }
}

#map = affine_map<(d0, d1) -> (0, 0)>
#map1 = affine_map<(d0, d1) -> (0)>
module attributes {stable_mosaic.version = 14 : i64} {
  func.func @_sc_spmm(%arg0: i32, %arg1: i32, %arg2: memref<10000x128xf32, #tpu.memory_space<hbm>>, %arg3: memref<320000xi32, #tpu.memory_space<hbm>>, %arg4: memref<320000xi32, #tpu.memory_space<hbm>>, %arg5: memref<320000xf32, #tpu.memory_space<hbm>>, %arg6: memref<20480x128xf32, #tpu.memory_space<hbm>>, %arg7: memref<80xi32, #tpu.memory_space<vmem>>, %arg8: memref<80xi32, #tpu.memory_space<vmem>>, %arg9: memref<80xi32, #tpu.memory_space<vmem>>, %arg10: memref<80xi32, #tpu.memory_space<vmem>>, %arg11: memref<96xf32, #tpu.memory_space<vmem>>, %arg12: memref<96xf32, #tpu.memory_space<vmem>>, %arg13: memref<80x128xf32, #tpu.memory_space<vmem>>, %arg14: memref<80x128xf32, #tpu.memory_space<vmem>>, %arg15: memref<128x128xf32, #tpu.memory_space<vmem>>, %arg16: memref<10240x128xf32, #tpu.memory_space<vmem_shared>>, %arg17: memref<!tpu.dma_semaphore, #tpu.memory_space<semaphore_mem>>, %arg18: memref<!tpu.dma_semaphore, #tpu.memory_space<semaphore_mem>>) attributes {dimension_semantics = [#tpu.dimension_semantics<core_parallel>, #tpu.dimension_semantics<subcore_parallel>], iteration_bounds = array<i64: 2, 16>, scalar_prefetch = 0 : i64, scratch_operands = 12 : i64, tpu.core_type = #tpu.core_type<sc_vector_subcore>, window_params = [{transform_indices = #map}, {transform_indices = #map1}, {transform_indices = #map1}, {transform_indices = #map1}, {transform_indices = #map}]} {
    %mul3A = arith.constant 16 : i32
    %mul3A_0 = arith.muli %arg0, %mul3A : i32
    %add3A = arith.addi %mul3A_0, %arg1 : i32
    %scan3A = arith.constant 0 : i32
    %scan3A_1 = arith.constant 0 : i32
    %scan3A_2 = arith.constant 128 : i32
    %scan3A_3 = arith.addi %scan3A_1, %scan3A_2 : i32
    %scan3A_4 = arith.constant 1 : i32
    scf.for %scan3A_112 = %scan3A_1 to %scan3A_3 step %scan3A_4  : i32 {
      %broadcast_in_dim3A_113 = arith.constant 0.000000e+00 : f32
      %broadcast_in_dim3A_114 = vector.broadcast %broadcast_in_dim3A_113 : f32 to vector<16xf32>
      %swap3A_115 = arith.index_cast %scan3A_112 : i32 to index
      %swap3A_116 = arith.constant 0 : index
      %swap3A_117 = tpu.vector_load %arg15[%swap3A_115, %swap3A_116] {strides = array<i32>} : memref<128x128xf32, #tpu.memory_space<vmem>>, vector<1x16xf32>,
      %swap3A_118 = vector.shape_cast %swap3A_117 : vector<1x16xf32> to vector<16xf32>
      %swap3A_119 = vector.shape_cast %broadcast_in_dim3A_114 : vector<16xf32> to vector<1x16xf32>
      tpu.vector_store %arg15[%swap3A_115, %swap3A_116], %swap3A_119 {strides = array<i32>} : memref<128x128xf32, #tpu.memory_space<vmem>>, vector<1x16xf32>,
      %broadcast_in_dim3A_120 = arith.constant 0.000000e+00 : f32
      %broadcast_in_dim3A_121 = vector.broadcast %broadcast_in_dim3A_120 : f32 to vector<16xf32>
      %swap3A_122 = arith.index_cast %scan3A_112 : i32 to index
      %swap3A_123 = arith.constant 16 : index
      %swap3A_124 = tpu.vector_load %arg15[%swap3A_122, %swap3A_123] {strides = array<i32>} : memref<128x128xf32, #tpu.memory_space<vmem>>, vector<1x16xf32>,
      %swap3A_125 = vector.shape_cast %swap3A_124 : vector<1x16xf32> to vector<16xf32>
      %swap3A_126 = vector.shape_cast %broadcast_in_dim3A_121 : vector<16xf32> to vector<1x16xf32>
      tpu.vector_store %arg15[%swap3A_122, %swap3A_123], %swap3A_126 {strides = array<i32>} : memref<128x128xf32, #tpu.memory_space<vmem>>, vector<1x16xf32>,
      %broadcast_in_dim3A_127 = arith.constant 0.000000e+00 : f32
      %broadcast_in_dim3A_128 = vector.broadcast %broadcast_in_dim3A_127 : f32 to vector<16xf32>
      %swap3A_129 = arith.index_cast %scan3A_112 : i32 to index
      %swap3A_130 = arith.constant 32 : index
      %swap3A_131 = tpu.vector_load %arg15[%swap3A_129, %swap3A_130] {strides = array<i32>} : memref<128x128xf32, #tpu.memory_space<vmem>>, vector<1x16xf32>,
      %swap3A_132 = vector.shape_cast %swap3A_131 : vector<1x16xf32> to vector<16xf32>
      %swap3A_133 = vector.shape_cast %broadcast_in_dim3A_128 : vector<16xf32> to vector<1x16xf32>
      tpu.vector_store %arg15[%swap3A_129, %swap3A_130], %swap3A_133 {strides = array<i32>} : memref<128x128xf32, #tpu.memory_space<vmem>>, vector<1x16xf32>,
      %broadcast_in_dim3A_134 = arith.constant 0.000000e+00 : f32
      %broadcast_in_dim3A_135 = vector.broadcast %broadcast_in_dim3A_134 : f32 to vector<16xf32>
      %swap3A_136 = arith.index_cast %scan3A_112 : i32 to index
      %swap3A_137 = arith.constant 48 : index
      %swap3A_138 = tpu.vector_load %arg15[%swap3A_136, %swap3A_137] {strides = array<i32>} : memref<128x128xf32, #tpu.memory_space<vmem>>, vector<1x16xf32>,
      %swap3A_139 = vector.shape_cast %swap3A_138 : vector<1x16xf32> to vector<16xf32>
      %swap3A_140 = vector.shape_cast %broadcast_in_dim3A_135 : vector<16xf32> to vector<1x16xf32>
      tpu.vector_store %arg15[%swap3A_136, %swap3A_137], %swap3A_140 {strides = array<i32>} : memref<128x128xf32, #tpu.memory_space<vmem>>, vector<1x16xf32>,
      %broadcast_in_dim3A_141 = arith.constant 0.000000e+00 : f32
      %broadcast_in_dim3A_142 = vector.broadcast %broadcast_in_dim3A_141 : f32 to vector<16xf32>
      %swap3A_143 = arith.index_cast %scan3A_112 : i32 to index
      %swap3A_144 = arith.constant 64 : index
      %swap3A_145 = tpu.vector_load %arg15[%swap3A_143, %swap3A_144] {strides = array<i32>} : memref<128x128xf32, #tpu.memory_space<vmem>>, vector<1x16xf32>,
      %swap3A_146 = vector.shape_cast %swap3A_145 : vector<1x16xf32> to vector<16xf32>
      %swap3A_147 = vector.shape_cast %broadcast_in_dim3A_142 : vector<16xf32> to vector<1x16xf32>
      tpu.vector_store %arg15[%swap3A_143, %swap3A_144], %swap3A_147 {strides = array<i32>} : memref<128x128xf32, #tpu.memory_space<vmem>>, vector<1x16xf32>,
      %broadcast_in_dim3A_148 = arith.constant 0.000000e+00 : f32
      %broadcast_in_dim3A_149 = vector.broadcast %broadcast_in_dim3A_148 : f32 to vector<16xf32>
      %swap3A_150 = arith.index_cast %scan3A_112 : i32 to index
      %swap3A_151 = arith.constant 80 : index
      %swap3A_152 = tpu.vector_load %arg15[%swap3A_150, %swap3A_151] {strides = array<i32>} : memref<128x128xf32, #tpu.memory_space<vmem>>, vector<1x16xf32>,
      %swap3A_153 = vector.shape_cast %swap3A_152 : vector<1x16xf32> to vector<16xf32>
      %swap3A_154 = vector.shape_cast %broadcast_in_dim3A_149 : vector<16xf32> to vector<1x16xf32>
      tpu.vector_store %arg15[%swap3A_150, %swap3A_151], %swap3A_154 {strides = array<i32>} : memref<128x128xf32, #tpu.memory_space<vmem>>, vector<1x16xf32>,
      %broadcast_in_dim3A_155 = arith.constant 0.000000e+00 : f32
      %broadcast_in_dim3A_156 = vector.broadcast %broadcast_in_dim3A_155 : f32 to vector<16xf32>
      %swap3A_157 = arith.index_cast %scan3A_112 : i32 to index
      %swap3A_158 = arith.constant 96 : index
      %swap3A_159 = tpu.vector_load %arg15[%swap3A_157, %swap3A_158] {strides = array<i32>} : memref<128x128xf32, #tpu.memory_space<vmem>>, vector<1x16xf32>,
      %swap3A_160 = vector.shape_cast %swap3A_159 : vector<1x16xf32> to vector<16xf32>
      %swap3A_161 = vector.shape_cast %broadcast_in_dim3A_156 : vector<16xf32> to vector<1x16xf32>
      tpu.vector_store %arg15[%swap3A_157, %swap3A_158], %swap3A_161 {strides = array<i32>} : memref<128x128xf32, #tpu.memory_space<vmem>>, vector<1x16xf32>,
      %broadcast_in_dim3A_162 = arith.constant 0.000000e+00 : f32
      %broadcast_in_dim3A_163 = vector.broadcast %broadcast_in_dim3A_162 : f32 to vector<16xf32>
      %swap3A_164 = arith.index_cast %scan3A_112 : i32 to index
      %swap3A_165 = arith.constant 112 : index
      %swap3A_166 = tpu.vector_load %arg15[%swap3A_164, %swap3A_165] {strides = array<i32>} : memref<128x128xf32, #tpu.memory_space<vmem>>, vector<1x16xf32>,
      %swap3A_167 = vector.shape_cast %swap3A_166 : vector<1x16xf32> to vector<16xf32>
      %swap3A_168 = vector.shape_cast %broadcast_in_dim3A_163 : vector<16xf32> to vector<1x16xf32>
      tpu.vector_store %arg15[%swap3A_164, %swap3A_165], %swap3A_168 {strides = array<i32>} : memref<128x128xf32, #tpu.memory_space<vmem>>, vector<1x16xf32>,
    }
    %scan3A_5 = arith.constant 128 : i32
    %mul3A_6 = arith.constant 640 : i32
    %mul3A_7 = arith.muli %arg1, %mul3A_6 : i32
    %add3A_8 = arith.constant 0 : i32
    %add3A_9 = arith.addi %mul3A_7, %add3A_8 : i32
    "tpu.region"() ({
      %run_scoped3A = tpu.sem_alloc : memref<!tpu.dma_semaphore, #tpu.memory_space<semaphore_mem>>
      %dma_start3A_112 = arith.constant 0 : i32
      %dma_start3A_113 = tpu.memref_slice %arg16[%add3A_9, %dma_start3A_112] : memref<10240x128xf32, #tpu.memory_space<vmem_shared>> -> memref<128x128xf32, #tpu.memory_space<vmem_shared>>
      %dma_start3A_114 = arith.constant 0 : i32
      %dma_start3A_115 = tpu.memref_slice %arg16[%add3A_9, %dma_start3A_114] : memref<10240x128xf32, #tpu.memory_space<vmem_shared>> -> memref<128x128xf32, #tpu.memory_space<vmem_shared>>
      tpu.enqueue_dma source(%arg15 : memref<128x128xf32, #tpu.memory_space<vmem>>) target(%dma_start3A_115 : memref<128x128xf32, #tpu.memory_space<vmem_shared>>) target_semaphore(%run_scoped3A : memref<!tpu.dma_semaphore, #tpu.memory_space<semaphore_mem>>)
      %dma_wait3A_116 = arith.constant 0 : i32
      %dma_wait3A_117 = tpu.memref_slice %arg16[%add3A_9, %dma_wait3A_116] : memref<10240x128xf32, #tpu.memory_space<vmem_shared>> -> memref<128x128xf32, #tpu.memory_space<vmem_shared>>
      %dma_wait3A_118 = arith.constant 0 : i32
      %dma_wait3A_119 = tpu.memref_slice %arg16[%add3A_9, %dma_wait3A_118] : memref<10240x128xf32, #tpu.memory_space<vmem_shared>> -> memref<128x128xf32, #tpu.memory_space<vmem_shared>>
      tpu.wait_dma2 semaphore(%run_scoped3A : memref<!tpu.dma_semaphore, #tpu.memory_space<semaphore_mem>>) src(%arg15 : memref<128x128xf32, #tpu.memory_space<vmem>>) dst(%dma_wait3A_119 : memref<128x128xf32, #tpu.memory_space<vmem_shared>>)
      tpu.yield
    }) : () -> ()
    %mul3A_10 = arith.constant 640 : i32
    %mul3A_11 = arith.muli %arg1, %mul3A_10 : i32
    %add3A_12 = arith.constant 128 : i32
    %add3A_13 = arith.addi %mul3A_11, %add3A_12 : i32
    "tpu.region"() ({
      %run_scoped3A = tpu.sem_alloc : memref<!tpu.dma_semaphore, #tpu.memory_space<semaphore_mem>>
      %dma_start3A_112 = arith.constant 0 : i32
      %dma_start3A_113 = tpu.memref_slice %arg16[%add3A_13, %dma_start3A_112] : memref<10240x128xf32, #tpu.memory_space<vmem_shared>> -> memref<128x128xf32, #tpu.memory_space<vmem_shared>>
      %dma_start3A_114 = arith.constant 0 : i32
      %dma_start3A_115 = tpu.memref_slice %arg16[%add3A_13, %dma_start3A_114] : memref<10240x128xf32, #tpu.memory_space<vmem_shared>> -> memref<128x128xf32, #tpu.memory_space<vmem_shared>>
      tpu.enqueue_dma source(%arg15 : memref<128x128xf32, #tpu.memory_space<vmem>>) target(%dma_start3A_115 : memref<128x128xf32, #tpu.memory_space<vmem_shared>>) target_semaphore(%run_scoped3A : memref<!tpu.dma_semaphore, #tpu.memory_space<semaphore_mem>>)
      %dma_wait3A_116 = arith.constant 0 : i32
      %dma_wait3A_117 = tpu.memref_slice %arg16[%add3A_13, %dma_wait3A_116] : memref<10240x128xf32, #tpu.memory_space<vmem_shared>> -> memref<128x128xf32, #tpu.memory_space<vmem_shared>>
      %dma_wait3A_118 = arith.constant 0 : i32
      %dma_wait3A_119 = tpu.memref_slice %arg16[%add3A_13, %dma_wait3A_118] : memref<10240x128xf32, #tpu.memory_space<vmem_shared>> -> memref<128x128xf32, #tpu.memory_space<vmem_shared>>
      tpu.wait_dma2 semaphore(%run_scoped3A : memref<!tpu.dma_semaphore, #tpu.memory_space<semaphore_mem>>) src(%arg15 : memref<128x128xf32, #tpu.memory_space<vmem>>) dst(%dma_wait3A_119 : memref<128x128xf32, #tpu.memory_space<vmem_shared>>)
      tpu.yield
    }) : () -> ()
    %mul3A_14 = arith.constant 640 : i32
    %mul3A_15 = arith.muli %arg1, %mul3A_14 : i32
    %add3A_16 = arith.constant 256 : i32
    %add3A_17 = arith.addi %mul3A_15, %add3A_16 : i32
    "tpu.region"() ({
      %run_scoped3A = tpu.sem_alloc : memref<!tpu.dma_semaphore, #tpu.memory_space<semaphore_mem>>
      %dma_start3A_112 = arith.constant 0 : i32
      %dma_start3A_113 = tpu.memref_slice %arg16[%add3A_17, %dma_start3A_112] : memref<10240x128xf32, #tpu.memory_space<vmem_shared>> -> memref<128x128xf32, #tpu.memory_space<vmem_shared>>
      %dma_start3A_114 = arith.constant 0 : i32
      %dma_start3A_115 = tpu.memref_slice %arg16[%add3A_17, %dma_start3A_114] : memref<10240x128xf32, #tpu.memory_space<vmem_shared>> -> memref<128x128xf32, #tpu.memory_space<vmem_shared>>
      tpu.enqueue_dma source(%arg15 : memref<128x128xf32, #tpu.memory_space<vmem>>) target(%dma_start3A_115 : memref<128x128xf32, #tpu.memory_space<vmem_shared>>) target_semaphore(%run_scoped3A : memref<!tpu.dma_semaphore, #tpu.memory_space<semaphore_mem>>)
      %dma_wait3A_116 = arith.constant 0 : i32
      %dma_wait3A_117 = tpu.memref_slice %arg16[%add3A_17, %dma_wait3A_116] : memref<10240x128xf32, #tpu.memory_space<vmem_shared>> -> memref<128x128xf32, #tpu.memory_space<vmem_shared>>
      %dma_wait3A_118 = arith.constant 0 : i32
      %dma_wait3A_119 = tpu.memref_slice %arg16[%add3A_17, %dma_wait3A_118] : memref<10240x128xf32, #tpu.memory_space<vmem_shared>> -> memref<128x128xf32, #tpu.memory_space<vmem_shared>>
      tpu.wait_dma2 semaphore(%run_scoped3A : memref<!tpu.dma_semaphore, #tpu.memory_space<semaphore_mem>>) src(%arg15 : memref<128x128xf32, #tpu.memory_space<vmem>>) dst(%dma_wait3A_119 : memref<128x128xf32, #tpu.memory_space<vmem_shared>>)
      tpu.yield
    }) : () -> ()
    %mul3A_18 = arith.constant 640 : i32
    %mul3A_19 = arith.muli %arg1, %mul3A_18 : i32
    %add3A_20 = arith.constant 384 : i32
    %add3A_21 = arith.addi %mul3A_19, %add3A_20 : i32
    "tpu.region"() ({
      %run_scoped3A = tpu.sem_alloc : memref<!tpu.dma_semaphore, #tpu.memory_space<semaphore_mem>>
      %dma_start3A_112 = arith.constant 0 : i32
      %dma_start3A_113 = tpu.memref_slice %arg16[%add3A_21, %dma_start3A_112] : memref<10240x128xf32, #tpu.memory_space<vmem_shared>> -> memref<128x128xf32, #tpu.memory_space<vmem_shared>>
      %dma_start3A_114 = arith.constant 0 : i32
      %dma_start3A_115 = tpu.memref_slice %arg16[%add3A_21, %dma_start3A_114] : memref<10240x128xf32, #tpu.memory_space<vmem_shared>> -> memref<128x128xf32, #tpu.memory_space<vmem_shared>>
      tpu.enqueue_dma source(%arg15 : memref<128x128xf32, #tpu.memory_space<vmem>>) target(%dma_start3A_115 : memref<128x128xf32, #tpu.memory_space<vmem_shared>>) target_semaphore(%run_scoped3A : memref<!tpu.dma_semaphore, #tpu.memory_space<semaphore_mem>>)
      %dma_wait3A_116 = arith.constant 0 : i32
      %dma_wait3A_117 = tpu.memref_slice %arg16[%add3A_21, %dma_wait3A_116] : memref<10240x128xf32, #tpu.memory_space<vmem_shared>> -> memref<128x128xf32, #tpu.memory_space<vmem_shared>>
      %dma_wait3A_118 = arith.constant 0 : i32
      %dma_wait3A_119 = tpu.memref_slice %arg16[%add3A_21, %dma_wait3A_118] : memref<10240x128xf32, #tpu.memory_space<vmem_shared>> -> memref<128x128xf32, #tpu.memory_space<vmem_shared>>
      tpu.wait_dma2 semaphore(%run_scoped3A : memref<!tpu.dma_semaphore, #tpu.memory_space<semaphore_mem>>) src(%arg15 : memref<128x128xf32, #tpu.memory_space<vmem>>) dst(%dma_wait3A_119 : memref<128x128xf32, #tpu.memory_space<vmem_shared>>)
      tpu.yield
    }) : () -> ()
    %mul3A_22 = arith.constant 640 : i32
    %mul3A_23 = arith.muli %arg1, %mul3A_22 : i32
    %add3A_24 = arith.constant 512 : i32
    %add3A_25 = arith.addi %mul3A_23, %add3A_24 : i32
    "tpu.region"() ({
      %run_scoped3A = tpu.sem_alloc : memref<!tpu.dma_semaphore, #tpu.memory_space<semaphore_mem>>
      %dma_start3A_112 = arith.constant 0 : i32
      %dma_start3A_113 = tpu.memref_slice %arg16[%add3A_25, %dma_start3A_112] : memref<10240x128xf32, #tpu.memory_space<vmem_shared>> -> memref<128x128xf32, #tpu.memory_space<vmem_shared>>
      %dma_start3A_114 = arith.constant 0 : i32
      %dma_start3A_115 = tpu.memref_slice %arg16[%add3A_25, %dma_start3A_114] : memref<10240x128xf32, #tpu.memory_space<vmem_shared>> -> memref<128x128xf32, #tpu.memory_space<vmem_shared>>
      tpu.enqueue_dma source(%arg15 : memref<128x128xf32, #tpu.memory_space<vmem>>) target(%dma_start3A_115 : memref<128x128xf32, #tpu.memory_space<vmem_shared>>) target_semaphore(%run_scoped3A : memref<!tpu.dma_semaphore, #tpu.memory_space<semaphore_mem>>)
      %dma_wait3A_116 = arith.constant 0 : i32
      %dma_wait3A_117 = tpu.memref_slice %arg16[%add3A_25, %dma_wait3A_116] : memref<10240x128xf32, #tpu.memory_space<vmem_shared>> -> memref<128x128xf32, #tpu.memory_space<vmem_shared>>
      %dma_wait3A_118 = arith.constant 0 : i32
      %dma_wait3A_119 = tpu.memref_slice %arg16[%add3A_25, %dma_wait3A_118] : memref<10240x128xf32, #tpu.memory_space<vmem_shared>> -> memref<128x128xf32, #tpu.memory_space<vmem_shared>>
      tpu.wait_dma2 semaphore(%run_scoped3A : memref<!tpu.dma_semaphore, #tpu.memory_space<semaphore_mem>>) src(%arg15 : memref<128x128xf32, #tpu.memory_space<vmem>>) dst(%dma_wait3A_119 : memref<128x128xf32, #tpu.memory_space<vmem_shared>>)
      tpu.yield
    }) : () -> ()
    %broadcast_in_dim3A = arith.constant 0.000000e+00 : f32
    %broadcast_in_dim3A_26 = vector.broadcast %broadcast_in_dim3A : f32 to vector<16xf32>
    %swap3A = arith.constant 80 : index
    %swap3A_27 = tpu.vector_load %arg11[%swap3A] {strides = array<i32>} : memref<96xf32, #tpu.memory_space<vmem>>, vector<16xf32>,
    %swap3A_28 = vector.shape_cast %swap3A_27 : vector<16xf32> to vector<16xf32>
    %swap3A_29 = vector.shape_cast %broadcast_in_dim3A_26 : vector<16xf32> to vector<16xf32>
    tpu.vector_store %arg11[%swap3A], %swap3A_29 {strides = array<i32>} : memref<96xf32, #tpu.memory_space<vmem>>, vector<16xf32>,
    %broadcast_in_dim3A_30 = arith.constant 0.000000e+00 : f32
    %broadcast_in_dim3A_31 = vector.broadcast %broadcast_in_dim3A_30 : f32 to vector<16xf32>
    %swap3A_32 = arith.constant 80 : index
    %swap3A_33 = tpu.vector_load %arg12[%swap3A_32] {strides = array<i32>} : memref<96xf32, #tpu.memory_space<vmem>>, vector<16xf32>,
    %swap3A_34 = vector.shape_cast %swap3A_33 : vector<16xf32> to vector<16xf32>
    %swap3A_35 = vector.shape_cast %broadcast_in_dim3A_31 : vector<16xf32> to vector<16xf32>
    tpu.vector_store %arg12[%swap3A_32], %swap3A_35 {strides = array<i32>} : memref<96xf32, #tpu.memory_space<vmem>>, vector<16xf32>,
    %barrier3A = arith.constant 0 : index
    tpu.barrier barrier_id(%barrier3A)
    %mul3A_36 = arith.constant 10000 : i32
    %mul3A_37 = arith.muli %add3A, %mul3A_36 : i32
    %add3A_38 = arith.constant 0 : i32
    %add3A_39 = arith.addi %mul3A_37, %add3A_38 : i32
    "tpu.region"() ({
      %run_scoped3A = tpu.sem_alloc : memref<!tpu.dma_semaphore, #tpu.memory_space<semaphore_mem>>
      %dma_start3A_112 = tpu.memref_slice %arg3[%add3A_39] : memref<320000xi32, #tpu.memory_space<hbm>> -> memref<80xi32, #tpu.memory_space<hbm>>
      %dma_start3A_113 = tpu.memref_slice %arg3[%add3A_39] : memref<320000xi32, #tpu.memory_space<hbm>> -> memref<80xi32, #tpu.memory_space<hbm>>
      tpu.enqueue_dma source(%dma_start3A_113 : memref<80xi32, #tpu.memory_space<hbm>>) target(%arg7 : memref<80xi32, #tpu.memory_space<vmem>>) target_semaphore(%run_scoped3A : memref<!tpu.dma_semaphore, #tpu.memory_space<semaphore_mem>>)
      %dma_wait3A_114 = tpu.memref_slice %arg3[%add3A_39] : memref<320000xi32, #tpu.memory_space<hbm>> -> memref<80xi32, #tpu.memory_space<hbm>>
      %dma_wait3A_115 = tpu.memref_slice %arg3[%add3A_39] : memref<320000xi32, #tpu.memory_space<hbm>> -> memref<80xi32, #tpu.memory_space<hbm>>
      tpu.wait_dma2 semaphore(%run_scoped3A : memref<!tpu.dma_semaphore, #tpu.memory_space<semaphore_mem>>) src(%dma_wait3A_115 : memref<80xi32, #tpu.memory_space<hbm>>) dst(%arg7 : memref<80xi32, #tpu.memory_space<vmem>>)
      tpu.yield
    }) : () -> ()
    "tpu.region"() ({
      %run_scoped3A = tpu.sem_alloc : memref<!tpu.dma_semaphore, #tpu.memory_space<semaphore_mem>>
      %dma_start3A_112 = tpu.memref_slice %arg4[%add3A_39] : memref<320000xi32, #tpu.memory_space<hbm>> -> memref<80xi32, #tpu.memory_space<hbm>>
      %dma_start3A_113 = tpu.memref_slice %arg4[%add3A_39] : memref<320000xi32, #tpu.memory_space<hbm>> -> memref<80xi32, #tpu.memory_space<hbm>>
      tpu.enqueue_dma source(%dma_start3A_113 : memref<80xi32, #tpu.memory_space<hbm>>) target(%arg9 : memref<80xi32, #tpu.memory_space<vmem>>) target_semaphore(%run_scoped3A : memref<!tpu.dma_semaphore, #tpu.memory_space<semaphore_mem>>)
      %dma_wait3A_114 = tpu.memref_slice %arg4[%add3A_39] : memref<320000xi32, #tpu.memory_space<hbm>> -> memref<80xi32, #tpu.memory_space<hbm>>
      %dma_wait3A_115 = tpu.memref_slice %arg4[%add3A_39] : memref<320000xi32, #tpu.memory_space<hbm>> -> memref<80xi32, #tpu.memory_space<hbm>>
      tpu.wait_dma2 semaphore(%run_scoped3A : memref<!tpu.dma_semaphore, #tpu.memory_space<semaphore_mem>>) src(%dma_wait3A_115 : memref<80xi32, #tpu.memory_space<hbm>>) dst(%arg9 : memref<80xi32, #tpu.memory_space<vmem>>)
      tpu.yield
    }) : () -> ()
    "tpu.region"() ({
      %run_scoped3A = tpu.sem_alloc : memref<!tpu.dma_semaphore, #tpu.memory_space<semaphore_mem>>
      %dma_start3A_112 = arith.constant 0 : i32
      %dma_start3A_113 = tpu.memref_slice %arg11[%dma_start3A_112] : memref<96xf32, #tpu.memory_space<vmem>> -> memref<80xf32, #tpu.memory_space<vmem>>
      %dma_start3A_114 = tpu.memref_slice %arg5[%add3A_39] : memref<320000xf32, #tpu.memory_space<hbm>> -> memref<80xf32, #tpu.memory_space<hbm>>
      %dma_start3A_115 = arith.constant 0 : i32
      %dma_start3A_116 = tpu.memref_slice %arg11[%dma_start3A_115] : memref<96xf32, #tpu.memory_space<vmem>> -> memref<80xf32, #tpu.memory_space<vmem>>
      %dma_start3A_117 = tpu.memref_slice %arg5[%add3A_39] : memref<320000xf32, #tpu.memory_space<hbm>> -> memref<80xf32, #tpu.memory_space<hbm>>
      tpu.enqueue_dma source(%dma_start3A_117 : memref<80xf32, #tpu.memory_space<hbm>>) target(%dma_start3A_116 : memref<80xf32, #tpu.memory_space<vmem>>) target_semaphore(%run_scoped3A : memref<!tpu.dma_semaphore, #tpu.memory_space<semaphore_mem>>)
      %dma_wait3A_118 = arith.constant 0 : i32
      %dma_wait3A_119 = tpu.memref_slice %arg11[%dma_wait3A_118] : memref<96xf32, #tpu.memory_space<vmem>> -> memref<80xf32, #tpu.memory_space<vmem>>
      %dma_wait3A_120 = tpu.memref_slice %arg5[%add3A_39] : memref<320000xf32, #tpu.memory_space<hbm>> -> memref<80xf32, #tpu.memory_space<hbm>>
      %dma_wait3A_121 = arith.constant 0 : i32
      %dma_wait3A_122 = tpu.memref_slice %arg11[%dma_wait3A_121] : memref<96xf32, #tpu.memory_space<vmem>> -> memref<80xf32, #tpu.memory_space<vmem>>
      %dma_wait3A_123 = tpu.memref_slice %arg5[%add3A_39] : memref<320000xf32, #tpu.memory_space<hbm>> -> memref<80xf32, #tpu.memory_space<hbm>>
      tpu.wait_dma2 semaphore(%run_scoped3A : memref<!tpu.dma_semaphore, #tpu.memory_space<semaphore_mem>>) src(%dma_wait3A_123 : memref<80xf32, #tpu.memory_space<hbm>>) dst(%dma_wait3A_122 : memref<80xf32, #tpu.memory_space<vmem>>)
      tpu.yield
    }) : () -> ()
    %dma_start3A = arith.constant 0 : i32
    %dma_start3A_40 = arith.constant 0 : i32
    %dma_start3A_41 = tpu.memref_slice %arg2[%dma_start3A, %dma_start3A_40] : memref<10000x128xf32, #tpu.memory_space<hbm>> -> memref<10000x128xf32, #tpu.memory_space<hbm>>
    tpu.enqueue_indirect_dma source(%dma_start3A_41 : memref<10000x128xf32, #tpu.memory_space<hbm>>) target(%arg13 : memref<80x128xf32, #tpu.memory_space<vmem>>) offsets(%arg7 : memref<80xi32, #tpu.memory_space<vmem>>) semaphore(%arg17 : memref<!tpu.dma_semaphore, #tpu.memory_space<semaphore_mem>>)
    %scan3A_42 = arith.constant 0 : i32
    %scan3A_43 = arith.constant 0 : i32
    %scan3A_44 = arith.constant 62 : i32
    %scan3A_45 = arith.addi %scan3A_43, %scan3A_44 : i32
    %scan3A_46 = arith.constant 1 : i32
    scf.for %scan3A_112 = %scan3A_43 to %scan3A_45 step %scan3A_46  : i32 {
      %mul3A_113 = arith.constant 2 : i32
      %mul3A_114 = arith.muli %mul3A_113, %scan3A_112 : i32
      %add3A_115 = arith.constant 1 : i32
      %add3A_116 = arith.addi %mul3A_114, %add3A_115 : i32
      %mul3A_117 = arith.constant 80 : i32
      %mul3A_118 = arith.muli %add3A_116, %mul3A_117 : i32
      %add3A_119 = arith.addi %mul3A_37, %mul3A_118 : i32
      "tpu.region"() ({
        %run_scoped3A = tpu.sem_alloc : memref<!tpu.dma_semaphore, #tpu.memory_space<semaphore_mem>>
        %dma_start3A_151 = tpu.memref_slice %arg3[%add3A_119] : memref<320000xi32, #tpu.memory_space<hbm>> -> memref<80xi32, #tpu.memory_space<hbm>>
        %dma_start3A_152 = tpu.memref_slice %arg3[%add3A_119] : memref<320000xi32, #tpu.memory_space<hbm>> -> memref<80xi32, #tpu.memory_space<hbm>>
        tpu.enqueue_dma source(%dma_start3A_152 : memref<80xi32, #tpu.memory_space<hbm>>) target(%arg8 : memref<80xi32, #tpu.memory_space<vmem>>) target_semaphore(%run_scoped3A : memref<!tpu.dma_semaphore, #tpu.memory_space<semaphore_mem>>)
        %dma_wait3A_153 = tpu.memref_slice %arg3[%add3A_119] : memref<320000xi32, #tpu.memory_space<hbm>> -> memref<80xi32, #tpu.memory_space<hbm>>
        %dma_wait3A_154 = tpu.memref_slice %arg3[%add3A_119] : memref<320000xi32, #tpu.memory_space<hbm>> -> memref<80xi32, #tpu.memory_space<hbm>>
        tpu.wait_dma2 semaphore(%run_scoped3A : memref<!tpu.dma_semaphore, #tpu.memory_space<semaphore_mem>>) src(%dma_wait3A_154 : memref<80xi32, #tpu.memory_space<hbm>>) dst(%arg8 : memref<80xi32, #tpu.memory_space<vmem>>)
        tpu.yield
      }) : () -> ()
      "tpu.region"() ({
        %run_scoped3A = tpu.sem_alloc : memref<!tpu.dma_semaphore, #tpu.memory_space<semaphore_mem>>
        %dma_start3A_151 = tpu.memref_slice %arg4[%add3A_119] : memref<320000xi32, #tpu.memory_space<hbm>> -> memref<80xi32, #tpu.memory_space<hbm>>
        %dma_start3A_152 = tpu.memref_slice %arg4[%add3A_119] : memref<320000xi32, #tpu.memory_space<hbm>> -> memref<80xi32, #tpu.memory_space<hbm>>
        tpu.enqueue_dma source(%dma_start3A_152 : memref<80xi32, #tpu.memory_space<hbm>>) target(%arg10 : memref<80xi32, #tpu.memory_space<vmem>>) target_semaphore(%run_scoped3A : memref<!tpu.dma_semaphore, #tpu.memory_space<semaphore_mem>>)
        %dma_wait3A_153 = tpu.memref_slice %arg4[%add3A_119] : memref<320000xi32, #tpu.memory_space<hbm>> -> memref<80xi32, #tpu.memory_space<hbm>>
        %dma_wait3A_154 = tpu.memref_slice %arg4[%add3A_119] : memref<320000xi32, #tpu.memory_space<hbm>> -> memref<80xi32, #tpu.memory_space<hbm>>
        tpu.wait_dma2 semaphore(%run_scoped3A : memref<!tpu.dma_semaphore, #tpu.memory_space<semaphore_mem>>) src(%dma_wait3A_154 : memref<80xi32, #tpu.memory_space<hbm>>) dst(%arg10 : memref<80xi32, #tpu.memory_space<vmem>>)
        tpu.yield
      }) : () -> ()
      "tpu.region"() ({
        %run_scoped3A = tpu.sem_alloc : memref<!tpu.dma_semaphore, #tpu.memory_space<semaphore_mem>>
        %dma_start3A_151 = arith.constant 0 : i32
        %dma_start3A_152 = tpu.memref_slice %arg12[%dma_start3A_151] : memref<96xf32, #tpu.memory_space<vmem>> -> memref<80xf32, #tpu.memory_space<vmem>>
        %dma_start3A_153 = tpu.memref_slice %arg5[%add3A_119] : memref<320000xf32, #tpu.memory_space<hbm>> -> memref<80xf32, #tpu.memory_space<hbm>>
        %dma_start3A_154 = arith.constant 0 : i32
        %dma_start3A_155 = tpu.memref_slice %arg12[%dma_start3A_154] : memref<96xf32, #tpu.memory_space<vmem>> -> memref<80xf32, #tpu.memory_space<vmem>>
        %dma_start3A_156 = tpu.memref_slice %arg5[%add3A_119] : memref<320000xf32, #tpu.memory_space<hbm>> -> memref<80xf32, #tpu.memory_space<hbm>>
        tpu.enqueue_dma source(%dma_start3A_156 : memref<80xf32, #tpu.memory_space<hbm>>) target(%dma_start3A_155 : memref<80xf32, #tpu.memory_space<vmem>>) target_semaphore(%run_scoped3A : memref<!tpu.dma_semaphore, #tpu.memory_space<semaphore_mem>>)
        %dma_wait3A_157 = arith.constant 0 : i32
        %dma_wait3A_158 = tpu.memref_slice %arg12[%dma_wait3A_157] : memref<96xf32, #tpu.memory_space<vmem>> -> memref<80xf32, #tpu.memory_space<vmem>>
        %dma_wait3A_159 = tpu.memref_slice %arg5[%add3A_119] : memref<320000xf32, #tpu.memory_space<hbm>> -> memref<80xf32, #tpu.memory_space<hbm>>
        %dma_wait3A_160 = arith.constant 0 : i32
        %dma_wait3A_161 = tpu.memref_slice %arg12[%dma_wait3A_160] : memref<96xf32, #tpu.memory_space<vmem>> -> memref<80xf32, #tpu.memory_space<vmem>>
        %dma_wait3A_162 = tpu.memref_slice %arg5[%add3A_119] : memref<320000xf32, #tpu.memory_space<hbm>> -> memref<80xf32, #tpu.memory_space<hbm>>
        tpu.wait_dma2 semaphore(%run_scoped3A : memref<!tpu.dma_semaphore, #tpu.memory_space<semaphore_mem>>) src(%dma_wait3A_162 : memref<80xf32, #tpu.memory_space<hbm>>) dst(%dma_wait3A_161 : memref<80xf32, #tpu.memory_space<vmem>>)
        tpu.yield
      }) : () -> ()
      %dma_start3A_120 = arith.constant 0 : i32
      %dma_start3A_121 = arith.constant 0 : i32
      %dma_start3A_122 = tpu.memref_slice %arg2[%dma_start3A_120, %dma_start3A_121] : memref<10000x128xf32, #tpu.memory_space<hbm>> -> memref<10000x128xf32, #tpu.memory_space<hbm>>
      tpu.enqueue_indirect_dma source(%dma_start3A_122 : memref<10000x128xf32, #tpu.memory_space<hbm>>) target(%arg14 : memref<80x128xf32, #tpu.memory_space<vmem>>) offsets(%arg8 : memref<80xi32, #tpu.memory_space<vmem>>) semaphore(%arg18 : memref<!tpu.dma_semaphore, #tpu.memory_space<semaphore_mem>>)
      %dma_wait3A_123 = arith.constant 0 : i32
      %dma_wait3A_124 = arith.constant 0 : i32
      %dma_wait3A_125 = tpu.memref_slice %arg2[%dma_wait3A_123, %dma_wait3A_124] : memref<10000x128xf32, #tpu.memory_space<hbm>> -> memref<10000x128xf32, #tpu.memory_space<hbm>>
      tpu.wait_indirect_dma semaphore(%arg17 : memref<!tpu.dma_semaphore, #tpu.memory_space<semaphore_mem>>) src(%dma_wait3A_125 : memref<10000x128xf32, #tpu.memory_space<hbm>>) dst(%arg13 : memref<80x128xf32, #tpu.memory_space<vmem>>)
      %scan3A_126 = arith.constant 0 : i32
      %scan3A_127 = arith.constant 0 : i32
      %scan3A_128 = arith.constant 80 : i32
      %scan3A_129 = arith.addi %scan3A_127, %scan3A_128 : i32
      %scan3A_130 = arith.constant 1 : i32
      scf.for %scan3A_151 = %scan3A_127 to %scan3A_129 step %scan3A_130  : i32 {
        %get3A = arith.index_cast %scan3A_151 : i32 to index
        %get3A_152 = tpu.vector_load %arg11[%get3A] {strides = array<i32>} : memref<96xf32, #tpu.memory_space<vmem>>, vector<16xf32>,
        %get3A_153 = vector.shape_cast %get3A_152 : vector<16xf32> to vector<16xf32>
        %slice3A = vector.extract_strided_slice %get3A_153 {offsets = [0], sizes = [1], strides = [1]} : vector<16xf32> to vector<1xf32>
        %squeeze3A = vector.extract %slice3A[0] : f32 from vector<1xf32>
        %get3A_154 = arith.index_cast %scan3A_151 : i32 to index
        %get3A_155 = arith.constant 0 : index
        %get3A_156 = tpu.vector_load %arg13[%get3A_154, %get3A_155] {strides = array<i32>} : memref<80x128xf32, #tpu.memory_space<vmem>>, vector<1x16xf32>,
        %get3A_157 = vector.shape_cast %get3A_156 : vector<1x16xf32> to vector<16xf32>
        %mul3A_158 = vector.broadcast %squeeze3A : f32 to vector<16xf32>
        %mul3A_159 = arith.mulf %get3A_157, %mul3A_158 : vector<16xf32>
        %swap3A_160 = arith.index_cast %scan3A_151 : i32 to index
        %swap3A_161 = arith.constant 0 : index
        %swap3A_162 = tpu.vector_load %arg13[%swap3A_160, %swap3A_161] {strides = array<i32>} : memref<80x128xf32, #tpu.memory_space<vmem>>, vector<1x16xf32>,
        %swap3A_163 = vector.shape_cast %swap3A_162 : vector<1x16xf32> to vector<16xf32>
        %swap3A_164 = vector.shape_cast %mul3A_159 : vector<16xf32> to vector<1x16xf32>
        tpu.vector_store %arg13[%swap3A_160, %swap3A_161], %swap3A_164 {strides = array<i32>} : memref<80x128xf32, #tpu.memory_space<vmem>>, vector<1x16xf32>,
        %get3A_165 = arith.index_cast %scan3A_151 : i32 to index
        %get3A_166 = arith.constant 16 : index
        %get3A_167 = tpu.vector_load %arg13[%get3A_165, %get3A_166] {strides = array<i32>} : memref<80x128xf32, #tpu.memory_space<vmem>>, vector<1x16xf32>,
        %get3A_168 = vector.shape_cast %get3A_167 : vector<1x16xf32> to vector<16xf32>
        %mul3A_169 = vector.broadcast %squeeze3A : f32 to vector<16xf32>
        %mul3A_170 = arith.mulf %get3A_168, %mul3A_169 : vector<16xf32>
        %swap3A_171 = arith.index_cast %scan3A_151 : i32 to index
        %swap3A_172 = arith.constant 16 : index
        %swap3A_173 = tpu.vector_load %arg13[%swap3A_171, %swap3A_172] {strides = array<i32>} : memref<80x128xf32, #tpu.memory_space<vmem>>, vector<1x16xf32>,
        %swap3A_174 = vector.shape_cast %swap3A_173 : vector<1x16xf32> to vector<16xf32>
        %swap3A_175 = vector.shape_cast %mul3A_170 : vector<16xf32> to vector<1x16xf32>
        tpu.vector_store %arg13[%swap3A_171, %swap3A_172], %swap3A_175 {strides = array<i32>} : memref<80x128xf32, #tpu.memory_space<vmem>>, vector<1x16xf32>,
        %get3A_176 = arith.index_cast %scan3A_151 : i32 to index
        %get3A_177 = arith.constant 32 : index
        %get3A_178 = tpu.vector_load %arg13[%get3A_176, %get3A_177] {strides = array<i32>} : memref<80x128xf32, #tpu.memory_space<vmem>>, vector<1x16xf32>,
        %get3A_179 = vector.shape_cast %get3A_178 : vector<1x16xf32> to vector<16xf32>
        %mul3A_180 = vector.broadcast %squeeze3A : f32 to vector<16xf32>
        %mul3A_181 = arith.mulf %get3A_179, %mul3A_180 : vector<16xf32>
        %swap3A_182 = arith.index_cast %scan3A_151 : i32 to index
        %swap3A_183 = arith.constant 32 : index
        %swap3A_184 = tpu.vector_load %arg13[%swap3A_182, %swap3A_183] {strides = array<i32>} : memref<80x128xf32, #tpu.memory_space<vmem>>, vector<1x16xf32>,
        %swap3A_185 = vector.shape_cast %swap3A_184 : vector<1x16xf32> to vector<16xf32>
        %swap3A_186 = vector.shape_cast %mul3A_181 : vector<16xf32> to vector<1x16xf32>
        tpu.vector_store %arg13[%swap3A_182, %swap3A_183], %swap3A_186 {strides = array<i32>} : memref<80x128xf32, #tpu.memory_space<vmem>>, vector<1x16xf32>,
        %get3A_187 = arith.index_cast %scan3A_151 : i32 to index
        %get3A_188 = arith.constant 48 : index
        %get3A_189 = tpu.vector_load %arg13[%get3A_187, %get3A_188] {strides = array<i32>} : memref<80x128xf32, #tpu.memory_space<vmem>>, vector<1x16xf32>,
        %get3A_190 = vector.shape_cast %get3A_189 : vector<1x16xf32> to vector<16xf32>
        %mul3A_191 = vector.broadcast %squeeze3A : f32 to vector<16xf32>
        %mul3A_192 = arith.mulf %get3A_190, %mul3A_191 : vector<16xf32>
        %swap3A_193 = arith.index_cast %scan3A_151 : i32 to index
        %swap3A_194 = arith.constant 48 : index
        %swap3A_195 = tpu.vector_load %arg13[%swap3A_193, %swap3A_194] {strides = array<i32>} : memref<80x128xf32, #tpu.memory_space<vmem>>, vector<1x16xf32>,
        %swap3A_196 = vector.shape_cast %swap3A_195 : vector<1x16xf32> to vector<16xf32>
        %swap3A_197 = vector.shape_cast %mul3A_192 : vector<16xf32> to vector<1x16xf32>
        tpu.vector_store %arg13[%swap3A_193, %swap3A_194], %swap3A_197 {strides = array<i32>} : memref<80x128xf32, #tpu.memory_space<vmem>>, vector<1x16xf32>,
        %get3A_198 = arith.index_cast %scan3A_151 : i32 to index
        %get3A_199 = arith.constant 64 : index
        %get3A_200 = tpu.vector_load %arg13[%get3A_198, %get3A_199] {strides = array<i32>} : memref<80x128xf32, #tpu.memory_space<vmem>>, vector<1x16xf32>,
        %get3A_201 = vector.shape_cast %get3A_200 : vector<1x16xf32> to vector<16xf32>
        %mul3A_202 = vector.broadcast %squeeze3A : f32 to vector<16xf32>
        %mul3A_203 = arith.mulf %get3A_201, %mul3A_202 : vector<16xf32>
        %swap3A_204 = arith.index_cast %scan3A_151 : i32 to index
        %swap3A_205 = arith.constant 64 : index
        %swap3A_206 = tpu.vector_load %arg13[%swap3A_204, %swap3A_205] {strides = array<i32>} : memref<80x128xf32, #tpu.memory_space<vmem>>, vector<1x16xf32>,
        %swap3A_207 = vector.shape_cast %swap3A_206 : vector<1x16xf32> to vector<16xf32>
        %swap3A_208 = vector.shape_cast %mul3A_203 : vector<16xf32> to vector<1x16xf32>
        tpu.vector_store %arg13[%swap3A_204, %swap3A_205], %swap3A_208 {strides = array<i32>} : memref<80x128xf32, #tpu.memory_space<vmem>>, vector<1x16xf32>,
        %get3A_209 = arith.index_cast %scan3A_151 : i32 to index
        %get3A_210 = arith.constant 80 : index
        %get3A_211 = tpu.vector_load %arg13[%get3A_209, %get3A_210] {strides = array<i32>} : memref<80x128xf32, #tpu.memory_space<vmem>>, vector<1x16xf32>,
        %get3A_212 = vector.shape_cast %get3A_211 : vector<1x16xf32> to vector<16xf32>
        %mul3A_213 = vector.broadcast %squeeze3A : f32 to vector<16xf32>
        %mul3A_214 = arith.mulf %get3A_212, %mul3A_213 : vector<16xf32>
        %swap3A_215 = arith.index_cast %scan3A_151 : i32 to index
        %swap3A_216 = arith.constant 80 : index
        %swap3A_217 = tpu.vector_load %arg13[%swap3A_215, %swap3A_216] {strides = array<i32>} : memref<80x128xf32, #tpu.memory_space<vmem>>, vector<1x16xf32>,
        %swap3A_218 = vector.shape_cast %swap3A_217 : vector<1x16xf32> to vector<16xf32>
        %swap3A_219 = vector.shape_cast %mul3A_214 : vector<16xf32> to vector<1x16xf32>
        tpu.vector_store %arg13[%swap3A_215, %swap3A_216], %swap3A_219 {strides = array<i32>} : memref<80x128xf32, #tpu.memory_space<vmem>>, vector<1x16xf32>,
        %get3A_220 = arith.index_cast %scan3A_151 : i32 to index
        %get3A_221 = arith.constant 96 : index
        %get3A_222 = tpu.vector_load %arg13[%get3A_220, %get3A_221] {strides = array<i32>} : memref<80x128xf32, #tpu.memory_space<vmem>>, vector<1x16xf32>,
        %get3A_223 = vector.shape_cast %get3A_222 : vector<1x16xf32> to vector<16xf32>
        %mul3A_224 = vector.broadcast %squeeze3A : f32 to vector<16xf32>
        %mul3A_225 = arith.mulf %get3A_223, %mul3A_224 : vector<16xf32>
        %swap3A_226 = arith.index_cast %scan3A_151 : i32 to index
        %swap3A_227 = arith.constant 96 : index
        %swap3A_228 = tpu.vector_load %arg13[%swap3A_226, %swap3A_227] {strides = array<i32>} : memref<80x128xf32, #tpu.memory_space<vmem>>, vector<1x16xf32>,
        %swap3A_229 = vector.shape_cast %swap3A_228 : vector<1x16xf32> to vector<16xf32>
        %swap3A_230 = vector.shape_cast %mul3A_225 : vector<16xf32> to vector<1x16xf32>
        tpu.vector_store %arg13[%swap3A_226, %swap3A_227], %swap3A_230 {strides = array<i32>} : memref<80x128xf32, #tpu.memory_space<vmem>>, vector<1x16xf32>,
        %get3A_231 = arith.index_cast %scan3A_151 : i32 to index
        %get3A_232 = arith.constant 112 : index
        %get3A_233 = tpu.vector_load %arg13[%get3A_231, %get3A_232] {strides = array<i32>} : memref<80x128xf32, #tpu.memory_space<vmem>>, vector<1x16xf32>,
        %get3A_234 = vector.shape_cast %get3A_233 : vector<1x16xf32> to vector<16xf32>
        %mul3A_235 = vector.broadcast %squeeze3A : f32 to vector<16xf32>
        %mul3A_236 = arith.mulf %get3A_234, %mul3A_235 : vector<16xf32>
        %swap3A_237 = arith.index_cast %scan3A_151 : i32 to index
        %swap3A_238 = arith.constant 112 : index
        %swap3A_239 = tpu.vector_load %arg13[%swap3A_237, %swap3A_238] {strides = array<i32>} : memref<80x128xf32, #tpu.memory_space<vmem>>, vector<1x16xf32>,
        %swap3A_240 = vector.shape_cast %swap3A_239 : vector<1x16xf32> to vector<16xf32>
        %swap3A_241 = vector.shape_cast %mul3A_236 : vector<16xf32> to vector<1x16xf32>
        tpu.vector_store %arg13[%swap3A_237, %swap3A_238], %swap3A_241 {strides = array<i32>} : memref<80x128xf32, #tpu.memory_space<vmem>>, vector<1x16xf32>,
      }
      %scan3A_131 = arith.constant 80 : i32
      "tpu.region"() ({
        %run_scoped3A = tpu.sem_alloc : memref<!tpu.dma_semaphore, #tpu.memory_space<semaphore_mem>>
        %dma_start3A_151 = arith.constant 0 : i32
        %dma_start3A_152 = arith.constant 0 : i32
        %dma_start3A_153 = tpu.memref_slice %arg16[%dma_start3A_151, %dma_start3A_152] : memref<10240x128xf32, #tpu.memory_space<vmem_shared>> -> memref<10240x128xf32, #tpu.memory_space<vmem_shared>>
        tpu.enqueue_indirect_dma source(%arg13 : memref<80x128xf32, #tpu.memory_space<vmem>>) target(%dma_start3A_153 : memref<10240x128xf32, #tpu.memory_space<vmem_shared>>) offsets(%arg9 : memref<80xi32, #tpu.memory_space<vmem>>) semaphore(%run_scoped3A : memref<!tpu.dma_semaphore, #tpu.memory_space<semaphore_mem>>) {add = true}
        %dma_wait3A_154 = arith.constant 0 : i32
        %dma_wait3A_155 = arith.constant 0 : i32
        %dma_wait3A_156 = tpu.memref_slice %arg16[%dma_wait3A_154, %dma_wait3A_155] : memref<10240x128xf32, #tpu.memory_space<vmem_shared>> -> memref<10240x128xf32, #tpu.memory_space<vmem_shared>>
        tpu.wait_indirect_dma semaphore(%run_scoped3A : memref<!tpu.dma_semaphore, #tpu.memory_space<semaphore_mem>>) src(%arg13 : memref<80x128xf32, #tpu.memory_space<vmem>>) dst(%dma_wait3A_156 : memref<10240x128xf32, #tpu.memory_space<vmem_shared>>)
        tpu.yield
      }) : () -> ()
      %mul3A_132 = arith.constant 2 : i32
      %mul3A_133 = arith.muli %mul3A_132, %scan3A_112 : i32
      %add3A_134 = arith.constant 2 : i32
      %add3A_135 = arith.addi %mul3A_133, %add3A_134 : i32
      %mul3A_136 = arith.constant 80 : i32
      %mul3A_137 = arith.muli %add3A_135, %mul3A_136 : i32
      %add3A_138 = arith.addi %mul3A_37, %mul3A_137 : i32
      "tpu.region"() ({
        %run_scoped3A = tpu.sem_alloc : memref<!tpu.dma_semaphore, #tpu.memory_space<semaphore_mem>>
        %dma_start3A_151 = tpu.memref_slice %arg3[%add3A_138] : memref<320000xi32, #tpu.memory_space<hbm>> -> memref<80xi32, #tpu.memory_space<hbm>>
        %dma_start3A_152 = tpu.memref_slice %arg3[%add3A_138] : memref<320000xi32, #tpu.memory_space<hbm>> -> memref<80xi32, #tpu.memory_space<hbm>>
        tpu.enqueue_dma source(%dma_start3A_152 : memref<80xi32, #tpu.memory_space<hbm>>) target(%arg7 : memref<80xi32, #tpu.memory_space<vmem>>) target_semaphore(%run_scoped3A : memref<!tpu.dma_semaphore, #tpu.memory_space<semaphore_mem>>)
        %dma_wait3A_153 = tpu.memref_slice %arg3[%add3A_138] : memref<320000xi32, #tpu.memory_space<hbm>> -> memref<80xi32, #tpu.memory_space<hbm>>
        %dma_wait3A_154 = tpu.memref_slice %arg3[%add3A_138] : memref<320000xi32, #tpu.memory_space<hbm>> -> memref<80xi32, #tpu.memory_space<hbm>>
        tpu.wait_dma2 semaphore(%run_scoped3A : memref<!tpu.dma_semaphore, #tpu.memory_space<semaphore_mem>>) src(%dma_wait3A_154 : memref<80xi32, #tpu.memory_space<hbm>>) dst(%arg7 : memref<80xi32, #tpu.memory_space<vmem>>)
        tpu.yield
      }) : () -> ()
      "tpu.region"() ({
        %run_scoped3A = tpu.sem_alloc : memref<!tpu.dma_semaphore, #tpu.memory_space<semaphore_mem>>
        %dma_start3A_151 = tpu.memref_slice %arg4[%add3A_138] : memref<320000xi32, #tpu.memory_space<hbm>> -> memref<80xi32, #tpu.memory_space<hbm>>
        %dma_start3A_152 = tpu.memref_slice %arg4[%add3A_138] : memref<320000xi32, #tpu.memory_space<hbm>> -> memref<80xi32, #tpu.memory_space<hbm>>
        tpu.enqueue_dma source(%dma_start3A_152 : memref<80xi32, #tpu.memory_space<hbm>>) target(%arg9 : memref<80xi32, #tpu.memory_space<vmem>>) target_semaphore(%run_scoped3A : memref<!tpu.dma_semaphore, #tpu.memory_space<semaphore_mem>>)
        %dma_wait3A_153 = tpu.memref_slice %arg4[%add3A_138] : memref<320000xi32, #tpu.memory_space<hbm>> -> memref<80xi32, #tpu.memory_space<hbm>>
        %dma_wait3A_154 = tpu.memref_slice %arg4[%add3A_138] : memref<320000xi32, #tpu.memory_space<hbm>> -> memref<80xi32, #tpu.memory_space<hbm>>
        tpu.wait_dma2 semaphore(%run_scoped3A : memref<!tpu.dma_semaphore, #tpu.memory_space<semaphore_mem>>) src(%dma_wait3A_154 : memref<80xi32, #tpu.memory_space<hbm>>) dst(%arg9 : memref<80xi32, #tpu.memory_space<vmem>>)
        tpu.yield
      }) : () -> ()
      "tpu.region"() ({
        %run_scoped3A = tpu.sem_alloc : memref<!tpu.dma_semaphore, #tpu.memory_space<semaphore_mem>>
        %dma_start3A_151 = arith.constant 0 : i32
        %dma_start3A_152 = tpu.memref_slice %arg11[%dma_start3A_151] : memref<96xf32, #tpu.memory_space<vmem>> -> memref<80xf32, #tpu.memory_space<vmem>>
        %dma_start3A_153 = tpu.memref_slice %arg5[%add3A_138] : memref<320000xf32, #tpu.memory_space<hbm>> -> memref<80xf32, #tpu.memory_space<hbm>>
        %dma_start3A_154 = arith.constant 0 : i32
        %dma_start3A_155 = tpu.memref_slice %arg11[%dma_start3A_154] : memref<96xf32, #tpu.memory_space<vmem>> -> memref<80xf32, #tpu.memory_space<vmem>>
        %dma_start3A_156 = tpu.memref_slice %arg5[%add3A_138] : memref<320000xf32, #tpu.memory_space<hbm>> -> memref<80xf32, #tpu.memory_space<hbm>>
        tpu.enqueue_dma source(%dma_start3A_156 : memref<80xf32, #tpu.memory_space<hbm>>) target(%dma_start3A_155 : memref<80xf32, #tpu.memory_space<vmem>>) target_semaphore(%run_scoped3A : memref<!tpu.dma_semaphore, #tpu.memory_space<semaphore_mem>>)
        %dma_wait3A_157 = arith.constant 0 : i32
        %dma_wait3A_158 = tpu.memref_slice %arg11[%dma_wait3A_157] : memref<96xf32, #tpu.memory_space<vmem>> -> memref<80xf32, #tpu.memory_space<vmem>>
        %dma_wait3A_159 = tpu.memref_slice %arg5[%add3A_138] : memref<320000xf32, #tpu.memory_space<hbm>> -> memref<80xf32, #tpu.memory_space<hbm>>
        %dma_wait3A_160 = arith.constant 0 : i32
        %dma_wait3A_161 = tpu.memref_slice %arg11[%dma_wait3A_160] : memref<96xf32, #tpu.memory_space<vmem>> -> memref<80xf32, #tpu.memory_space<vmem>>
        %dma_wait3A_162 = tpu.memref_slice %arg5[%add3A_138] : memref<320000xf32, #tpu.memory_space<hbm>> -> memref<80xf32, #tpu.memory_space<hbm>>
        tpu.wait_dma2 semaphore(%run_scoped3A : memref<!tpu.dma_semaphore, #tpu.memory_space<semaphore_mem>>) src(%dma_wait3A_162 : memref<80xf32, #tpu.memory_space<hbm>>) dst(%dma_wait3A_161 : memref<80xf32, #tpu.memory_space<vmem>>)
        tpu.yield
      }) : () -> ()
      %dma_start3A_139 = arith.constant 0 : i32
      %dma_start3A_140 = arith.constant 0 : i32
      %dma_start3A_141 = tpu.memref_slice %arg2[%dma_start3A_139, %dma_start3A_140] : memref<10000x128xf32, #tpu.memory_space<hbm>> -> memref<10000x128xf32, #tpu.memory_space<hbm>>
      tpu.enqueue_indirect_dma source(%dma_start3A_141 : memref<10000x128xf32, #tpu.memory_space<hbm>>) target(%arg13 : memref<80x128xf32, #tpu.memory_space<vmem>>) offsets(%arg7 : memref<80xi32, #tpu.memory_space<vmem>>) semaphore(%arg17 : memref<!tpu.dma_semaphore, #tpu.memory_space<semaphore_mem>>)
      %dma_wait3A_142 = arith.constant 0 : i32
      %dma_wait3A_143 = arith.constant 0 : i32
      %dma_wait3A_144 = tpu.memref_slice %arg2[%dma_wait3A_142, %dma_wait3A_143] : memref<10000x128xf32, #tpu.memory_space<hbm>> -> memref<10000x128xf32, #tpu.memory_space<hbm>>
      tpu.wait_indirect_dma semaphore(%arg18 : memref<!tpu.dma_semaphore, #tpu.memory_space<semaphore_mem>>) src(%dma_wait3A_144 : memref<10000x128xf32, #tpu.memory_space<hbm>>) dst(%arg14 : memref<80x128xf32, #tpu.memory_space<vmem>>)
      %scan3A_145 = arith.constant 0 : i32
      %scan3A_146 = arith.constant 0 : i32
      %scan3A_147 = arith.constant 80 : i32
      %scan3A_148 = arith.addi %scan3A_146, %scan3A_147 : i32
      %scan3A_149 = arith.constant 1 : i32
      scf.for %scan3A_151 = %scan3A_146 to %scan3A_148 step %scan3A_149  : i32 {
        %get3A = arith.index_cast %scan3A_151 : i32 to index
        %get3A_152 = tpu.vector_load %arg12[%get3A] {strides = array<i32>} : memref<96xf32, #tpu.memory_space<vmem>>, vector<16xf32>,
        %get3A_153 = vector.shape_cast %get3A_152 : vector<16xf32> to vector<16xf32>
        %slice3A = vector.extract_strided_slice %get3A_153 {offsets = [0], sizes = [1], strides = [1]} : vector<16xf32> to vector<1xf32>
        %squeeze3A = vector.extract %slice3A[0] : f32 from vector<1xf32>
        %get3A_154 = arith.index_cast %scan3A_151 : i32 to index
        %get3A_155 = arith.constant 0 : index
        %get3A_156 = tpu.vector_load %arg14[%get3A_154, %get3A_155] {strides = array<i32>} : memref<80x128xf32, #tpu.memory_space<vmem>>, vector<1x16xf32>,
        %get3A_157 = vector.shape_cast %get3A_156 : vector<1x16xf32> to vector<16xf32>
        %mul3A_158 = vector.broadcast %squeeze3A : f32 to vector<16xf32>
        %mul3A_159 = arith.mulf %get3A_157, %mul3A_158 : vector<16xf32>
        %swap3A_160 = arith.index_cast %scan3A_151 : i32 to index
        %swap3A_161 = arith.constant 0 : index
        %swap3A_162 = tpu.vector_load %arg14[%swap3A_160, %swap3A_161] {strides = array<i32>} : memref<80x128xf32, #tpu.memory_space<vmem>>, vector<1x16xf32>,
        %swap3A_163 = vector.shape_cast %swap3A_162 : vector<1x16xf32> to vector<16xf32>
        %swap3A_164 = vector.shape_cast %mul3A_159 : vector<16xf32> to vector<1x16xf32>
        tpu.vector_store %arg14[%swap3A_160, %swap3A_161], %swap3A_164 {strides = array<i32>} : memref<80x128xf32, #tpu.memory_space<vmem>>, vector<1x16xf32>,
        %get3A_165 = arith.index_cast %scan3A_151 : i32 to index
        %get3A_166 = arith.constant 16 : index
        %get3A_167 = tpu.vector_load %arg14[%get3A_165, %get3A_166] {strides = array<i32>} : memref<80x128xf32, #tpu.memory_space<vmem>>, vector<1x16xf32>,
        %get3A_168 = vector.shape_cast %get3A_167 : vector<1x16xf32> to vector<16xf32>
        %mul3A_169 = vector.broadcast %squeeze3A : f32 to vector<16xf32>
        %mul3A_170 = arith.mulf %get3A_168, %mul3A_169 : vector<16xf32>
        %swap3A_171 = arith.index_cast %scan3A_151 : i32 to index
        %swap3A_172 = arith.constant 16 : index
        %swap3A_173 = tpu.vector_load %arg14[%swap3A_171, %swap3A_172] {strides = array<i32>} : memref<80x128xf32, #tpu.memory_space<vmem>>, vector<1x16xf32>,
        %swap3A_174 = vector.shape_cast %swap3A_173 : vector<1x16xf32> to vector<16xf32>
        %swap3A_175 = vector.shape_cast %mul3A_170 : vector<16xf32> to vector<1x16xf32>
        tpu.vector_store %arg14[%swap3A_171, %swap3A_172], %swap3A_175 {strides = array<i32>} : memref<80x128xf32, #tpu.memory_space<vmem>>, vector<1x16xf32>,
        %get3A_176 = arith.index_cast %scan3A_151 : i32 to index
        %get3A_177 = arith.constant 32 : index
        %get3A_178 = tpu.vector_load %arg14[%get3A_176, %get3A_177] {strides = array<i32>} : memref<80x128xf32, #tpu.memory_space<vmem>>, vector<1x16xf32>,
        %get3A_179 = vector.shape_cast %get3A_178 : vector<1x16xf32> to vector<16xf32>
        %mul3A_180 = vector.broadcast %squeeze3A : f32 to vector<16xf32>
        %mul3A_181 = arith.mulf %get3A_179, %mul3A_180 : vector<16xf32>
        %swap3A_182 = arith.index_cast %scan3A_151 : i32 to index
        %swap3A_183 = arith.constant 32 : index
        %swap3A_184 = tpu.vector_load %arg14[%swap3A_182, %swap3A_183] {strides = array<i32>} : memref<80x128xf32, #tpu.memory_space<vmem>>, vector<1x16xf32>,
        %swap3A_185 = vector.shape_cast %swap3A_184 : vector<1x16xf32> to vector<16xf32>
        %swap3A_186 = vector.shape_cast %mul3A_181 : vector<16xf32> to vector<1x16xf32>
        tpu.vector_store %arg14[%swap3A_182, %swap3A_183], %swap3A_186 {strides = array<i32>} : memref<80x128xf32, #tpu.memory_space<vmem>>, vector<1x16xf32>,
        %get3A_187 = arith.index_cast %scan3A_151 : i32 to index
        %get3A_188 = arith.constant 48 : index
        %get3A_189 = tpu.vector_load %arg14[%get3A_187, %get3A_188] {strides = array<i32>} : memref<80x128xf32, #tpu.memory_space<vmem>>, vector<1x16xf32>,
        %get3A_190 = vector.shape_cast %get3A_189 : vector<1x16xf32> to vector<16xf32>
        %mul3A_191 = vector.broadcast %squeeze3A : f32 to vector<16xf32>
        %mul3A_192 = arith.mulf %get3A_190, %mul3A_191 : vector<16xf32>
        %swap3A_193 = arith.index_cast %scan3A_151 : i32 to index
        %swap3A_194 = arith.constant 48 : index
        %swap3A_195 = tpu.vector_load %arg14[%swap3A_193, %swap3A_194] {strides = array<i32>} : memref<80x128xf32, #tpu.memory_space<vmem>>, vector<1x16xf32>,
        %swap3A_196 = vector.shape_cast %swap3A_195 : vector<1x16xf32> to vector<16xf32>
        %swap3A_197 = vector.shape_cast %mul3A_192 : vector<16xf32> to vector<1x16xf32>
        tpu.vector_store %arg14[%swap3A_193, %swap3A_194], %swap3A_197 {strides = array<i32>} : memref<80x128xf32, #tpu.memory_space<vmem>>, vector<1x16xf32>,
        %get3A_198 = arith.index_cast %scan3A_151 : i32 to index
        %get3A_199 = arith.constant 64 : index
        %get3A_200 = tpu.vector_load %arg14[%get3A_198, %get3A_199] {strides = array<i32>} : memref<80x128xf32, #tpu.memory_space<vmem>>, vector<1x16xf32>,
        %get3A_201 = vector.shape_cast %get3A_200 : vector<1x16xf32> to vector<16xf32>
        %mul3A_202 = vector.broadcast %squeeze3A : f32 to vector<16xf32>
        %mul3A_203 = arith.mulf %get3A_201, %mul3A_202 : vector<16xf32>
        %swap3A_204 = arith.index_cast %scan3A_151 : i32 to index
        %swap3A_205 = arith.constant 64 : index
        %swap3A_206 = tpu.vector_load %arg14[%swap3A_204, %swap3A_205] {strides = array<i32>} : memref<80x128xf32, #tpu.memory_space<vmem>>, vector<1x16xf32>,
        %swap3A_207 = vector.shape_cast %swap3A_206 : vector<1x16xf32> to vector<16xf32>
        %swap3A_208 = vector.shape_cast %mul3A_203 : vector<16xf32> to vector<1x16xf32>
        tpu.vector_store %arg14[%swap3A_204, %swap3A_205], %swap3A_208 {strides = array<i32>} : memref<80x128xf32, #tpu.memory_space<vmem>>, vector<1x16xf32>,
        %get3A_209 = arith.index_cast %scan3A_151 : i32 to index
        %get3A_210 = arith.constant 80 : index
        %get3A_211 = tpu.vector_load %arg14[%get3A_209, %get3A_210] {strides = array<i32>} : memref<80x128xf32, #tpu.memory_space<vmem>>, vector<1x16xf32>,
        %get3A_212 = vector.shape_cast %get3A_211 : vector<1x16xf32> to vector<16xf32>
        %mul3A_213 = vector.broadcast %squeeze3A : f32 to vector<16xf32>
        %mul3A_214 = arith.mulf %get3A_212, %mul3A_213 : vector<16xf32>
        %swap3A_215 = arith.index_cast %scan3A_151 : i32 to index
        %swap3A_216 = arith.constant 80 : index
        %swap3A_217 = tpu.vector_load %arg14[%swap3A_215, %swap3A_216] {strides = array<i32>} : memref<80x128xf32, #tpu.memory_space<vmem>>, vector<1x16xf32>,
        %swap3A_218 = vector.shape_cast %swap3A_217 : vector<1x16xf32> to vector<16xf32>
        %swap3A_219 = vector.shape_cast %mul3A_214 : vector<16xf32> to vector<1x16xf32>
        tpu.vector_store %arg14[%swap3A_215, %swap3A_216], %swap3A_219 {strides = array<i32>} : memref<80x128xf32, #tpu.memory_space<vmem>>, vector<1x16xf32>,
        %get3A_220 = arith.index_cast %scan3A_151 : i32 to index
        %get3A_221 = arith.constant 96 : index
        %get3A_222 = tpu.vector_load %arg14[%get3A_220, %get3A_221] {strides = array<i32>} : memref<80x128xf32, #tpu.memory_space<vmem>>, vector<1x16xf32>,
        %get3A_223 = vector.shape_cast %get3A_222 : vector<1x16xf32> to vector<16xf32>
        %mul3A_224 = vector.broadcast %squeeze3A : f32 to vector<16xf32>
        %mul3A_225 = arith.mulf %get3A_223, %mul3A_224 : vector<16xf32>
        %swap3A_226 = arith.index_cast %scan3A_151 : i32 to index
        %swap3A_227 = arith.constant 96 : index
        %swap3A_228 = tpu.vector_load %arg14[%swap3A_226, %swap3A_227] {strides = array<i32>} : memref<80x128xf32, #tpu.memory_space<vmem>>, vector<1x16xf32>,
        %swap3A_229 = vector.shape_cast %swap3A_228 : vector<1x16xf32> to vector<16xf32>
        %swap3A_230 = vector.shape_cast %mul3A_225 : vector<16xf32> to vector<1x16xf32>
        tpu.vector_store %arg14[%swap3A_226, %swap3A_227], %swap3A_230 {strides = array<i32>} : memref<80x128xf32, #tpu.memory_space<vmem>>, vector<1x16xf32>,
        %get3A_231 = arith.index_cast %scan3A_151 : i32 to index
        %get3A_232 = arith.constant 112 : index
        %get3A_233 = tpu.vector_load %arg14[%get3A_231, %get3A_232] {strides = array<i32>} : memref<80x128xf32, #tpu.memory_space<vmem>>, vector<1x16xf32>,
        %get3A_234 = vector.shape_cast %get3A_233 : vector<1x16xf32> to vector<16xf32>
        %mul3A_235 = vector.broadcast %squeeze3A : f32 to vector<16xf32>
        %mul3A_236 = arith.mulf %get3A_234, %mul3A_235 : vector<16xf32>
        %swap3A_237 = arith.index_cast %scan3A_151 : i32 to index
        %swap3A_238 = arith.constant 112 : index
        %swap3A_239 = tpu.vector_load %arg14[%swap3A_237, %swap3A_238] {strides = array<i32>} : memref<80x128xf32, #tpu.memory_space<vmem>>, vector<1x16xf32>,
        %swap3A_240 = vector.shape_cast %swap3A_239 : vector<1x16xf32> to vector<16xf32>
        %swap3A_241 = vector.shape_cast %mul3A_236 : vector<16xf32> to vector<1x16xf32>
        tpu.vector_store %arg14[%swap3A_237, %swap3A_238], %swap3A_241 {strides = array<i32>} : memref<80x128xf32, #tpu.memory_space<vmem>>, vector<1x16xf32>,
      }
      %scan3A_150 = arith.constant 80 : i32
      "tpu.region"() ({
        %run_scoped3A = tpu.sem_alloc : memref<!tpu.dma_semaphore, #tpu.memory_space<semaphore_mem>>
        %dma_start3A_151 = arith.constant 0 : i32
        %dma_start3A_152 = arith.constant 0 : i32
        %dma_start3A_153 = tpu.memref_slice %arg16[%dma_start3A_151, %dma_start3A_152] : memref<10240x128xf32, #tpu.memory_space<vmem_shared>> -> memref<10240x128xf32, #tpu.memory_space<vmem_shared>>
        tpu.enqueue_indirect_dma source(%arg14 : memref<80x128xf32, #tpu.memory_space<vmem>>) target(%dma_start3A_153 : memref<10240x128xf32, #tpu.memory_space<vmem_shared>>) offsets(%arg10 : memref<80xi32, #tpu.memory_space<vmem>>) semaphore(%run_scoped3A : memref<!tpu.dma_semaphore, #tpu.memory_space<semaphore_mem>>) {add = true}
        %dma_wait3A_154 = arith.constant 0 : i32
        %dma_wait3A_155 = arith.constant 0 : i32
        %dma_wait3A_156 = tpu.memref_slice %arg16[%dma_wait3A_154, %dma_wait3A_155] : memref<10240x128xf32, #tpu.memory_space<vmem_shared>> -> memref<10240x128xf32, #tpu.memory_space<vmem_shared>>
        tpu.wait_indirect_dma semaphore(%run_scoped3A : memref<!tpu.dma_semaphore, #tpu.memory_space<semaphore_mem>>) src(%arg14 : memref<80x128xf32, #tpu.memory_space<vmem>>) dst(%dma_wait3A_156 : memref<10240x128xf32, #tpu.memory_space<vmem_shared>>)
        tpu.yield
      }) : () -> ()
    }
    %scan3A_47 = arith.constant 62 : i32
    %dma_wait3A = arith.constant 0 : i32
    %dma_wait3A_48 = arith.constant 0 : i32
    %dma_wait3A_49 = tpu.memref_slice %arg2[%dma_wait3A, %dma_wait3A_48] : memref<10000x128xf32, #tpu.memory_space<hbm>> -> memref<10000x128xf32, #tpu.memory_space<hbm>>
    tpu.wait_indirect_dma semaphore(%arg17 : memref<!tpu.dma_semaphore, #tpu.memory_space<semaphore_mem>>) src(%dma_wait3A_49 : memref<10000x128xf32, #tpu.memory_space<hbm>>) dst(%arg13 : memref<80x128xf32, #tpu.memory_space<vmem>>)
    %scan3A_50 = arith.constant 0 : i32
    %scan3A_51 = arith.constant 0 : i32
    %scan3A_52 = arith.constant 80 : i32
    %scan3A_53 = arith.addi %scan3A_51, %scan3A_52 : i32
    %scan3A_54 = arith.constant 1 : i32
    scf.for %scan3A_112 = %scan3A_51 to %scan3A_53 step %scan3A_54  : i32 {
      %get3A = arith.index_cast %scan3A_112 : i32 to index
      %get3A_113 = tpu.vector_load %arg11[%get3A] {strides = array<i32>} : memref<96xf32, #tpu.memory_space<vmem>>, vector<16xf32>,
      %get3A_114 = vector.shape_cast %get3A_113 : vector<16xf32> to vector<16xf32>
      %slice3A = vector.extract_strided_slice %get3A_114 {offsets = [0], sizes = [1], strides = [1]} : vector<16xf32> to vector<1xf32>
      %squeeze3A = vector.extract %slice3A[0] : f32 from vector<1xf32>
      %get3A_115 = arith.index_cast %scan3A_112 : i32 to index
      %get3A_116 = arith.constant 0 : index
      %get3A_117 = tpu.vector_load %arg13[%get3A_115, %get3A_116] {strides = array<i32>} : memref<80x128xf32, #tpu.memory_space<vmem>>, vector<1x16xf32>,
      %get3A_118 = vector.shape_cast %get3A_117 : vector<1x16xf32> to vector<16xf32>
      %mul3A_119 = vector.broadcast %squeeze3A : f32 to vector<16xf32>
      %mul3A_120 = arith.mulf %get3A_118, %mul3A_119 : vector<16xf32>
      %swap3A_121 = arith.index_cast %scan3A_112 : i32 to index
      %swap3A_122 = arith.constant 0 : index
      %swap3A_123 = tpu.vector_load %arg13[%swap3A_121, %swap3A_122] {strides = array<i32>} : memref<80x128xf32, #tpu.memory_space<vmem>>, vector<1x16xf32>,
      %swap3A_124 = vector.shape_cast %swap3A_123 : vector<1x16xf32> to vector<16xf32>
      %swap3A_125 = vector.shape_cast %mul3A_120 : vector<16xf32> to vector<1x16xf32>
      tpu.vector_store %arg13[%swap3A_121, %swap3A_122], %swap3A_125 {strides = array<i32>} : memref<80x128xf32, #tpu.memory_space<vmem>>, vector<1x16xf32>,
      %get3A_126 = arith.index_cast %scan3A_112 : i32 to index
      %get3A_127 = arith.constant 16 : index
      %get3A_128 = tpu.vector_load %arg13[%get3A_126, %get3A_127] {strides = array<i32>} : memref<80x128xf32, #tpu.memory_space<vmem>>, vector<1x16xf32>,
      %get3A_129 = vector.shape_cast %get3A_128 : vector<1x16xf32> to vector<16xf32>
      %mul3A_130 = vector.broadcast %squeeze3A : f32 to vector<16xf32>
      %mul3A_131 = arith.mulf %get3A_129, %mul3A_130 : vector<16xf32>
      %swap3A_132 = arith.index_cast %scan3A_112 : i32 to index
      %swap3A_133 = arith.constant 16 : index
      %swap3A_134 = tpu.vector_load %arg13[%swap3A_132, %swap3A_133] {strides = array<i32>} : memref<80x128xf32, #tpu.memory_space<vmem>>, vector<1x16xf32>,
      %swap3A_135 = vector.shape_cast %swap3A_134 : vector<1x16xf32> to vector<16xf32>
      %swap3A_136 = vector.shape_cast %mul3A_131 : vector<16xf32> to vector<1x16xf32>
      tpu.vector_store %arg13[%swap3A_132, %swap3A_133], %swap3A_136 {strides = array<i32>} : memref<80x128xf32, #tpu.memory_space<vmem>>, vector<1x16xf32>,
      %get3A_137 = arith.index_cast %scan3A_112 : i32 to index
      %get3A_138 = arith.constant 32 : index
      %get3A_139 = tpu.vector_load %arg13[%get3A_137, %get3A_138] {strides = array<i32>} : memref<80x128xf32, #tpu.memory_space<vmem>>, vector<1x16xf32>,
      %get3A_140 = vector.shape_cast %get3A_139 : vector<1x16xf32> to vector<16xf32>
      %mul3A_141 = vector.broadcast %squeeze3A : f32 to vector<16xf32>
      %mul3A_142 = arith.mulf %get3A_140, %mul3A_141 : vector<16xf32>
      %swap3A_143 = arith.index_cast %scan3A_112 : i32 to index
      %swap3A_144 = arith.constant 32 : index
      %swap3A_145 = tpu.vector_load %arg13[%swap3A_143, %swap3A_144] {strides = array<i32>} : memref<80x128xf32, #tpu.memory_space<vmem>>, vector<1x16xf32>,
      %swap3A_146 = vector.shape_cast %swap3A_145 : vector<1x16xf32> to vector<16xf32>
      %swap3A_147 = vector.shape_cast %mul3A_142 : vector<16xf32> to vector<1x16xf32>
      tpu.vector_store %arg13[%swap3A_143, %swap3A_144], %swap3A_147 {strides = array<i32>} : memref<80x128xf32, #tpu.memory_space<vmem>>, vector<1x16xf32>,
      %get3A_148 = arith.index_cast %scan3A_112 : i32 to index
      %get3A_149 = arith.constant 48 : index
      %get3A_150 = tpu.vector_load %arg13[%get3A_148, %get3A_149] {strides = array<i32>} : memref<80x128xf32, #tpu.memory_space<vmem>>, vector<1x16xf32>,
      %get3A_151 = vector.shape_cast %get3A_150 : vector<1x16xf32> to vector<16xf32>
      %mul3A_152 = vector.broadcast %squeeze3A : f32 to vector<16xf32>
      %mul3A_153 = arith.mulf %get3A_151, %mul3A_152 : vector<16xf32>
      %swap3A_154 = arith.index_cast %scan3A_112 : i32 to index
      %swap3A_155 = arith.constant 48 : index
      %swap3A_156 = tpu.vector_load %arg13[%swap3A_154, %swap3A_155] {strides = array<i32>} : memref<80x128xf32, #tpu.memory_space<vmem>>, vector<1x16xf32>,
      %swap3A_157 = vector.shape_cast %swap3A_156 : vector<1x16xf32> to vector<16xf32>
      %swap3A_158 = vector.shape_cast %mul3A_153 : vector<16xf32> to vector<1x16xf32>
      tpu.vector_store %arg13[%swap3A_154, %swap3A_155], %swap3A_158 {strides = array<i32>} : memref<80x128xf32, #tpu.memory_space<vmem>>, vector<1x16xf32>,
      %get3A_159 = arith.index_cast %scan3A_112 : i32 to index
      %get3A_160 = arith.constant 64 : index
      %get3A_161 = tpu.vector_load %arg13[%get3A_159, %get3A_160] {strides = array<i32>} : memref<80x128xf32, #tpu.memory_space<vmem>>, vector<1x16xf32>,
      %get3A_162 = vector.shape_cast %get3A_161 : vector<1x16xf32> to vector<16xf32>
      %mul3A_163 = vector.broadcast %squeeze3A : f32 to vector<16xf32>
      %mul3A_164 = arith.mulf %get3A_162, %mul3A_163 : vector<16xf32>
      %swap3A_165 = arith.index_cast %scan3A_112 : i32 to index
      %swap3A_166 = arith.constant 64 : index
      %swap3A_167 = tpu.vector_load %arg13[%swap3A_165, %swap3A_166] {strides = array<i32>} : memref<80x128xf32, #tpu.memory_space<vmem>>, vector<1x16xf32>,
      %swap3A_168 = vector.shape_cast %swap3A_167 : vector<1x16xf32> to vector<16xf32>
      %swap3A_169 = vector.shape_cast %mul3A_164 : vector<16xf32> to vector<1x16xf32>
      tpu.vector_store %arg13[%swap3A_165, %swap3A_166], %swap3A_169 {strides = array<i32>} : memref<80x128xf32, #tpu.memory_space<vmem>>, vector<1x16xf32>,
      %get3A_170 = arith.index_cast %scan3A_112 : i32 to index
      %get3A_171 = arith.constant 80 : index
      %get3A_172 = tpu.vector_load %arg13[%get3A_170, %get3A_171] {strides = array<i32>} : memref<80x128xf32, #tpu.memory_space<vmem>>, vector<1x16xf32>,
      %get3A_173 = vector.shape_cast %get3A_172 : vector<1x16xf32> to vector<16xf32>
      %mul3A_174 = vector.broadcast %squeeze3A : f32 to vector<16xf32>
      %mul3A_175 = arith.mulf %get3A_173, %mul3A_174 : vector<16xf32>
      %swap3A_176 = arith.index_cast %scan3A_112 : i32 to index
      %swap3A_177 = arith.constant 80 : index
      %swap3A_178 = tpu.vector_load %arg13[%swap3A_176, %swap3A_177] {strides = array<i32>} : memref<80x128xf32, #tpu.memory_space<vmem>>, vector<1x16xf32>,
      %swap3A_179 = vector.shape_cast %swap3A_178 : vector<1x16xf32> to vector<16xf32>
      %swap3A_180 = vector.shape_cast %mul3A_175 : vector<16xf32> to vector<1x16xf32>
      tpu.vector_store %arg13[%swap3A_176, %swap3A_177], %swap3A_180 {strides = array<i32>} : memref<80x128xf32, #tpu.memory_space<vmem>>, vector<1x16xf32>,
      %get3A_181 = arith.index_cast %scan3A_112 : i32 to index
      %get3A_182 = arith.constant 96 : index
      %get3A_183 = tpu.vector_load %arg13[%get3A_181, %get3A_182] {strides = array<i32>} : memref<80x128xf32, #tpu.memory_space<vmem>>, vector<1x16xf32>,
      %get3A_184 = vector.shape_cast %get3A_183 : vector<1x16xf32> to vector<16xf32>
      %mul3A_185 = vector.broadcast %squeeze3A : f32 to vector<16xf32>
      %mul3A_186 = arith.mulf %get3A_184, %mul3A_185 : vector<16xf32>
      %swap3A_187 = arith.index_cast %scan3A_112 : i32 to index
      %swap3A_188 = arith.constant 96 : index
      %swap3A_189 = tpu.vector_load %arg13[%swap3A_187, %swap3A_188] {strides = array<i32>} : memref<80x128xf32, #tpu.memory_space<vmem>>, vector<1x16xf32>,
      %swap3A_190 = vector.shape_cast %swap3A_189 : vector<1x16xf32> to vector<16xf32>
      %swap3A_191 = vector.shape_cast %mul3A_186 : vector<16xf32> to vector<1x16xf32>
      tpu.vector_store %arg13[%swap3A_187, %swap3A_188], %swap3A_191 {strides = array<i32>} : memref<80x128xf32, #tpu.memory_space<vmem>>, vector<1x16xf32>,
      %get3A_192 = arith.index_cast %scan3A_112 : i32 to index
      %get3A_193 = arith.constant 112 : index
      %get3A_194 = tpu.vector_load %arg13[%get3A_192, %get3A_193] {strides = array<i32>} : memref<80x128xf32, #tpu.memory_space<vmem>>, vector<1x16xf32>,
      %get3A_195 = vector.shape_cast %get3A_194 : vector<1x16xf32> to vector<16xf32>
      %mul3A_196 = vector.broadcast %squeeze3A : f32 to vector<16xf32>
      %mul3A_197 = arith.mulf %get3A_195, %mul3A_196 : vector<16xf32>
      %swap3A_198 = arith.index_cast %scan3A_112 : i32 to index
      %swap3A_199 = arith.constant 112 : index
      %swap3A_200 = tpu.vector_load %arg13[%swap3A_198, %swap3A_199] {strides = array<i32>} : memref<80x128xf32, #tpu.memory_space<vmem>>, vector<1x16xf32>,
      %swap3A_201 = vector.shape_cast %swap3A_200 : vector<1x16xf32> to vector<16xf32>
      %swap3A_202 = vector.shape_cast %mul3A_197 : vector<16xf32> to vector<1x16xf32>
      tpu.vector_store %arg13[%swap3A_198, %swap3A_199], %swap3A_202 {strides = array<i32>} : memref<80x128xf32, #tpu.memory_space<vmem>>, vector<1x16xf32>,
    }
    %scan3A_55 = arith.constant 80 : i32
    "tpu.region"() ({
      %run_scoped3A = tpu.sem_alloc : memref<!tpu.dma_semaphore, #tpu.memory_space<semaphore_mem>>
      %dma_start3A_112 = arith.constant 0 : i32
      %dma_start3A_113 = arith.constant 0 : i32
      %dma_start3A_114 = tpu.memref_slice %arg16[%dma_start3A_112, %dma_start3A_113] : memref<10240x128xf32, #tpu.memory_space<vmem_shared>> -> memref<10240x128xf32, #tpu.memory_space<vmem_shared>>
      tpu.enqueue_indirect_dma source(%arg13 : memref<80x128xf32, #tpu.memory_space<vmem>>) target(%dma_start3A_114 : memref<10240x128xf32, #tpu.memory_space<vmem_shared>>) offsets(%arg9 : memref<80xi32, #tpu.memory_space<vmem>>) semaphore(%run_scoped3A : memref<!tpu.dma_semaphore, #tpu.memory_space<semaphore_mem>>) {add = true}
      %dma_wait3A_115 = arith.constant 0 : i32
      %dma_wait3A_116 = arith.constant 0 : i32
      %dma_wait3A_117 = tpu.memref_slice %arg16[%dma_wait3A_115, %dma_wait3A_116] : memref<10240x128xf32, #tpu.memory_space<vmem_shared>> -> memref<10240x128xf32, #tpu.memory_space<vmem_shared>>
      tpu.wait_indirect_dma semaphore(%run_scoped3A : memref<!tpu.dma_semaphore, #tpu.memory_space<semaphore_mem>>) src(%arg13 : memref<80x128xf32, #tpu.memory_space<vmem>>) dst(%dma_wait3A_117 : memref<10240x128xf32, #tpu.memory_space<vmem_shared>>)
      tpu.yield
    }) : () -> ()
    %barrier3A_56 = arith.constant 0 : index
    tpu.barrier barrier_id(%barrier3A_56)
    %mul3A_57 = arith.constant 640 : i32
    %mul3A_58 = arith.muli %arg1, %mul3A_57 : i32
    %add3A_59 = arith.constant 0 : i32
    %add3A_60 = arith.addi %mul3A_58, %add3A_59 : i32
    %mul3A_61 = arith.constant 10240 : i32
    %mul3A_62 = arith.muli %arg0, %mul3A_61 : i32
    %mul3A_63 = arith.constant 640 : i32
    %mul3A_64 = arith.muli %arg1, %mul3A_63 : i32
    %add3A_65 = arith.addi %mul3A_62, %mul3A_64 : i32
    %add3A_66 = arith.constant 0 : i32
    %add3A_67 = arith.addi %add3A_65, %add3A_66 : i32
    "tpu.region"() ({
      %run_scoped3A = tpu.sem_alloc : memref<!tpu.dma_semaphore, #tpu.memory_space<semaphore_mem>>
      %dma_start3A_112 = arith.constant 0 : i32
      %dma_start3A_113 = tpu.memref_slice %arg6[%add3A_67, %dma_start3A_112] : memref<20480x128xf32, #tpu.memory_space<hbm>> -> memref<128x128xf32, #tpu.memory_space<hbm>>
      %dma_start3A_114 = arith.constant 0 : i32
      %dma_start3A_115 = tpu.memref_slice %arg16[%add3A_60, %dma_start3A_114] : memref<10240x128xf32, #tpu.memory_space<vmem_shared>> -> memref<128x128xf32, #tpu.memory_space<vmem_shared>>
      tpu.enqueue_dma source(%dma_start3A_115 : memref<128x128xf32, #tpu.memory_space<vmem_shared>>) target(%dma_start3A_113 : memref<128x128xf32, #tpu.memory_space<hbm>>) target_semaphore(%run_scoped3A : memref<!tpu.dma_semaphore, #tpu.memory_space<semaphore_mem>>)
      %dma_wait3A_116 = arith.constant 0 : i32
      %dma_wait3A_117 = tpu.memref_slice %arg6[%add3A_67, %dma_wait3A_116] : memref<20480x128xf32, #tpu.memory_space<hbm>> -> memref<128x128xf32, #tpu.memory_space<hbm>>
      %dma_wait3A_118 = arith.constant 0 : i32
      %dma_wait3A_119 = tpu.memref_slice %arg16[%add3A_60, %dma_wait3A_118] : memref<10240x128xf32, #tpu.memory_space<vmem_shared>> -> memref<128x128xf32, #tpu.memory_space<vmem_shared>>
      tpu.wait_dma2 semaphore(%run_scoped3A : memref<!tpu.dma_semaphore, #tpu.memory_space<semaphore_mem>>) src(%dma_wait3A_119 : memref<128x128xf32, #tpu.memory_space<vmem_shared>>) dst(%dma_wait3A_117 : memref<128x128xf32, #tpu.memory_space<hbm>>)
      tpu.yield
    }) : () -> ()
    %mul3A_68 = arith.constant 640 : i32
    %mul3A_69 = arith.muli %arg1, %mul3A_68 : i32
    %add3A_70 = arith.constant 128 : i32
    %add3A_71 = arith.addi %mul3A_69, %add3A_70 : i32
    %mul3A_72 = arith.constant 10240 : i32
    %mul3A_73 = arith.muli %arg0, %mul3A_72 : i32
    %mul3A_74 = arith.constant 640 : i32
    %mul3A_75 = arith.muli %arg1, %mul3A_74 : i32
    %add3A_76 = arith.addi %mul3A_73, %mul3A_75 : i32
    %add3A_77 = arith.constant 128 : i32
    %add3A_78 = arith.addi %add3A_76, %add3A_77 : i32
    "tpu.region"() ({
      %run_scoped3A = tpu.sem_alloc : memref<!tpu.dma_semaphore, #tpu.memory_space<semaphore_mem>>
      %dma_start3A_112 = arith.constant 0 : i32
      %dma_start3A_113 = tpu.memref_slice %arg6[%add3A_78, %dma_start3A_112] : memref<20480x128xf32, #tpu.memory_space<hbm>> -> memref<128x128xf32, #tpu.memory_space<hbm>>
      %dma_start3A_114 = arith.constant 0 : i32
      %dma_start3A_115 = tpu.memref_slice %arg16[%add3A_71, %dma_start3A_114] : memref<10240x128xf32, #tpu.memory_space<vmem_shared>> -> memref<128x128xf32, #tpu.memory_space<vmem_shared>>
      tpu.enqueue_dma source(%dma_start3A_115 : memref<128x128xf32, #tpu.memory_space<vmem_shared>>) target(%dma_start3A_113 : memref<128x128xf32, #tpu.memory_space<hbm>>) target_semaphore(%run_scoped3A : memref<!tpu.dma_semaphore, #tpu.memory_space<semaphore_mem>>)
      %dma_wait3A_116 = arith.constant 0 : i32
      %dma_wait3A_117 = tpu.memref_slice %arg6[%add3A_78, %dma_wait3A_116] : memref<20480x128xf32, #tpu.memory_space<hbm>> -> memref<128x128xf32, #tpu.memory_space<hbm>>
      %dma_wait3A_118 = arith.constant 0 : i32
      %dma_wait3A_119 = tpu.memref_slice %arg16[%add3A_71, %dma_wait3A_118] : memref<10240x128xf32, #tpu.memory_space<vmem_shared>> -> memref<128x128xf32, #tpu.memory_space<vmem_shared>>
      tpu.wait_dma2 semaphore(%run_scoped3A : memref<!tpu.dma_semaphore, #tpu.memory_space<semaphore_mem>>) src(%dma_wait3A_119 : memref<128x128xf32, #tpu.memory_space<vmem_shared>>) dst(%dma_wait3A_117 : memref<128x128xf32, #tpu.memory_space<hbm>>)
      tpu.yield
    }) : () -> ()
    %mul3A_79 = arith.constant 640 : i32
    %mul3A_80 = arith.muli %arg1, %mul3A_79 : i32
    %add3A_81 = arith.constant 256 : i32
    %add3A_82 = arith.addi %mul3A_80, %add3A_81 : i32
    %mul3A_83 = arith.constant 10240 : i32
    %mul3A_84 = arith.muli %arg0, %mul3A_83 : i32
    %mul3A_85 = arith.constant 640 : i32
    %mul3A_86 = arith.muli %arg1, %mul3A_85 : i32
    %add3A_87 = arith.addi %mul3A_84, %mul3A_86 : i32
    %add3A_88 = arith.constant 256 : i32
    %add3A_89 = arith.addi %add3A_87, %add3A_88 : i32
    "tpu.region"() ({
      %run_scoped3A = tpu.sem_alloc : memref<!tpu.dma_semaphore, #tpu.memory_space<semaphore_mem>>
      %dma_start3A_112 = arith.constant 0 : i32
      %dma_start3A_113 = tpu.memref_slice %arg6[%add3A_89, %dma_start3A_112] : memref<20480x128xf32, #tpu.memory_space<hbm>> -> memref<128x128xf32, #tpu.memory_space<hbm>>
      %dma_start3A_114 = arith.constant 0 : i32
      %dma_start3A_115 = tpu.memref_slice %arg16[%add3A_82, %dma_start3A_114] : memref<10240x128xf32, #tpu.memory_space<vmem_shared>> -> memref<128x128xf32, #tpu.memory_space<vmem_shared>>
      tpu.enqueue_dma source(%dma_start3A_115 : memref<128x128xf32, #tpu.memory_space<vmem_shared>>) target(%dma_start3A_113 : memref<128x128xf32, #tpu.memory_space<hbm>>) target_semaphore(%run_scoped3A : memref<!tpu.dma_semaphore, #tpu.memory_space<semaphore_mem>>)
      %dma_wait3A_116 = arith.constant 0 : i32
      %dma_wait3A_117 = tpu.memref_slice %arg6[%add3A_89, %dma_wait3A_116] : memref<20480x128xf32, #tpu.memory_space<hbm>> -> memref<128x128xf32, #tpu.memory_space<hbm>>
      %dma_wait3A_118 = arith.constant 0 : i32
      %dma_wait3A_119 = tpu.memref_slice %arg16[%add3A_82, %dma_wait3A_118] : memref<10240x128xf32, #tpu.memory_space<vmem_shared>> -> memref<128x128xf32, #tpu.memory_space<vmem_shared>>
      tpu.wait_dma2 semaphore(%run_scoped3A : memref<!tpu.dma_semaphore, #tpu.memory_space<semaphore_mem>>) src(%dma_wait3A_119 : memref<128x128xf32, #tpu.memory_space<vmem_shared>>) dst(%dma_wait3A_117 : memref<128x128xf32, #tpu.memory_space<hbm>>)
      tpu.yield
    }) : () -> ()
    %mul3A_90 = arith.constant 640 : i32
    %mul3A_91 = arith.muli %arg1, %mul3A_90 : i32
    %add3A_92 = arith.constant 384 : i32
    %add3A_93 = arith.addi %mul3A_91, %add3A_92 : i32
    %mul3A_94 = arith.constant 10240 : i32
    %mul3A_95 = arith.muli %arg0, %mul3A_94 : i32
    %mul3A_96 = arith.constant 640 : i32
    %mul3A_97 = arith.muli %arg1, %mul3A_96 : i32
    %add3A_98 = arith.addi %mul3A_95, %mul3A_97 : i32
    %add3A_99 = arith.constant 384 : i32
    %add3A_100 = arith.addi %add3A_98, %add3A_99 : i32
    "tpu.region"() ({
      %run_scoped3A = tpu.sem_alloc : memref<!tpu.dma_semaphore, #tpu.memory_space<semaphore_mem>>
      %dma_start3A_112 = arith.constant 0 : i32
      %dma_start3A_113 = tpu.memref_slice %arg6[%add3A_100, %dma_start3A_112] : memref<20480x128xf32, #tpu.memory_space<hbm>> -> memref<128x128xf32, #tpu.memory_space<hbm>>
      %dma_start3A_114 = arith.constant 0 : i32
      %dma_start3A_115 = tpu.memref_slice %arg16[%add3A_93, %dma_start3A_114] : memref<10240x128xf32, #tpu.memory_space<vmem_shared>> -> memref<128x128xf32, #tpu.memory_space<vmem_shared>>
      tpu.enqueue_dma source(%dma_start3A_115 : memref<128x128xf32, #tpu.memory_space<vmem_shared>>) target(%dma_start3A_113 : memref<128x128xf32, #tpu.memory_space<hbm>>) target_semaphore(%run_scoped3A : memref<!tpu.dma_semaphore, #tpu.memory_space<semaphore_mem>>)
      %dma_wait3A_116 = arith.constant 0 : i32
      %dma_wait3A_117 = tpu.memref_slice %arg6[%add3A_100, %dma_wait3A_116] : memref<20480x128xf32, #tpu.memory_space<hbm>> -> memref<128x128xf32, #tpu.memory_space<hbm>>
      %dma_wait3A_118 = arith.constant 0 : i32
      %dma_wait3A_119 = tpu.memref_slice %arg16[%add3A_93, %dma_wait3A_118] : memref<10240x128xf32, #tpu.memory_space<vmem_shared>> -> memref<128x128xf32, #tpu.memory_space<vmem_shared>>
      tpu.wait_dma2 semaphore(%run_scoped3A : memref<!tpu.dma_semaphore, #tpu.memory_space<semaphore_mem>>) src(%dma_wait3A_119 : memref<128x128xf32, #tpu.memory_space<vmem_shared>>) dst(%dma_wait3A_117 : memref<128x128xf32, #tpu.memory_space<hbm>>)
      tpu.yield
    }) : () -> ()
    %mul3A_101 = arith.constant 640 : i32
    %mul3A_102 = arith.muli %arg1, %mul3A_101 : i32
    %add3A_103 = arith.constant 512 : i32
    %add3A_104 = arith.addi %mul3A_102, %add3A_103 : i32
    %mul3A_105 = arith.constant 10240 : i32
    %mul3A_106 = arith.muli %arg0, %mul3A_105 : i32
    %mul3A_107 = arith.constant 640 : i32
    %mul3A_108 = arith.muli %arg1, %mul3A_107 : i32
    %add3A_109 = arith.addi %mul3A_106, %mul3A_108 : i32
    %add3A_110 = arith.constant 512 : i32
    %add3A_111 = arith.addi %add3A_109, %add3A_110 : i32
    "tpu.region"() ({
      %run_scoped3A = tpu.sem_alloc : memref<!tpu.dma_semaphore, #tpu.memory_space<semaphore_mem>>
      %dma_start3A_112 = arith.constant 0 : i32
      %dma_start3A_113 = tpu.memref_slice %arg6[%add3A_111, %dma_start3A_112] : memref<20480x128xf32, #tpu.memory_space<hbm>> -> memref<128x128xf32, #tpu.memory_space<hbm>>
      %dma_start3A_114 = arith.constant 0 : i32
      %dma_start3A_115 = tpu.memref_slice %arg16[%add3A_104, %dma_start3A_114] : memref<10240x128xf32, #tpu.memory_space<vmem_shared>> -> memref<128x128xf32, #tpu.memory_space<vmem_shared>>
      tpu.enqueue_dma source(%dma_start3A_115 : memref<128x128xf32, #tpu.memory_space<vmem_shared>>) target(%dma_start3A_113 : memref<128x128xf32, #tpu.memory_space<hbm>>) target_semaphore(%run_scoped3A : memref<!tpu.dma_semaphore, #tpu.memory_space<semaphore_mem>>)
      %dma_wait3A_116 = arith.constant 0 : i32
      %dma_wait3A_117 = tpu.memref_slice %arg6[%add3A_111, %dma_wait3A_116] : memref<20480x128xf32, #tpu.memory_space<hbm>> -> memref<128x128xf32, #tpu.memory_space<hbm>>
      %dma_wait3A_118 = arith.constant 0 : i32
      %dma_wait3A_119 = tpu.memref_slice %arg16[%add3A_104, %dma_wait3A_118] : memref<10240x128xf32, #tpu.memory_space<vmem_shared>> -> memref<128x128xf32, #tpu.memory_space<vmem_shared>>
      tpu.wait_dma2 semaphore(%run_scoped3A : memref<!tpu.dma_semaphore, #tpu.memory_space<semaphore_mem>>) src(%dma_wait3A_119 : memref<128x128xf32, #tpu.memory_space<vmem_shared>>) dst(%dma_wait3A_117 : memref<128x128xf32, #tpu.memory_space<hbm>>)
      tpu.yield
    }) : () -> ()
    return
  }
}

module attributes {stable_mosaic.version = 14 : i64} {
  func.func @_tc1_body(%arg0: i32, %arg1: memref<1000x128xf32, #tpu.memory_space<vmem>>, %arg2: memref<1000x1xf32, #tpu.memory_space<vmem>>, %arg3: memref<128x128xf32, #tpu.memory_space<vmem>>, %arg4: memref<1x128xf32, #tpu.memory_space<vmem>>, %arg5: memref<128x128xf32, #tpu.memory_space<vmem>>, %arg6: memref<128x128xf32, #tpu.memory_space<vmem>>, %arg7: memref<1000x128xf32, #tpu.memory_space<vmem>>, %arg8: memref<1000x128xf32, #tpu.memory_space<vmem>>, %arg9: memref<1000x128xf32, #tpu.memory_space<vmem>>) attributes {dimension_semantics = [#tpu.dimension_semantics<arbitrary>], iteration_bounds = array<i64: 10>, scalar_prefetch = 0 : i64, scratch_operands = 0 : i64, tpu.core_type = #tpu.core_type<tc>, window_params = [{transform_indices = @transform_0, window_bounds = array<i64: 1000, 128>}, {transform_indices = @transform_1, window_bounds = array<i64: 1000, 1>}, {pipeline_mode = #tpu.pipeline_mode<synchronous>, transform_indices = @transform_2, window_bounds = array<i64: 128, 128>}, {pipeline_mode = #tpu.pipeline_mode<synchronous>, transform_indices = @transform_3, window_bounds = array<i64: 1, 128>}, {pipeline_mode = #tpu.pipeline_mode<synchronous>, transform_indices = @transform_4, window_bounds = array<i64: 128, 128>}, {pipeline_mode = #tpu.pipeline_mode<synchronous>, transform_indices = @transform_5, window_bounds = array<i64: 128, 128>}, {transform_indices = @transform_6, window_bounds = array<i64: 1000, 128>}, {transform_indices = @transform_7, window_bounds = array<i64: 1000, 128>}, {transform_indices = @transform_8, window_bounds = array<i64: 1000, 128>}]} {
    %get3A = arith.constant 0 : index
    %get3A_0 = arith.constant 0 : index
    %get3A_1 = vector.load %arg1[%get3A, %get3A_0] : memref<1000x128xf32, #tpu.memory_space<vmem>>, vector<1000x128xf32>
    %get3A_2 = arith.constant 0 : index
    %get3A_3 = arith.constant 0 : index
    %get3A_4 = vector.load %arg2[%get3A_2, %get3A_3] : memref<1000x1xf32, #tpu.memory_space<vmem>>, vector<1000x1xf32>
    %mul3A = vector.broadcast %get3A_4 : vector<1000x1xf32> to vector<1000x128xf32>
    %mul3A_5 = arith.mulf %get3A_1, %mul3A : vector<1000x128xf32>
    %get3A_6 = arith.constant 0 : index
    %get3A_7 = arith.constant 0 : index
    %get3A_8 = vector.load %arg3[%get3A_6, %get3A_7] : memref<128x128xf32, #tpu.memory_space<vmem>>, vector<128x128xf32>
    %dot_general3A = arith.constant dense<0.000000e+00> : vector<1000x128xf32>
    %dot_general3A_9 = tpu.matmul %mul3A_5, %get3A_8, %dot_general3A {dimension_numbers = #tpu.dot_dimension_numbers<[1], [0], [0], [1], [0, 0, 1, 1], [], []>, transpose_lhs_hint = false} : vector<1000x128xf32>, vector<128x128xf32>, vector<1000x128xf32> -> vector<1000x128xf32>
    %get3A_10 = arith.constant 0 : index
    %get3A_11 = arith.constant 0 : index
    %get3A_12 = vector.load %arg4[%get3A_10, %get3A_11] : memref<1x128xf32, #tpu.memory_space<vmem>>, vector<1x128xf32>
    %add3A = vector.broadcast %get3A_12 : vector<1x128xf32> to vector<1000x128xf32>
    %add3A_13 = arith.addf %dot_general3A_9, %add3A : vector<1000x128xf32>
    %swap3A = arith.constant 0 : index
    %swap3A_14 = arith.constant 0 : index
    %swap3A_15 = vector.load %arg7[%swap3A, %swap3A_14] : memref<1000x128xf32, #tpu.memory_space<vmem>>, vector<1000x128xf32>
    tpu.vector_store %arg7[%swap3A, %swap3A_14], %add3A_13 {strides = array<i32>} : memref<1000x128xf32, #tpu.memory_space<vmem>>, vector<1000x128xf32>,
    %get3A_16 = arith.constant 0 : index
    %get3A_17 = arith.constant 0 : index
    %get3A_18 = vector.load %arg5[%get3A_16, %get3A_17] : memref<128x128xf32, #tpu.memory_space<vmem>>, vector<128x128xf32>
    %dot_general3A_19 = arith.constant dense<0.000000e+00> : vector<1000x128xf32>
    %dot_general3A_20 = tpu.matmul %add3A_13, %get3A_18, %dot_general3A_19 {dimension_numbers = #tpu.dot_dimension_numbers<[1], [0], [0], [1], [0, 0, 1, 1], [], []>, transpose_lhs_hint = false} : vector<1000x128xf32>, vector<128x128xf32>, vector<1000x128xf32> -> vector<1000x128xf32>
    %swap3A_21 = arith.constant 0 : index
    %swap3A_22 = arith.constant 0 : index
    %swap3A_23 = vector.load %arg8[%swap3A_21, %swap3A_22] : memref<1000x128xf32, #tpu.memory_space<vmem>>, vector<1000x128xf32>
    tpu.vector_store %arg8[%swap3A_21, %swap3A_22], %dot_general3A_20 {strides = array<i32>} : memref<1000x128xf32, #tpu.memory_space<vmem>>, vector<1000x128xf32>,
    %get3A_24 = arith.constant 0 : index
    %get3A_25 = arith.constant 0 : index
    %get3A_26 = vector.load %arg6[%get3A_24, %get3A_25] : memref<128x128xf32, #tpu.memory_space<vmem>>, vector<128x128xf32>
    %dot_general3A_27 = arith.constant dense<0.000000e+00> : vector<1000x128xf32>
    %dot_general3A_28 = tpu.matmul %add3A_13, %get3A_26, %dot_general3A_27 {dimension_numbers = #tpu.dot_dimension_numbers<[1], [0], [0], [1], [0, 0, 1, 1], [], []>, transpose_lhs_hint = false} : vector<1000x128xf32>, vector<128x128xf32>, vector<1000x128xf32> -> vector<1000x128xf32>
    %swap3A_29 = arith.constant 0 : index
    %swap3A_30 = arith.constant 0 : index
    %swap3A_31 = vector.load %arg9[%swap3A_29, %swap3A_30] : memref<1000x128xf32, #tpu.memory_space<vmem>>, vector<1000x128xf32>
    tpu.vector_store %arg9[%swap3A_29, %swap3A_30], %dot_general3A_28 {strides = array<i32>} : memref<1000x128xf32, #tpu.memory_space<vmem>>, vector<1000x128xf32>,
    return
  }
  func.func @transform_0(%arg0: i32) -> (i32, i32) {
    %c0_i32 = arith.constant 0 : i32
    %c0_i32_0 = arith.constant 0 : i32
    return %arg0, %c0_i32 : i32, i32
  }
  func.func @transform_1(%arg0: i32) -> (i32, i32) {
    %c0_i32 = arith.constant 0 : i32
    %c0_i32_0 = arith.constant 0 : i32
    return %arg0, %c0_i32 : i32, i32
  }
  func.func @transform_2(%arg0: i32) -> (i32, i32) {
    %c0_i32 = arith.constant 0 : i32
    %c0_i32_0 = arith.constant 0 : i32
    %c0_i32_1 = arith.constant 0 : i32
    return %c0_i32, %c0_i32_0 : i32, i32
  }
  func.func @transform_3(%arg0: i32) -> (i32, i32) {
    %c0_i32 = arith.constant 0 : i32
    %c0_i32_0 = arith.constant 0 : i32
    %c0_i32_1 = arith.constant 0 : i32
    return %c0_i32, %c0_i32_0 : i32, i32
  }
  func.func @transform_4(%arg0: i32) -> (i32, i32) {
    %c0_i32 = arith.constant 0 : i32
    %c0_i32_0 = arith.constant 0 : i32
    %c0_i32_1 = arith.constant 0 : i32
    return %c0_i32, %c0_i32_0 : i32, i32
  }
  func.func @transform_5(%arg0: i32) -> (i32, i32) {
    %c0_i32 = arith.constant 0 : i32
    %c0_i32_0 = arith.constant 0 : i32
    %c0_i32_1 = arith.constant 0 : i32
    return %c0_i32, %c0_i32_0 : i32, i32
  }
  func.func @transform_6(%arg0: i32) -> (i32, i32) {
    %c0_i32 = arith.constant 0 : i32
    %c0_i32_0 = arith.constant 0 : i32
    return %arg0, %c0_i32 : i32, i32
  }
  func.func @transform_7(%arg0: i32) -> (i32, i32) {
    %c0_i32 = arith.constant 0 : i32
    %c0_i32_0 = arith.constant 0 : i32
    return %arg0, %c0_i32 : i32, i32
  }
  func.func @transform_8(%arg0: i32) -> (i32, i32) {
    %c0_i32 = arith.constant 0 : i32
    %c0_i32_0 = arith.constant 0 : i32
    return %arg0, %c0_i32 : i32, i32
  }
}

module attributes {stable_mosaic.version = 14 : i64} {
  func.func @_tc2_body(%arg0: i32, %arg1: memref<1000x128xf32, #tpu.memory_space<vmem>>, %arg2: memref<1000x128xf32, #tpu.memory_space<vmem>>, %arg3: memref<1000x128xf32, #tpu.memory_space<vmem>>, %arg4: memref<1000x128xf32, #tpu.memory_space<vmem>>, %arg5: memref<2x1000x16xf32, #tpu.memory_space<vmem>>, %arg6: memref<2x128xf32, #tpu.memory_space<vmem>>, %arg7: memref<1x128xf32, #tpu.memory_space<vmem>>, %arg8: memref<128x128xf32, #tpu.memory_space<vmem>>, %arg9: memref<128x128xf32, #tpu.memory_space<vmem>>, %arg10: memref<1000x128xf32, #tpu.memory_space<vmem>>, %arg11: memref<1000x128xf32, #tpu.memory_space<vmem>>, %arg12: memref<1000x128xf32, #tpu.memory_space<vmem>>, %arg13: memref<1000x16xf32, #tpu.memory_space<vmem>>) attributes {dimension_semantics = [#tpu.dimension_semantics<arbitrary>], iteration_bounds = array<i64: 10>, scalar_prefetch = 0 : i64, scratch_operands = 0 : i64, tpu.core_type = #tpu.core_type<tc>, window_params = [{transform_indices = @transform_0, window_bounds = array<i64: 1000, 128>}, {transform_indices = @transform_1, window_bounds = array<i64: 1000, 128>}, {transform_indices = @transform_2, window_bounds = array<i64: 1000, 128>}, {transform_indices = @transform_3, window_bounds = array<i64: 1000, 128>}, {transform_indices = @transform_4, window_bounds = array<i64: 2, 1000, 16>}, {pipeline_mode = #tpu.pipeline_mode<synchronous>, transform_indices = @transform_5, window_bounds = array<i64: 2, 128>}, {pipeline_mode = #tpu.pipeline_mode<synchronous>, transform_indices = @transform_6, window_bounds = array<i64: 1, 128>}, {pipeline_mode = #tpu.pipeline_mode<synchronous>, transform_indices = @transform_7, window_bounds = array<i64: 128, 128>}, {pipeline_mode = #tpu.pipeline_mode<synchronous>, transform_indices = @transform_8, window_bounds = array<i64: 128, 128>}, {transform_indices = @transform_9, window_bounds = array<i64: 1000, 128>}, {transform_indices = @transform_10, window_bounds = array<i64: 1000, 128>}, {transform_indices = @transform_11, window_bounds = array<i64: 1000, 128>}, {transform_indices = @transform_12, window_bounds = array<i64: 1000, 16>}]} {
    %get3A = arith.constant 0 : index
    %get3A_0 = arith.constant 0 : index
    %get3A_1 = arith.constant 0 : index
    %get3A_2 = vector.load %arg5[%get3A, %get3A_0, %get3A_1] : memref<2x1000x16xf32, #tpu.memory_space<vmem>>, vector<2x1000x16xf32>
    %reduce_sum3A = arith.constant dense<0.000000e+00> : vector<1000x16xf32>
    %reduce_sum3A_3 = vector.multi_reduction <add>, %get3A_2, %reduce_sum3A [0] : vector<2x1000x16xf32> to vector<1000x16xf32>
    %swap3A = arith.constant 0 : index
    %swap3A_4 = arith.constant 0 : index
    %swap3A_5 = vector.load %arg13[%swap3A, %swap3A_4] : memref<1000x16xf32, #tpu.memory_space<vmem>>, vector<1000x16xf32>
    tpu.vector_store %arg13[%swap3A, %swap3A_4], %reduce_sum3A_3 {strides = array<i32>} : memref<1000x16xf32, #tpu.memory_space<vmem>>, vector<1000x16xf32>,
    %slice3A = vector.extract_strided_slice %reduce_sum3A_3 {offsets = [0, 0], sizes = [1000, 1], strides = [1, 1]} : vector<1000x16xf32> to vector<1000x1xf32>
    %slice3A_6 = vector.extract_strided_slice %reduce_sum3A_3 {offsets = [0, 1], sizes = [1000, 1], strides = [1, 1]} : vector<1000x16xf32> to vector<1000x1xf32>
    %slice3A_7 = vector.extract_strided_slice %reduce_sum3A_3 {offsets = [0, 2], sizes = [1000, 1], strides = [1, 1]} : vector<1000x16xf32> to vector<1000x1xf32>
    %slice3A_8 = vector.extract_strided_slice %reduce_sum3A_3 {offsets = [0, 3], sizes = [1000, 1], strides = [1, 1]} : vector<1000x16xf32> to vector<1000x1xf32>
    %get3A_9 = arith.constant 0 : index
    %get3A_10 = arith.constant 0 : index
    %get3A_11 = vector.load %arg2[%get3A_9, %get3A_10] : memref<1000x128xf32, #tpu.memory_space<vmem>>, vector<1000x128xf32>
    %mul3A = vector.broadcast %slice3A : vector<1000x1xf32> to vector<1000x128xf32>
    %mul3A_12 = arith.mulf %mul3A, %get3A_11 : vector<1000x128xf32>
    %get3A_13 = arith.constant 0 : index
    %get3A_14 = arith.constant 0 : index
    %get3A_15 = vector.load %arg3[%get3A_13, %get3A_14] : memref<1000x128xf32, #tpu.memory_space<vmem>>, vector<1000x128xf32>
    %add3A = arith.addf %mul3A_12, %get3A_15 : vector<1000x128xf32>
    %get3A_16 = arith.constant 0 : index
    %get3A_17 = arith.constant 0 : index
    %get3A_18 = vector.load %arg4[%get3A_16, %get3A_17] : memref<1000x128xf32, #tpu.memory_space<vmem>>, vector<1000x128xf32>
    %add3A_19 = arith.addf %add3A, %get3A_18 : vector<1000x128xf32>
    %get3A_20 = arith.constant 0 : index
    %get3A_21 = arith.constant 0 : index
    %get3A_22 = vector.load %arg6[%get3A_20, %get3A_21] : memref<2x128xf32, #tpu.memory_space<vmem>>, vector<1x128xf32>
    %mul3A_23 = vector.broadcast %slice3A_6 : vector<1000x1xf32> to vector<1000x128xf32>
    %mul3A_24 = vector.broadcast %get3A_22 : vector<1x128xf32> to vector<1000x128xf32>
    %mul3A_25 = arith.mulf %mul3A_23, %mul3A_24 : vector<1000x128xf32>
    %add3A_26 = arith.addf %add3A_19, %mul3A_25 : vector<1000x128xf32>
    %get3A_27 = arith.constant 1 : index
    %get3A_28 = arith.constant 0 : index
    %get3A_29 = vector.load %arg6[%get3A_27, %get3A_28] : memref<2x128xf32, #tpu.memory_space<vmem>>, vector<1x128xf32>
    %mul3A_30 = vector.broadcast %slice3A_7 : vector<1000x1xf32> to vector<1000x128xf32>
    %mul3A_31 = vector.broadcast %get3A_29 : vector<1x128xf32> to vector<1000x128xf32>
    %mul3A_32 = arith.mulf %mul3A_30, %mul3A_31 : vector<1000x128xf32>
    %add3A_33 = arith.addf %add3A_26, %mul3A_32 : vector<1000x128xf32>
    %get3A_34 = arith.constant 0 : index
    %get3A_35 = arith.constant 0 : index
    %get3A_36 = vector.load %arg7[%get3A_34, %get3A_35] : memref<1x128xf32, #tpu.memory_space<vmem>>, vector<1x128xf32>
    %mul3A_37 = vector.broadcast %slice3A_8 : vector<1000x1xf32> to vector<1000x128xf32>
    %mul3A_38 = vector.broadcast %get3A_36 : vector<1x128xf32> to vector<1000x128xf32>
    %mul3A_39 = arith.mulf %mul3A_37, %mul3A_38 : vector<1000x128xf32>
    %add3A_40 = arith.addf %add3A_33, %mul3A_39 : vector<1000x128xf32>
    %get3A_41 = arith.constant 0 : index
    %get3A_42 = arith.constant 0 : index
    %get3A_43 = vector.load %arg1[%get3A_41, %get3A_42] : memref<1000x128xf32, #tpu.memory_space<vmem>>, vector<1000x128xf32>
    %neg3A = arith.constant 0.000000e+00 : f32
    %neg3A_44 = vector.broadcast %neg3A : f32 to vector<1000x128xf32>
    %neg3A_45 = arith.subf %neg3A_44, %add3A_40 : vector<1000x128xf32>
    %exp3A = math.exp %neg3A_45 : vector<1000x128xf32>
    %add3A_46 = arith.constant 1.000000e+00 : f32
    %add3A_47 = vector.broadcast %add3A_46 : f32 to vector<1000x128xf32>
    %add3A_48 = arith.addf %add3A_47, %exp3A : vector<1000x128xf32>
    %div3A = arith.constant 1.000000e+00 : f32
    %div3A_49 = vector.broadcast %div3A : f32 to vector<1000x128xf32>
    %div3A_50 = arith.divf %div3A_49, %add3A_48 : vector<1000x128xf32>
    %mul3A_51 = arith.mulf %add3A_40, %div3A_50 : vector<1000x128xf32>
    %add3A_52 = arith.addf %get3A_43, %mul3A_51 : vector<1000x128xf32>
    %swap3A_53 = arith.constant 0 : index
    %swap3A_54 = arith.constant 0 : index
    %swap3A_55 = vector.load %arg10[%swap3A_53, %swap3A_54] : memref<1000x128xf32, #tpu.memory_space<vmem>>, vector<1000x128xf32>
    tpu.vector_store %arg10[%swap3A_53, %swap3A_54], %add3A_52 {strides = array<i32>} : memref<1000x128xf32, #tpu.memory_space<vmem>>, vector<1000x128xf32>,
    %get3A_56 = arith.constant 0 : index
    %get3A_57 = arith.constant 0 : index
    %get3A_58 = vector.load %arg8[%get3A_56, %get3A_57] : memref<128x128xf32, #tpu.memory_space<vmem>>, vector<128x128xf32>
    %dot_general3A = arith.constant dense<0.000000e+00> : vector<1000x128xf32>
    %dot_general3A_59 = tpu.matmul %add3A_52, %get3A_58, %dot_general3A {dimension_numbers = #tpu.dot_dimension_numbers<[1], [0], [0], [1], [0, 0, 1, 1], [], []>, transpose_lhs_hint = false} : vector<1000x128xf32>, vector<128x128xf32>, vector<1000x128xf32> -> vector<1000x128xf32>
    %swap3A_60 = arith.constant 0 : index
    %swap3A_61 = arith.constant 0 : index
    %swap3A_62 = vector.load %arg11[%swap3A_60, %swap3A_61] : memref<1000x128xf32, #tpu.memory_space<vmem>>, vector<1000x128xf32>
    tpu.vector_store %arg11[%swap3A_60, %swap3A_61], %dot_general3A_59 {strides = array<i32>} : memref<1000x128xf32, #tpu.memory_space<vmem>>, vector<1000x128xf32>,
    %get3A_63 = arith.constant 0 : index
    %get3A_64 = arith.constant 0 : index
    %get3A_65 = vector.load %arg9[%get3A_63, %get3A_64] : memref<128x128xf32, #tpu.memory_space<vmem>>, vector<128x128xf32>
    %dot_general3A_66 = arith.constant dense<0.000000e+00> : vector<1000x128xf32>
    %dot_general3A_67 = tpu.matmul %add3A_52, %get3A_65, %dot_general3A_66 {dimension_numbers = #tpu.dot_dimension_numbers<[1], [0], [0], [1], [0, 0, 1, 1], [], []>, transpose_lhs_hint = false} : vector<1000x128xf32>, vector<128x128xf32>, vector<1000x128xf32> -> vector<1000x128xf32>
    %swap3A_68 = arith.constant 0 : index
    %swap3A_69 = arith.constant 0 : index
    %swap3A_70 = vector.load %arg12[%swap3A_68, %swap3A_69] : memref<1000x128xf32, #tpu.memory_space<vmem>>, vector<1000x128xf32>
    tpu.vector_store %arg12[%swap3A_68, %swap3A_69], %dot_general3A_67 {strides = array<i32>} : memref<1000x128xf32, #tpu.memory_space<vmem>>, vector<1000x128xf32>,
    return
  }
  func.func @transform_0(%arg0: i32) -> (i32, i32) {
    %c0_i32 = arith.constant 0 : i32
    %c0_i32_0 = arith.constant 0 : i32
    return %arg0, %c0_i32 : i32, i32
  }
  func.func @transform_1(%arg0: i32) -> (i32, i32) {
    %c0_i32 = arith.constant 0 : i32
    %c0_i32_0 = arith.constant 0 : i32
    return %arg0, %c0_i32 : i32, i32
  }
  func.func @transform_2(%arg0: i32) -> (i32, i32) {
    %c0_i32 = arith.constant 0 : i32
    %c0_i32_0 = arith.constant 0 : i32
    return %arg0, %c0_i32 : i32, i32
  }
  func.func @transform_3(%arg0: i32) -> (i32, i32) {
    %c0_i32 = arith.constant 0 : i32
    %c0_i32_0 = arith.constant 0 : i32
    return %arg0, %c0_i32 : i32, i32
  }
  func.func @transform_4(%arg0: i32) -> (i32, i32, i32) {
    %c0_i32 = arith.constant 0 : i32
    %c0_i32_0 = arith.constant 0 : i32
    %c0_i32_1 = arith.constant 0 : i32
    return %c0_i32, %arg0, %c0_i32_0 : i32, i32, i32
  }
  func.func @transform_5(%arg0: i32) -> (i32, i32) {
    %c0_i32 = arith.constant 0 : i32
    %c0_i32_0 = arith.constant 0 : i32
    %c0_i32_1 = arith.constant 0 : i32
    return %c0_i32, %c0_i32_0 : i32, i32
  }
  func.func @transform_6(%arg0: i32) -> (i32, i32) {
    %c0_i32 = arith.constant 0 : i32
    %c0_i32_0 = arith.constant 0 : i32
    %c0_i32_1 = arith.constant 0 : i32
    return %c0_i32, %c0_i32_0 : i32, i32
  }
  func.func @transform_7(%arg0: i32) -> (i32, i32) {
    %c0_i32 = arith.constant 0 : i32
    %c0_i32_0 = arith.constant 0 : i32
    %c0_i32_1 = arith.constant 0 : i32
    return %c0_i32, %c0_i32_0 : i32, i32
  }
  func.func @transform_8(%arg0: i32) -> (i32, i32) {
    %c0_i32 = arith.constant 0 : i32
    %c0_i32_0 = arith.constant 0 : i32
    %c0_i32_1 = arith.constant 0 : i32
    return %c0_i32, %c0_i32_0 : i32, i32
  }
  func.func @transform_9(%arg0: i32) -> (i32, i32) {
    %c0_i32 = arith.constant 0 : i32
    %c0_i32_0 = arith.constant 0 : i32
    return %arg0, %c0_i32 : i32, i32
  }
  func.func @transform_10(%arg0: i32) -> (i32, i32) {
    %c0_i32 = arith.constant 0 : i32
    %c0_i32_0 = arith.constant 0 : i32
    return %arg0, %c0_i32 : i32, i32
  }
  func.func @transform_11(%arg0: i32) -> (i32, i32) {
    %c0_i32 = arith.constant 0 : i32
    %c0_i32_0 = arith.constant 0 : i32
    return %arg0, %c0_i32 : i32, i32
  }
  func.func @transform_12(%arg0: i32) -> (i32, i32) {
    %c0_i32 = arith.constant 0 : i32
    %c0_i32_0 = arith.constant 0 : i32
    return %arg0, %c0_i32 : i32, i32
  }
}

module attributes {stable_mosaic.version = 14 : i64} {
  func.func @_tc3_body(%arg0: i32, %arg1: memref<1000x128xf32, #tpu.memory_space<vmem>>, %arg2: memref<1000x128xf32, #tpu.memory_space<vmem>>, %arg3: memref<1000x128xf32, #tpu.memory_space<vmem>>, %arg4: memref<1000x128xf32, #tpu.memory_space<vmem>>, %arg5: memref<1000x16xf32, #tpu.memory_space<vmem>>, %arg6: memref<2x128xf32, #tpu.memory_space<vmem>>, %arg7: memref<1x128xf32, #tpu.memory_space<vmem>>, %arg8: memref<1000x1xf32, #tpu.memory_space<vmem>>, %arg9: memref<128x128xf32, #tpu.memory_space<vmem>>, %arg10: memref<1x128xf32, #tpu.memory_space<vmem>>, %arg11: memref<128x128xf32, #tpu.memory_space<vmem>>, %arg12: memref<1x128xf32, #tpu.memory_space<vmem>>, %arg13: memref<1000x128xf32, #tpu.memory_space<vmem>>) attributes {dimension_semantics = [#tpu.dimension_semantics<arbitrary>], iteration_bounds = array<i64: 10>, scalar_prefetch = 0 : i64, scratch_operands = 0 : i64, tpu.core_type = #tpu.core_type<tc>, window_params = [{transform_indices = @transform_0, window_bounds = array<i64: 1000, 128>}, {transform_indices = @transform_1, window_bounds = array<i64: 1000, 128>}, {transform_indices = @transform_2, window_bounds = array<i64: 1000, 128>}, {transform_indices = @transform_3, window_bounds = array<i64: 1000, 128>}, {transform_indices = @transform_4, window_bounds = array<i64: 1000, 16>}, {pipeline_mode = #tpu.pipeline_mode<synchronous>, transform_indices = @transform_5, window_bounds = array<i64: 2, 128>}, {pipeline_mode = #tpu.pipeline_mode<synchronous>, transform_indices = @transform_6, window_bounds = array<i64: 1, 128>}, {transform_indices = @transform_7, window_bounds = array<i64: 1000, 1>}, {pipeline_mode = #tpu.pipeline_mode<synchronous>, transform_indices = @transform_8, window_bounds = array<i64: 128, 128>}, {pipeline_mode = #tpu.pipeline_mode<synchronous>, transform_indices = @transform_9, window_bounds = array<i64: 1, 128>}, {pipeline_mode = #tpu.pipeline_mode<synchronous>, transform_indices = @transform_10, window_bounds = array<i64: 128, 128>}, {pipeline_mode = #tpu.pipeline_mode<synchronous>, transform_indices = @transform_11, window_bounds = array<i64: 1, 128>}, {transform_indices = @transform_12, window_bounds = array<i64: 1000, 128>}]} {
    %get3A = arith.constant 0 : index
    %get3A_0 = arith.constant 0 : index
    %get3A_1 = vector.load %arg5[%get3A, %get3A_0] : memref<1000x16xf32, #tpu.memory_space<vmem>>, vector<1000x16xf32>
    %slice3A = vector.extract_strided_slice %get3A_1 {offsets = [0, 0], sizes = [1000, 1], strides = [1, 1]} : vector<1000x16xf32> to vector<1000x1xf32>
    %slice3A_2 = vector.extract_strided_slice %get3A_1 {offsets = [0, 1], sizes = [1000, 1], strides = [1, 1]} : vector<1000x16xf32> to vector<1000x1xf32>
    %slice3A_3 = vector.extract_strided_slice %get3A_1 {offsets = [0, 2], sizes = [1000, 1], strides = [1, 1]} : vector<1000x16xf32> to vector<1000x1xf32>
    %slice3A_4 = vector.extract_strided_slice %get3A_1 {offsets = [0, 3], sizes = [1000, 1], strides = [1, 1]} : vector<1000x16xf32> to vector<1000x1xf32>
    %get3A_5 = arith.constant 0 : index
    %get3A_6 = arith.constant 0 : index
    %get3A_7 = vector.load %arg2[%get3A_5, %get3A_6] : memref<1000x128xf32, #tpu.memory_space<vmem>>, vector<1000x128xf32>
    %mul3A = vector.broadcast %slice3A : vector<1000x1xf32> to vector<1000x128xf32>
    %mul3A_8 = arith.mulf %mul3A, %get3A_7 : vector<1000x128xf32>
    %get3A_9 = arith.constant 0 : index
    %get3A_10 = arith.constant 0 : index
    %get3A_11 = vector.load %arg3[%get3A_9, %get3A_10] : memref<1000x128xf32, #tpu.memory_space<vmem>>, vector<1000x128xf32>
    %add3A = arith.addf %mul3A_8, %get3A_11 : vector<1000x128xf32>
    %get3A_12 = arith.constant 0 : index
    %get3A_13 = arith.constant 0 : index
    %get3A_14 = vector.load %arg4[%get3A_12, %get3A_13] : memref<1000x128xf32, #tpu.memory_space<vmem>>, vector<1000x128xf32>
    %add3A_15 = arith.addf %add3A, %get3A_14 : vector<1000x128xf32>
    %get3A_16 = arith.constant 0 : index
    %get3A_17 = arith.constant 0 : index
    %get3A_18 = vector.load %arg6[%get3A_16, %get3A_17] : memref<2x128xf32, #tpu.memory_space<vmem>>, vector<1x128xf32>
    %mul3A_19 = vector.broadcast %slice3A_2 : vector<1000x1xf32> to vector<1000x128xf32>
    %mul3A_20 = vector.broadcast %get3A_18 : vector<1x128xf32> to vector<1000x128xf32>
    %mul3A_21 = arith.mulf %mul3A_19, %mul3A_20 : vector<1000x128xf32>
    %add3A_22 = arith.addf %add3A_15, %mul3A_21 : vector<1000x128xf32>
    %get3A_23 = arith.constant 1 : index
    %get3A_24 = arith.constant 0 : index
    %get3A_25 = vector.load %arg6[%get3A_23, %get3A_24] : memref<2x128xf32, #tpu.memory_space<vmem>>, vector<1x128xf32>
    %mul3A_26 = vector.broadcast %slice3A_3 : vector<1000x1xf32> to vector<1000x128xf32>
    %mul3A_27 = vector.broadcast %get3A_25 : vector<1x128xf32> to vector<1000x128xf32>
    %mul3A_28 = arith.mulf %mul3A_26, %mul3A_27 : vector<1000x128xf32>
    %add3A_29 = arith.addf %add3A_22, %mul3A_28 : vector<1000x128xf32>
    %get3A_30 = arith.constant 0 : index
    %get3A_31 = arith.constant 0 : index
    %get3A_32 = vector.load %arg7[%get3A_30, %get3A_31] : memref<1x128xf32, #tpu.memory_space<vmem>>, vector<1x128xf32>
    %mul3A_33 = vector.broadcast %slice3A_4 : vector<1000x1xf32> to vector<1000x128xf32>
    %mul3A_34 = vector.broadcast %get3A_32 : vector<1x128xf32> to vector<1000x128xf32>
    %mul3A_35 = arith.mulf %mul3A_33, %mul3A_34 : vector<1000x128xf32>
    %add3A_36 = arith.addf %add3A_29, %mul3A_35 : vector<1000x128xf32>
    %get3A_37 = arith.constant 0 : index
    %get3A_38 = arith.constant 0 : index
    %get3A_39 = vector.load %arg1[%get3A_37, %get3A_38] : memref<1000x128xf32, #tpu.memory_space<vmem>>, vector<1000x128xf32>
    %neg3A = arith.constant 0.000000e+00 : f32
    %neg3A_40 = vector.broadcast %neg3A : f32 to vector<1000x128xf32>
    %neg3A_41 = arith.subf %neg3A_40, %add3A_36 : vector<1000x128xf32>
    %exp3A = math.exp %neg3A_41 : vector<1000x128xf32>
    %add3A_42 = arith.constant 1.000000e+00 : f32
    %add3A_43 = vector.broadcast %add3A_42 : f32 to vector<1000x128xf32>
    %add3A_44 = arith.addf %add3A_43, %exp3A : vector<1000x128xf32>
    %div3A = arith.constant 1.000000e+00 : f32
    %div3A_45 = vector.broadcast %div3A : f32 to vector<1000x128xf32>
    %div3A_46 = arith.divf %div3A_45, %add3A_44 : vector<1000x128xf32>
    %mul3A_47 = arith.mulf %add3A_36, %div3A_46 : vector<1000x128xf32>
    %add3A_48 = arith.addf %get3A_39, %mul3A_47 : vector<1000x128xf32>
    %get3A_49 = arith.constant 0 : index
    %get3A_50 = arith.constant 0 : index
    %get3A_51 = vector.load %arg8[%get3A_49, %get3A_50] : memref<1000x1xf32, #tpu.memory_space<vmem>>, vector<1000x1xf32>
    %mul3A_52 = vector.broadcast %get3A_51 : vector<1000x1xf32> to vector<1000x128xf32>
    %mul3A_53 = arith.mulf %add3A_48, %mul3A_52 : vector<1000x128xf32>
    %get3A_54 = arith.constant 0 : index
    %get3A_55 = arith.constant 0 : index
    %get3A_56 = vector.load %arg9[%get3A_54, %get3A_55] : memref<128x128xf32, #tpu.memory_space<vmem>>, vector<128x128xf32>
    %dot_general3A = arith.constant dense<0.000000e+00> : vector<1000x128xf32>
    %dot_general3A_57 = tpu.matmul %mul3A_53, %get3A_56, %dot_general3A {dimension_numbers = #tpu.dot_dimension_numbers<[1], [0], [0], [1], [0, 0, 1, 1], [], []>, transpose_lhs_hint = false} : vector<1000x128xf32>, vector<128x128xf32>, vector<1000x128xf32> -> vector<1000x128xf32>
    %get3A_58 = arith.constant 0 : index
    %get3A_59 = arith.constant 0 : index
    %get3A_60 = vector.load %arg10[%get3A_58, %get3A_59] : memref<1x128xf32, #tpu.memory_space<vmem>>, vector<1x128xf32>
    %add3A_61 = vector.broadcast %get3A_60 : vector<1x128xf32> to vector<1000x128xf32>
    %add3A_62 = arith.addf %dot_general3A_57, %add3A_61 : vector<1000x128xf32>
    %neg3A_63 = arith.constant 0.000000e+00 : f32
    %neg3A_64 = vector.broadcast %neg3A_63 : f32 to vector<1000x128xf32>
    %neg3A_65 = arith.subf %neg3A_64, %add3A_62 : vector<1000x128xf32>
    %exp3A_66 = math.exp %neg3A_65 : vector<1000x128xf32>
    %add3A_67 = arith.constant 1.000000e+00 : f32
    %add3A_68 = vector.broadcast %add3A_67 : f32 to vector<1000x128xf32>
    %add3A_69 = arith.addf %add3A_68, %exp3A_66 : vector<1000x128xf32>
    %div3A_70 = arith.constant 1.000000e+00 : f32
    %div3A_71 = vector.broadcast %div3A_70 : f32 to vector<1000x128xf32>
    %div3A_72 = arith.divf %div3A_71, %add3A_69 : vector<1000x128xf32>
    %mul3A_73 = arith.mulf %add3A_62, %div3A_72 : vector<1000x128xf32>
    %get3A_74 = arith.constant 0 : index
    %get3A_75 = arith.constant 0 : index
    %get3A_76 = vector.load %arg8[%get3A_74, %get3A_75] : memref<1000x1xf32, #tpu.memory_space<vmem>>, vector<1000x1xf32>
    %mul3A_77 = vector.broadcast %get3A_76 : vector<1000x1xf32> to vector<1000x128xf32>
    %mul3A_78 = arith.mulf %mul3A_73, %mul3A_77 : vector<1000x128xf32>
    %get3A_79 = arith.constant 0 : index
    %get3A_80 = arith.constant 0 : index
    %get3A_81 = vector.load %arg11[%get3A_79, %get3A_80] : memref<128x128xf32, #tpu.memory_space<vmem>>, vector<128x128xf32>
    %dot_general3A_82 = arith.constant dense<0.000000e+00> : vector<1000x128xf32>
    %dot_general3A_83 = tpu.matmul %mul3A_78, %get3A_81, %dot_general3A_82 {dimension_numbers = #tpu.dot_dimension_numbers<[1], [0], [0], [1], [0, 0, 1, 1], [], []>, transpose_lhs_hint = false} : vector<1000x128xf32>, vector<128x128xf32>, vector<1000x128xf32> -> vector<1000x128xf32>
    %get3A_84 = arith.constant 0 : index
    %get3A_85 = arith.constant 0 : index
    %get3A_86 = vector.load %arg12[%get3A_84, %get3A_85] : memref<1x128xf32, #tpu.memory_space<vmem>>, vector<1x128xf32>
    %add3A_87 = vector.broadcast %get3A_86 : vector<1x128xf32> to vector<1000x128xf32>
    %add3A_88 = arith.addf %dot_general3A_83, %add3A_87 : vector<1000x128xf32>
    %swap3A = arith.constant 0 : index
    %swap3A_89 = arith.constant 0 : index
    %swap3A_90 = vector.load %arg13[%swap3A, %swap3A_89] : memref<1000x128xf32, #tpu.memory_space<vmem>>, vector<1000x128xf32>
    tpu.vector_store %arg13[%swap3A, %swap3A_89], %add3A_88 {strides = array<i32>} : memref<1000x128xf32, #tpu.memory_space<vmem>>, vector<1000x128xf32>,
    return
  }
  func.func @transform_0(%arg0: i32) -> (i32, i32) {
    %c0_i32 = arith.constant 0 : i32
    %c0_i32_0 = arith.constant 0 : i32
    return %arg0, %c0_i32 : i32, i32
  }
  func.func @transform_1(%arg0: i32) -> (i32, i32) {
    %c0_i32 = arith.constant 0 : i32
    %c0_i32_0 = arith.constant 0 : i32
    return %arg0, %c0_i32 : i32, i32
  }
  func.func @transform_2(%arg0: i32) -> (i32, i32) {
    %c0_i32 = arith.constant 0 : i32
    %c0_i32_0 = arith.constant 0 : i32
    return %arg0, %c0_i32 : i32, i32
  }
  func.func @transform_3(%arg0: i32) -> (i32, i32) {
    %c0_i32 = arith.constant 0 : i32
    %c0_i32_0 = arith.constant 0 : i32
    return %arg0, %c0_i32 : i32, i32
  }
  func.func @transform_4(%arg0: i32) -> (i32, i32) {
    %c0_i32 = arith.constant 0 : i32
    %c0_i32_0 = arith.constant 0 : i32
    return %arg0, %c0_i32 : i32, i32
  }
  func.func @transform_5(%arg0: i32) -> (i32, i32) {
    %c0_i32 = arith.constant 0 : i32
    %c0_i32_0 = arith.constant 0 : i32
    %c0_i32_1 = arith.constant 0 : i32
    return %c0_i32, %c0_i32_0 : i32, i32
  }
  func.func @transform_6(%arg0: i32) -> (i32, i32) {
    %c0_i32 = arith.constant 0 : i32
    %c0_i32_0 = arith.constant 0 : i32
    %c0_i32_1 = arith.constant 0 : i32
    return %c0_i32, %c0_i32_0 : i32, i32
  }
  func.func @transform_7(%arg0: i32) -> (i32, i32) {
    %c0_i32 = arith.constant 0 : i32
    %c0_i32_0 = arith.constant 0 : i32
    return %arg0, %c0_i32 : i32, i32
  }
  func.func @transform_8(%arg0: i32) -> (i32, i32) {
    %c0_i32 = arith.constant 0 : i32
    %c0_i32_0 = arith.constant 0 : i32
    %c0_i32_1 = arith.constant 0 : i32
    return %c0_i32, %c0_i32_0 : i32, i32
  }
  func.func @transform_9(%arg0: i32) -> (i32, i32) {
    %c0_i32 = arith.constant 0 : i32
    %c0_i32_0 = arith.constant 0 : i32
    %c0_i32_1 = arith.constant 0 : i32
    return %c0_i32, %c0_i32_0 : i32, i32
  }
  func.func @transform_10(%arg0: i32) -> (i32, i32) {
    %c0_i32 = arith.constant 0 : i32
    %c0_i32_0 = arith.constant 0 : i32
    %c0_i32_1 = arith.constant 0 : i32
    return %c0_i32, %c0_i32_0 : i32, i32
  }
  func.func @transform_11(%arg0: i32) -> (i32, i32) {
    %c0_i32 = arith.constant 0 : i32
    %c0_i32_0 = arith.constant 0 : i32
    %c0_i32_1 = arith.constant 0 : i32
    return %c0_i32, %c0_i32_0 : i32, i32
  }
  func.func @transform_12(%arg0: i32) -> (i32, i32) {
    %c0_i32 = arith.constant 0 : i32
    %c0_i32_0 = arith.constant 0 : i32
    return %arg0, %c0_i32 : i32, i32
  }
}

</mosaic_0001>

<sc_bundles>
// kernel: kernel.10.cloned.1.call-start
scs
__scs_entry_jumppad:
0x0: {  	(pc) =	sbr.rel $0x88, $3  }
0x1: {  	(tag) =	ssettag $0x0;
	lr =	simm.s32 $0x1  }
0x2: {  	[smem:$0x3F92] =	sst lr;
	_ =	strace $0xD0000000  }
0x3: {  	_ = 	snop  }
0x4: {  	_ = 	snop  }
0x5: {  	_ = 	snop  }
0x6: {  	_ = 	snop  }
0x7: {  	_ = 	snop  }
__scs_overlays_trampoline_lowered:
0x8: {  	[smem:$0x3FA1] =	sst s0  }
0x9: {  	[smem:$0x3FA2] =	sst s1  }
0xa: {  	[smem:$0x3FA3] =	sst s2  }
0xb: {  	[smem:$0x3FA4] =	sst s3  }
0xc: {  	[smem:$0x3FA5] =	sst s4  }
0xd: {  	[smem:$0x3FA6] =	sst s5  }
0xe: {  	[smem:$0x3FA7] =	sst s6  }
0xf: {  	[smem:$0x3FA8] =	sst s7  }
0x10: {  	[smem:$0x3FA9] =	sst s8  }
0x11: {  	[smem:$0x3FAA] =	sst s9;
	s0 =	simm.s32 @!p0 $0x0  }
0x12: {  	s1 =	sld [smem:$0x3F90];
	s0 =	simm.s32 @p0 $0x1  }
0x13: {  	[smem:$0x3FAB] =	sst s0;
	s0 =	simm.s32 @!p1 $0x0  }
0x14: {  	s2 =	sld [smem:$0x3F8F];
	s0 =	simm.s32 @p1 $0x1  }
0x15: {  	[smem:$0x3FAC] =	sst s0;
	s0 =	simm.s32 @!p2 $0x0  }
0x16: {  	s3 =	sld [smem:$0x3FDB];
	s0 =	simm.s32 @p2 $0x1  }
0x17: {  	s4 =	simm.s32 $0x1BF5;
	[smem:$0x3FAE] =	sst s0  }
0x18: {  	s0 =	sld [smem:$0x3F91];
	_ =	swait.ge [sflag:s4], $0x0  }
0x19: {  	s7 =	sld [smem:$0x3F92]  }
0x1a: {  	s8 =	sadd.s32 $0xFFFFE003, lr  }
0x1b: {  	s9 =	sadd.s32 $0xFFFFFEF7, lr;
	s5 =	simm.s32 $0xFFFFFFFF;
	p2 =	slt.u32 s8, $0xFFFFF086  }
0x1c: {  	p1 =	slt.u32 s9, $0xF7A;
	s5 =	simm.s32 @!p2 $0x0  }
0x1d: {  	s5 =	simm.s32 @p1 $0x1;
	p0 =	seq.s32 s7, s2  }
0x1e: {  	s7 =	smul.u32 @!p0 $0xF7A, s2;
	p2 =	seq.s32 @!p0 s5, $0x0  }
0x1f: {  	s9 =	smul.u32 $0xF7A, s1;
	s8 =	simm.s32 @!p0 $0x1BF5;
	p2 =	por !p2, p0  }
0x20: {  	[sflag:s8] =	ssyncset.s32 @!p0 $0xFFFFF086;
	s6 =	sadd.s32 @!p0 s3, s7;
	s7 =	simm.s32 @!p0 $0x108  }
0x21: {  	s3 =	sadd.s32 s3, s9;
	s6 =	sadd.s32 @!p0 $0x88, s6;
	s7 =	simm.s32 @p2 $0x1082  }
0x22: {  	[simem:s7], [sflag:s8] =	dma.local @!p0 [hbm:s6], $0xF7A  }
0x23: {  	s9 =	sor.u32 $0xD0000000, s2;
	s6 =	simm.s32 $0x108;
	_ =	swait.ge @!p0 [sflag:s8], $0x0  }
0x24: {  	s3 =	sadd.s32 $0x88, s3;
	s6 =	simm.s32 @!p1 $0x1082;
	[sflag:s4] =	ssyncset.s32 $0xFFFFF086  }
0x25: {  	[simem:s6], [sflag:s4] =	dma.local [hbm:s3], $0xF7A  }
0x26: {  	[smem:$0x3F92] =	sst s1;
	(tag) =	ssettag s2;
	_ =	strace s9  }
0x27: {  	s1 =	sld [smem:$0x3FA2]  }
0x28: {  	s2 =	sld [smem:$0x3FA3]  }
0x29: {  	s4 =	sld [smem:$0x3FA5]  }
0x2a: {  	p0 =	seq.s32 s5, $0x0;
	s5 =	sld [smem:$0x3FA6]  }
0x2b: {  	s6 =	sld [smem:$0x3FA7]  }
0x2c: {  	s7 =	sld [smem:$0x3FA8]  }
0x2d: {  	s3 =	simm.s32 $0x108;
	s8 =	sld [smem:$0x3FA9]  }
0x2e: {  	s3 =	simm.s32 @!p0 $0x1082;
	s9 =	sld [smem:$0x3FAA]  }
0x2f: {  	lr =	sadd.s32 s0, s3;
	s0 =	sld [smem:$0x3FA1]  }
0x30: {  	s3 =	sld [smem:$0x3FA4]  }
0x31: {  	[smem:$0x3FAD] =	sst s10  }
0x32: {  	s10 =	sld [smem:$0x3FAB];
	_ =	sdelay $0x3  }
0x33: {  	p0 =	seq.s32 s10, $0x1;
	s10 =	sld [smem:$0x3FAD];
	_ =	sdelay $0x3  }
0x34: {  	[smem:$0x3FAD] =	sst s10  }
0x35: {  	s10 =	sld [smem:$0x3FAC];
	_ =	sdelay $0x3  }
0x36: {  	p1 =	seq.s32 s10, $0x1;
	s10 =	sld [smem:$0x3FAD];
	_ =	sdelay $0x3  }
0x37: {  	[smem:$0x3FAD] =	sst s10  }
0x38: {  	s10 =	sld [smem:$0x3FAE]  }
0x39: {  	_ = 	snop;
	(pc) =	sbr.ind lr, $3  }
0x3a: {  	_ = 	snop  }
0x3b: {  	_ = 	snop  }
0x3c: {  	p2 =	seq.s32 s10, $0x1;
	s10 =	sld [smem:$0x3FAD]  }
0x3d: {  	_ =	shalt  }
0x3e: {  	_ =	shalt  }
0x3f: {  	_ =	shalt  }
0x40: {  	_ =	shalt  }
0x41: {  	_ =	shalt  }
0x42: {  	_ =	shalt  }
0x43: {  	_ =	shalt  }
0x44: {  	_ =	shalt  }
0x45: {  	_ =	shalt  }
0x46: {  	_ =	shalt  }
0x47: {  	_ =	shalt  }
0x48: {  	_ =	shalt  }
0x49: {  	_ =	shalt  }
0x4a: {  	_ =	shalt  }
0x4b: {  	_ =	shalt  }
0x4c: {  	_ =	shalt  }
0x4d: {  	_ =	shalt  }
0x4e: {  	_ =	shalt  }
0x4f: {  	_ =	shalt  }
0x50: {  	_ =	shalt  }
0x51: {  	_ =	shalt  }
0x52: {  	_ =	shalt  }
0x53: {  	_ =	shalt  }
0x54: {  	_ =	shalt  }
0x55: {  	_ =	shalt  }
0x56: {  	_ =	shalt  }
0x57: {  	_ =	shalt  }
0x58: {  	_ =	shalt  }
0x59: {  	_ =	shalt  }
0x5a: {  	_ =	shalt  }
0x5b: {  	_ =	shalt  }
0x5c: {  	_ =	shalt  }
0x5d: {  	_ =	shalt  }
0x5e: {  	_ =	shalt  }
0x5f: {  	_ =	shalt  }
0x60: {  	_ =	shalt  }
0x61: {  	_ =	shalt  }
0x62: {  	_ =	shalt  }
0x63: {  	_ =	shalt  }
0x64: {  	_ =	shalt  }
0x65: {  	_ =	shalt  }
0x66: {  	_ =	shalt  }
0x67: {  	_ =	shalt  }
0x68: {  	_ =	shalt  }
0x69: {  	_ =	shalt  }
0x6a: {  	_ =	shalt  }
0x6b: {  	_ =	shalt  }
0x6c: {  	_ =	shalt  }
0x6d: {  	_ =	shalt  }
0x6e: {  	_ =	shalt  }
0x6f: {  	_ =	shalt  }
0x70: {  	_ =	shalt  }
0x71: {  	_ =	shalt  }
0x72: {  	_ =	shalt  }
0x73: {  	_ =	shalt  }
0x74: {  	_ =	shalt  }
0x75: {  	_ =	shalt  }
0x76: {  	_ =	shalt  }
0x77: {  	_ =	shalt  }
0x78: {  	_ =	shalt  }
0x79: {  	_ =	shalt  }
0x7a: {  	_ =	shalt  }
0x7b: {  	_ =	shalt  }
0x7c: {  	_ =	shalt  }
0x7d: {  	_ =	shalt  }
0x7e: {  	_ =	shalt  }
0x7f: {  	_ =	shalt  }
0x80: {  	_ =	shalt  }
0x81: {  	_ =	shalt  }
0x82: {  	_ =	shalt  }
0x83: {  	_ =	shalt  }
0x84: {  	_ =	shalt  }
0x85: {  	_ =	shalt  }
0x86: {  	_ =	shalt  }
0x87: {  	_ =	shalt  }
.Lfunc_end0:
.L_simem_size_0:
called_computation.1_lowered:
.L_overlay_start_0:
0x88: {  	s2 =	sld [smem:$0x3FD9]  }
0x89: {  	s3 =	sld [smem:$0x3FFE];
	_ =	sdelay $0x1  }
0x8a: {  	s1 =	srdreg.scid  }
0x8b: {  	s0 =	sand.u32 $0x1, s1  }
0x8c: {  	s17 =	sshll.u32 s0, $0xA;
	s2 =	sadd.s32 s3, s2  }
0x8d: {  	s2 =	sadd.s32 s2, s17  }
0x8e: {  	[smem:$0x3FB9] =	sst s2  }
0x8f: {  	_ = 	snop  }
0x90: {  	s2 =	sld [smem:$0x3FD0];
	(tm) =	ssettm $0x1  }
0x91: {  	s18 =	sld [smem:$0x3FFB];
	_ =	sdelay $0x3  }
0x92: {  	_ =	strace s18  }
0x93: {  	s3 =	sld [smem:$0x3FFC];
	_ =	sdelay $0x3  }
0x94: {  	_ =	strace s3  }
0x95: {  	s3 =	sld [smem:$0x3FFD];
	_ =	sdelay $0x3  }
0x96: {  	_ =	strace s3  }
0x97: {  	_ =	strace $0x8FFFFFFF  }
0x98: {  	s19 =	sld [smem:$0x3FDB];
	_ =	sdelay $0x1  }
0x99: {  	s4 =	simm.s32 $_scs_section_size  }
0x9a: {  	s5 =	simm.s32 $_size__tile_overlayer_lowered;
	s6 =	simm.s32 $_tile_overlayer_lowered  }
0x9b: {  	s22 =	simm.s32 $0x1BFF;
	s21 =	sshll.u32 s6, $0x1;
	s3 =	sadd.s32 s4, s19  }
0x9c: {  	s7 =	simm.s32 $0x0;
	s20 =	sshll.u32 s5, $0x1;
	s5 =	sadd.s32 s21, s3  }
0x9d: {  	[timem:s7], [sflag:s22] =	dma.local [hbm:s5], s20  }
0x9e: {  	_ =	swait.ge [sflag:s22], s20  }
0x9f: {  	s4 =	ssub.s32 $0x0, s20;
	[sflag:s22] =	ssyncset.done $0x0  }
0xa0: {  	[sflag:s22] =	ssyncadd.s32 s4;
	_ =	sdelay $0x1  }
0xa1: {  	s23 =	simm.s32 $0x1B8B  }
0xa2: {  	_ =	swait.ge [sflag:s23], $0x1  }
0xa3: {  	[sflag:s23] =	ssyncset.done $0x0  }
0xa4: {  	s25 =	simm.s32 $0x1B8E;
	s24 =	sld [smem:$0x3FFE];
	[sflag:s23] =	ssyncadd.s32 $0xFFFFFFFF  }
0xa5: {  	s26 =	simm.s32 $execute0_lowered;
	[smem:$0x3FD2] =	sst s25  }
0xa6: {  	s5 =	sshll.u32 s26, $0x1;
	_ =	strace $0x80000049;
	[dreg:$0x1] =	wrdreg $0xFFFFFFFF  }
0xa7: {  	s28 =	simm.s32 $_size_execute0_lowered;
	s3 =	sadd.s32 s3, s5;
	[dreg:$0x0] =	wrdreg $0x0  }
0xa8: {  	s5 =	sshll.u32 s28, $0x1;
	[dreg:$0x2] =	wrdreg s3  }
0xa9: {  	[dreg:$0x3] =	wrdreg s5  }
0xaa: {  	[dreg:$0x4] =	wrdreg $0xC0  }
0xab: {  	_ =	task [dreg:s7], $0x5FFFF  }
0xac: {  	[dreg:$0x1] =	wrdreg $0xFFFFFFFF  }
0xad: {  	[dreg:$0x0] =	wrdreg $0x60  }
0xae: {  	[dreg:$0x2] =	wrdreg s2  }
0xaf: {  	[dreg:$0x3] =	wrdreg s24  }
0xb0: {  	[dreg:$0x4] =	wrdreg $0x93000  }
0xb1: {  	[dreg:$0x5] =	wrdreg $0x9  }
0xb2: {  	_ =	task.clear_ibuf [dreg:s7], $0x6FFFF;
	_ =	strace $0x90000049  }
0xb3: {  	s29 =	simm.s32 $0x9;
	_ =	strace $0x8000004B  }
0xb4: {  	_ =	swait.ge [sflag:s29], $0x1  }
0xb5: {  	[sflag:s29] =	ssyncadd.s32 $0xFFFFFFFF  }
0xb6: {  	_ =	strace $0x9000004B  }
0xb7: {  	_ =	sfence  }
0xb8: {  	s30 =	sld [smem:$0x0];
	_ =	sdelay $0x2  }
0xb9: {  	s31 =	sshll.u32 s1, $0xD;
	s1 =	sshrl.u32 s1, $0x2  }
0xba: {  	s3 =	sand.u32 $0x4000, s31;
	s1 =	sadd.s32 s1, s30  }
0xbb: {  	s0 =	sor.u32 s3, s0;
	s1 =	sshll.u32 s1, $0x11  }
0xbc: {  	s0 =	sor.u32 s1, s0  }
0xbd: {  	s0 =	sadd.s32 $0x8F2B, s0  }
0xbe: {  	[sflag:s0] =	ssyncadd.remote.s32 $0x1  }
0xbf: {  	_ =	sfence.sel $0xFFFF  }
0xc0: {  	[dreg:$0x0] =	wrdreg $0xFFFFFFFF;
	(pc) =	sbr.abs _section_cstart, $3  }
0xc1: {  	[dreg:$0x1] =	wrdreg $0xFFFFFFFF  }
0xc2: {  	_ =	task.clear_ibuf [dreg:s7], $0x2FFFF;
	_ =	strace $0x9FFFFFFF  }
0xc3: {  	(tm) =	ssettm $0x7FFFFFFF  }
tec
execute0_lowered:
.L_overlay_start_1:
0x0: {  	(tag) =	ssettag $0x1  }
0x1: {  	s1 =	rddreg [dreg:$0x0]  }
0x2: {  	s0 =	rddreg [dreg:$0x1]  }
0x3: {  	s3 =	rddreg [dreg:$0x2];
	s2 =	srdreg.scid  }
0x4: {  	s11 =	stileid.u32;
	s4 =	simm.s32 $0x0;
	s28 =	simm.s32 $0x200  }
0x5: {  	s29 =	simm.s32 $0x50;
	s30 =	simm.s32 $0x300;
	s31 =	simm.s32 $0x80  }
0x6: {  	s2 =	sand.u32 $0x1, s2;
	s7 =	smul.u32 $0x280, s11;
	[smem:$0x7FF] =	sst s4  }
0x7: {  	s5 =	sadd.s32 $0x34800, s0;
	s6 =	sadd.s32 $0x2AA00, s0;
	s9 =	smul.u32 $0x50000, s11  }
0x8: {  	s8 =	smul.u32 $0x2800, s2;
	_ =	strace $0x8000004A;
	s12 =	sshll.u32 s2, $0x4  }
0x9: {  	s2 =	ssub.s32 $0x2, s2;
	s11 =	sor.u32 s11, s12;
	s13 =	sshrl.u32 s9, $0x2  }
0xa: {  	s14 =	sshrl.u32 s2, $0x1;
	s8 =	sadd.s32 s7, s8;
	s7 =	sadd.s32 $0x52200, s0  }
0xb: {  	s2 =	ssub.s32 s2, s14;
	s10 =	sshll.u32 s8, $0x4;
	s8 =	sadd.s32 s13, s3  }
0xc: {  	s13 =	smul.u32 $0x2710, s11;
	s26 =	smax.u32 s2, $0x1;
	s2 =	simm.s32 $0x280  }
0xd: {  	s0 =	sadd.s32 s10, s0;
	s20 =	sadd.s32 $0x4000, s8;
	[dreg:$0x4] =	wrdreg s8  }
0xe: {  	s21 =	sadd.s32 $0x8000, s8;
	[dreg:$0xd] =	wrdreg s26;
	s18 =	sadd.s32 $0x83200, s0  }
0xf: {  	s22 =	sadd.s32 $0xC000, s8;
	s19 =	sadd.s32 $0x83A00, s0;
	[dreg:$0x8] =	wrdreg s18  }
0x10: {  	s23 =	sadd.s32 $0x10000, s8;
	s24 =	sadd.s32 $0x84200, s0;
	[dreg:$0x9] =	wrdreg s19  }
0x11: {  	s26 =	simm.s32 $0x100;
	s25 =	sadd.s32 $0x84A00, s0;
	[dreg:$0xa] =	wrdreg s24  }
0x12: {  	s14 =	sshrl.u32 s13, $0x3;
	s0 =	sadd.s32 $0x85200, s0;
	[dreg:$0xb] =	wrdreg s25  }
0x13: {  	s15 =	sadd.s32 s5, s14;
	s16 =	sadd.s32 s6, s14;
	[dreg:$0xc] =	wrdreg s0  }
0x14: {  	s17 =	sadd.s32 s7, s14;
	s24 =	simm.s32 $0x5300;
	[dreg:$0x5] =	wrdreg s15  }
0x15: {  	s25 =	simm.s32 $0x3;
	s0 =	simm.s32 $0x180;
	[dreg:$0x6] =	wrdreg s16  }
0x16: {  	s14 =	simm.s32 $0x1;
	[dreg:$0x7] =	wrdreg s17;
	s16 =	sadd.s32 $0x50, s13  }
0x17: {  	v0 =	vimm.f32 $0.0e+00;
	s17 =	sadd.s32 $0xA0, s13;
	s13 =	simm.s32 $0x2B00;
	s15 =	simm.s32 $0x2  }
.LBB2_1:
0x18: {  	s18 =	simm.s32 $0x0;
	s19 =	simm.s32 $0x200  }
.LBB2_2:
0x19: {  	p0 =	sne.s32 s19, $0xFE00;
	[tilespmem:s18+$0x5370] =	vst v0  }
0x1a: {  	[tilespmem:s18+$0x5300] =	vst v0  }
0x1b: {  	[tilespmem:s18+$0x5310] =	vst v0  }
.Ltmp0:
0x1c: {  	[tilespmem:s18+$0x5320] =	vst v0;
	(pc) =	sbr.rel @p0 .LBB2_2-.Ltmp0, $4  }
0x1d: {  	[tilespmem:s18+$0x5330] =	vst v0  }
0x1e: {  	[tilespmem:s18+$0x5340] =	vst v0  }
0x1f: {  	[tilespmem:s18+$0x5350] =	vst v0  }
0x20: {  	[tilespmem:s18+$0x5360] =	vst v0;
	s18 =	sshra.s32 s19, $0x2;
	s19 =	sadd.s32 $0x200, s19  }
0x21: {  	[tilespmem:s18+$0x5370] =	vst v0  }
0x22: {  	[tilespmem:s18+$0x5300] =	vst v0  }
0x23: {  	[tilespmem:s18+$0x5310] =	vst v0  }
0x24: {  	[tilespmem:s18+$0x5320] =	vst v0  }
0x25: {  	[tilespmem:s18+$0x5330] =	vst v0  }
0x26: {  	[tilespmem:s18+$0x5340] =	vst v0  }
0x27: {  	[tilespmem:s18+$0x5350] =	vst v0  }
0x28: {  	[tilespmem:s18+$0x5360] =	vst v0;
	s8 =	rddreg [dreg:$0x4]  }
0x29: {  	[spmem:s8] =	stream.linear.scatter [tilespmem:s24], [sflag:$0x3], $0x4000, $0x38;
	[tilespmem:$0x1D300] =	vst v63  }
0x2a: {  	_ =	swait.ge [sflag:s25], $0x4000  }
0x2b: {  	[sflag:s25] =	ssyncset.done $0x0  }
0x2c: {  	[sflag:s25] =	ssyncadd.s32 $0xFFFFC000  }
0x2d: {  	[spmem:s20] =	stream.linear.scatter [tilespmem:s24], [sflag:$0x3], $0x4000, $0x38;
	[tilespmem:$0x1D300] =	vst v63  }
0x2e: {  	_ =	swait.ge [sflag:s25], $0x4000  }
0x2f: {  	[sflag:s25] =	ssyncset.done $0x0  }
0x30: {  	[sflag:s25] =	ssyncadd.s32 $0xFFFFC000  }
0x31: {  	[spmem:s21] =	stream.linear.scatter [tilespmem:s24], [sflag:$0x3], $0x4000, $0x38;
	[tilespmem:$0x1D300] =	vst v63  }
0x32: {  	_ =	swait.ge [sflag:s25], $0x4000  }
0x33: {  	[sflag:s25] =	ssyncset.done $0x0  }
0x34: {  	[sflag:s25] =	ssyncadd.s32 $0xFFFFC000  }
0x35: {  	[spmem:s22] =	stream.linear.scatter [tilespmem:s24], [sflag:$0x3], $0x4000, $0x38;
	[tilespmem:$0x1D300] =	vst v63  }
0x36: {  	_ =	swait.ge [sflag:s25], $0x4000  }
0x37: {  	[sflag:s25] =	ssyncset.done $0x0  }
0x38: {  	[sflag:s25] =	ssyncadd.s32 $0xFFFFC000  }
0x39: {  	[spmem:s23] =	stream.linear.scatter [tilespmem:s24], [sflag:$0x3], $0x4000, $0x38;
	[tilespmem:$0x1D300] =	vst v63  }
0x3a: {  	_ =	swait.ge [sflag:s25], $0x4000  }
0x3b: {  	[sflag:s25] =	ssyncset.done $0x0  }
0x3c: {  	[sflag:s25] =	ssyncadd.s32 $0xFFFFC000  }
0x3d: {  	[tilespmem:$0x250] =	vst v0  }
0x3e: {  	[tilespmem:$0x2D0] =	vst v0  }
0x3f: {  	[bflag:$0x0] =	sbarrier.arrive $0xFFFF  }
0x40: {  	s18 =	simm.s32 $0x0;
	s9 =	rddreg [dreg:$0x5]  }
0x41: {  	[tilespmem:s18], [sflag:$0x3] =	stream.linear.gather [hbm4b:s9+s18], $0x50, $0x38;
	[tilespmem:$0x1D300] =	vst v63  }
0x42: {  	_ =	swait.ge [sflag:s25], $0x50  }
0x43: {  	[sflag:s25] =	ssyncset.done $0x0  }
0x44: {  	s12 =	smov.u32 s22;
	s22 =	rddreg [dreg:$0x6];
	[sflag:s25] =	ssyncadd.s32 $0xFFFFFFB0  }
0x45: {  	[tilespmem:s26], [sflag:$0x3] =	stream.linear.gather [hbm4b:s22+s18], $0x50, $0x38;
	[tilespmem:$0x1D300] =	vst v63  }
0x46: {  	_ =	swait.ge [sflag:s25], $0x50  }
0x47: {  	[sflag:s25] =	ssyncset.done $0x0  }
0x48: {  	s8 =	smov.u32 s23;
	s23 =	rddreg [dreg:$0x7];
	[sflag:s25] =	ssyncadd.s32 $0xFFFFFFB0  }
0x49: {  	[tilespmem:s28], [sflag:$0x3] =	stream.linear.gather [hbm4b:s23+s18], $0x50, $0x38;
	[tilespmem:$0x1D300] =	vst v63  }
0x4a: {  	_ =	swait.ge [sflag:s25], $0x50  }
0x4b: {  	s10 =	smov.u32 s20;
	[sflag:s25] =	ssyncset.done $0x0  }
0x4c: {  	s11 =	smov.u32 s21;
	s19 =	simm.s32 $0x0;
	[sflag:s25] =	ssyncadd.s32 $0xFFFFFFB0  }
0x4d: {  	[tilespmem:s30], [sflag:$0x1] =	stream.indirect.gather [hbm4b:s1+s29], $0x80, s18, s29, $0xb8;
	[tilespmem:$0x1D300] =	vst v63  }
.LBB2_4:
0x4e: {  	s20 =	smul.u32 $0xA0, s19;
	_ =	sdelay $0x1  }
0x4f: {  	s21 =	sadd.s32 s20, s16  }
0x50: {  	s21 =	sshrl.u32 s21, $0x3  }
0x51: {  	s22 =	sadd.s32 s5, s21  }
0x52: {  	[tilespmem:s31], [sflag:$0x3] =	stream.linear.gather [hbm4b:s22+s18], $0x50, $0x38;
	[tilespmem:$0x1D300] =	vst v63  }
0x53: {  	_ =	swait.ge [sflag:s25], $0x50  }
0x54: {  	[sflag:s25] =	ssyncset.done $0x0  }
0x55: {  	s9 =	sadd.s32 s6, s21;
	[sflag:s25] =	ssyncadd.s32 $0xFFFFFFB0  }
0x56: {  	[tilespmem:s0], [sflag:$0x3] =	stream.linear.gather [hbm4b:s9+s18], $0x50, $0x38;
	[tilespmem:$0x1D300] =	vst v63  }
0x57: {  	_ =	swait.ge [sflag:s25], $0x50  }
0x58: {  	[sflag:s25] =	ssyncset.done $0x0  }
0x59: {  	s21 =	sadd.s32 s7, s21;
	[sflag:s25] =	ssyncadd.s32 $0xFFFFFFB0  }
0x5a: {  	[tilespmem:s2], [sflag:$0x3] =	stream.linear.gather [hbm4b:s21+s18], $0x50, $0x38;
	[tilespmem:$0x1D300] =	vst v63  }
0x5b: {  	_ =	swait.ge [sflag:s25], $0x50  }
0x5c: {  	[sflag:s25] =	ssyncset.done $0x0  }
0x5d: {  	[sflag:s25] =	ssyncadd.s32 $0xFFFFFFB0  }
0x5e: {  	[tilespmem:s13], [sflag:$0x2] =	stream.indirect.gather [hbm4b:s1+s29], $0x80, s31, s29, $0xb8;
	[tilespmem:$0x1D300] =	vst v63  }
0x5f: {  	_ =	swait.ge [sflag:s14], $0x2800  }
0x60: {  	[sflag:s14] =	ssyncset.done $0x0  }
0x61: {  	s21 =	simm.s32 $0x340;
	[sflag:s14] =	ssyncadd.s32 $0xFFFFD800  }
0x62: {  	v5 =	vld [tilespmem:s21+$0x30]  }
0x63: {  	v8 =	vld [tilespmem:s21+$0x10]  }
0x64: {  	s23 =	simm.s32 $0x0;
	v6 =	vld [tilespmem:s21+$0xFFFFFFC0]  }
0x65: {  	v2 =	vld.msk [tilespmem:s23+$0x200 ss:$0x0], $0xffff  }
0x66: {  	v10 =	vld [tilespmem:s21+$0xFFFFFFE0]  }
0x67: {  	v1 =	vld [tilespmem:s21+$0xFFFFFFF0]  }
0x68: {  	v3 =	vld [tilespmem:s21+$0x20]  }
0x69: {  	v4 =	vld [tilespmem:s21+$0xFFFFFFD0]  }
0x6a: {  	v9 =	vmul.f32 v5, v2;
	v5 =	vld [tilespmem:s21+$0x0]  }
0x6b: {  	v7 =	vmul.f32 v2, v6  }
0x6c: {  	s22 =	simm.s32 $0x4;
	s23 =	simm.s32 $0x340;
	v6 =	vmul.f32 v10, v2;
	v8 =	vmul.f32 v8, v2  }
.LBB2_5:
0x6d: {  	p0 =	sne.s32 s22, $0x13C  }
0x6e: {  	v4 =	vmul.f32 v4, v2;
	v3 =	vmul.f32 v3, v2;
	[tilespmem:s21+$0x30] =	vst v9;
	s23 =	sadd.s32 $0x80, s23;
	s9 =	smov.u32 s22;
	s22 =	sadd.s32 $0x4, s22  }
0x6f: {  	[tilespmem:s21+$0xFFFFFFC0] =	vst v7;
	v7 =	vmul.f32 v1, v2;
	v2 =	vmul.f32 v5, v2  }
0x70: {  	[tilespmem:s21+$0x10] =	vst v8  }
0x71: {  	[tilespmem:s21+$0xFFFFFFE0] =	vst v6  }
0x72: {  	v1 =	vld [tilespmem:s23+$0xFFFFFFF0];
	[tilespmem:s21+$0xFFFFFFF0] =	vst v7  }
0x73: {  	v6 =	vld [tilespmem:s23+$0x30];
	[tilespmem:s21+$0x0] =	vst v2  }
0x74: {  	v8 =	vld [tilespmem:s23+$0x10];
	[tilespmem:s21+$0x20] =	vst v3  }
0x75: {  	s9 =	sshra.s32 s9, $0x2;
	v7 =	vld [tilespmem:s23+$0xFFFFFFC0];
	[tilespmem:s21+$0xFFFFFFD0] =	vst v4;
	s21 =	smov.u32 s23  }
0x76: {  	v2 =	vld.msk [tilespmem:s9+$0x200 ss:$0x0], $0xffff  }
0x77: {  	v10 =	vld [tilespmem:s23+$0xFFFFFFE0]  }
0x78: {  	v3 =	vld [tilespmem:s23+$0x20]  }
.Ltmp1:
0x79: {  	v4 =	vld [tilespmem:s23+$0xFFFFFFD0];
	(pc) =	sbr.rel @p0 .LBB2_5-.Ltmp1, $3  }
0x7a: {  	v5 =	vld [tilespmem:s23+$0x0];
	_ =	sdelay $0x1  }
0x7b: {  	v7 =	vmul.f32 v2, v7;
	v9 =	vmul.f32 v6, v2  }
0x7c: {  	v8 =	vmul.f32 v8, v2;
	v6 =	vmul.f32 v10, v2  }
0x7d: {  	[tilespmem:s21+$0x30] =	vst v9  }
0x7e: {  	[tilespmem:s21+$0xFFFFFFC0] =	vst v7  }
0x7f: {  	v1 =	vmul.f32 v1, v2;
	[tilespmem:s21+$0x10] =	vst v8  }
0x80: {  	v3 =	vmul.f32 v3, v2;
	[tilespmem:s21+$0xFFFFFFE0] =	vst v6  }
0x81: {  	v5 =	vmul.f32 v5, v2;
	[tilespmem:s21+$0xFFFFFFF0] =	vst v1  }
0x82: {  	v1 =	vmul.f32 v4, v2;
	[tilespmem:s21+$0x20] =	vst v3  }
0x83: {  	[tilespmem:s21+$0x0] =	vst v5  }
0x84: {  	[tilespmem:s21+$0xFFFFFFD0] =	vst v1  }
0x85: {  	[spmem:s3] =	stream.indirect.scatter.add.f32 [tilespmem:s30], [sflag:$0x3], $0x80, s26, s29, $0xb8;
	[tilespmem:$0x1D300] =	vst v63  }
0x86: {  	s9 =	sadd.s32 s20, s17;
	_ =	swait.ge [sflag:s25], $0x2800  }
0x87: {  	s9 =	sshrl.u32 s9, $0x3;
	[sflag:s25] =	ssyncset.done $0x0  }
0x88: {  	s23 =	simm.s32 $0x0;
	s22 =	sadd.s32 s5, s9;
	[sflag:s25] =	ssyncadd.s32 $0xFFFFD800  }
0x89: {  	[tilespmem:s23], [sflag:$0x3] =	stream.linear.gather [hbm4b:s22+s23], $0x50, $0x38;
	[tilespmem:$0x1D300] =	vst v63  }
0x8a: {  	_ =	swait.ge [sflag:s25], $0x50  }
0x8b: {  	[sflag:s25] =	ssyncset.done $0x0  }
0x8c: {  	s22 =	sadd.s32 s6, s9;
	[sflag:s25] =	ssyncadd.s32 $0xFFFFFFB0  }
0x8d: {  	[tilespmem:s26], [sflag:$0x3] =	stream.linear.gather [hbm4b:s22+s23], $0x50, $0x38;
	[tilespmem:$0x1D300] =	vst v63  }
0x8e: {  	_ =	swait.ge [sflag:s25], $0x50  }
0x8f: {  	[sflag:s25] =	ssyncset.done $0x0  }
0x90: {  	s9 =	sadd.s32 s7, s9;
	[sflag:s25] =	ssyncadd.s32 $0xFFFFFFB0  }
0x91: {  	[tilespmem:s28], [sflag:$0x3] =	stream.linear.gather [hbm4b:s9+s23], $0x50, $0x38;
	[tilespmem:$0x1D300] =	vst v63  }
0x92: {  	_ =	swait.ge [sflag:s25], $0x50  }
0x93: {  	[sflag:s25] =	ssyncset.done $0x0  }
0x94: {  	[sflag:s25] =	ssyncadd.s32 $0xFFFFFFB0  }
0x95: {  	[tilespmem:s30], [sflag:$0x1] =	stream.indirect.gather [hbm4b:s1+s29], $0x80, s23, s29, $0xb8;
	[tilespmem:$0x1D300] =	vst v63  }
0x96: {  	_ =	swait.ge [sflag:s15], $0x2800  }
0x97: {  	[sflag:s15] =	ssyncset.done $0x0  }
0x98: {  	s20 =	simm.s32 $0x2B40;
	[sflag:s15] =	ssyncadd.s32 $0xFFFFD800  }
0x99: {  	v5 =	vld [tilespmem:s20+$0x30]  }
0x9a: {  	v8 =	vld [tilespmem:s20+$0x10]  }
0x9b: {  	s23 =	simm.s32 $0x0;
	v6 =	vld [tilespmem:s20+$0xFFFFFFC0]  }
0x9c: {  	v2 =	vld.msk [tilespmem:s23+$0x280 ss:$0x0], $0xffff  }
0x9d: {  	v10 =	vld [tilespmem:s20+$0xFFFFFFE0]  }
0x9e: {  	v1 =	vld [tilespmem:s20+$0xFFFFFFF0]  }
0x9f: {  	v3 =	vld [tilespmem:s20+$0x20]  }
0xa0: {  	v4 =	vld [tilespmem:s20+$0xFFFFFFD0]  }
0xa1: {  	v9 =	vmul.f32 v5, v2;
	v5 =	vld [tilespmem:s20+$0x0]  }
0xa2: {  	v7 =	vmul.f32 v2, v6  }
0xa3: {  	s21 =	simm.s32 $0x4;
	s22 =	simm.s32 $0x2B40;
	v6 =	vmul.f32 v10, v2;
	v8 =	vmul.f32 v8, v2  }
.LBB2_7:
0xa4: {  	p0 =	sne.s32 s21, $0x13C  }
0xa5: {  	v4 =	vmul.f32 v4, v2;
	v3 =	vmul.f32 v3, v2;
	[tilespmem:s20+$0x30] =	vst v9;
	s22 =	sadd.s32 $0x80, s22;
	s9 =	smov.u32 s21;
	s21 =	sadd.s32 $0x4, s21  }
0xa6: {  	[tilespmem:s20+$0xFFFFFFC0] =	vst v7;
	v7 =	vmul.f32 v1, v2;
	v2 =	vmul.f32 v5, v2  }
0xa7: {  	[tilespmem:s20+$0x10] =	vst v8  }
0xa8: {  	[tilespmem:s20+$0xFFFFFFE0] =	vst v6  }
0xa9: {  	v1 =	vld [tilespmem:s22+$0xFFFFFFF0];
	[tilespmem:s20+$0xFFFFFFF0] =	vst v7  }
0xaa: {  	v6 =	vld [tilespmem:s22+$0x30];
	[tilespmem:s20+$0x0] =	vst v2  }
0xab: {  	v8 =	vld [tilespmem:s22+$0x10];
	[tilespmem:s20+$0x20] =	vst v3  }
0xac: {  	s9 =	sshra.s32 s9, $0x2;
	v7 =	vld [tilespmem:s22+$0xFFFFFFC0];
	[tilespmem:s20+$0xFFFFFFD0] =	vst v4;
	s20 =	smov.u32 s22  }
0xad: {  	v2 =	vld.msk [tilespmem:s9+$0x280 ss:$0x0], $0xffff  }
0xae: {  	v10 =	vld [tilespmem:s22+$0xFFFFFFE0]  }
0xaf: {  	v3 =	vld [tilespmem:s22+$0x20]  }
.Ltmp2:
0xb0: {  	v4 =	vld [tilespmem:s22+$0xFFFFFFD0];
	(pc) =	sbr.rel @p0 .LBB2_7-.Ltmp2, $3  }
0xb1: {  	v5 =	vld [tilespmem:s22+$0x0];
	_ =	sdelay $0x1  }
0xb2: {  	v7 =	vmul.f32 v2, v7;
	v9 =	vmul.f32 v6, v2  }
0xb3: {  	v8 =	vmul.f32 v8, v2;
	v6 =	vmul.f32 v10, v2  }
0xb4: {  	[tilespmem:s20+$0x30] =	vst v9  }
0xb5: {  	[tilespmem:s20+$0xFFFFFFC0] =	vst v7  }
0xb6: {  	v1 =	vmul.f32 v1, v2;
	[tilespmem:s20+$0x10] =	vst v8  }
0xb7: {  	v3 =	vmul.f32 v3, v2;
	[tilespmem:s20+$0xFFFFFFE0] =	vst v6  }
0xb8: {  	v5 =	vmul.f32 v5, v2;
	[tilespmem:s20+$0xFFFFFFF0] =	vst v1  }
0xb9: {  	s19 =	sadd.s32 $0x1, s19;
	v1 =	vmul.f32 v4, v2;
	[tilespmem:s20+$0x20] =	vst v3  }
0xba: {  	p0 =	sne.s32 s19, $0x3E;
	[tilespmem:s20+$0x0] =	vst v5  }
.Ltmp3:
0xbb: {  	[tilespmem:s20+$0xFFFFFFD0] =	vst v1;
	(pc) =	sbr.rel @p0 .LBB2_4-.Ltmp3, $4  }
0xbc: {  	[spmem:s3] =	stream.indirect.scatter.add.f32 [tilespmem:s13], [sflag:$0x3], $0x80, s0, s29, $0xb8;
	[tilespmem:$0x1D300] =	vst v63  }
0xbd: {  	_ =	swait.ge [sflag:s25], $0x2800  }
0xbe: {  	[sflag:s25] =	ssyncset.done $0x0  }
0xbf: {  	[sflag:s25] =	ssyncadd.s32 $0xFFFFD800  }
0xc0: {  	_ =	swait.ge [sflag:s14], $0x2800  }
0xc1: {  	[sflag:s14] =	ssyncset.done $0x0  }
0xc2: {  	s18 =	simm.s32 $0x340;
	[sflag:s14] =	ssyncadd.s32 $0xFFFFD800  }
0xc3: {  	v5 =	vld [tilespmem:s18+$0x30]  }
0xc4: {  	v8 =	vld [tilespmem:s18+$0x10]  }
0xc5: {  	s9 =	simm.s32 $0x0;
	v6 =	vld [tilespmem:s18+$0xFFFFFFC0]  }
0xc6: {  	v2 =	vld.msk [tilespmem:s9+$0x200 ss:$0x0], $0xffff  }
0xc7: {  	v10 =	vld [tilespmem:s18+$0xFFFFFFE0]  }
0xc8: {  	v1 =	vld [tilespmem:s18+$0xFFFFFFF0]  }
0xc9: {  	v3 =	vld [tilespmem:s18+$0x20]  }
0xca: {  	v4 =	vld [tilespmem:s18+$0xFFFFFFD0]  }
0xcb: {  	v9 =	vmul.f32 v5, v2;
	v5 =	vld [tilespmem:s18+$0x0]  }
0xcc: {  	v7 =	vmul.f32 v2, v6  }
0xcd: {  	s19 =	simm.s32 $0x4;
	s20 =	simm.s32 $0x340;
	v6 =	vmul.f32 v10, v2;
	v8 =	vmul.f32 v8, v2  }
.LBB2_10:
0xce: {  	p0 =	sne.s32 s19, $0x13C  }
0xcf: {  	v4 =	vmul.f32 v4, v2;
	v3 =	vmul.f32 v3, v2;
	[tilespmem:s18+$0x30] =	vst v9;
	s20 =	sadd.s32 $0x80, s20;
	s9 =	smov.u32 s19;
	s19 =	sadd.s32 $0x4, s19  }
0xd0: {  	[tilespmem:s18+$0xFFFFFFC0] =	vst v7;
	v7 =	vmul.f32 v1, v2;
	v2 =	vmul.f32 v5, v2  }
0xd1: {  	[tilespmem:s18+$0x10] =	vst v8  }
0xd2: {  	[tilespmem:s18+$0xFFFFFFE0] =	vst v6  }
0xd3: {  	v1 =	vld [tilespmem:s20+$0xFFFFFFF0];
	[tilespmem:s18+$0xFFFFFFF0] =	vst v7  }
0xd4: {  	v6 =	vld [tilespmem:s20+$0x30];
	[tilespmem:s18+$0x0] =	vst v2  }
0xd5: {  	v8 =	vld [tilespmem:s20+$0x10];
	[tilespmem:s18+$0x20] =	vst v3  }
0xd6: {  	s9 =	sshra.s32 s9, $0x2;
	v7 =	vld [tilespmem:s20+$0xFFFFFFC0];
	[tilespmem:s18+$0xFFFFFFD0] =	vst v4;
	s18 =	smov.u32 s20  }
0xd7: {  	v2 =	vld.msk [tilespmem:s9+$0x200 ss:$0x0], $0xffff  }
0xd8: {  	v10 =	vld [tilespmem:s20+$0xFFFFFFE0]  }
0xd9: {  	v3 =	vld [tilespmem:s20+$0x20]  }
.Ltmp4:
0xda: {  	v4 =	vld [tilespmem:s20+$0xFFFFFFD0];
	(pc) =	sbr.rel @p0 .LBB2_10-.Ltmp4, $3  }
0xdb: {  	v5 =	vld [tilespmem:s20+$0x0];
	_ =	sdelay $0x1  }
0xdc: {  	v7 =	vmul.f32 v2, v7;
	v9 =	vmul.f32 v6, v2  }
0xdd: {  	v8 =	vmul.f32 v8, v2;
	v6 =	vmul.f32 v10, v2  }
0xde: {  	[tilespmem:s18+$0x30] =	vst v9  }
0xdf: {  	[tilespmem:s18+$0xFFFFFFC0] =	vst v7  }
0xe0: {  	v1 =	vmul.f32 v1, v2;
	[tilespmem:s18+$0x10] =	vst v8  }
0xe1: {  	v3 =	vmul.f32 v3, v2;
	[tilespmem:s18+$0xFFFFFFE0] =	vst v6  }
0xe2: {  	v5 =	vmul.f32 v5, v2;
	[tilespmem:s18+$0xFFFFFFF0] =	vst v1  }
0xe3: {  	v1 =	vmul.f32 v4, v2;
	[tilespmem:s18+$0x20] =	vst v3  }
0xe4: {  	[tilespmem:s18+$0x0] =	vst v5  }
0xe5: {  	[tilespmem:s18+$0xFFFFFFD0] =	vst v1  }
0xe6: {  	[spmem:s3] =	stream.indirect.scatter.add.f32 [tilespmem:s30], [sflag:$0x3], $0x80, s26, s29, $0xb8;
	[tilespmem:$0x1D300] =	vst v63  }
0xe7: {  	_ =	swait.ge [sflag:s25], $0x2800  }
0xe8: {  	[sflag:s25] =	ssyncset.done $0x0  }
0xe9: {  	[sflag:s25] =	ssyncadd.s32 $0xFFFFD800  }
0xea: {  	s9 =	stileid.u32;
	[bflag:$0x0] =	sbarrier.arrive $0xFFFF  }
0xeb: {  	s9 =	sshll.u32 s9, $0x6;
	s21 =	rddreg [dreg:$0x4]  }
0xec: {  	s9 =	sor.u32 $0x1C03, s9;
	s19 =	rddreg [dreg:$0x8];
	s18 =	sshrl.u32 s21, $0x3  }
0xed: {  	[hbm:s19], [sflag:s9] =	dma.local [spmem:s18], $0x800  }
0xee: {  	_ =	swait.ge [sflag:s25], $0x800  }
0xef: {  	[sflag:s25] =	ssyncset.done $0x0  }
0xf0: {  	s22 =	sshrl.u32 s10, $0x3;
	s23 =	rddreg [dreg:$0x9];
	[sflag:s25] =	ssyncadd.s32 $0xFFFFF800  }
0xf1: {  	[hbm:s23], [sflag:s9] =	dma.local [spmem:s22], $0x800  }
0xf2: {  	_ =	swait.ge [sflag:s25], $0x800  }
0xf3: {  	s20 =	smov.u32 s10;
	s10 =	sshrl.u32 s11, $0x3;
	[sflag:s25] =	ssyncset.done $0x0  }
0xf4: {  	s21 =	smov.u32 s11;
	s11 =	rddreg [dreg:$0xa];
	[sflag:s25] =	ssyncadd.s32 $0xFFFFF800  }
0xf5: {  	[hbm:s11], [sflag:s9] =	dma.local [spmem:s10], $0x800  }
0xf6: {  	_ =	swait.ge [sflag:s25], $0x800  }
0xf7: {  	[sflag:s25] =	ssyncset.done $0x0  }
0xf8: {  	s19 =	sshrl.u32 s12, $0x3;
	s23 =	rddreg [dreg:$0xb];
	[sflag:s25] =	ssyncadd.s32 $0xFFFFF800  }
0xf9: {  	[hbm:s23], [sflag:s9] =	dma.local [spmem:s19], $0x800  }
0xfa: {  	_ =	swait.ge [sflag:s25], $0x800  }
0xfb: {  	s22 =	smov.u32 s12;
	[sflag:s25] =	ssyncset.done $0x0  }
0xfc: {  	s11 =	sshrl.u32 s8, $0x3;
	s12 =	rddreg [dreg:$0xc];
	[sflag:s25] =	ssyncadd.s32 $0xFFFFF800  }
0xfd: {  	[hbm:s12], [sflag:s9] =	dma.local [spmem:s11], $0x800  }
0xfe: {  	_ =	swait.ge [sflag:s25], $0x800  }
0xff: {  	s4 =	sadd.s32 $0x1, s4;
	s19 =	rddreg [dreg:$0xd]  }
0x100: {  	p0 =	sne.s32 s4, s19  }
.Ltmp5:
0x101: {  	_ = 	snop;
	(pc) =	sbr.rel @p0 .LBB2_1-.Ltmp5, $3  }
0x102: {  	_ =	sdelay $0x1  }
0x103: {  	[sflag:s25] =	ssyncset.done $0x0  }
0x104: {  	s23 =	smov.u32 s8;
	[sflag:s25] =	ssyncadd.s32 $0xFFFFF800  }
0x105: {  	_ =	sfence.sel $0x180000  }
0x106: {  	[bflag:$0x0] =	sbarrier.arrive $0xFFFF  }
0x107: {  	_ =	strace $0x9000004A  }
0x108: {  	s0 =	stileid.u32;
	[bflag:$0x2] =	sbarrier.arrive $0xFFFF  }
0x109: {  	p0 =	sne.s32 s0, $0x0;
	s0 =	rddreg [dreg:$0x3]  }
0x10a: {  	s0 =	sadd.s32 @!p0 $0x100000, s0  }
0x10b: {  	[sflag:s0] =	ssyncadd.tile.s32 @!p0 $0x1;
	_ =	shalt  }
.Lfunc_end2:
_tile_overlayer_lowered:
.L_overlay_start_2:
0x10c: {  	(tag) =	ssettag $0x2  }
0x10d: {  	s0 =	rddreg [dreg:$0x0];
	s2 =	stileid.u32  }
0x10e: {  	s1 =	rddreg [dreg:$0x1];
	p0 =	sne.s32 s2, $0x0  }
0x10f: {  	s3 =	rddreg [dreg:$0x2];
	[bflag:$0x3] =	sbarrier.arrive $0xFFFF;
	s2 =	simm.s32 @!p0 $0x1C03  }
0x110: {  	[timem:s3], [sflag:s2] =	dma.local @!p0 [hbm:s0], s1  }
0x111: {  	s0 =	simm.s32 @!p0 $0x3  }
0x112: {  	_ =	swait.ge @!p0 [sflag:s0], s1  }
0x113: {  	s1 =	ssub.s32 @!p0 $0x0, s1;
	[sflag:s0] =	ssyncset.done @!p0 $0x0  }
0x114: {  	[sflag:s0] =	ssyncadd.s32 @!p0 s1  }
0x115: {  	[bflag:$0x3] =	sbarrier.arrive $0xFFFF  }
0x116: {  	_ =	shalt  }

// kernel: kernel.7.cloned.1.call-start
scs
__scs_entry_jumppad:
0x0: {  	(pc) =	sbr.rel $0x88, $3  }
0x1: {  	(tag) =	ssettag $0x0;
	lr =	simm.s32 $0x1  }
0x2: {  	[smem:$0x3F92] =	sst lr;
	_ =	strace $0xD0000000  }
0x3: {  	_ = 	snop  }
0x4: {  	_ = 	snop  }
0x5: {  	_ = 	snop  }
0x6: {  	_ = 	snop  }
0x7: {  	_ = 	snop  }
__scs_overlays_trampoline_lowered:
0x8: {  	[smem:$0x3FA1] =	sst s0  }
0x9: {  	[smem:$0x3FA2] =	sst s1  }
0xa: {  	[smem:$0x3FA3] =	sst s2  }
0xb: {  	[smem:$0x3FA4] =	sst s3  }
0xc: {  	[smem:$0x3FA5] =	sst s4  }
0xd: {  	[smem:$0x3FA6] =	sst s5  }
0xe: {  	[smem:$0x3FA7] =	sst s6  }
0xf: {  	[smem:$0x3FA8] =	sst s7  }
0x10: {  	[smem:$0x3FA9] =	sst s8  }
0x11: {  	[smem:$0x3FAA] =	sst s9;
	s0 =	simm.s32 @!p0 $0x0  }
0x12: {  	s1 =	sld [smem:$0x3F90];
	s0 =	simm.s32 @p0 $0x1  }
0x13: {  	[smem:$0x3FAB] =	sst s0;
	s0 =	simm.s32 @!p1 $0x0  }
0x14: {  	s2 =	sld [smem:$0x3F8F];
	s0 =	simm.s32 @p1 $0x1  }
0x15: {  	[smem:$0x3FAC] =	sst s0;
	s0 =	simm.s32 @!p2 $0x0  }
0x16: {  	s3 =	sld [smem:$0x3FDB];
	s0 =	simm.s32 @p2 $0x1  }
0x17: {  	s4 =	simm.s32 $0x1BF5;
	[smem:$0x3FAE] =	sst s0  }
0x18: {  	s0 =	sld [smem:$0x3F91];
	_ =	swait.ge [sflag:s4], $0x0  }
0x19: {  	s7 =	sld [smem:$0x3F92]  }
0x1a: {  	s8 =	sadd.s32 $0xFFFFE003, lr  }
0x1b: {  	s9 =	sadd.s32 $0xFFFFFEF7, lr;
	s5 =	simm.s32 $0xFFFFFFFF;
	p2 =	slt.u32 s8, $0xFFFFF086  }
0x1c: {  	p1 =	slt.u32 s9, $0xF7A;
	s5 =	simm.s32 @!p2 $0x0  }
0x1d: {  	s5 =	simm.s32 @p1 $0x1;
	p0 =	seq.s32 s7, s2  }
0x1e: {  	s7 =	smul.u32 @!p0 $0xF7A, s2;
	p2 =	seq.s32 @!p0 s5, $0x0  }
0x1f: {  	s9 =	smul.u32 $0xF7A, s1;
	s8 =	simm.s32 @!p0 $0x1BF5;
	p2 =	por !p2, p0  }
0x20: {  	[sflag:s8] =	ssyncset.s32 @!p0 $0xFFFFF086;
	s6 =	sadd.s32 @!p0 s3, s7;
	s7 =	simm.s32 @!p0 $0x108  }
0x21: {  	s3 =	sadd.s32 s3, s9;
	s6 =	sadd.s32 @!p0 $0x88, s6;
	s7 =	simm.s32 @p2 $0x1082  }
0x22: {  	[simem:s7], [sflag:s8] =	dma.local @!p0 [hbm:s6], $0xF7A  }
0x23: {  	s9 =	sor.u32 $0xD0000000, s2;
	s6 =	simm.s32 $0x108;
	_ =	swait.ge @!p0 [sflag:s8], $0x0  }
0x24: {  	s3 =	sadd.s32 $0x88, s3;
	s6 =	simm.s32 @!p1 $0x1082;
	[sflag:s4] =	ssyncset.s32 $0xFFFFF086  }
0x25: {  	[simem:s6], [sflag:s4] =	dma.local [hbm:s3], $0xF7A  }
0x26: {  	[smem:$0x3F92] =	sst s1;
	(tag) =	ssettag s2;
	_ =	strace s9  }
0x27: {  	s1 =	sld [smem:$0x3FA2]  }
0x28: {  	s2 =	sld [smem:$0x3FA3]  }
0x29: {  	s4 =	sld [smem:$0x3FA5]  }
0x2a: {  	p0 =	seq.s32 s5, $0x0;
	s5 =	sld [smem:$0x3FA6]  }
0x2b: {  	s6 =	sld [smem:$0x3FA7]  }
0x2c: {  	s7 =	sld [smem:$0x3FA8]  }
0x2d: {  	s3 =	simm.s32 $0x108;
	s8 =	sld [smem:$0x3FA9]  }
0x2e: {  	s3 =	simm.s32 @!p0 $0x1082;
	s9 =	sld [smem:$0x3FAA]  }
0x2f: {  	lr =	sadd.s32 s0, s3;
	s0 =	sld [smem:$0x3FA1]  }
0x30: {  	s3 =	sld [smem:$0x3FA4]  }
0x31: {  	[smem:$0x3FAD] =	sst s10  }
0x32: {  	s10 =	sld [smem:$0x3FAB];
	_ =	sdelay $0x3  }
0x33: {  	p0 =	seq.s32 s10, $0x1;
	s10 =	sld [smem:$0x3FAD];
	_ =	sdelay $0x3  }
0x34: {  	[smem:$0x3FAD] =	sst s10  }
0x35: {  	s10 =	sld [smem:$0x3FAC];
	_ =	sdelay $0x3  }
0x36: {  	p1 =	seq.s32 s10, $0x1;
	s10 =	sld [smem:$0x3FAD];
	_ =	sdelay $0x3  }
0x37: {  	[smem:$0x3FAD] =	sst s10  }
0x38: {  	s10 =	sld [smem:$0x3FAE]  }
0x39: {  	_ = 	snop;
	(pc) =	sbr.ind lr, $3  }
0x3a: {  	_ = 	snop  }
0x3b: {  	_ = 	snop  }
0x3c: {  	p2 =	seq.s32 s10, $0x1;
	s10 =	sld [smem:$0x3FAD]  }
0x3d: {  	_ =	shalt  }
0x3e: {  	_ =	shalt  }
0x3f: {  	_ =	shalt  }
0x40: {  	_ =	shalt  }
0x41: {  	_ =	shalt  }
0x42: {  	_ =	shalt  }
0x43: {  	_ =	shalt  }
0x44: {  	_ =	shalt  }
0x45: {  	_ =	shalt  }
0x46: {  	_ =	shalt  }
0x47: {  	_ =	shalt  }
0x48: {  	_ =	shalt  }
0x49: {  	_ =	shalt  }
0x4a: {  	_ =	shalt  }
0x4b: {  	_ =	shalt  }
0x4c: {  	_ =	shalt  }
0x4d: {  	_ =	shalt  }
0x4e: {  	_ =	shalt  }
0x4f: {  	_ =	shalt  }
0x50: {  	_ =	shalt  }
0x51: {  	_ =	shalt  }
0x52: {  	_ =	shalt  }
0x53: {  	_ =	shalt  }
0x54: {  	_ =	shalt  }
0x55: {  	_ =	shalt  }
0x56: {  	_ =	shalt  }
0x57: {  	_ =	shalt  }
0x58: {  	_ =	shalt  }
0x59: {  	_ =	shalt  }
0x5a: {  	_ =	shalt  }
0x5b: {  	_ =	shalt  }
0x5c: {  	_ =	shalt  }
0x5d: {  	_ =	shalt  }
0x5e: {  	_ =	shalt  }
0x5f: {  	_ =	shalt  }
0x60: {  	_ =	shalt  }
0x61: {  	_ =	shalt  }
0x62: {  	_ =	shalt  }
0x63: {  	_ =	shalt  }
0x64: {  	_ =	shalt  }
0x65: {  	_ =	shalt  }
0x66: {  	_ =	shalt  }
0x67: {  	_ =	shalt  }
0x68: {  	_ =	shalt  }
0x69: {  	_ =	shalt  }
0x6a: {  	_ =	shalt  }
0x6b: {  	_ =	shalt  }
0x6c: {  	_ =	shalt  }
0x6d: {  	_ =	shalt  }
0x6e: {  	_ =	shalt  }
0x6f: {  	_ =	shalt  }
0x70: {  	_ =	shalt  }
0x71: {  	_ =	shalt  }
0x72: {  	_ =	shalt  }
0x73: {  	_ =	shalt  }
0x74: {  	_ =	shalt  }
0x75: {  	_ =	shalt  }
0x76: {  	_ =	shalt  }
0x77: {  	_ =	shalt  }
0x78: {  	_ =	shalt  }
0x79: {  	_ =	shalt  }
0x7a: {  	_ =	shalt  }
0x7b: {  	_ =	shalt  }
0x7c: {  	_ =	shalt  }
0x7d: {  	_ =	shalt  }
0x7e: {  	_ =	shalt  }
0x7f: {  	_ =	shalt  }
0x80: {  	_ =	shalt  }
0x81: {  	_ =	shalt  }
0x82: {  	_ =	shalt  }
0x83: {  	_ =	shalt  }
0x84: {  	_ =	shalt  }
0x85: {  	_ =	shalt  }
0x86: {  	_ =	shalt  }
0x87: {  	_ =	shalt  }
.Lfunc_end0:
.L_simem_size_0:
called_computation_lowered:
.L_overlay_start_0:
0x88: {  	s2 =	sld [smem:$0x3FD9]  }
0x89: {  	s3 =	sld [smem:$0x3FFE];
	_ =	sdelay $0x1  }
0x8a: {  	s1 =	srdreg.scid  }
0x8b: {  	s0 =	sand.u32 $0x1, s1  }
0x8c: {  	s16 =	sshll.u32 s0, $0xA;
	s2 =	sadd.s32 s3, s2  }
0x8d: {  	s2 =	sadd.s32 s2, s16  }
0x8e: {  	[smem:$0x3FB9] =	sst s2  }
0x8f: {  	_ = 	snop  }
0x90: {  	(tm) =	ssettm $0x1  }
0x91: {  	s17 =	sld [smem:$0x3FFB];
	_ =	sdelay $0x3  }
0x92: {  	_ =	strace s17  }
0x93: {  	s2 =	sld [smem:$0x3FFC];
	_ =	sdelay $0x3  }
0x94: {  	_ =	strace s2  }
0x95: {  	s2 =	sld [smem:$0x3FFD];
	_ =	sdelay $0x3  }
0x96: {  	_ =	strace s2  }
0x97: {  	_ =	strace $0x8FFFFFFF  }
0x98: {  	s18 =	sld [smem:$0x3FDB];
	_ =	sdelay $0x1  }
0x99: {  	s19 =	simm.s32 $_scs_section_size  }
0x9a: {  	s4 =	simm.s32 $_size__tile_overlayer_lowered;
	s5 =	simm.s32 $_tile_overlayer_lowered  }
0x9b: {  	s22 =	simm.s32 $0x1BFF;
	s21 =	sshll.u32 s5, $0x1;
	s2 =	sadd.s32 s19, s18  }
0x9c: {  	s6 =	simm.s32 $0x0;
	s20 =	sshll.u32 s4, $0x1;
	s4 =	sadd.s32 s21, s2  }
0x9d: {  	[timem:s6], [sflag:s22] =	dma.local [hbm:s4], s20  }
0x9e: {  	_ =	swait.ge [sflag:s22], s20  }
0x9f: {  	s3 =	ssub.s32 $0x0, s20;
	[sflag:s22] =	ssyncset.done $0x0  }
0xa0: {  	[sflag:s22] =	ssyncadd.s32 s3;
	_ =	sdelay $0x1  }
0xa1: {  	s23 =	simm.s32 $0x1B8B  }
0xa2: {  	_ =	swait.ge [sflag:s23], $0x1  }
0xa3: {  	[sflag:s23] =	ssyncset.done $0x0  }
0xa4: {  	s25 =	simm.s32 $0x1B8E;
	s24 =	sld [smem:$0x3FFE];
	[sflag:s23] =	ssyncadd.s32 $0xFFFFFFFF  }
0xa5: {  	s26 =	simm.s32 $execute0_lowered;
	[smem:$0x3FD2] =	sst s25  }
0xa6: {  	s4 =	sshll.u32 s26, $0x1;
	_ =	strace $0x80000046;
	[dreg:$0x1] =	wrdreg $0xFFFFFFFF  }
0xa7: {  	s28 =	simm.s32 $_size_execute0_lowered;
	s2 =	sadd.s32 s2, s4;
	[dreg:$0x0] =	wrdreg $0x0  }
0xa8: {  	s4 =	sshll.u32 s28, $0x1;
	[dreg:$0x2] =	wrdreg s2  }
0xa9: {  	[dreg:$0x3] =	wrdreg s4  }
0xaa: {  	[dreg:$0x4] =	wrdreg $0xC0  }
0xab: {  	_ =	task [dreg:s6], $0x5FFFF  }
0xac: {  	[dreg:$0x1] =	wrdreg $0xFFFFFFFF  }
0xad: {  	[dreg:$0x0] =	wrdreg $0x60  }
0xae: {  	[dreg:$0x2] =	wrdreg s24  }
0xaf: {  	[dreg:$0x3] =	wrdreg $0x8D000  }
0xb0: {  	[dreg:$0x4] =	wrdreg $0x1CD000  }
0xb1: {  	[dreg:$0x5] =	wrdreg $0x9  }
0xb2: {  	_ =	task.clear_ibuf [dreg:s6], $0x6FFFF;
	_ =	strace $0x90000046  }
0xb3: {  	s29 =	simm.s32 $0x9;
	_ =	strace $0x80000048  }
0xb4: {  	_ =	swait.ge [sflag:s29], $0x1  }
0xb5: {  	[sflag:s29] =	ssyncadd.s32 $0xFFFFFFFF  }
0xb6: {  	_ =	strace $0x90000048  }
0xb7: {  	_ =	sfence  }
0xb8: {  	s30 =	sld [smem:$0x0];
	_ =	sdelay $0x2  }
0xb9: {  	s31 =	sshll.u32 s1, $0xD;
	s1 =	sshrl.u32 s1, $0x2  }
0xba: {  	s3 =	sand.u32 $0x4000, s31;
	s1 =	sadd.s32 s1, s30  }
0xbb: {  	s0 =	sor.u32 s3, s0;
	s1 =	sshll.u32 s1, $0x11  }
0xbc: {  	s0 =	sor.u32 s1, s0  }
0xbd: {  	s0 =	sadd.s32 $0x8F2B, s0  }
0xbe: {  	[sflag:s0] =	ssyncadd.remote.s32 $0x1  }
0xbf: {  	_ =	sfence.sel $0xFFFF  }
0xc0: {  	[dreg:$0x0] =	wrdreg $0xFFFFFFFF;
	(pc) =	sbr.abs _section_cstart, $3  }
0xc1: {  	[dreg:$0x1] =	wrdreg $0xFFFFFFFF  }
0xc2: {  	_ =	task.clear_ibuf [dreg:s6], $0x2FFFF;
	_ =	strace $0x9FFFFFFF  }
0xc3: {  	(tm) =	ssettm $0x7FFFFFFF  }
tec
execute0_lowered:
.L_overlay_start_1:
0x0: {  	(tag) =	ssettag $0x1  }
0x1: {  	s0 =	rddreg [dreg:$0x0]  }
0x2: {  	s2 =	rddreg [dreg:$0x1]  }
0x3: {  	s3 =	rddreg [dreg:$0x2]  }
0x4: {  	s1 =	srdreg.scid;
	s13 =	stileid.u32;
	s16 =	simm.s32 $0x0  }
0x5: {  	s1 =	sand.u32 $0x1, s1;
	s4 =	smul.u32 $0x280, s13;
	s5 =	sadd.s32 $0x5C000, s0  }
0x6: {  	s6 =	sadd.s32 $0x34800, s0;
	s7 =	sadd.s32 $0x2AA00, s0;
	s9 =	smul.u32 $0x2800, s1  }
0x7: {  	s8 =	sadd.s32 $0x52200, s0;
	s11 =	smul.u32 $0x50000, s13;
	s22 =	ssub.s32 $0x2, s1  }
0x8: {  	s10 =	sadd.s32 $0x3E600, s0;
	s12 =	sshrl.u32 s22, $0x1;
	s4 =	sadd.s32 s4, s9  }
0x9: {  	s11 =	sshrl.u32 s11, $0x2;
	s9 =	sadd.s32 $0x48400, s0;
	s4 =	sshll.u32 s4, $0x4  }
0xa: {  	s0 =	sadd.s32 s4, s0;
	s4 =	ssub.s32 s22, s12;
	s12 =	sadd.s32 s11, s2  }
0xb: {  	[smem:$0x7FF] =	sst s16;
	s14 =	sadd.s32 $0x1000, s12  }
0xc: {  	_ =	strace $0x80000047;
	s23 =	sadd.s32 $0x2000, s12;
	[dreg:$0x5] =	wrdreg s14  }
0xd: {  	s24 =	sadd.s32 $0x3000, s12;
	[dreg:$0x6] =	wrdreg s23  }
0xe: {  	s25 =	sadd.s32 $0x6000, s12;
	[dreg:$0x7] =	wrdreg s24  }
0xf: {  	s26 =	sadd.s32 $0x7000, s12;
	[dreg:$0x9] =	wrdreg s25  }
0x10: {  	s15 =	sadd.s32 $0x9000, s12;
	[dreg:$0xa] =	wrdreg s26  }
0x11: {  	s17 =	sadd.s32 $0xB000, s12;
	[dreg:$0xc] =	wrdreg s15  }
0x12: {  	s18 =	sadd.s32 $0xD000, s12;
	[dreg:$0xd] =	wrdreg s17  }
0x13: {  	s19 =	sadd.s32 $0xE000, s12;
	[dreg:$0xf] =	wrdreg s18  }
0x14: {  	s20 =	sadd.s32 $0x10000, s12;
	[dreg:$0x10] =	wrdreg s19  }
0x15: {  	s21 =	sadd.s32 $0x11000, s12;
	[dreg:$0x11] =	wrdreg s20  }
0x16: {  	s1 =	sshll.u32 s1, $0x4;
	s22 =	sadd.s32 $0x12000, s12;
	[dreg:$0x12] =	wrdreg s21  }
0x17: {  	s1 =	sor.u32 s13, s1;
	s28 =	sadd.s32 $0x8000, s12;
	[dreg:$0x13] =	wrdreg s22  }
0x18: {  	s13 =	smul.u32 $0x14000, s13;
	s29 =	sadd.s32 $0xC000, s12;
	[dreg:$0xb] =	wrdreg s28  }
0x19: {  	s23 =	sadd.s32 $0x4000, s12;
	s12 =	sadd.s32 $0x13000, s12;
	[dreg:$0xe] =	wrdreg s29  }
0x1a: {  	s11 =	sadd.s32 s11, s3;
	s24 =	sadd.s32 s13, s2;
	[dreg:$0x14] =	wrdreg s12  }
0x1b: {  	s21 =	sadd.s32 $0x2800, s11;
	[dreg:$0x15] =	wrdreg s24  }
0x1c: {  	s22 =	sadd.s32 $0x7800, s11;
	[dreg:$0x1d] =	wrdreg s21  }
0x1d: {  	s25 =	sadd.s32 $0x5000, s13;
	s26 =	sadd.s32 $0xA000, s13;
	[dreg:$0x1e] =	wrdreg s22  }
0x1e: {  	s15 =	sadd.s32 $0xF000, s13;
	s13 =	sadd.s32 s13, s3;
	[dreg:$0x8] =	wrdreg s23  }
0x1f: {  	s17 =	sadd.s32 s25, s2;
	[dreg:$0x16] =	wrdreg s13  }
0x20: {  	s12 =	sadd.s32 s25, s3;
	[dreg:$0x17] =	wrdreg s17  }
0x21: {  	s18 =	sadd.s32 s26, s3;
	[dreg:$0x18] =	wrdreg s12  }
0x22: {  	s19 =	sadd.s32 s15, s2;
	[dreg:$0x1a] =	wrdreg s18  }
0x23: {  	s20 =	sadd.s32 s15, s3;
	[dreg:$0x1b] =	wrdreg s19  }
0x24: {  	s25 =	sadd.s32 $0xC800, s11;
	[dreg:$0x1c] =	wrdreg s20  }
0x25: {  	s11 =	sadd.s32 $0x11800, s11;
	[dreg:$0x1f] =	wrdreg s25  }
0x26: {  	s1 =	smul.u32 $0x2710, s1;
	s21 =	sadd.s32 $0xAB400, s0;
	[smem:$0x7F1] =	sst s11  }
0x27: {  	s22 =	sadd.s32 $0xABC00, s0;
	[smem:$0x7F9] =	sst s21  }
0x28: {  	s24 =	sshrl.u32 s1, $0x3;
	s17 =	sadd.s32 s26, s2;
	[smem:$0x7FA] =	sst s22  }
0x29: {  	s31 =	simm.s32 $0x50;
	s26 =	sadd.s32 s6, s24;
	[dreg:$0x19] =	wrdreg s17  }
0x2a: {  	s30 =	sadd.s32 $0xA0, s1;
	s14 =	sadd.s32 s7, s24;
	[smem:$0x7F2] =	sst s26  }
0x2b: {  	s15 =	sadd.s32 s8, s24;
	s18 =	sadd.s32 s10, s24;
	[smem:$0x7F3] =	sst s14  }
0x2c: {  	s19 =	sadd.s32 $0xAA400, s0;
	s20 =	sadd.s32 $0xAAC00, s0;
	[smem:$0x7F4] =	sst s15  }
0x2d: {  	s25 =	smax.u32 s4, $0x1;
	s21 =	simm.s32 $0x100;
	[smem:$0x7F6] =	sst s18  }
0x2e: {  	s22 =	simm.s32 $0x200;
	s11 =	simm.s32 $0x180;
	[smem:$0x7F7] =	sst s19  }
0x2f: {  	s17 =	sadd.s32 s9, s24;
	s26 =	sadd.s32 $0x50, s1;
	[smem:$0x7F8] =	sst s20  }
0x30: {  	s24 =	sadd.s32 $0xAC400, s0;
	s0 =	sadd.s32 $0xFA400, s0;
	[smem:$0x7FD] =	sst s25  }
0x31: {  	s18 =	simm.s32 $0x3;
	s19 =	simm.s32 $0x6500;
	[smem:$0x7F5] =	sst s17  }
0x32: {  	v0 =	vimm.f32 $0.0e+00;
	vm0 =	vcmask $0x704;
	vm15 =	vcmask $0x300;
	s25 =	simm.s32 $0x400;
	s1 =	simm.s32 $0x80;
	[smem:$0x7FB] =	sst s24  }
0x33: {  	vm1 =	vcmask $0xB08;
	vm2 =	vcmask $0xF0C;
	v1 =	vsel vm0, $0x3F800000, v0;
	s14 =	simm.s32 $0x2D00;
	s20 =	simm.s32 $0x2;
	[smem:$0x7FC] =	sst s0  }
0x34: {  	v2 =	vsel vm15, $0x3F800000, v0;
	v3 =	vsel vm1, $0x3F800000, v0;
	v4 =	vsel vm2, $0x3F800000, v0;
	s24 =	simm.s32 $0x300;
	s0 =	simm.s32 $0x500;
	s17 =	simm.s32 $0x1  }
.LBB2_1:
0x35: {  	s4 =	simm.s32 $0x0;
	s12 =	simm.s32 $0x200  }
.LBB2_2:
0x36: {  	p0 =	sne.s32 s12, $0x3E00;
	[tilespmem:s4+$0x5570] =	vst v0  }
0x37: {  	[tilespmem:s4+$0x5500] =	vst v0  }
0x38: {  	[tilespmem:s4+$0x5510] =	vst v0  }
.Ltmp0:
0x39: {  	[tilespmem:s4+$0x5520] =	vst v0;
	(pc) =	sbr.rel @p0 .LBB2_2-.Ltmp0, $4  }
0x3a: {  	[tilespmem:s4+$0x5530] =	vst v0  }
0x3b: {  	[tilespmem:s4+$0x5540] =	vst v0  }
0x3c: {  	[tilespmem:s4+$0x5550] =	vst v0  }
0x3d: {  	[tilespmem:s4+$0x5560] =	vst v0;
	s4 =	sshra.s32 s12, $0x2;
	s12 =	sadd.s32 $0x200, s12  }
0x3e: {  	[tilespmem:s4+$0x5570] =	vst v0  }
0x3f: {  	[tilespmem:s4+$0x5500] =	vst v0  }
0x40: {  	[tilespmem:s4+$0x5510] =	vst v0  }
0x41: {  	[tilespmem:s4+$0x5520] =	vst v0  }
0x42: {  	[tilespmem:s4+$0x5530] =	vst v0  }
0x43: {  	[tilespmem:s4+$0x5540] =	vst v0  }
0x44: {  	[dreg:$0x4] =	wrdreg s16;
	[tilespmem:s4+$0x5550] =	vst v0  }
0x45: {  	[tilespmem:s4+$0x5560] =	vst v0;
	s15 =	rddreg [dreg:$0x15];
	s12 =	simm.s32 $0x5500  }
0x46: {  	[spmem:s15] =	stream.linear.scatter [tilespmem:s12], [sflag:$0x3], $0x1000, $0x38;
	[tilespmem:$0x1F500] =	vst v63  }
0x47: {  	_ =	swait.ge [sflag:s18], $0x1000  }
0x48: {  	[sflag:s18] =	ssyncset.done $0x0  }
0x49: {  	s16 =	rddreg [dreg:$0x5];
	[sflag:s18] =	ssyncadd.s32 $0xFFFFF000  }
0x4a: {  	[spmem:s16] =	stream.linear.scatter [tilespmem:s12], [sflag:$0x3], $0x1000, $0x38;
	[tilespmem:$0x1F500] =	vst v63  }
0x4b: {  	_ =	swait.ge [sflag:s18], $0x1000  }
0x4c: {  	[sflag:s18] =	ssyncset.done $0x0  }
0x4d: {  	s15 =	rddreg [dreg:$0x6];
	[sflag:s18] =	ssyncadd.s32 $0xFFFFF000  }
0x4e: {  	[spmem:s15] =	stream.linear.scatter [tilespmem:s12], [sflag:$0x3], $0x1000, $0x38;
	[tilespmem:$0x1F500] =	vst v63  }
0x4f: {  	_ =	swait.ge [sflag:s18], $0x1000  }
0x50: {  	[sflag:s18] =	ssyncset.done $0x0  }
0x51: {  	s16 =	rddreg [dreg:$0x7];
	[sflag:s18] =	ssyncadd.s32 $0xFFFFF000  }
0x52: {  	[spmem:s16] =	stream.linear.scatter [tilespmem:s12], [sflag:$0x3], $0x1000, $0x38;
	[tilespmem:$0x1F500] =	vst v63  }
0x53: {  	_ =	swait.ge [sflag:s18], $0x1000  }
0x54: {  	[sflag:s18] =	ssyncset.done $0x0  }
0x55: {  	[sflag:s18] =	ssyncadd.s32 $0xFFFFF000  }
0x56: {  	[spmem:s23] =	stream.linear.scatter [tilespmem:s12], [sflag:$0x3], $0x1000, $0x38;
	[tilespmem:$0x1F500] =	vst v63  }
0x57: {  	_ =	swait.ge [sflag:s18], $0x1000  }
0x58: {  	[sflag:s18] =	ssyncset.done $0x0  }
0x59: {  	s15 =	rddreg [dreg:$0x17];
	[sflag:s18] =	ssyncadd.s32 $0xFFFFF000  }
0x5a: {  	[spmem:s15] =	stream.linear.scatter [tilespmem:s12], [sflag:$0x3], $0x1000, $0x38;
	[tilespmem:$0x1F500] =	vst v63  }
0x5b: {  	_ =	swait.ge [sflag:s18], $0x1000  }
0x5c: {  	[sflag:s18] =	ssyncset.done $0x0  }
0x5d: {  	s16 =	rddreg [dreg:$0x9];
	[sflag:s18] =	ssyncadd.s32 $0xFFFFF000  }
0x5e: {  	[spmem:s16] =	stream.linear.scatter [tilespmem:s12], [sflag:$0x3], $0x1000, $0x38;
	[tilespmem:$0x1F500] =	vst v63  }
0x5f: {  	_ =	swait.ge [sflag:s18], $0x1000  }
0x60: {  	[sflag:s18] =	ssyncset.done $0x0  }
0x61: {  	s23 =	rddreg [dreg:$0xa];
	[sflag:s18] =	ssyncadd.s32 $0xFFFFF000  }
0x62: {  	[spmem:s23] =	stream.linear.scatter [tilespmem:s12], [sflag:$0x3], $0x1000, $0x38;
	[tilespmem:$0x1F500] =	vst v63  }
0x63: {  	_ =	swait.ge [sflag:s18], $0x1000  }
0x64: {  	[sflag:s18] =	ssyncset.done $0x0  }
0x65: {  	[sflag:s18] =	ssyncadd.s32 $0xFFFFF000  }
0x66: {  	[spmem:s28] =	stream.linear.scatter [tilespmem:s12], [sflag:$0x3], $0x1000, $0x38;
	[tilespmem:$0x1F500] =	vst v63  }
0x67: {  	_ =	swait.ge [sflag:s18], $0x1000  }
0x68: {  	[sflag:s18] =	ssyncset.done $0x0  }
0x69: {  	s15 =	rddreg [dreg:$0xc];
	[sflag:s18] =	ssyncadd.s32 $0xFFFFF000  }
0x6a: {  	[spmem:s15] =	stream.linear.scatter [tilespmem:s12], [sflag:$0x3], $0x1000, $0x38;
	[tilespmem:$0x1F500] =	vst v63  }
0x6b: {  	_ =	swait.ge [sflag:s18], $0x1000  }
0x6c: {  	[sflag:s18] =	ssyncset.done $0x0  }
0x6d: {  	s16 =	rddreg [dreg:$0x19];
	[sflag:s18] =	ssyncadd.s32 $0xFFFFF000  }
0x6e: {  	[spmem:s16] =	stream.linear.scatter [tilespmem:s12], [sflag:$0x3], $0x1000, $0x38;
	[tilespmem:$0x1F500] =	vst v63  }
0x6f: {  	_ =	swait.ge [sflag:s18], $0x1000  }
0x70: {  	[sflag:s18] =	ssyncset.done $0x0  }
0x71: {  	s23 =	rddreg [dreg:$0xd];
	[sflag:s18] =	ssyncadd.s32 $0xFFFFF000  }
0x72: {  	[spmem:s23] =	stream.linear.scatter [tilespmem:s12], [sflag:$0x3], $0x1000, $0x38;
	[tilespmem:$0x1F500] =	vst v63  }
0x73: {  	_ =	swait.ge [sflag:s18], $0x1000  }
0x74: {  	[sflag:s18] =	ssyncset.done $0x0  }
0x75: {  	[sflag:s18] =	ssyncadd.s32 $0xFFFFF000  }
0x76: {  	[spmem:s29] =	stream.linear.scatter [tilespmem:s12], [sflag:$0x3], $0x1000, $0x38;
	[tilespmem:$0x1F500] =	vst v63  }
0x77: {  	_ =	swait.ge [sflag:s18], $0x1000  }
0x78: {  	[sflag:s18] =	ssyncset.done $0x0  }
0x79: {  	s28 =	rddreg [dreg:$0xf];
	[sflag:s18] =	ssyncadd.s32 $0xFFFFF000  }
0x7a: {  	[spmem:s28] =	stream.linear.scatter [tilespmem:s12], [sflag:$0x3], $0x1000, $0x38;
	[tilespmem:$0x1F500] =	vst v63  }
0x7b: {  	_ =	swait.ge [sflag:s18], $0x1000  }
0x7c: {  	[sflag:s18] =	ssyncset.done $0x0  }
0x7d: {  	s29 =	rddreg [dreg:$0x10];
	[sflag:s18] =	ssyncadd.s32 $0xFFFFF000  }
0x7e: {  	[spmem:s29] =	stream.linear.scatter [tilespmem:s12], [sflag:$0x3], $0x1000, $0x38;
	[tilespmem:$0x1F500] =	vst v63  }
0x7f: {  	_ =	swait.ge [sflag:s18], $0x1000  }
0x80: {  	[sflag:s18] =	ssyncset.done $0x0  }
0x81: {  	s15 =	rddreg [dreg:$0x1b];
	[sflag:s18] =	ssyncadd.s32 $0xFFFFF000  }
0x82: {  	[spmem:s15] =	stream.linear.scatter [tilespmem:s12], [sflag:$0x3], $0x1000, $0x38;
	[tilespmem:$0x1F500] =	vst v63  }
0x83: {  	_ =	swait.ge [sflag:s18], $0x1000  }
0x84: {  	[sflag:s18] =	ssyncset.done $0x0  }
0x85: {  	s16 =	rddreg [dreg:$0x11];
	[sflag:s18] =	ssyncadd.s32 $0xFFFFF000  }
0x86: {  	[spmem:s16] =	stream.linear.scatter [tilespmem:s12], [sflag:$0x3], $0x1000, $0x38;
	[tilespmem:$0x1F500] =	vst v63  }
0x87: {  	_ =	swait.ge [sflag:s18], $0x1000  }
0x88: {  	[sflag:s18] =	ssyncset.done $0x0  }
0x89: {  	s23 =	rddreg [dreg:$0x12];
	[sflag:s18] =	ssyncadd.s32 $0xFFFFF000  }
0x8a: {  	[spmem:s23] =	stream.linear.scatter [tilespmem:s12], [sflag:$0x3], $0x1000, $0x38;
	[tilespmem:$0x1F500] =	vst v63  }
0x8b: {  	_ =	swait.ge [sflag:s18], $0x1000  }
0x8c: {  	[sflag:s18] =	ssyncset.done $0x0  }
0x8d: {  	s28 =	rddreg [dreg:$0x13];
	[sflag:s18] =	ssyncadd.s32 $0xFFFFF000  }
0x8e: {  	[spmem:s28] =	stream.linear.scatter [tilespmem:s12], [sflag:$0x3], $0x1000, $0x38;
	[tilespmem:$0x1F500] =	vst v63  }
0x8f: {  	_ =	swait.ge [sflag:s18], $0x1000  }
0x90: {  	[sflag:s18] =	ssyncset.done $0x0  }
0x91: {  	s29 =	rddreg [dreg:$0x14];
	[sflag:s18] =	ssyncadd.s32 $0xFFFFF000  }
0x92: {  	[spmem:s29] =	stream.linear.scatter [tilespmem:s12], [sflag:$0x3], $0x1000, $0x38;
	[tilespmem:$0x1F500] =	vst v63  }
0x93: {  	_ =	swait.ge [sflag:s18], $0x1000  }
0x94: {  	[sflag:s18] =	ssyncset.done $0x0  }
0x95: {  	s4 =	simm.s32 $0x200;
	s12 =	simm.s32 $0x0;
	[sflag:s18] =	ssyncadd.s32 $0xFFFFF000  }
.LBB2_4:
0x96: {  	p0 =	sne.s32 s4, $0x9E00;
	[tilespmem:s12+$0x6500] =	vst v0;
	s12 =	smov.u32 s4;
	s4 =	sadd.s32 $0x200, s4  }
.Ltmp1:
0x97: {  	(pc) =	sbr.rel @p0 .LBB2_4-.Ltmp1, $2  }
0x98: {  	_ =	sdelay $0x2  }
0x99: {  	s12 =	sshra.s32 s12, $0x2  }
0x9a: {  	[tilespmem:s12+$0x6500] =	vst v0  }
0x9b: {  	[spmem:s13] =	stream.linear.scatter [tilespmem:s19], [sflag:$0x3], $0x2800, $0x38;
	[tilespmem:$0x1F500] =	vst v63  }
0x9c: {  	_ =	swait.ge [sflag:s18], $0x2800  }
0x9d: {  	[sflag:s18] =	ssyncset.done $0x0  }
0x9e: {  	s4 =	rddreg [dreg:$0x1d];
	[sflag:s18] =	ssyncadd.s32 $0xFFFFD800  }
0x9f: {  	[spmem:s4] =	stream.linear.scatter [tilespmem:s19], [sflag:$0x3], $0x2800, $0x38;
	[tilespmem:$0x1F500] =	vst v63  }
0xa0: {  	_ =	swait.ge [sflag:s18], $0x2800  }
0xa1: {  	[sflag:s18] =	ssyncset.done $0x0  }
0xa2: {  	s12 =	rddreg [dreg:$0x18];
	[sflag:s18] =	ssyncadd.s32 $0xFFFFD800  }
0xa3: {  	[spmem:s12] =	stream.linear.scatter [tilespmem:s19], [sflag:$0x3], $0x2800, $0x38;
	[tilespmem:$0x1F500] =	vst v63  }
0xa4: {  	_ =	swait.ge [sflag:s18], $0x2800  }
0xa5: {  	[sflag:s18] =	ssyncset.done $0x0  }
0xa6: {  	s13 =	rddreg [dreg:$0x1e];
	[sflag:s18] =	ssyncadd.s32 $0xFFFFD800  }
0xa7: {  	[spmem:s13] =	stream.linear.scatter [tilespmem:s19], [sflag:$0x3], $0x2800, $0x38;
	[tilespmem:$0x1F500] =	vst v63  }
0xa8: {  	_ =	swait.ge [sflag:s18], $0x2800  }
0xa9: {  	[sflag:s18] =	ssyncset.done $0x0  }
0xaa: {  	s15 =	rddreg [dreg:$0x1a];
	[sflag:s18] =	ssyncadd.s32 $0xFFFFD800  }
0xab: {  	[spmem:s15] =	stream.linear.scatter [tilespmem:s19], [sflag:$0x3], $0x2800, $0x38;
	[tilespmem:$0x1F500] =	vst v63  }
0xac: {  	_ =	swait.ge [sflag:s18], $0x2800  }
0xad: {  	[sflag:s18] =	ssyncset.done $0x0  }
0xae: {  	s16 =	rddreg [dreg:$0x1f];
	[sflag:s18] =	ssyncadd.s32 $0xFFFFD800  }
0xaf: {  	[spmem:s16] =	stream.linear.scatter [tilespmem:s19], [sflag:$0x3], $0x2800, $0x38;
	[tilespmem:$0x1F500] =	vst v63  }
0xb0: {  	_ =	swait.ge [sflag:s18], $0x2800  }
0xb1: {  	[sflag:s18] =	ssyncset.done $0x0  }
0xb2: {  	s23 =	rddreg [dreg:$0x1c];
	[sflag:s18] =	ssyncadd.s32 $0xFFFFD800  }
0xb3: {  	[spmem:s23] =	stream.linear.scatter [tilespmem:s19], [sflag:$0x3], $0x2800, $0x38;
	[tilespmem:$0x1F500] =	vst v63  }
0xb4: {  	_ =	swait.ge [sflag:s18], $0x2800  }
0xb5: {  	s29 =	sld [smem:$0x7F1]  }
0xb6: {  	[sflag:s18] =	ssyncset.done $0x0  }
0xb7: {  	[sflag:s18] =	ssyncadd.s32 $0xFFFFD800  }
0xb8: {  	[spmem:s29] =	stream.linear.scatter [tilespmem:s19], [sflag:$0x3], $0x2800, $0x38;
	[tilespmem:$0x1F500] =	vst v63  }
0xb9: {  	_ =	swait.ge [sflag:s18], $0x2800  }
0xba: {  	[sflag:s18] =	ssyncset.done $0x0  }
0xbb: {  	[sflag:s18] =	ssyncadd.s32 $0xFFFFD800  }
0xbc: {  	[tilespmem:$0x250] =	vst v0  }
0xbd: {  	[tilespmem:$0x2D0] =	vst v0  }
0xbe: {  	[tilespmem:$0x350] =	vst v0  }
0xbf: {  	[tilespmem:$0x3D0] =	vst v0  }
0xc0: {  	[tilespmem:$0x450] =	vst v0  }
0xc1: {  	[tilespmem:$0x4D0] =	vst v0  }
0xc2: {  	[bflag:$0x0] =	sbarrier.arrive $0xFFFF  }
0xc3: {  	s12 =	sld [smem:$0x7F2];
	_ =	sdelay $0x1  }
0xc4: {  	s23 =	simm.s32 $0x0  }
0xc5: {  	[tilespmem:s23], [sflag:$0x3] =	stream.linear.gather [hbm4b:s12+s23], $0x50, $0x38;
	[tilespmem:$0x1F500] =	vst v63  }
0xc6: {  	_ =	swait.ge [sflag:s18], $0x50  }
0xc7: {  	s13 =	sld [smem:$0x7F3]  }
0xc8: {  	[sflag:s18] =	ssyncset.done $0x0  }
0xc9: {  	[sflag:s18] =	ssyncadd.s32 $0xFFFFFFB0  }
0xca: {  	[tilespmem:s21], [sflag:$0x3] =	stream.linear.gather [hbm4b:s13+s23], $0x50, $0x38;
	[tilespmem:$0x1F500] =	vst v63  }
0xcb: {  	_ =	swait.ge [sflag:s18], $0x50  }
0xcc: {  	s15 =	sld [smem:$0x7F4]  }
0xcd: {  	[sflag:s18] =	ssyncset.done $0x0  }
0xce: {  	[sflag:s18] =	ssyncadd.s32 $0xFFFFFFB0  }
0xcf: {  	[tilespmem:s22], [sflag:$0x3] =	stream.linear.gather [hbm4b:s15+s23], $0x50, $0x38;
	[tilespmem:$0x1F500] =	vst v63  }
0xd0: {  	_ =	swait.ge [sflag:s18], $0x50  }
0xd1: {  	s16 =	sld [smem:$0x7F5]  }
0xd2: {  	[sflag:s18] =	ssyncset.done $0x0  }
0xd3: {  	[sflag:s18] =	ssyncadd.s32 $0xFFFFFFB0  }
0xd4: {  	[tilespmem:s24], [sflag:$0x3] =	stream.linear.gather [hbm4b:s16+s23], $0x50, $0x38;
	[tilespmem:$0x1F500] =	vst v63  }
0xd5: {  	_ =	swait.ge [sflag:s18], $0x50  }
0xd6: {  	s29 =	sld [smem:$0x7F6]  }
0xd7: {  	[sflag:s18] =	ssyncset.done $0x0  }
0xd8: {  	[sflag:s18] =	ssyncadd.s32 $0xFFFFFFB0  }
0xd9: {  	[tilespmem:s25], [sflag:$0x3] =	stream.linear.gather [hbm4b:s29+s23], $0x50, $0x38;
	[tilespmem:$0x1F500] =	vst v63  }
0xda: {  	_ =	swait.ge [sflag:s18], $0x50  }
0xdb: {  	[sflag:s18] =	ssyncset.done $0x0  }
0xdc: {  	s28 =	simm.s32 $0x0;
	[sflag:s18] =	ssyncadd.s32 $0xFFFFFFB0  }
0xdd: {  	[tilespmem:s0], [sflag:$0x1] =	stream.indirect.gather [hbm4b:s5+s31], $0x80, s23, s31, $0xb8;
	[tilespmem:$0x1F500] =	vst v63  }
.LBB2_6:
0xde: {  	s29 =	smul.u32 $0xA0, s28;
	_ =	sdelay $0x1  }
0xdf: {  	s4 =	sadd.s32 s29, s26  }
0xe0: {  	s4 =	sshrl.u32 s4, $0x3  }
0xe1: {  	s12 =	sadd.s32 s6, s4  }
0xe2: {  	[tilespmem:s1], [sflag:$0x3] =	stream.linear.gather [hbm4b:s12+s23], $0x50, $0x38;
	[tilespmem:$0x1F500] =	vst v63  }
0xe3: {  	_ =	swait.ge [sflag:s18], $0x50  }
0xe4: {  	[sflag:s18] =	ssyncset.done $0x0  }
0xe5: {  	s15 =	sadd.s32 s7, s4;
	[sflag:s18] =	ssyncadd.s32 $0xFFFFFFB0  }
0xe6: {  	[tilespmem:s11], [sflag:$0x3] =	stream.linear.gather [hbm4b:s15+s23], $0x50, $0x38;
	[tilespmem:$0x1F500] =	vst v63  }
0xe7: {  	_ =	swait.ge [sflag:s18], $0x50  }
0xe8: {  	[sflag:s18] =	ssyncset.done $0x0  }
0xe9: {  	s13 =	simm.s32 $0x280;
	s16 =	sadd.s32 s8, s4;
	[sflag:s18] =	ssyncadd.s32 $0xFFFFFFB0  }
0xea: {  	[tilespmem:s13], [sflag:$0x3] =	stream.linear.gather [hbm4b:s16+s23], $0x50, $0x38;
	[tilespmem:$0x1F500] =	vst v63  }
0xeb: {  	_ =	swait.ge [sflag:s18], $0x50  }
0xec: {  	[sflag:s18] =	ssyncset.done $0x0  }
0xed: {  	s15 =	simm.s32 $0x380;
	s13 =	sadd.s32 s9, s4;
	[sflag:s18] =	ssyncadd.s32 $0xFFFFFFB0  }
0xee: {  	[tilespmem:s15], [sflag:$0x3] =	stream.linear.gather [hbm4b:s13+s23], $0x50, $0x38;
	[tilespmem:$0x1F500] =	vst v63  }
0xef: {  	_ =	swait.ge [sflag:s18], $0x50  }
0xf0: {  	[sflag:s18] =	ssyncset.done $0x0  }
0xf1: {  	s4 =	sadd.s32 s10, s4;
	s16 =	simm.s32 $0x480;
	[sflag:s18] =	ssyncadd.s32 $0xFFFFFFB0  }
0xf2: {  	[tilespmem:s16], [sflag:$0x3] =	stream.linear.gather [hbm4b:s4+s23], $0x50, $0x38;
	[tilespmem:$0x1F500] =	vst v63  }
0xf3: {  	_ =	swait.ge [sflag:s18], $0x50  }
0xf4: {  	[sflag:s18] =	ssyncset.done $0x0  }
0xf5: {  	[sflag:s18] =	ssyncadd.s32 $0xFFFFFFB0  }
0xf6: {  	[tilespmem:s14], [sflag:$0x2] =	stream.indirect.gather [hbm4b:s5+s31], $0x80, s1, s31, $0xb8;
	[tilespmem:$0x1F500] =	vst v63  }
0xf7: {  	_ =	swait.ge [sflag:s17], $0x2800  }
0xf8: {  	[sflag:s17] =	ssyncset.done $0x0  }
0xf9: {  	s4 =	simm.s32 $0x540;
	[sflag:s17] =	ssyncadd.s32 $0xFFFFD800  }
0xfa: {  	s16 =	simm.s32 $0x0;
	v6 =	vld [tilespmem:s4+$0xFFFFFFC0]  }
0xfb: {  	v5 =	vld.msk [tilespmem:s16+$0x200 ss:$0x0], $0xffff  }
0xfc: {  	v7 =	vld [tilespmem:s4+$0xFFFFFFF0]  }
0xfd: {  	v8 =	vld [tilespmem:s4+$0xFFFFFFE0]  }
0xfe: {  	v10 =	vld [tilespmem:s4+$0x20];
	_ =	sdelay $0x1  }
0xff: {  	v9 =	vld [tilespmem:s4+$0x30]  }
0x100: {  	v11 =	vld [tilespmem:s4+$0x0];
	v6 =	vmul.f32 v5, v6  }
0x101: {  	v12 =	vld [tilespmem:s4+$0xFFFFFFD0];
	v7 =	vmul.f32 v7, v5  }
0x102: {  	v63 =	vmul.f32 v10, v5;
	[tilespmem:s4+$0xFFFFFFC0] =	vst v6;
	v6 =	vmul.f32 v8, v5;
	v8 =	vld [tilespmem:s4+$0x10]  }
0x103: {  	[tilespmem:s4+$0xFFFFFFF0] =	vst v7  }
0x104: {  	v7 =	vmul.f32 v9, v5;
	[tilespmem:s4+$0x20] =	vst v63  }
0x105: {  	[tilespmem:s4+$0xFFFFFFE0] =	vst v6;
	v6 =	vmul.f32 v11, v5  }
0x106: {  	[tilespmem:s4+$0x30] =	vst v7;
	v7 =	vmul.f32 v12, v5  }
0x107: {  	[tilespmem:s4+$0x0] =	vst v6;
	v6 =	vmul.f32 v8, v5  }
0x108: {  	[tilespmem:s4+$0xFFFFFFD0] =	vst v7  }
0x109: {  	[tilespmem:s4+$0x10] =	vst v6  }
0x10a: {  	v7 =	vld.msk [tilespmem:s16+$0x300 ss:$0x0], $0xffff  }
0x10b: {  	s12 =	simm.s32 $0x6500;
	s13 =	simm.s32 $0x4;
	v6 =	vld.msk [tilespmem:s16+$0x400 ss:$0x0], $0xffff;
	s16 =	simm.s32 $0x6500  }
.LBB2_7:
0x10c: {  	_ = 	snop  }
0x10d: {  	p0 =	sne.s32 s13, $0x13C;
	s12 =	sadd.s32 $0x80, s12;
	s4 =	sadd.s32 $0x80, s4  }
0x10e: {  	s15 =	smov.u32 s13;
	s13 =	sadd.s32 $0x4, s13  }
0x10f: {  	v7 =	vmul.f32 v1, v7;
	_ =	sdelay $0x1  }
0x110: {  	v6 =	vmul.f32 v3, v6;
	v7 =	vadd.f32 v2, v7;
	_ =	sdelay $0x1  }
0x111: {  	v6 =	vadd.f32 v6, v7;
	_ =	sdelay $0x1  }
0x112: {  	v5 =	vmul.f32 v6, v5;
	_ =	sdelay $0x1  }
0x113: {  	s15 =	sshra.s32 s15, $0x2;
	v5 =	vadd.f32 v4, v5;
	_ =	sdelay $0x1  }
0x114: {  	[tilespmem:s16+$0x0] =	vst v5;
	s16 =	smov.u32 s12  }
0x115: {  	v6 =	vld [tilespmem:s4+$0xFFFFFFF0]  }
0x116: {  	v7 =	vld [tilespmem:s4+$0xFFFFFFD0]  }
0x117: {  	v8 =	vld [tilespmem:s4+$0xFFFFFFC0]  }
0x118: {  	v5 =	vld.msk [tilespmem:s15+$0x200 ss:$0x0], $0xffff  }
0x119: {  	v9 =	vld [tilespmem:s4+$0x20]  }
0x11a: {  	v10 =	vld [tilespmem:s4+$0x0]  }
0x11b: {  	v11 =	vld [tilespmem:s4+$0xFFFFFFE0]  }
0x11c: {  	v12 =	vld [tilespmem:s4+$0x30];
	_ =	sdelay $0x1  }
0x11d: {  	v8 =	vmul.f32 v5, v8;
	v6 =	vmul.f32 v6, v5  }
0x11e: {  	v7 =	vmul.f32 v7, v5;
	v10 =	vmul.f32 v10, v5  }
0x11f: {  	v9 =	vmul.f32 v9, v5;
	[tilespmem:s4+$0xFFFFFFC0] =	vst v8;
	v8 =	vmul.f32 v11, v5;
	v11 =	vld [tilespmem:s4+$0x10]  }
0x120: {  	[tilespmem:s4+$0xFFFFFFF0] =	vst v6;
	v6 =	vmul.f32 v12, v5  }
0x121: {  	[tilespmem:s4+$0xFFFFFFE0] =	vst v8  }
0x122: {  	[tilespmem:s4+$0x30] =	vst v6  }
0x123: {  	[tilespmem:s4+$0x20] =	vst v9  }
.Ltmp2:
0x124: {  	[tilespmem:s4+$0x0] =	vst v10;
	v6 =	vmul.f32 v11, v5;
	(pc) =	sbr.rel @p0 .LBB2_7-.Ltmp2, $4  }
0x125: {  	[tilespmem:s4+$0xFFFFFFD0] =	vst v7  }
0x126: {  	[tilespmem:s4+$0x10] =	vst v6  }
0x127: {  	v7 =	vld.msk [tilespmem:s15+$0x300 ss:$0x0], $0xffff  }
0x128: {  	v6 =	vld.msk [tilespmem:s15+$0x400 ss:$0x0], $0xffff  }
0x129: {  	_ =	sdelay $0x2  }
0x12a: {  	v7 =	vmul.f32 v1, v7;
	_ =	sdelay $0x1  }
0x12b: {  	v6 =	vmul.f32 v3, v6;
	v7 =	vadd.f32 v2, v7;
	_ =	sdelay $0x1  }
0x12c: {  	v6 =	vadd.f32 v6, v7;
	_ =	sdelay $0x1  }
0x12d: {  	v5 =	vmul.f32 v6, v5;
	_ =	sdelay $0x1  }
0x12e: {  	v5 =	vadd.f32 v4, v5;
	_ =	sdelay $0x1  }
0x12f: {  	[tilespmem:s16+$0x0] =	vst v5  }
0x130: {  	[spmem:s2] =	stream.indirect.scatter.add.f32 [tilespmem:s0], [sflag:$0x3], $0x80, s21, s31, $0xb8;
	[tilespmem:$0x1F500] =	vst v63  }
0x131: {  	_ =	swait.ge [sflag:s18], $0x2800  }
0x132: {  	[sflag:s18] =	ssyncset.done $0x0  }
0x133: {  	s4 =	simm.s32 $0x6500;
	[sflag:s18] =	ssyncadd.s32 $0xFFFFD800  }
0x134: {  	[spmem:s3] =	stream.indirect.scatter.add.f32 [tilespmem:s4], [sflag:$0x3], $0x10, s21, s31, $0xb8;
	[tilespmem:$0x1F500] =	vst v63  }
0x135: {  	s12 =	sadd.s32 s29, s30;
	_ =	swait.ge [sflag:s18], $0x500  }
0x136: {  	s12 =	sshrl.u32 s12, $0x3;
	[sflag:s18] =	ssyncset.done $0x0  }
0x137: {  	s15 =	simm.s32 $0x0;
	s13 =	sadd.s32 s6, s12;
	[sflag:s18] =	ssyncadd.s32 $0xFFFFFB00  }
0x138: {  	[tilespmem:s15], [sflag:$0x3] =	stream.linear.gather [hbm4b:s13+s15], $0x50, $0x38;
	[tilespmem:$0x1F500] =	vst v63  }
0x139: {  	_ =	swait.ge [sflag:s18], $0x50  }
0x13a: {  	[sflag:s18] =	ssyncset.done $0x0  }
0x13b: {  	s16 =	sadd.s32 s7, s12;
	[sflag:s18] =	ssyncadd.s32 $0xFFFFFFB0  }
0x13c: {  	[tilespmem:s21], [sflag:$0x3] =	stream.linear.gather [hbm4b:s16+s15], $0x50, $0x38;
	[tilespmem:$0x1F500] =	vst v63  }
0x13d: {  	_ =	swait.ge [sflag:s18], $0x50  }
0x13e: {  	[sflag:s18] =	ssyncset.done $0x0  }
0x13f: {  	s16 =	sadd.s32 s8, s12;
	[sflag:s18] =	ssyncadd.s32 $0xFFFFFFB0  }
0x140: {  	[tilespmem:s22], [sflag:$0x3] =	stream.linear.gather [hbm4b:s16+s15], $0x50, $0x38;
	[tilespmem:$0x1F500] =	vst v63  }
0x141: {  	_ =	swait.ge [sflag:s18], $0x50  }
0x142: {  	[sflag:s18] =	ssyncset.done $0x0  }
0x143: {  	s16 =	sadd.s32 s9, s12;
	[sflag:s18] =	ssyncadd.s32 $0xFFFFFFB0  }
0x144: {  	[tilespmem:s24], [sflag:$0x3] =	stream.linear.gather [hbm4b:s16+s15], $0x50, $0x38;
	[tilespmem:$0x1F500] =	vst v63  }
0x145: {  	_ =	swait.ge [sflag:s18], $0x50  }
0x146: {  	[sflag:s18] =	ssyncset.done $0x0  }
0x147: {  	s12 =	sadd.s32 s10, s12;
	[sflag:s18] =	ssyncadd.s32 $0xFFFFFFB0  }
0x148: {  	[tilespmem:s25], [sflag:$0x3] =	stream.linear.gather [hbm4b:s12+s15], $0x50, $0x38;
	[tilespmem:$0x1F500] =	vst v63  }
0x149: {  	_ =	swait.ge [sflag:s18], $0x50  }
0x14a: {  	[sflag:s18] =	ssyncset.done $0x0  }
0x14b: {  	[sflag:s18] =	ssyncadd.s32 $0xFFFFFFB0  }
0x14c: {  	[tilespmem:s0], [sflag:$0x1] =	stream.indirect.gather [hbm4b:s5+s31], $0x80, s15, s31, $0xb8;
	[tilespmem:$0x1F500] =	vst v63  }
0x14d: {  	_ =	swait.ge [sflag:s20], $0x2800  }
0x14e: {  	[sflag:s20] =	ssyncset.done $0x0  }
0x14f: {  	s29 =	simm.s32 $0x2D40;
	[sflag:s20] =	ssyncadd.s32 $0xFFFFD800  }
0x150: {  	s16 =	simm.s32 $0x0;
	v6 =	vld [tilespmem:s29+$0xFFFFFFC0]  }
0x151: {  	v5 =	vld.msk [tilespmem:s16+$0x280 ss:$0x0], $0xffff  }
0x152: {  	v7 =	vld [tilespmem:s29+$0xFFFFFFF0]  }
0x153: {  	v8 =	vld [tilespmem:s29+$0xFFFFFFE0]  }
0x154: {  	v10 =	vld [tilespmem:s29+$0x20];
	_ =	sdelay $0x1  }
0x155: {  	v9 =	vld [tilespmem:s29+$0x30]  }
0x156: {  	v11 =	vld [tilespmem:s29+$0x0];
	v6 =	vmul.f32 v5, v6  }
0x157: {  	v12 =	vld [tilespmem:s29+$0xFFFFFFD0];
	v7 =	vmul.f32 v7, v5  }
0x158: {  	v63 =	vmul.f32 v10, v5;
	[tilespmem:s29+$0xFFFFFFC0] =	vst v6;
	v6 =	vmul.f32 v8, v5;
	v8 =	vld [tilespmem:s29+$0x10]  }
0x159: {  	[tilespmem:s29+$0xFFFFFFF0] =	vst v7  }
0x15a: {  	v7 =	vmul.f32 v9, v5;
	[tilespmem:s29+$0x20] =	vst v63  }
0x15b: {  	[tilespmem:s29+$0xFFFFFFE0] =	vst v6;
	v6 =	vmul.f32 v11, v5  }
0x15c: {  	[tilespmem:s29+$0x30] =	vst v7;
	v7 =	vmul.f32 v12, v5  }
0x15d: {  	[tilespmem:s29+$0x0] =	vst v6;
	v6 =	vmul.f32 v8, v5  }
0x15e: {  	[tilespmem:s29+$0xFFFFFFD0] =	vst v7  }
0x15f: {  	[tilespmem:s29+$0x10] =	vst v6  }
0x160: {  	v7 =	vld.msk [tilespmem:s16+$0x380 ss:$0x0], $0xffff  }
0x161: {  	s12 =	simm.s32 $0x4;
	v6 =	vld.msk [tilespmem:s16+$0x480 ss:$0x0], $0xffff;
	s16 =	simm.s32 $0x6500  }
.LBB2_9:
0x162: {  	_ = 	snop  }
0x163: {  	p0 =	sne.s32 s12, $0x13C;
	s4 =	sadd.s32 $0x80, s4;
	s29 =	sadd.s32 $0x80, s29  }
0x164: {  	s13 =	smov.u32 s12;
	s12 =	sadd.s32 $0x4, s12  }
0x165: {  	v7 =	vmul.f32 v1, v7;
	_ =	sdelay $0x1  }
0x166: {  	v6 =	vmul.f32 v3, v6;
	v7 =	vadd.f32 v2, v7;
	_ =	sdelay $0x1  }
0x167: {  	v6 =	vadd.f32 v6, v7;
	_ =	sdelay $0x1  }
0x168: {  	v5 =	vmul.f32 v6, v5;
	_ =	sdelay $0x1  }
0x169: {  	s13 =	sshra.s32 s13, $0x2;
	v5 =	vadd.f32 v4, v5;
	_ =	sdelay $0x1  }
0x16a: {  	[tilespmem:s16+$0x0] =	vst v5;
	s16 =	smov.u32 s4  }
0x16b: {  	v6 =	vld [tilespmem:s29+$0xFFFFFFF0]  }
0x16c: {  	v7 =	vld [tilespmem:s29+$0xFFFFFFD0]  }
0x16d: {  	v8 =	vld [tilespmem:s29+$0xFFFFFFC0]  }
0x16e: {  	v5 =	vld.msk [tilespmem:s13+$0x280 ss:$0x0], $0xffff  }
0x16f: {  	v9 =	vld [tilespmem:s29+$0x20]  }
0x170: {  	v10 =	vld [tilespmem:s29+$0x0]  }
0x171: {  	v11 =	vld [tilespmem:s29+$0xFFFFFFE0]  }
0x172: {  	v12 =	vld [tilespmem:s29+$0x30];
	_ =	sdelay $0x1  }
0x173: {  	v8 =	vmul.f32 v5, v8;
	v6 =	vmul.f32 v6, v5  }
0x174: {  	v7 =	vmul.f32 v7, v5;
	v10 =	vmul.f32 v10, v5  }
0x175: {  	v9 =	vmul.f32 v9, v5;
	[tilespmem:s29+$0xFFFFFFC0] =	vst v8;
	v8 =	vmul.f32 v11, v5;
	v11 =	vld [tilespmem:s29+$0x10]  }
0x176: {  	[tilespmem:s29+$0xFFFFFFF0] =	vst v6;
	v6 =	vmul.f32 v12, v5  }
0x177: {  	[tilespmem:s29+$0xFFFFFFE0] =	vst v8  }
0x178: {  	[tilespmem:s29+$0x30] =	vst v6  }
0x179: {  	[tilespmem:s29+$0x20] =	vst v9  }
.Ltmp3:
0x17a: {  	[tilespmem:s29+$0x0] =	vst v10;
	v6 =	vmul.f32 v11, v5;
	(pc) =	sbr.rel @p0 .LBB2_9-.Ltmp3, $4  }
0x17b: {  	[tilespmem:s29+$0xFFFFFFD0] =	vst v7  }
0x17c: {  	[tilespmem:s29+$0x10] =	vst v6  }
0x17d: {  	v7 =	vld.msk [tilespmem:s13+$0x380 ss:$0x0], $0xffff  }
0x17e: {  	v6 =	vld.msk [tilespmem:s13+$0x480 ss:$0x0], $0xffff  }
0x17f: {  	_ =	sdelay $0x2  }
0x180: {  	v7 =	vmul.f32 v1, v7;
	_ =	sdelay $0x1  }
0x181: {  	v6 =	vmul.f32 v3, v6;
	v7 =	vadd.f32 v2, v7;
	_ =	sdelay $0x1  }
0x182: {  	v6 =	vadd.f32 v6, v7;
	_ =	sdelay $0x1  }
0x183: {  	v5 =	vmul.f32 v6, v5;
	_ =	sdelay $0x1  }
0x184: {  	v5 =	vadd.f32 v4, v5;
	_ =	sdelay $0x1  }
0x185: {  	[tilespmem:s16+$0x0] =	vst v5  }
0x186: {  	[spmem:s2] =	stream.indirect.scatter.add.f32 [tilespmem:s14], [sflag:$0x3], $0x80, s11, s31, $0xb8;
	[tilespmem:$0x1F500] =	vst v63  }
0x187: {  	s28 =	sadd.s32 $0x1, s28;
	_ =	swait.ge [sflag:s18], $0x2800  }
0x188: {  	p0 =	sne.s32 s28, $0x3E;
	[sflag:s18] =	ssyncset.done $0x0  }
.Ltmp4:
0x189: {  	[sflag:s18] =	ssyncadd.s32 $0xFFFFD800;
	(pc) =	sbr.rel @p0 .LBB2_6-.Ltmp4, $4  }
0x18a: {  	[spmem:s3] =	stream.indirect.scatter.add.f32 [tilespmem:s19], [sflag:$0x3], $0x10, s11, s31, $0xb8;
	[tilespmem:$0x1F500] =	vst v63  }
0x18b: {  	_ =	swait.ge [sflag:s18], $0x500  }
0x18c: {  	[sflag:s18] =	ssyncset.done $0x0  }
0x18d: {  	[sflag:s18] =	ssyncadd.s32 $0xFFFFFB00  }
0x18e: {  	_ =	swait.ge [sflag:s17], $0x2800  }
0x18f: {  	[sflag:s17] =	ssyncset.done $0x0  }
0x190: {  	s4 =	simm.s32 $0x540;
	[sflag:s17] =	ssyncadd.s32 $0xFFFFD800  }
0x191: {  	s15 =	simm.s32 $0x0;
	v6 =	vld [tilespmem:s4+$0xFFFFFFC0]  }
0x192: {  	v5 =	vld.msk [tilespmem:s15+$0x200 ss:$0x0], $0xffff  }
0x193: {  	v7 =	vld [tilespmem:s4+$0xFFFFFFF0]  }
0x194: {  	v8 =	vld [tilespmem:s4+$0xFFFFFFE0]  }
0x195: {  	v10 =	vld [tilespmem:s4+$0x20];
	_ =	sdelay $0x1  }
0x196: {  	v9 =	vld [tilespmem:s4+$0x30]  }
0x197: {  	v11 =	vld [tilespmem:s4+$0x0];
	v6 =	vmul.f32 v5, v6  }
0x198: {  	v12 =	vld [tilespmem:s4+$0xFFFFFFD0];
	v7 =	vmul.f32 v7, v5  }
0x199: {  	v63 =	vmul.f32 v10, v5;
	[tilespmem:s4+$0xFFFFFFC0] =	vst v6;
	v6 =	vmul.f32 v8, v5;
	v8 =	vld [tilespmem:s4+$0x10]  }
0x19a: {  	[tilespmem:s4+$0xFFFFFFF0] =	vst v7  }
0x19b: {  	v7 =	vmul.f32 v9, v5;
	[tilespmem:s4+$0x20] =	vst v63  }
0x19c: {  	[tilespmem:s4+$0xFFFFFFE0] =	vst v6;
	v6 =	vmul.f32 v11, v5  }
0x19d: {  	[tilespmem:s4+$0x30] =	vst v7;
	v7 =	vmul.f32 v12, v5  }
0x19e: {  	[tilespmem:s4+$0x0] =	vst v6;
	v6 =	vmul.f32 v8, v5  }
0x19f: {  	[tilespmem:s4+$0xFFFFFFD0] =	vst v7  }
0x1a0: {  	[tilespmem:s4+$0x10] =	vst v6  }
0x1a1: {  	v7 =	vld.msk [tilespmem:s15+$0x300 ss:$0x0], $0xffff  }
0x1a2: {  	s12 =	simm.s32 $0x6500;
	s13 =	simm.s32 $0x4;
	s16 =	simm.s32 $0x6500;
	v6 =	vld.msk [tilespmem:s15+$0x400 ss:$0x0], $0xffff  }
.LBB2_12:
0x1a3: {  	_ = 	snop  }
0x1a4: {  	p0 =	sne.s32 s13, $0x13C;
	s12 =	sadd.s32 $0x80, s12;
	s4 =	sadd.s32 $0x80, s4  }
0x1a5: {  	s15 =	smov.u32 s13;
	s13 =	sadd.s32 $0x4, s13  }
0x1a6: {  	v7 =	vmul.f32 v1, v7;
	_ =	sdelay $0x1  }
0x1a7: {  	v6 =	vmul.f32 v3, v6;
	v7 =	vadd.f32 v2, v7;
	_ =	sdelay $0x1  }
0x1a8: {  	v6 =	vadd.f32 v6, v7;
	_ =	sdelay $0x1  }
0x1a9: {  	v5 =	vmul.f32 v6, v5;
	_ =	sdelay $0x1  }
0x1aa: {  	s15 =	sshra.s32 s15, $0x2;
	v5 =	vadd.f32 v4, v5;
	_ =	sdelay $0x1  }
0x1ab: {  	[tilespmem:s16+$0x0] =	vst v5;
	s16 =	smov.u32 s12  }
0x1ac: {  	v6 =	vld [tilespmem:s4+$0xFFFFFFF0]  }
0x1ad: {  	v7 =	vld [tilespmem:s4+$0xFFFFFFD0]  }
0x1ae: {  	v8 =	vld [tilespmem:s4+$0xFFFFFFC0]  }
0x1af: {  	v5 =	vld.msk [tilespmem:s15+$0x200 ss:$0x0], $0xffff  }
0x1b0: {  	v9 =	vld [tilespmem:s4+$0x20]  }
0x1b1: {  	v10 =	vld [tilespmem:s4+$0x0]  }
0x1b2: {  	v11 =	vld [tilespmem:s4+$0xFFFFFFE0]  }
0x1b3: {  	v12 =	vld [tilespmem:s4+$0x30];
	_ =	sdelay $0x1  }
0x1b4: {  	v8 =	vmul.f32 v5, v8;
	v6 =	vmul.f32 v6, v5  }
0x1b5: {  	v7 =	vmul.f32 v7, v5;
	v10 =	vmul.f32 v10, v5  }
0x1b6: {  	v9 =	vmul.f32 v9, v5;
	[tilespmem:s4+$0xFFFFFFC0] =	vst v8;
	v8 =	vmul.f32 v11, v5;
	v11 =	vld [tilespmem:s4+$0x10]  }
0x1b7: {  	[tilespmem:s4+$0xFFFFFFF0] =	vst v6;
	v6 =	vmul.f32 v12, v5  }
0x1b8: {  	[tilespmem:s4+$0xFFFFFFE0] =	vst v8  }
0x1b9: {  	[tilespmem:s4+$0x30] =	vst v6  }
0x1ba: {  	[tilespmem:s4+$0x20] =	vst v9  }
.Ltmp5:
0x1bb: {  	[tilespmem:s4+$0x0] =	vst v10;
	v6 =	vmul.f32 v11, v5;
	(pc) =	sbr.rel @p0 .LBB2_12-.Ltmp5, $4  }
0x1bc: {  	[tilespmem:s4+$0xFFFFFFD0] =	vst v7  }
0x1bd: {  	[tilespmem:s4+$0x10] =	vst v6  }
0x1be: {  	v7 =	vld.msk [tilespmem:s15+$0x300 ss:$0x0], $0xffff  }
0x1bf: {  	v6 =	vld.msk [tilespmem:s15+$0x400 ss:$0x0], $0xffff  }
0x1c0: {  	_ =	sdelay $0x2  }
0x1c1: {  	v7 =	vmul.f32 v1, v7;
	_ =	sdelay $0x1  }
0x1c2: {  	v6 =	vmul.f32 v3, v6;
	v7 =	vadd.f32 v2, v7;
	_ =	sdelay $0x1  }
0x1c3: {  	v6 =	vadd.f32 v6, v7;
	_ =	sdelay $0x1  }
0x1c4: {  	v5 =	vmul.f32 v6, v5;
	_ =	sdelay $0x1  }
0x1c5: {  	v5 =	vadd.f32 v4, v5;
	_ =	sdelay $0x1  }
0x1c6: {  	[tilespmem:s16+$0x0] =	vst v5  }
0x1c7: {  	[spmem:s2] =	stream.indirect.scatter.add.f32 [tilespmem:s0], [sflag:$0x3], $0x80, s21, s31, $0xb8;
	[tilespmem:$0x1F500] =	vst v63  }
0x1c8: {  	_ =	swait.ge [sflag:s18], $0x2800  }
0x1c9: {  	[sflag:s18] =	ssyncset.done $0x0  }
0x1ca: {  	[sflag:s18] =	ssyncadd.s32 $0xFFFFD800  }
0x1cb: {  	[spmem:s3] =	stream.indirect.scatter.add.f32 [tilespmem:s19], [sflag:$0x3], $0x10, s21, s31, $0xb8;
	[tilespmem:$0x1F500] =	vst v63  }
0x1cc: {  	_ =	swait.ge [sflag:s18], $0x500  }
0x1cd: {  	[sflag:s18] =	ssyncset.done $0x0  }
0x1ce: {  	[sflag:s18] =	ssyncadd.s32 $0xFFFFFB00  }
0x1cf: {  	[bflag:$0x0] =	sbarrier.arrive $0xFFFF  }
0x1d0: {  	s4 =	stileid.u32;
	s13 =	sld [smem:$0x7F7]  }
0x1d1: {  	s4 =	sshll.u32 s4, $0x6;
	s12 =	rddreg [dreg:$0x15]  }
0x1d2: {  	s4 =	sor.u32 $0x1C03, s4;
	s12 =	sshrl.u32 s12, $0x3  }
0x1d3: {  	[hbm:s13], [sflag:s4] =	dma.local [spmem:s12], $0x800  }
0x1d4: {  	_ =	swait.ge [sflag:s18], $0x800  }
0x1d5: {  	s16 =	sld [smem:$0x7F8]  }
0x1d6: {  	[sflag:s18] =	ssyncset.done $0x0;
	s23 =	rddreg [dreg:$0x8]  }
0x1d7: {  	[sflag:s18] =	ssyncadd.s32 $0xFFFFF800;
	s15 =	sshrl.u32 s23, $0x3  }
0x1d8: {  	[hbm:s16], [sflag:s4] =	dma.local [spmem:s15], $0x800  }
0x1d9: {  	_ =	swait.ge [sflag:s18], $0x800  }
0x1da: {  	s16 =	sld [smem:$0x7F9]  }
0x1db: {  	[sflag:s18] =	ssyncset.done $0x0;
	s28 =	rddreg [dreg:$0xb]  }
0x1dc: {  	[sflag:s18] =	ssyncadd.s32 $0xFFFFF800;
	s15 =	sshrl.u32 s28, $0x3  }
0x1dd: {  	[hbm:s16], [sflag:s4] =	dma.local [spmem:s15], $0x800  }
0x1de: {  	_ =	swait.ge [sflag:s18], $0x800  }
0x1df: {  	s16 =	sld [smem:$0x7FA]  }
0x1e0: {  	[sflag:s18] =	ssyncset.done $0x0;
	s29 =	rddreg [dreg:$0xe]  }
0x1e1: {  	[sflag:s18] =	ssyncadd.s32 $0xFFFFF800;
	s15 =	sshrl.u32 s29, $0x3  }
0x1e2: {  	[hbm:s16], [sflag:s4] =	dma.local [spmem:s15], $0x800  }
0x1e3: {  	_ =	swait.ge [sflag:s18], $0x800  }
0x1e4: {  	s15 =	sld [smem:$0x7FB]  }
0x1e5: {  	[sflag:s18] =	ssyncset.done $0x0;
	s13 =	rddreg [dreg:$0x11]  }
0x1e6: {  	[sflag:s18] =	ssyncadd.s32 $0xFFFFF800;
	s12 =	sshrl.u32 s13, $0x3  }
0x1e7: {  	[hbm:s15], [sflag:s4] =	dma.local [spmem:s12], $0x800  }
0x1e8: {  	_ =	swait.ge [sflag:s18], $0x800  }
0x1e9: {  	s15 =	sld [smem:$0x7FC]  }
0x1ea: {  	[sflag:s18] =	ssyncset.done $0x0;
	s13 =	rddreg [dreg:$0x16]  }
0x1eb: {  	[sflag:s18] =	ssyncadd.s32 $0xFFFFF800;
	s16 =	sshrl.u32 s13, $0x3  }
0x1ec: {  	[hbm:s15], [sflag:s4] =	dma.local [spmem:s16], $0x2800  }
0x1ed: {  	_ =	swait.ge [sflag:s18], $0x2800  }
0x1ee: {  	s15 =	sld [smem:$0x7FD]  }
0x1ef: {  	s12 =	rddreg [dreg:$0x4]  }
0x1f0: {  	s16 =	sadd.s32 $0x1, s12  }
0x1f1: {  	p0 =	sne.s32 s16, s15  }
.Ltmp6:
0x1f2: {  	_ = 	snop;
	(pc) =	sbr.rel @p0 .LBB2_1-.Ltmp6, $3  }
0x1f3: {  	_ =	sdelay $0x1  }
0x1f4: {  	[sflag:s18] =	ssyncset.done $0x0  }
0x1f5: {  	[sflag:s18] =	ssyncadd.s32 $0xFFFFD800  }
0x1f6: {  	_ =	sfence.sel $0x180000  }
0x1f7: {  	[bflag:$0x0] =	sbarrier.arrive $0xFFFF  }
0x1f8: {  	_ =	strace $0x90000047  }
0x1f9: {  	s0 =	stileid.u32;
	[bflag:$0x2] =	sbarrier.arrive $0xFFFF  }
0x1fa: {  	p0 =	sne.s32 s0, $0x0;
	s0 =	rddreg [dreg:$0x3]  }
0x1fb: {  	s0 =	sadd.s32 @!p0 $0x100000, s0  }
0x1fc: {  	[sflag:s0] =	ssyncadd.tile.s32 @!p0 $0x1;
	_ =	shalt  }
.Lfunc_end2:
_tile_overlayer_lowered:
.L_overlay_start_2:
0x1fd: {  	(tag) =	ssettag $0x2  }
0x1fe: {  	s0 =	rddreg [dreg:$0x0];
	s2 =	stileid.u32  }
0x1ff: {  	s1 =	rddreg [dreg:$0x1];
	p0 =	sne.s32 s2, $0x0  }
0x200: {  	s3 =	rddreg [dreg:$0x2];
	[bflag:$0x3] =	sbarrier.arrive $0xFFFF;
	s2 =	simm.s32 @!p0 $0x1C03  }
0x201: {  	[timem:s3], [sflag:s2] =	dma.local @!p0 [hbm:s0], s1  }
0x202: {  	s0 =	simm.s32 @!p0 $0x3  }
0x203: {  	_ =	swait.ge @!p0 [sflag:s0], s1  }
0x204: {  	s1 =	ssub.s32 @!p0 $0x0, s1;
	[sflag:s0] =	ssyncset.done @!p0 $0x0  }
0x205: {  	[sflag:s0] =	ssyncadd.s32 @!p0 s1  }
0x206: {  	[bflag:$0x3] =	sbarrier.arrive $0xFFFF  }
0x207: {  	_ =	shalt  }

</sc_bundles>
